<compile_context>
chip_gen: v7x
topology: tpu7x:2x2x1
jax: 0.10.2.dev20260603
libtpu: 0.0.44.dev20260713+nightly
codegen_flags: <defaults>
</compile_context>

<pallas_src>
import functools

import jax
import jax.numpy as jnp
from jax import lax
from jax.experimental import pallas as pl
from jax.experimental.pallas import tpu as pltpu
from jax.experimental.pallas import tpu_sc as plsc

B, L, C = 16384, 50, 23
OUT_D = 128
OUT_PITCH = 136
CH_STRIDE, IT_STRIDE, TR_STRIDE = 32, 16, 16
CH_BASE = 0
IT_BASE = 60 * CH_STRIDE
TR_BASE = IT_BASE + 60 * IT_STRIDE
REP = TR_BASE + 27 * TR_STRIDE + 1
TBL_N = 16 * REP

NC, NS = 2, 16
NW = NC * NS
B_PER_W = B // NW
BK = 128
NBLK = B_PER_W // BK
CHUNKS = NBLK * L
NG = BK // 16

_COL_SLOT_OFF = []
for _col in range(116):
    if _col < 30:
        _COL_SLOT_OFF.append((0, _col))
    elif _col < 60:
        _k, _j = divmod(_col - 30, 10)
        _COL_SLOT_OFF.append((1 + _k, _j))
    else:
        _k, _j = divmod(_col - 60, 8)
        _COL_SLOT_OFF.append((4 + _k, _j))

_SLOT_STRIDE = [CH_STRIDE] + [IT_STRIDE] * 3 + [TR_STRIDE] * 7
_SLOT_BASE = [CH_BASE] + [IT_BASE] * 3 + [TR_BASE] * 7


def _assemble_chunk(xv_b, ov_b, tblv, lane_rep):

    iota = lax.broadcasted_iota(jnp.int32, (16,), 0)
    lookups = [(0, 30)] + [(1 + k, 10) for k in range(3)] + \
        [(4 + k, 8) for k in range(7)]

    @plsc.parallel_loop(0, NG)
    def _(g):
        b16 = g * 16
        bvec = iota + b16
        idv0 = xv_b[0, pl.ds(b16, 16)].astype(jnp.int32)
        col = jnp.minimum(idv0, 0)
        for s, width in lookups:
            idv = idv0 if s == 0 else (
                xv_b[s, pl.ds(b16, 16)].astype(jnp.int32))
            pre = lane_rep + (idv * _SLOT_STRIDE[s] + _SLOT_BASE[s])
            vals = [plsc.load_gather(tblv, [pre + j]) for j in range(width)]
            for v in vals:
                plsc.store_scatter(ov_b, [bvec, col], v)
                col = col + 1
        vals = [xv_b[11 + j, pl.ds(b16, 16)] for j in range(12)]
        for v in vals:
            plsc.store_scatter(ov_b, [bvec, col], v)
            col = col + 1


def _body(xT_hbm, tbl_hbm, oT_hbm, xv0, xv1, ov0, ov1, tblv, xs0, xs1, os0, os1):
    c = lax.axis_index("c")
    s = lax.axis_index("s")
    wid = s * NC + c
    b_base = wid * B_PER_W
    iota = lax.broadcasted_iota(jnp.int32, (16,), 0)
    lane_rep = iota * REP
    pltpu.sync_copy(tbl_hbm, tblv)
    xbufs = (xv0, xv1)
    obufs = (ov0, ov1)
    xsems = (xs0, xs1)
    osems = (os0, os1)

    def x_slice(ci):
        bblk = ci // L
        l = ci - bblk * L
        return xT_hbm.at[l, :, pl.ds(b_base + bblk * BK, BK)]

    def o_slice(ci):
        bblk = ci // L
        l = ci - bblk * L
        return oT_hbm.at[l, pl.ds(b_base + bblk * BK, BK), :]

    pltpu.async_copy(x_slice(0), xv0, xs0)
    pltpu.async_copy(x_slice(1), xv1, xs1)

    @pl.loop(0, CHUNKS, step=2)
    def _(ci0):
        for bi in range(2):
            ci = ci0 + bi
            xv_b = xbufs[bi]
            ov_b = obufs[bi]
            pltpu.make_async_copy(x_slice(ci), xv_b, xsems[bi]).wait()

            @pl.when(ci >= 2)
            def _():
                pltpu.make_async_copy(
                    ov_b.at[:, pl.ds(0, OUT_D)], o_slice(ci - 2),
                    osems[bi]).wait()

            _assemble_chunk(xv_b, ov_b, tblv, lane_rep)
            pltpu.async_copy(
                ov_b.at[:, pl.ds(0, OUT_D)], o_slice(ci), osems[bi])

            @pl.when(ci + 2 < CHUNKS)
            def _():
                pltpu.async_copy(x_slice(ci + 2), xv_b, xsems[bi])

    pltpu.make_async_copy(
        ov0.at[:, pl.ds(0, OUT_D)], o_slice(CHUNKS - 2), os0).wait()
    pltpu.make_async_copy(
        ov1.at[:, pl.ds(0, OUT_D)], o_slice(CHUNKS - 1), os1).wait()


@jax.jit
def kernel(x, champ_table, item_table, trait_table):
    xT = jnp.transpose(x, (1, 2, 0))
    ch_p = jnp.pad(champ_table, ((0, 0), (0, CH_STRIDE - 30)))
    it_p = jnp.pad(item_table, ((0, 0), (0, IT_STRIDE - 10)))
    tr_p = jnp.pad(trait_table, ((0, 0), (0, TR_STRIDE - 8)))
    rep = jnp.concatenate([
        ch_p.reshape(-1), it_p.reshape(-1), tr_p.reshape(-1),
        jnp.zeros((1,), jnp.float32),
    ])
    tbl = jnp.tile(rep, 16)
    mesh = plsc.VectorSubcoreMesh(core_axis_name="c", subcore_axis_name="s")
    f = pl.kernel(
        _body,
        out_type=jax.ShapeDtypeStruct((L, B, OUT_D), jnp.float32),
        mesh=mesh,
        compiler_params=pltpu.CompilerParams(
            needs_layout_passes=False, disable_bounds_checks=True),
        scratch_types=[
            pltpu.VMEM((C, BK), jnp.float32),
            pltpu.VMEM((C, BK), jnp.float32),
            pltpu.VMEM((BK, OUT_PITCH), jnp.float32),
            pltpu.VMEM((BK, OUT_PITCH), jnp.float32),
            pltpu.VMEM((TBL_N,), jnp.float32),
            pltpu.SemaphoreType.DMA,
            pltpu.SemaphoreType.DMA,
            pltpu.SemaphoreType.DMA,
            pltpu.SemaphoreType.DMA,
        ],
    )
    oT = f(xT, tbl)
    return jnp.transpose(oT, (1, 0, 2))

# --- scband reference (transcript-rebuilt; emitter-appended) ---
"""Pipeline reference for scband-champion-embedding-14955076124975 (READ-ONLY COPY).

The authoritative reference and input builder live on the scoring server;
editing this copy changes nothing except your own understanding.
"""

import jax, jax.numpy as jnp
import numpy as np

CHAMP_EMB = 30
ITEM_EMB = 10
TRAIT_EMB = 8
NUM_CHAMPIONS = 60
NUM_ITEMS = 60
NUM_TRAITS = 27


def setup_inputs(seed: int = 0) -> dict:
    key = jax.random.key(seed)
    k_x, k_c, k_i, k_t = jax.random.split(key, 4)
    # x: [B, L, 23] -> 11 id slots + 12 stats; ids must be < 27 (smallest vocab)
    x = jax.random.randint(k_x, (16384, 50, 23), 0, 27).astype(jnp.float32)
    champ_table = jax.random.normal(k_c, (NUM_CHAMPIONS, CHAMP_EMB), dtype=jnp.float32)
    item_table = jax.random.normal(k_i, (NUM_ITEMS, ITEM_EMB), dtype=jnp.float32)
    trait_table = jax.random.normal(k_t, (NUM_TRAITS, TRAIT_EMB), dtype=jnp.float32)
    return {"x": x, "champ_table": champ_table, "item_table": item_table, "trait_table": trait_table}


def reference(x, champ_table, item_table, trait_table):
    ids = x[..., :11].astype(jnp.int32)
    stats_vector = x[..., 11:]
    championID = ids[..., 0]
    itemIDs = ids[..., 1:4]
    traitIDs = ids[..., 4:11]
    champion_embedding = jnp.take(champ_table, championID, axis=0)
    item_embedding = jnp.take(item_table, itemIDs, axis=0)
    trait_embedding = jnp.take(trait_table, traitIDs, axis=0)
    batch_shape = item_embedding.shape[:-2]
    item_embedding = jnp.reshape(item_embedding, (*batch_shape, ITEM_EMB * 3))
    trait_embedding = jnp.reshape(trait_embedding, (*batch_shape, TRAIT_EMB * 7))
    return jnp.concatenate([champion_embedding, item_embedding, trait_embedding, stats_vector], axis=-1)

if __name__ == "__main__":
    import jax
    _d = setup_inputs()
    print(jax.jit(kernel)(*tuple(_d.values())))

</pallas_src>

<mosaic_0001>
#map = affine_map<(d0, d1) -> (0, 0, 0)>
#map1 = affine_map<(d0, d1) -> (0)>
module attributes {stable_mosaic.version = 14 : i64} {
  func.func @_body(%arg0: i32, %arg1: i32, %arg2: memref<50x23x16384xf32, #tpu.memory_space<hbm>>, %arg3: memref<53008xf32, #tpu.memory_space<hbm>>, %arg4: memref<50x16384x128xf32, #tpu.memory_space<hbm>>, %arg5: memref<23x128xf32, #tpu.memory_space<vmem>>, %arg6: memref<23x128xf32, #tpu.memory_space<vmem>>, %arg7: memref<128x136xf32, #tpu.memory_space<vmem>>, %arg8: memref<128x136xf32, #tpu.memory_space<vmem>>, %arg9: memref<53008xf32, #tpu.memory_space<vmem>>, %arg10: memref<!tpu.dma_semaphore, #tpu.memory_space<semaphore_mem>>, %arg11: memref<!tpu.dma_semaphore, #tpu.memory_space<semaphore_mem>>, %arg12: memref<!tpu.dma_semaphore, #tpu.memory_space<semaphore_mem>>, %arg13: memref<!tpu.dma_semaphore, #tpu.memory_space<semaphore_mem>>) attributes {dimension_semantics = [#tpu.dimension_semantics<core_parallel>, #tpu.dimension_semantics<subcore_parallel>], iteration_bounds = array<i64: 2, 16>, scalar_prefetch = 0 : i64, scratch_operands = 9 : i64, tpu.core_type = #tpu.core_type<sc_vector_subcore>, window_params = [{transform_indices = #map}, {transform_indices = #map1}, {transform_indices = #map}]} {
    %mul3A = arith.constant 2 : i32
    %mul3A_0 = arith.muli %arg1, %mul3A : i32
    %add3A = arith.addi %mul3A_0, %arg0 : i32
    %mul3A_1 = arith.constant 512 : i32
    %mul3A_2 = arith.muli %add3A, %mul3A_1 : i32
    %iota3A = tpu.iota {dimensions = array<i32: 0>} : vector<16xi32>
    %mul3A_3 = arith.constant 3313 : i32
    %mul3A_4 = vector.broadcast %mul3A_3 : i32 to vector<16xi32>
    %mul3A_5 = arith.muli %iota3A, %mul3A_4 : vector<16xi32>
    "tpu.region"() ({
      %run_scoped3A = tpu.sem_alloc : memref<!tpu.dma_semaphore, #tpu.memory_space<semaphore_mem>>
      tpu.enqueue_dma source(%arg3 : memref<53008xf32, #tpu.memory_space<hbm>>) target(%arg9 : memref<53008xf32, #tpu.memory_space<vmem>>) target_semaphore(%run_scoped3A : memref<!tpu.dma_semaphore, #tpu.memory_space<semaphore_mem>>)
      tpu.wait_dma2 semaphore(%run_scoped3A : memref<!tpu.dma_semaphore, #tpu.memory_space<semaphore_mem>>) src(%arg3 : memref<53008xf32, #tpu.memory_space<hbm>>) dst(%arg9 : memref<53008xf32, #tpu.memory_space<vmem>>)
      tpu.yield
    }) : () -> ()
    %add3A_6 = arith.constant 0 : i32
    %add3A_7 = arith.addi %mul3A_2, %add3A_6 : i32
    %dma_start3A = arith.constant 0 : i32
    %dma_start3A_8 = arith.constant 0 : i32
    %dma_start3A_9 = tpu.memref_slice %arg2[%dma_start3A, %dma_start3A_8, %add3A_7] : memref<50x23x16384xf32, #tpu.memory_space<hbm>> -> memref<1x23x128xf32, #tpu.memory_space<hbm>>
    %dma_start3A_10 = tpu.memref_squeeze %dma_start3A_9 : memref<1x23x128xf32, #tpu.memory_space<hbm>> -> memref<23x128xf32, #tpu.memory_space<hbm>>
    %dma_start3A_11 = arith.constant 0 : i32
    %dma_start3A_12 = tpu.memref_slice %arg2[%dma_start3A, %dma_start3A_11, %add3A_7] : memref<50x23x16384xf32, #tpu.memory_space<hbm>> -> memref<1x23x128xf32, #tpu.memory_space<hbm>>
    %dma_start3A_13 = tpu.memref_squeeze %dma_start3A_12 : memref<1x23x128xf32, #tpu.memory_space<hbm>> -> memref<23x128xf32, #tpu.memory_space<hbm>>
    tpu.enqueue_dma source(%dma_start3A_13 : memref<23x128xf32, #tpu.memory_space<hbm>>) target(%arg5 : memref<23x128xf32, #tpu.memory_space<vmem>>) target_semaphore(%arg10 : memref<!tpu.dma_semaphore, #tpu.memory_space<semaphore_mem>>)
    %add3A_14 = arith.constant 0 : i32
    %add3A_15 = arith.addi %mul3A_2, %add3A_14 : i32
    %dma_start3A_16 = arith.constant 1 : i32
    %dma_start3A_17 = arith.constant 0 : i32
    %dma_start3A_18 = tpu.memref_slice %arg2[%dma_start3A_16, %dma_start3A_17, %add3A_15] : memref<50x23x16384xf32, #tpu.memory_space<hbm>> -> memref<1x23x128xf32, #tpu.memory_space<hbm>>
    %dma_start3A_19 = tpu.memref_squeeze %dma_start3A_18 : memref<1x23x128xf32, #tpu.memory_space<hbm>> -> memref<23x128xf32, #tpu.memory_space<hbm>>
    %dma_start3A_20 = arith.constant 0 : i32
    %dma_start3A_21 = tpu.memref_slice %arg2[%dma_start3A_16, %dma_start3A_20, %add3A_15] : memref<50x23x16384xf32, #tpu.memory_space<hbm>> -> memref<1x23x128xf32, #tpu.memory_space<hbm>>
    %dma_start3A_22 = tpu.memref_squeeze %dma_start3A_21 : memref<1x23x128xf32, #tpu.memory_space<hbm>> -> memref<23x128xf32, #tpu.memory_space<hbm>>
    tpu.enqueue_dma source(%dma_start3A_22 : memref<23x128xf32, #tpu.memory_space<hbm>>) target(%arg6 : memref<23x128xf32, #tpu.memory_space<vmem>>) target_semaphore(%arg11 : memref<!tpu.dma_semaphore, #tpu.memory_space<semaphore_mem>>)
    %scan3A = arith.constant 0 : i32
    %scan3A_23 = arith.constant 100 : i32
    %scan3A_24 = arith.addi %scan3A, %scan3A_23 : i32
    %scan3A_25 = arith.constant 1 : i32
    scf.for %scan3A_56 = %scan3A to %scan3A_24 step %scan3A_25  : i32 {
      %mul3A_57 = arith.constant 2 : i32
      %mul3A_58 = arith.muli %scan3A_56, %mul3A_57 : i32
      %add3A_59 = arith.constant 0 : i32
      %add3A_60 = arith.addi %add3A_59, %mul3A_58 : i32
      %add3A_61 = arith.constant 0 : i32
      %add3A_62 = arith.addi %add3A_60, %add3A_61 : i32
      %jit3A = arith.constant 50 : i32
      %div3A = arith.divsi %add3A_62, %jit3A : i32
      %sign3A = arith.constant 0 : i32
      %sign3A_63 = arith.cmpi sgt, %add3A_62, %sign3A : i32
      %sign3A_64 = arith.extui %sign3A_63 : i1 to i32
      %sign3A_65 = arith.constant 0 : i32
      %sign3A_66 = arith.cmpi slt, %add3A_62, %sign3A_65 : i32
      %sign3A_67 = arith.extui %sign3A_66 : i1 to i32
      %sign3A_68 = arith.subi %sign3A_64, %sign3A_67 : i32
      %sign3A_69 = arith.constant 0 : i32
      %sign3A_70 = arith.cmpi sgt, %jit3A, %sign3A_69 : i32
      %sign3A_71 = arith.extui %sign3A_70 : i1 to i32
      %sign3A_72 = arith.constant 0 : i32
      %sign3A_73 = arith.cmpi slt, %jit3A, %sign3A_72 : i32
      %sign3A_74 = arith.extui %sign3A_73 : i1 to i32
      %sign3A_75 = arith.subi %sign3A_71, %sign3A_74 : i32
      %ne3A = arith.cmpi ne, %sign3A_68, %sign3A_75 : i32
      %rem3A = arith.remsi %add3A_62, %jit3A : i32
      %ne3A_76 = arith.constant 0 : i32
      %ne3A_77 = arith.cmpi ne, %rem3A, %ne3A_76 : i32
      %and3A = arith.andi %ne3A, %ne3A_77 : i1
      %sub3A = arith.constant 1 : i32
      %sub3A_78 = arith.subi %div3A, %sub3A : i32
      %select_n3A = arith.select %and3A, %sub3A_78, %div3A : i32
      %mul3A_79 = arith.constant 50 : i32
      %mul3A_80 = arith.muli %select_n3A, %mul3A_79 : i32
      %sub3A_81 = arith.subi %add3A_62, %mul3A_80 : i32
      %mul3A_82 = arith.constant 128 : i32
      %mul3A_83 = arith.muli %select_n3A, %mul3A_82 : i32
      %add3A_84 = arith.addi %mul3A_2, %mul3A_83 : i32
      %dma_wait3A_85 = arith.constant 0 : i32
      %dma_wait3A_86 = tpu.memref_slice %arg2[%sub3A_81, %dma_wait3A_85, %add3A_84] : memref<50x23x16384xf32, #tpu.memory_space<hbm>> -> memref<1x23x128xf32, #tpu.memory_space<hbm>>
      %dma_wait3A_87 = tpu.memref_squeeze %dma_wait3A_86 : memref<1x23x128xf32, #tpu.memory_space<hbm>> -> memref<23x128xf32, #tpu.memory_space<hbm>>
      %dma_wait3A_88 = arith.constant 0 : i32
      %dma_wait3A_89 = tpu.memref_slice %arg2[%sub3A_81, %dma_wait3A_88, %add3A_84] : memref<50x23x16384xf32, #tpu.memory_space<hbm>> -> memref<1x23x128xf32, #tpu.memory_space<hbm>>
      %dma_wait3A_90 = tpu.memref_squeeze %dma_wait3A_89 : memref<1x23x128xf32, #tpu.memory_space<hbm>> -> memref<23x128xf32, #tpu.memory_space<hbm>>
      tpu.wait_dma2 semaphore(%arg10 : memref<!tpu.dma_semaphore, #tpu.memory_space<semaphore_mem>>) src(%dma_wait3A_90 : memref<23x128xf32, #tpu.memory_space<hbm>>) dst(%arg5 : memref<23x128xf32, #tpu.memory_space<vmem>>)
      %ge3A = arith.constant 2 : i32
      %ge3A_91 = arith.cmpi sge, %add3A_62, %ge3A : i32
      %convert_element_type3A = arith.extui %ge3A_91 : i1 to i32
      %cond3A = arith.constant 0 : i32
      %cond3A_92 = arith.cmpi ne, %convert_element_type3A, %cond3A : i32
      scf.if %cond3A_92 {
        %sub3A_240 = arith.constant 2 : i32
        %sub3A_241 = arith.subi %add3A_62, %sub3A_240 : i32
        %jit3A_242 = arith.constant 50 : i32
        %div3A_243 = arith.divsi %sub3A_241, %jit3A_242 : i32
        %sign3A_244 = arith.constant 0 : i32
        %sign3A_245 = arith.cmpi sgt, %sub3A_241, %sign3A_244 : i32
        %sign3A_246 = arith.extui %sign3A_245 : i1 to i32
        %sign3A_247 = arith.constant 0 : i32
        %sign3A_248 = arith.cmpi slt, %sub3A_241, %sign3A_247 : i32
        %sign3A_249 = arith.extui %sign3A_248 : i1 to i32
        %sign3A_250 = arith.subi %sign3A_246, %sign3A_249 : i32
        %sign3A_251 = arith.constant 0 : i32
        %sign3A_252 = arith.cmpi sgt, %jit3A_242, %sign3A_251 : i32
        %sign3A_253 = arith.extui %sign3A_252 : i1 to i32
        %sign3A_254 = arith.constant 0 : i32
        %sign3A_255 = arith.cmpi slt, %jit3A_242, %sign3A_254 : i32
        %sign3A_256 = arith.extui %sign3A_255 : i1 to i32
        %sign3A_257 = arith.subi %sign3A_253, %sign3A_256 : i32
        %ne3A_258 = arith.cmpi ne, %sign3A_250, %sign3A_257 : i32
        %rem3A_259 = arith.remsi %sub3A_241, %jit3A_242 : i32
        %ne3A_260 = arith.constant 0 : i32
        %ne3A_261 = arith.cmpi ne, %rem3A_259, %ne3A_260 : i32
        %and3A_262 = arith.andi %ne3A_258, %ne3A_261 : i1
        %sub3A_263 = arith.constant 1 : i32
        %sub3A_264 = arith.subi %div3A_243, %sub3A_263 : i32
        %select_n3A_265 = arith.select %and3A_262, %sub3A_264, %div3A_243 : i32
        %mul3A_266 = arith.constant 50 : i32
        %mul3A_267 = arith.muli %select_n3A_265, %mul3A_266 : i32
        %sub3A_268 = arith.subi %sub3A_241, %mul3A_267 : i32
        %mul3A_269 = arith.constant 128 : i32
        %mul3A_270 = arith.muli %select_n3A_265, %mul3A_269 : i32
        %add3A_271 = arith.addi %mul3A_2, %mul3A_270 : i32
        %dma_wait3A_272 = arith.constant 0 : i32
        %dma_wait3A_273 = arith.constant 0 : i32
        %dma_wait3A_274 = tpu.memref_slice %arg7[%dma_wait3A_272, %dma_wait3A_273] : memref<128x136xf32, #tpu.memory_space<vmem>> -> memref<128x128xf32, #tpu.memory_space<vmem>>
        %dma_wait3A_275 = arith.constant 0 : i32
        %dma_wait3A_276 = tpu.memref_slice %arg4[%sub3A_268, %add3A_271, %dma_wait3A_275] : memref<50x16384x128xf32, #tpu.memory_space<hbm>> -> memref<1x128x128xf32, #tpu.memory_space<hbm>>
        %dma_wait3A_277 = tpu.memref_squeeze %dma_wait3A_276 : memref<1x128x128xf32, #tpu.memory_space<hbm>> -> memref<128x128xf32, #tpu.memory_space<hbm>>
        %dma_wait3A_278 = arith.constant 0 : i32
        %dma_wait3A_279 = tpu.memref_slice %arg4[%sub3A_268, %add3A_271, %dma_wait3A_278] : memref<50x16384x128xf32, #tpu.memory_space<hbm>> -> memref<1x128x128xf32, #tpu.memory_space<hbm>>
        %dma_wait3A_280 = tpu.memref_squeeze %dma_wait3A_279 : memref<1x128x128xf32, #tpu.memory_space<hbm>> -> memref<128x128xf32, #tpu.memory_space<hbm>>
        %dma_wait3A_281 = arith.constant 0 : i32
        %dma_wait3A_282 = arith.constant 0 : i32
        %dma_wait3A_283 = tpu.memref_slice %arg7[%dma_wait3A_281, %dma_wait3A_282] : memref<128x136xf32, #tpu.memory_space<vmem>> -> memref<128x128xf32, #tpu.memory_space<vmem>>
        tpu.wait_dma2 semaphore(%arg12 : memref<!tpu.dma_semaphore, #tpu.memory_space<semaphore_mem>>) src(%dma_wait3A_283 : memref<128x128xf32, #tpu.memory_space<vmem>>) dst(%dma_wait3A_280 : memref<128x128xf32, #tpu.memory_space<hbm>>)
      } else {
      }
      %iota3A_93 = tpu.iota {dimensions = array<i32: 0>} : vector<16xi32>
      %parallel_loop3A = arith.constant 0 : i32
      %parallel_loop3A_94 = arith.constant 8 : i32
      %parallel_loop3A_95 = arith.constant 1 : i32
      scf.for %parallel_loop3A_240 = %parallel_loop3A to %parallel_loop3A_94 step %parallel_loop3A_95  : i32 {
        %parallel_loop3A_241 = arith.constant 16 : i32
        %parallel_loop3A_242 = arith.muli %parallel_loop3A_240, %parallel_loop3A_241 : i32
        %parallel_loop3A_243 = vector.broadcast %parallel_loop3A_242 : i32 to vector<16xi32>
        %parallel_loop3A_244 = arith.addi %iota3A_93, %parallel_loop3A_243 : vector<16xi32>
        %parallel_loop3A_245 = arith.constant 0 : i32
        %parallel_loop3A_246 = arith.index_cast %parallel_loop3A_245 : i32 to index
        %parallel_loop3A_247 = arith.index_cast %parallel_loop3A_242 : i32 to index
        %parallel_loop3A_248 = tpu.vector_load %arg5[%parallel_loop3A_246, %parallel_loop3A_247] {strides = array<i32>} : memref<23x128xf32, #tpu.memory_space<vmem>>, vector<16xf32>,
        %parallel_loop3A_249 = arith.fptosi %parallel_loop3A_248 : vector<16xf32> to vector<16xi32>
        %parallel_loop3A_250 = arith.constant 0 : i32
        %parallel_loop3A_251 = vector.broadcast %parallel_loop3A_250 : i32 to vector<16xi32>
        %parallel_loop3A_252 = arith.minsi %parallel_loop3A_249, %parallel_loop3A_251 : vector<16xi32>
        %parallel_loop3A_253 = arith.constant 32 : i32
        %parallel_loop3A_254 = vector.broadcast %parallel_loop3A_253 : i32 to vector<16xi32>
        %parallel_loop3A_255 = arith.muli %parallel_loop3A_249, %parallel_loop3A_254 : vector<16xi32>
        %parallel_loop3A_256 = arith.constant 0 : i32
        %parallel_loop3A_257 = vector.broadcast %parallel_loop3A_256 : i32 to vector<16xi32>
        %parallel_loop3A_258 = arith.addi %parallel_loop3A_255, %parallel_loop3A_257 : vector<16xi32>
        %parallel_loop3A_259 = arith.addi %mul3A_5, %parallel_loop3A_258 : vector<16xi32>
        %parallel_loop3A_260 = arith.constant 0 : i32
        %parallel_loop3A_261 = vector.broadcast %parallel_loop3A_260 : i32 to vector<16xi32>
        %parallel_loop3A_262 = arith.addi %parallel_loop3A_259, %parallel_loop3A_261 : vector<16xi32>
        %parallel_loop3A_263 = tpu.vector_load_idx %arg9[%parallel_loop3A_262] : memref<53008xf32, #tpu.memory_space<vmem>>[vector<16xi32>], vector<16xf32>,
        %parallel_loop3A_264 = arith.constant 1 : i32
        %parallel_loop3A_265 = vector.broadcast %parallel_loop3A_264 : i32 to vector<16xi32>
        %parallel_loop3A_266 = arith.addi %parallel_loop3A_259, %parallel_loop3A_265 : vector<16xi32>
        %parallel_loop3A_267 = tpu.vector_load_idx %arg9[%parallel_loop3A_266] : memref<53008xf32, #tpu.memory_space<vmem>>[vector<16xi32>], vector<16xf32>,
        %parallel_loop3A_268 = arith.constant 2 : i32
        %parallel_loop3A_269 = vector.broadcast %parallel_loop3A_268 : i32 to vector<16xi32>
        %parallel_loop3A_270 = arith.addi %parallel_loop3A_259, %parallel_loop3A_269 : vector<16xi32>
        %parallel_loop3A_271 = tpu.vector_load_idx %arg9[%parallel_loop3A_270] : memref<53008xf32, #tpu.memory_space<vmem>>[vector<16xi32>], vector<16xf32>,
        %parallel_loop3A_272 = arith.constant 3 : i32
        %parallel_loop3A_273 = vector.broadcast %parallel_loop3A_272 : i32 to vector<16xi32>
        %parallel_loop3A_274 = arith.addi %parallel_loop3A_259, %parallel_loop3A_273 : vector<16xi32>
        %parallel_loop3A_275 = tpu.vector_load_idx %arg9[%parallel_loop3A_274] : memref<53008xf32, #tpu.memory_space<vmem>>[vector<16xi32>], vector<16xf32>,
        %parallel_loop3A_276 = arith.constant 4 : i32
        %parallel_loop3A_277 = vector.broadcast %parallel_loop3A_276 : i32 to vector<16xi32>
        %parallel_loop3A_278 = arith.addi %parallel_loop3A_259, %parallel_loop3A_277 : vector<16xi32>
        %parallel_loop3A_279 = tpu.vector_load_idx %arg9[%parallel_loop3A_278] : memref<53008xf32, #tpu.memory_space<vmem>>[vector<16xi32>], vector<16xf32>,
        %parallel_loop3A_280 = arith.constant 5 : i32
        %parallel_loop3A_281 = vector.broadcast %parallel_loop3A_280 : i32 to vector<16xi32>
        %parallel_loop3A_282 = arith.addi %parallel_loop3A_259, %parallel_loop3A_281 : vector<16xi32>
        %parallel_loop3A_283 = tpu.vector_load_idx %arg9[%parallel_loop3A_282] : memref<53008xf32, #tpu.memory_space<vmem>>[vector<16xi32>], vector<16xf32>,
        %parallel_loop3A_284 = arith.constant 6 : i32
        %parallel_loop3A_285 = vector.broadcast %parallel_loop3A_284 : i32 to vector<16xi32>
        %parallel_loop3A_286 = arith.addi %parallel_loop3A_259, %parallel_loop3A_285 : vector<16xi32>
        %parallel_loop3A_287 = tpu.vector_load_idx %arg9[%parallel_loop3A_286] : memref<53008xf32, #tpu.memory_space<vmem>>[vector<16xi32>], vector<16xf32>,
        %parallel_loop3A_288 = arith.constant 7 : i32
        %parallel_loop3A_289 = vector.broadcast %parallel_loop3A_288 : i32 to vector<16xi32>
        %parallel_loop3A_290 = arith.addi %parallel_loop3A_259, %parallel_loop3A_289 : vector<16xi32>
        %parallel_loop3A_291 = tpu.vector_load_idx %arg9[%parallel_loop3A_290] : memref<53008xf32, #tpu.memory_space<vmem>>[vector<16xi32>], vector<16xf32>,
        %parallel_loop3A_292 = arith.constant 8 : i32
        %parallel_loop3A_293 = vector.broadcast %parallel_loop3A_292 : i32 to vector<16xi32>
        %parallel_loop3A_294 = arith.addi %parallel_loop3A_259, %parallel_loop3A_293 : vector<16xi32>
        %parallel_loop3A_295 = tpu.vector_load_idx %arg9[%parallel_loop3A_294] : memref<53008xf32, #tpu.memory_space<vmem>>[vector<16xi32>], vector<16xf32>,
        %parallel_loop3A_296 = arith.constant 9 : i32
        %parallel_loop3A_297 = vector.broadcast %parallel_loop3A_296 : i32 to vector<16xi32>
        %parallel_loop3A_298 = arith.addi %parallel_loop3A_259, %parallel_loop3A_297 : vector<16xi32>
        %parallel_loop3A_299 = tpu.vector_load_idx %arg9[%parallel_loop3A_298] : memref<53008xf32, #tpu.memory_space<vmem>>[vector<16xi32>], vector<16xf32>,
        %parallel_loop3A_300 = arith.constant 10 : i32
        %parallel_loop3A_301 = vector.broadcast %parallel_loop3A_300 : i32 to vector<16xi32>
        %parallel_loop3A_302 = arith.addi %parallel_loop3A_259, %parallel_loop3A_301 : vector<16xi32>
        %parallel_loop3A_303 = tpu.vector_load_idx %arg9[%parallel_loop3A_302] : memref<53008xf32, #tpu.memory_space<vmem>>[vector<16xi32>], vector<16xf32>,
        %parallel_loop3A_304 = arith.constant 11 : i32
        %parallel_loop3A_305 = vector.broadcast %parallel_loop3A_304 : i32 to vector<16xi32>
        %parallel_loop3A_306 = arith.addi %parallel_loop3A_259, %parallel_loop3A_305 : vector<16xi32>
        %parallel_loop3A_307 = tpu.vector_load_idx %arg9[%parallel_loop3A_306] : memref<53008xf32, #tpu.memory_space<vmem>>[vector<16xi32>], vector<16xf32>,
        %parallel_loop3A_308 = arith.constant 12 : i32
        %parallel_loop3A_309 = vector.broadcast %parallel_loop3A_308 : i32 to vector<16xi32>
        %parallel_loop3A_310 = arith.addi %parallel_loop3A_259, %parallel_loop3A_309 : vector<16xi32>
        %parallel_loop3A_311 = tpu.vector_load_idx %arg9[%parallel_loop3A_310] : memref<53008xf32, #tpu.memory_space<vmem>>[vector<16xi32>], vector<16xf32>,
        %parallel_loop3A_312 = arith.constant 13 : i32
        %parallel_loop3A_313 = vector.broadcast %parallel_loop3A_312 : i32 to vector<16xi32>
        %parallel_loop3A_314 = arith.addi %parallel_loop3A_259, %parallel_loop3A_313 : vector<16xi32>
        %parallel_loop3A_315 = tpu.vector_load_idx %arg9[%parallel_loop3A_314] : memref<53008xf32, #tpu.memory_space<vmem>>[vector<16xi32>], vector<16xf32>,
        %parallel_loop3A_316 = arith.constant 14 : i32
        %parallel_loop3A_317 = vector.broadcast %parallel_loop3A_316 : i32 to vector<16xi32>
        %parallel_loop3A_318 = arith.addi %parallel_loop3A_259, %parallel_loop3A_317 : vector<16xi32>
        %parallel_loop3A_319 = tpu.vector_load_idx %arg9[%parallel_loop3A_318] : memref<53008xf32, #tpu.memory_space<vmem>>[vector<16xi32>], vector<16xf32>,
        %parallel_loop3A_320 = arith.constant 15 : i32
        %parallel_loop3A_321 = vector.broadcast %parallel_loop3A_320 : i32 to vector<16xi32>
        %parallel_loop3A_322 = arith.addi %parallel_loop3A_259, %parallel_loop3A_321 : vector<16xi32>
        %parallel_loop3A_323 = tpu.vector_load_idx %arg9[%parallel_loop3A_322] : memref<53008xf32, #tpu.memory_space<vmem>>[vector<16xi32>], vector<16xf32>,
        %parallel_loop3A_324 = arith.constant 16 : i32
        %parallel_loop3A_325 = vector.broadcast %parallel_loop3A_324 : i32 to vector<16xi32>
        %parallel_loop3A_326 = arith.addi %parallel_loop3A_259, %parallel_loop3A_325 : vector<16xi32>
        %parallel_loop3A_327 = tpu.vector_load_idx %arg9[%parallel_loop3A_326] : memref<53008xf32, #tpu.memory_space<vmem>>[vector<16xi32>], vector<16xf32>,
        %parallel_loop3A_328 = arith.constant 17 : i32
        %parallel_loop3A_329 = vector.broadcast %parallel_loop3A_328 : i32 to vector<16xi32>
        %parallel_loop3A_330 = arith.addi %parallel_loop3A_259, %parallel_loop3A_329 : vector<16xi32>
        %parallel_loop3A_331 = tpu.vector_load_idx %arg9[%parallel_loop3A_330] : memref<53008xf32, #tpu.memory_space<vmem>>[vector<16xi32>], vector<16xf32>,
        %parallel_loop3A_332 = arith.constant 18 : i32
        %parallel_loop3A_333 = vector.broadcast %parallel_loop3A_332 : i32 to vector<16xi32>
        %parallel_loop3A_334 = arith.addi %parallel_loop3A_259, %parallel_loop3A_333 : vector<16xi32>
        %parallel_loop3A_335 = tpu.vector_load_idx %arg9[%parallel_loop3A_334] : memref<53008xf32, #tpu.memory_space<vmem>>[vector<16xi32>], vector<16xf32>,
        %parallel_loop3A_336 = arith.constant 19 : i32
        %parallel_loop3A_337 = vector.broadcast %parallel_loop3A_336 : i32 to vector<16xi32>
        %parallel_loop3A_338 = arith.addi %parallel_loop3A_259, %parallel_loop3A_337 : vector<16xi32>
        %parallel_loop3A_339 = tpu.vector_load_idx %arg9[%parallel_loop3A_338] : memref<53008xf32, #tpu.memory_space<vmem>>[vector<16xi32>], vector<16xf32>,
        %parallel_loop3A_340 = arith.constant 20 : i32
        %parallel_loop3A_341 = vector.broadcast %parallel_loop3A_340 : i32 to vector<16xi32>
        %parallel_loop3A_342 = arith.addi %parallel_loop3A_259, %parallel_loop3A_341 : vector<16xi32>
        %parallel_loop3A_343 = tpu.vector_load_idx %arg9[%parallel_loop3A_342] : memref<53008xf32, #tpu.memory_space<vmem>>[vector<16xi32>], vector<16xf32>,
        %parallel_loop3A_344 = arith.constant 21 : i32
        %parallel_loop3A_345 = vector.broadcast %parallel_loop3A_344 : i32 to vector<16xi32>
        %parallel_loop3A_346 = arith.addi %parallel_loop3A_259, %parallel_loop3A_345 : vector<16xi32>
        %parallel_loop3A_347 = tpu.vector_load_idx %arg9[%parallel_loop3A_346] : memref<53008xf32, #tpu.memory_space<vmem>>[vector<16xi32>], vector<16xf32>,
        %parallel_loop3A_348 = arith.constant 22 : i32
        %parallel_loop3A_349 = vector.broadcast %parallel_loop3A_348 : i32 to vector<16xi32>
        %parallel_loop3A_350 = arith.addi %parallel_loop3A_259, %parallel_loop3A_349 : vector<16xi32>
        %parallel_loop3A_351 = tpu.vector_load_idx %arg9[%parallel_loop3A_350] : memref<53008xf32, #tpu.memory_space<vmem>>[vector<16xi32>], vector<16xf32>,
        %parallel_loop3A_352 = arith.constant 23 : i32
        %parallel_loop3A_353 = vector.broadcast %parallel_loop3A_352 : i32 to vector<16xi32>
        %parallel_loop3A_354 = arith.addi %parallel_loop3A_259, %parallel_loop3A_353 : vector<16xi32>
        %parallel_loop3A_355 = tpu.vector_load_idx %arg9[%parallel_loop3A_354] : memref<53008xf32, #tpu.memory_space<vmem>>[vector<16xi32>], vector<16xf32>,
        %parallel_loop3A_356 = arith.constant 24 : i32
        %parallel_loop3A_357 = vector.broadcast %parallel_loop3A_356 : i32 to vector<16xi32>
        %parallel_loop3A_358 = arith.addi %parallel_loop3A_259, %parallel_loop3A_357 : vector<16xi32>
        %parallel_loop3A_359 = tpu.vector_load_idx %arg9[%parallel_loop3A_358] : memref<53008xf32, #tpu.memory_space<vmem>>[vector<16xi32>], vector<16xf32>,
        %parallel_loop3A_360 = arith.constant 25 : i32
        %parallel_loop3A_361 = vector.broadcast %parallel_loop3A_360 : i32 to vector<16xi32>
        %parallel_loop3A_362 = arith.addi %parallel_loop3A_259, %parallel_loop3A_361 : vector<16xi32>
        %parallel_loop3A_363 = tpu.vector_load_idx %arg9[%parallel_loop3A_362] : memref<53008xf32, #tpu.memory_space<vmem>>[vector<16xi32>], vector<16xf32>,
        %parallel_loop3A_364 = arith.constant 26 : i32
        %parallel_loop3A_365 = vector.broadcast %parallel_loop3A_364 : i32 to vector<16xi32>
        %parallel_loop3A_366 = arith.addi %parallel_loop3A_259, %parallel_loop3A_365 : vector<16xi32>
        %parallel_loop3A_367 = tpu.vector_load_idx %arg9[%parallel_loop3A_366] : memref<53008xf32, #tpu.memory_space<vmem>>[vector<16xi32>], vector<16xf32>,
        %parallel_loop3A_368 = arith.constant 27 : i32
        %parallel_loop3A_369 = vector.broadcast %parallel_loop3A_368 : i32 to vector<16xi32>
        %parallel_loop3A_370 = arith.addi %parallel_loop3A_259, %parallel_loop3A_369 : vector<16xi32>
        %parallel_loop3A_371 = tpu.vector_load_idx %arg9[%parallel_loop3A_370] : memref<53008xf32, #tpu.memory_space<vmem>>[vector<16xi32>], vector<16xf32>,
        %parallel_loop3A_372 = arith.constant 28 : i32
        %parallel_loop3A_373 = vector.broadcast %parallel_loop3A_372 : i32 to vector<16xi32>
        %parallel_loop3A_374 = arith.addi %parallel_loop3A_259, %parallel_loop3A_373 : vector<16xi32>
        %parallel_loop3A_375 = tpu.vector_load_idx %arg9[%parallel_loop3A_374] : memref<53008xf32, #tpu.memory_space<vmem>>[vector<16xi32>], vector<16xf32>,
        %parallel_loop3A_376 = arith.constant 29 : i32
        %parallel_loop3A_377 = vector.broadcast %parallel_loop3A_376 : i32 to vector<16xi32>
        %parallel_loop3A_378 = arith.addi %parallel_loop3A_259, %parallel_loop3A_377 : vector<16xi32>
        %parallel_loop3A_379 = tpu.vector_load_idx %arg9[%parallel_loop3A_378] : memref<53008xf32, #tpu.memory_space<vmem>>[vector<16xi32>], vector<16xf32>,
        tpu.vector_store_idx %arg7[%parallel_loop3A_244, %parallel_loop3A_252], %parallel_loop3A_263 : memref<128x136xf32, #tpu.memory_space<vmem>>[vector<16xi32>, vector<16xi32>], vector<16xf32>,
        %parallel_loop3A_380 = arith.constant 1 : i32
        %parallel_loop3A_381 = vector.broadcast %parallel_loop3A_380 : i32 to vector<16xi32>
        %parallel_loop3A_382 = arith.addi %parallel_loop3A_252, %parallel_loop3A_381 : vector<16xi32>
        tpu.vector_store_idx %arg7[%parallel_loop3A_244, %parallel_loop3A_382], %parallel_loop3A_267 : memref<128x136xf32, #tpu.memory_space<vmem>>[vector<16xi32>, vector<16xi32>], vector<16xf32>,
        %parallel_loop3A_383 = arith.constant 1 : i32
        %parallel_loop3A_384 = vector.broadcast %parallel_loop3A_383 : i32 to vector<16xi32>
        %parallel_loop3A_385 = arith.addi %parallel_loop3A_382, %parallel_loop3A_384 : vector<16xi32>
        tpu.vector_store_idx %arg7[%parallel_loop3A_244, %parallel_loop3A_385], %parallel_loop3A_271 : memref<128x136xf32, #tpu.memory_space<vmem>>[vector<16xi32>, vector<16xi32>], vector<16xf32>,
        %parallel_loop3A_386 = arith.constant 1 : i32
        %parallel_loop3A_387 = vector.broadcast %parallel_loop3A_386 : i32 to vector<16xi32>
        %parallel_loop3A_388 = arith.addi %parallel_loop3A_385, %parallel_loop3A_387 : vector<16xi32>
        tpu.vector_store_idx %arg7[%parallel_loop3A_244, %parallel_loop3A_388], %parallel_loop3A_275 : memref<128x136xf32, #tpu.memory_space<vmem>>[vector<16xi32>, vector<16xi32>], vector<16xf32>,
        %parallel_loop3A_389 = arith.constant 1 : i32
        %parallel_loop3A_390 = vector.broadcast %parallel_loop3A_389 : i32 to vector<16xi32>
        %parallel_loop3A_391 = arith.addi %parallel_loop3A_388, %parallel_loop3A_390 : vector<16xi32>
        tpu.vector_store_idx %arg7[%parallel_loop3A_244, %parallel_loop3A_391], %parallel_loop3A_279 : memref<128x136xf32, #tpu.memory_space<vmem>>[vector<16xi32>, vector<16xi32>], vector<16xf32>,
        %parallel_loop3A_392 = arith.constant 1 : i32
        %parallel_loop3A_393 = vector.broadcast %parallel_loop3A_392 : i32 to vector<16xi32>
        %parallel_loop3A_394 = arith.addi %parallel_loop3A_391, %parallel_loop3A_393 : vector<16xi32>
        tpu.vector_store_idx %arg7[%parallel_loop3A_244, %parallel_loop3A_394], %parallel_loop3A_283 : memref<128x136xf32, #tpu.memory_space<vmem>>[vector<16xi32>, vector<16xi32>], vector<16xf32>,
        %parallel_loop3A_395 = arith.constant 1 : i32
        %parallel_loop3A_396 = vector.broadcast %parallel_loop3A_395 : i32 to vector<16xi32>
        %parallel_loop3A_397 = arith.addi %parallel_loop3A_394, %parallel_loop3A_396 : vector<16xi32>
        tpu.vector_store_idx %arg7[%parallel_loop3A_244, %parallel_loop3A_397], %parallel_loop3A_287 : memref<128x136xf32, #tpu.memory_space<vmem>>[vector<16xi32>, vector<16xi32>], vector<16xf32>,
        %parallel_loop3A_398 = arith.constant 1 : i32
        %parallel_loop3A_399 = vector.broadcast %parallel_loop3A_398 : i32 to vector<16xi32>
        %parallel_loop3A_400 = arith.addi %parallel_loop3A_397, %parallel_loop3A_399 : vector<16xi32>
        tpu.vector_store_idx %arg7[%parallel_loop3A_244, %parallel_loop3A_400], %parallel_loop3A_291 : memref<128x136xf32, #tpu.memory_space<vmem>>[vector<16xi32>, vector<16xi32>], vector<16xf32>,
        %parallel_loop3A_401 = arith.constant 1 : i32
        %parallel_loop3A_402 = vector.broadcast %parallel_loop3A_401 : i32 to vector<16xi32>
        %parallel_loop3A_403 = arith.addi %parallel_loop3A_400, %parallel_loop3A_402 : vector<16xi32>
        tpu.vector_store_idx %arg7[%parallel_loop3A_244, %parallel_loop3A_403], %parallel_loop3A_295 : memref<128x136xf32, #tpu.memory_space<vmem>>[vector<16xi32>, vector<16xi32>], vector<16xf32>,
        %parallel_loop3A_404 = arith.constant 1 : i32
        %parallel_loop3A_405 = vector.broadcast %parallel_loop3A_404 : i32 to vector<16xi32>
        %parallel_loop3A_406 = arith.addi %parallel_loop3A_403, %parallel_loop3A_405 : vector<16xi32>
        tpu.vector_store_idx %arg7[%parallel_loop3A_244, %parallel_loop3A_406], %parallel_loop3A_299 : memref<128x136xf32, #tpu.memory_space<vmem>>[vector<16xi32>, vector<16xi32>], vector<16xf32>,
        %parallel_loop3A_407 = arith.constant 1 : i32
        %parallel_loop3A_408 = vector.broadcast %parallel_loop3A_407 : i32 to vector<16xi32>
        %parallel_loop3A_409 = arith.addi %parallel_loop3A_406, %parallel_loop3A_408 : vector<16xi32>
        tpu.vector_store_idx %arg7[%parallel_loop3A_244, %parallel_loop3A_409], %parallel_loop3A_303 : memref<128x136xf32, #tpu.memory_space<vmem>>[vector<16xi32>, vector<16xi32>], vector<16xf32>,
        %parallel_loop3A_410 = arith.constant 1 : i32
        %parallel_loop3A_411 = vector.broadcast %parallel_loop3A_410 : i32 to vector<16xi32>
        %parallel_loop3A_412 = arith.addi %parallel_loop3A_409, %parallel_loop3A_411 : vector<16xi32>
        tpu.vector_store_idx %arg7[%parallel_loop3A_244, %parallel_loop3A_412], %parallel_loop3A_307 : memref<128x136xf32, #tpu.memory_space<vmem>>[vector<16xi32>, vector<16xi32>], vector<16xf32>,
        %parallel_loop3A_413 = arith.constant 1 : i32
        %parallel_loop3A_414 = vector.broadcast %parallel_loop3A_413 : i32 to vector<16xi32>
        %parallel_loop3A_415 = arith.addi %parallel_loop3A_412, %parallel_loop3A_414 : vector<16xi32>
        tpu.vector_store_idx %arg7[%parallel_loop3A_244, %parallel_loop3A_415], %parallel_loop3A_311 : memref<128x136xf32, #tpu.memory_space<vmem>>[vector<16xi32>, vector<16xi32>], vector<16xf32>,
        %parallel_loop3A_416 = arith.constant 1 : i32
        %parallel_loop3A_417 = vector.broadcast %parallel_loop3A_416 : i32 to vector<16xi32>
        %parallel_loop3A_418 = arith.addi %parallel_loop3A_415, %parallel_loop3A_417 : vector<16xi32>
        tpu.vector_store_idx %arg7[%parallel_loop3A_244, %parallel_loop3A_418], %parallel_loop3A_315 : memref<128x136xf32, #tpu.memory_space<vmem>>[vector<16xi32>, vector<16xi32>], vector<16xf32>,
        %parallel_loop3A_419 = arith.constant 1 : i32
        %parallel_loop3A_420 = vector.broadcast %parallel_loop3A_419 : i32 to vector<16xi32>
        %parallel_loop3A_421 = arith.addi %parallel_loop3A_418, %parallel_loop3A_420 : vector<16xi32>
        tpu.vector_store_idx %arg7[%parallel_loop3A_244, %parallel_loop3A_421], %parallel_loop3A_319 : memref<128x136xf32, #tpu.memory_space<vmem>>[vector<16xi32>, vector<16xi32>], vector<16xf32>,
        %parallel_loop3A_422 = arith.constant 1 : i32
        %parallel_loop3A_423 = vector.broadcast %parallel_loop3A_422 : i32 to vector<16xi32>
        %parallel_loop3A_424 = arith.addi %parallel_loop3A_421, %parallel_loop3A_423 : vector<16xi32>
        tpu.vector_store_idx %arg7[%parallel_loop3A_244, %parallel_loop3A_424], %parallel_loop3A_323 : memref<128x136xf32, #tpu.memory_space<vmem>>[vector<16xi32>, vector<16xi32>], vector<16xf32>,
        %parallel_loop3A_425 = arith.constant 1 : i32
        %parallel_loop3A_426 = vector.broadcast %parallel_loop3A_425 : i32 to vector<16xi32>
        %parallel_loop3A_427 = arith.addi %parallel_loop3A_424, %parallel_loop3A_426 : vector<16xi32>
        tpu.vector_store_idx %arg7[%parallel_loop3A_244, %parallel_loop3A_427], %parallel_loop3A_327 : memref<128x136xf32, #tpu.memory_space<vmem>>[vector<16xi32>, vector<16xi32>], vector<16xf32>,
        %parallel_loop3A_428 = arith.constant 1 : i32
        %parallel_loop3A_429 = vector.broadcast %parallel_loop3A_428 : i32 to vector<16xi32>
        %parallel_loop3A_430 = arith.addi %parallel_loop3A_427, %parallel_loop3A_429 : vector<16xi32>
        tpu.vector_store_idx %arg7[%parallel_loop3A_244, %parallel_loop3A_430], %parallel_loop3A_331 : memref<128x136xf32, #tpu.memory_space<vmem>>[vector<16xi32>, vector<16xi32>], vector<16xf32>,
        %parallel_loop3A_431 = arith.constant 1 : i32
        %parallel_loop3A_432 = vector.broadcast %parallel_loop3A_431 : i32 to vector<16xi32>
        %parallel_loop3A_433 = arith.addi %parallel_loop3A_430, %parallel_loop3A_432 : vector<16xi32>
        tpu.vector_store_idx %arg7[%parallel_loop3A_244, %parallel_loop3A_433], %parallel_loop3A_335 : memref<128x136xf32, #tpu.memory_space<vmem>>[vector<16xi32>, vector<16xi32>], vector<16xf32>,
        %parallel_loop3A_434 = arith.constant 1 : i32
        %parallel_loop3A_435 = vector.broadcast %parallel_loop3A_434 : i32 to vector<16xi32>
        %parallel_loop3A_436 = arith.addi %parallel_loop3A_433, %parallel_loop3A_435 : vector<16xi32>
        tpu.vector_store_idx %arg7[%parallel_loop3A_244, %parallel_loop3A_436], %parallel_loop3A_339 : memref<128x136xf32, #tpu.memory_space<vmem>>[vector<16xi32>, vector<16xi32>], vector<16xf32>,
        %parallel_loop3A_437 = arith.constant 1 : i32
        %parallel_loop3A_438 = vector.broadcast %parallel_loop3A_437 : i32 to vector<16xi32>
        %parallel_loop3A_439 = arith.addi %parallel_loop3A_436, %parallel_loop3A_438 : vector<16xi32>
        tpu.vector_store_idx %arg7[%parallel_loop3A_244, %parallel_loop3A_439], %parallel_loop3A_343 : memref<128x136xf32, #tpu.memory_space<vmem>>[vector<16xi32>, vector<16xi32>], vector<16xf32>,
        %parallel_loop3A_440 = arith.constant 1 : i32
        %parallel_loop3A_441 = vector.broadcast %parallel_loop3A_440 : i32 to vector<16xi32>
        %parallel_loop3A_442 = arith.addi %parallel_loop3A_439, %parallel_loop3A_441 : vector<16xi32>
        tpu.vector_store_idx %arg7[%parallel_loop3A_244, %parallel_loop3A_442], %parallel_loop3A_347 : memref<128x136xf32, #tpu.memory_space<vmem>>[vector<16xi32>, vector<16xi32>], vector<16xf32>,
        %parallel_loop3A_443 = arith.constant 1 : i32
        %parallel_loop3A_444 = vector.broadcast %parallel_loop3A_443 : i32 to vector<16xi32>
        %parallel_loop3A_445 = arith.addi %parallel_loop3A_442, %parallel_loop3A_444 : vector<16xi32>
        tpu.vector_store_idx %arg7[%parallel_loop3A_244, %parallel_loop3A_445], %parallel_loop3A_351 : memref<128x136xf32, #tpu.memory_space<vmem>>[vector<16xi32>, vector<16xi32>], vector<16xf32>,
        %parallel_loop3A_446 = arith.constant 1 : i32
        %parallel_loop3A_447 = vector.broadcast %parallel_loop3A_446 : i32 to vector<16xi32>
        %parallel_loop3A_448 = arith.addi %parallel_loop3A_445, %parallel_loop3A_447 : vector<16xi32>
        tpu.vector_store_idx %arg7[%parallel_loop3A_244, %parallel_loop3A_448], %parallel_loop3A_355 : memref<128x136xf32, #tpu.memory_space<vmem>>[vector<16xi32>, vector<16xi32>], vector<16xf32>,
        %parallel_loop3A_449 = arith.constant 1 : i32
        %parallel_loop3A_450 = vector.broadcast %parallel_loop3A_449 : i32 to vector<16xi32>
        %parallel_loop3A_451 = arith.addi %parallel_loop3A_448, %parallel_loop3A_450 : vector<16xi32>
        tpu.vector_store_idx %arg7[%parallel_loop3A_244, %parallel_loop3A_451], %parallel_loop3A_359 : memref<128x136xf32, #tpu.memory_space<vmem>>[vector<16xi32>, vector<16xi32>], vector<16xf32>,
        %parallel_loop3A_452 = arith.constant 1 : i32
        %parallel_loop3A_453 = vector.broadcast %parallel_loop3A_452 : i32 to vector<16xi32>
        %parallel_loop3A_454 = arith.addi %parallel_loop3A_451, %parallel_loop3A_453 : vector<16xi32>
        tpu.vector_store_idx %arg7[%parallel_loop3A_244, %parallel_loop3A_454], %parallel_loop3A_363 : memref<128x136xf32, #tpu.memory_space<vmem>>[vector<16xi32>, vector<16xi32>], vector<16xf32>,
        %parallel_loop3A_455 = arith.constant 1 : i32
        %parallel_loop3A_456 = vector.broadcast %parallel_loop3A_455 : i32 to vector<16xi32>
        %parallel_loop3A_457 = arith.addi %parallel_loop3A_454, %parallel_loop3A_456 : vector<16xi32>
        tpu.vector_store_idx %arg7[%parallel_loop3A_244, %parallel_loop3A_457], %parallel_loop3A_367 : memref<128x136xf32, #tpu.memory_space<vmem>>[vector<16xi32>, vector<16xi32>], vector<16xf32>,
        %parallel_loop3A_458 = arith.constant 1 : i32
        %parallel_loop3A_459 = vector.broadcast %parallel_loop3A_458 : i32 to vector<16xi32>
        %parallel_loop3A_460 = arith.addi %parallel_loop3A_457, %parallel_loop3A_459 : vector<16xi32>
        tpu.vector_store_idx %arg7[%parallel_loop3A_244, %parallel_loop3A_460], %parallel_loop3A_371 : memref<128x136xf32, #tpu.memory_space<vmem>>[vector<16xi32>, vector<16xi32>], vector<16xf32>,
        %parallel_loop3A_461 = arith.constant 1 : i32
        %parallel_loop3A_462 = vector.broadcast %parallel_loop3A_461 : i32 to vector<16xi32>
        %parallel_loop3A_463 = arith.addi %parallel_loop3A_460, %parallel_loop3A_462 : vector<16xi32>
        tpu.vector_store_idx %arg7[%parallel_loop3A_244, %parallel_loop3A_463], %parallel_loop3A_375 : memref<128x136xf32, #tpu.memory_space<vmem>>[vector<16xi32>, vector<16xi32>], vector<16xf32>,
        %parallel_loop3A_464 = arith.constant 1 : i32
        %parallel_loop3A_465 = vector.broadcast %parallel_loop3A_464 : i32 to vector<16xi32>
        %parallel_loop3A_466 = arith.addi %parallel_loop3A_463, %parallel_loop3A_465 : vector<16xi32>
        tpu.vector_store_idx %arg7[%parallel_loop3A_244, %parallel_loop3A_466], %parallel_loop3A_379 : memref<128x136xf32, #tpu.memory_space<vmem>>[vector<16xi32>, vector<16xi32>], vector<16xf32>,
        %parallel_loop3A_467 = arith.constant 1 : i32
        %parallel_loop3A_468 = vector.broadcast %parallel_loop3A_467 : i32 to vector<16xi32>
        %parallel_loop3A_469 = arith.addi %parallel_loop3A_466, %parallel_loop3A_468 : vector<16xi32>
        %parallel_loop3A_470 = arith.constant 1 : i32
        %parallel_loop3A_471 = arith.index_cast %parallel_loop3A_470 : i32 to index
        %parallel_loop3A_472 = arith.index_cast %parallel_loop3A_242 : i32 to index
        %parallel_loop3A_473 = tpu.vector_load %arg5[%parallel_loop3A_471, %parallel_loop3A_472] {strides = array<i32>} : memref<23x128xf32, #tpu.memory_space<vmem>>, vector<16xf32>,
        %parallel_loop3A_474 = arith.fptosi %parallel_loop3A_473 : vector<16xf32> to vector<16xi32>
        %parallel_loop3A_475 = arith.constant 16 : i32
        %parallel_loop3A_476 = vector.broadcast %parallel_loop3A_475 : i32 to vector<16xi32>
        %parallel_loop3A_477 = arith.muli %parallel_loop3A_474, %parallel_loop3A_476 : vector<16xi32>
        %parallel_loop3A_478 = arith.constant 1920 : i32
        %parallel_loop3A_479 = vector.broadcast %parallel_loop3A_478 : i32 to vector<16xi32>
        %parallel_loop3A_480 = arith.addi %parallel_loop3A_477, %parallel_loop3A_479 : vector<16xi32>
        %parallel_loop3A_481 = arith.addi %mul3A_5, %parallel_loop3A_480 : vector<16xi32>
        %parallel_loop3A_482 = arith.constant 0 : i32
        %parallel_loop3A_483 = vector.broadcast %parallel_loop3A_482 : i32 to vector<16xi32>
        %parallel_loop3A_484 = arith.addi %parallel_loop3A_481, %parallel_loop3A_483 : vector<16xi32>
        %parallel_loop3A_485 = tpu.vector_load_idx %arg9[%parallel_loop3A_484] : memref<53008xf32, #tpu.memory_space<vmem>>[vector<16xi32>], vector<16xf32>,
        %parallel_loop3A_486 = arith.constant 1 : i32
        %parallel_loop3A_487 = vector.broadcast %parallel_loop3A_486 : i32 to vector<16xi32>
        %parallel_loop3A_488 = arith.addi %parallel_loop3A_481, %parallel_loop3A_487 : vector<16xi32>
        %parallel_loop3A_489 = tpu.vector_load_idx %arg9[%parallel_loop3A_488] : memref<53008xf32, #tpu.memory_space<vmem>>[vector<16xi32>], vector<16xf32>,
        %parallel_loop3A_490 = arith.constant 2 : i32
        %parallel_loop3A_491 = vector.broadcast %parallel_loop3A_490 : i32 to vector<16xi32>
        %parallel_loop3A_492 = arith.addi %parallel_loop3A_481, %parallel_loop3A_491 : vector<16xi32>
        %parallel_loop3A_493 = tpu.vector_load_idx %arg9[%parallel_loop3A_492] : memref<53008xf32, #tpu.memory_space<vmem>>[vector<16xi32>], vector<16xf32>,
        %parallel_loop3A_494 = arith.constant 3 : i32
        %parallel_loop3A_495 = vector.broadcast %parallel_loop3A_494 : i32 to vector<16xi32>
        %parallel_loop3A_496 = arith.addi %parallel_loop3A_481, %parallel_loop3A_495 : vector<16xi32>
        %parallel_loop3A_497 = tpu.vector_load_idx %arg9[%parallel_loop3A_496] : memref<53008xf32, #tpu.memory_space<vmem>>[vector<16xi32>], vector<16xf32>,
        %parallel_loop3A_498 = arith.constant 4 : i32
        %parallel_loop3A_499 = vector.broadcast %parallel_loop3A_498 : i32 to vector<16xi32>
        %parallel_loop3A_500 = arith.addi %parallel_loop3A_481, %parallel_loop3A_499 : vector<16xi32>
        %parallel_loop3A_501 = tpu.vector_load_idx %arg9[%parallel_loop3A_500] : memref<53008xf32, #tpu.memory_space<vmem>>[vector<16xi32>], vector<16xf32>,
        %parallel_loop3A_502 = arith.constant 5 : i32
        %parallel_loop3A_503 = vector.broadcast %parallel_loop3A_502 : i32 to vector<16xi32>
        %parallel_loop3A_504 = arith.addi %parallel_loop3A_481, %parallel_loop3A_503 : vector<16xi32>
        %parallel_loop3A_505 = tpu.vector_load_idx %arg9[%parallel_loop3A_504] : memref<53008xf32, #tpu.memory_space<vmem>>[vector<16xi32>], vector<16xf32>,
        %parallel_loop3A_506 = arith.constant 6 : i32
        %parallel_loop3A_507 = vector.broadcast %parallel_loop3A_506 : i32 to vector<16xi32>
        %parallel_loop3A_508 = arith.addi %parallel_loop3A_481, %parallel_loop3A_507 : vector<16xi32>
        %parallel_loop3A_509 = tpu.vector_load_idx %arg9[%parallel_loop3A_508] : memref<53008xf32, #tpu.memory_space<vmem>>[vector<16xi32>], vector<16xf32>,
        %parallel_loop3A_510 = arith.constant 7 : i32
        %parallel_loop3A_511 = vector.broadcast %parallel_loop3A_510 : i32 to vector<16xi32>
        %parallel_loop3A_512 = arith.addi %parallel_loop3A_481, %parallel_loop3A_511 : vector<16xi32>
        %parallel_loop3A_513 = tpu.vector_load_idx %arg9[%parallel_loop3A_512] : memref<53008xf32, #tpu.memory_space<vmem>>[vector<16xi32>], vector<16xf32>,
        %parallel_loop3A_514 = arith.constant 8 : i32
        %parallel_loop3A_515 = vector.broadcast %parallel_loop3A_514 : i32 to vector<16xi32>
        %parallel_loop3A_516 = arith.addi %parallel_loop3A_481, %parallel_loop3A_515 : vector<16xi32>
        %parallel_loop3A_517 = tpu.vector_load_idx %arg9[%parallel_loop3A_516] : memref<53008xf32, #tpu.memory_space<vmem>>[vector<16xi32>], vector<16xf32>,
        %parallel_loop3A_518 = arith.constant 9 : i32
        %parallel_loop3A_519 = vector.broadcast %parallel_loop3A_518 : i32 to vector<16xi32>
        %parallel_loop3A_520 = arith.addi %parallel_loop3A_481, %parallel_loop3A_519 : vector<16xi32>
        %parallel_loop3A_521 = tpu.vector_load_idx %arg9[%parallel_loop3A_520] : memref<53008xf32, #tpu.memory_space<vmem>>[vector<16xi32>], vector<16xf32>,
        tpu.vector_store_idx %arg7[%parallel_loop3A_244, %parallel_loop3A_469], %parallel_loop3A_485 : memref<128x136xf32, #tpu.memory_space<vmem>>[vector<16xi32>, vector<16xi32>], vector<16xf32>,
        %parallel_loop3A_522 = arith.constant 1 : i32
        %parallel_loop3A_523 = vector.broadcast %parallel_loop3A_522 : i32 to vector<16xi32>
        %parallel_loop3A_524 = arith.addi %parallel_loop3A_469, %parallel_loop3A_523 : vector<16xi32>
        tpu.vector_store_idx %arg7[%parallel_loop3A_244, %parallel_loop3A_524], %parallel_loop3A_489 : memref<128x136xf32, #tpu.memory_space<vmem>>[vector<16xi32>, vector<16xi32>], vector<16xf32>,
        %parallel_loop3A_525 = arith.constant 1 : i32
        %parallel_loop3A_526 = vector.broadcast %parallel_loop3A_525 : i32 to vector<16xi32>
        %parallel_loop3A_527 = arith.addi %parallel_loop3A_524, %parallel_loop3A_526 : vector<16xi32>
        tpu.vector_store_idx %arg7[%parallel_loop3A_244, %parallel_loop3A_527], %parallel_loop3A_493 : memref<128x136xf32, #tpu.memory_space<vmem>>[vector<16xi32>, vector<16xi32>], vector<16xf32>,
        %parallel_loop3A_528 = arith.constant 1 : i32
        %parallel_loop3A_529 = vector.broadcast %parallel_loop3A_528 : i32 to vector<16xi32>
        %parallel_loop3A_530 = arith.addi %parallel_loop3A_527, %parallel_loop3A_529 : vector<16xi32>
        tpu.vector_store_idx %arg7[%parallel_loop3A_244, %parallel_loop3A_530], %parallel_loop3A_497 : memref<128x136xf32, #tpu.memory_space<vmem>>[vector<16xi32>, vector<16xi32>], vector<16xf32>,
        %parallel_loop3A_531 = arith.constant 1 : i32
        %parallel_loop3A_532 = vector.broadcast %parallel_loop3A_531 : i32 to vector<16xi32>
        %parallel_loop3A_533 = arith.addi %parallel_loop3A_530, %parallel_loop3A_532 : vector<16xi32>
        tpu.vector_store_idx %arg7[%parallel_loop3A_244, %parallel_loop3A_533], %parallel_loop3A_501 : memref<128x136xf32, #tpu.memory_space<vmem>>[vector<16xi32>, vector<16xi32>], vector<16xf32>,
        %parallel_loop3A_534 = arith.constant 1 : i32
        %parallel_loop3A_535 = vector.broadcast %parallel_loop3A_534 : i32 to vector<16xi32>
        %parallel_loop3A_536 = arith.addi %parallel_loop3A_533, %parallel_loop3A_535 : vector<16xi32>
        tpu.vector_store_idx %arg7[%parallel_loop3A_244, %parallel_loop3A_536], %parallel_loop3A_505 : memref<128x136xf32, #tpu.memory_space<vmem>>[vector<16xi32>, vector<16xi32>], vector<16xf32>,
        %parallel_loop3A_537 = arith.constant 1 : i32
        %parallel_loop3A_538 = vector.broadcast %parallel_loop3A_537 : i32 to vector<16xi32>
        %parallel_loop3A_539 = arith.addi %parallel_loop3A_536, %parallel_loop3A_538 : vector<16xi32>
        tpu.vector_store_idx %arg7[%parallel_loop3A_244, %parallel_loop3A_539], %parallel_loop3A_509 : memref<128x136xf32, #tpu.memory_space<vmem>>[vector<16xi32>, vector<16xi32>], vector<16xf32>,
        %parallel_loop3A_540 = arith.constant 1 : i32
        %parallel_loop3A_541 = vector.broadcast %parallel_loop3A_540 : i32 to vector<16xi32>
        %parallel_loop3A_542 = arith.addi %parallel_loop3A_539, %parallel_loop3A_541 : vector<16xi32>
        tpu.vector_store_idx %arg7[%parallel_loop3A_244, %parallel_loop3A_542], %parallel_loop3A_513 : memref<128x136xf32, #tpu.memory_space<vmem>>[vector<16xi32>, vector<16xi32>], vector<16xf32>,
        %parallel_loop3A_543 = arith.constant 1 : i32
        %parallel_loop3A_544 = vector.broadcast %parallel_loop3A_543 : i32 to vector<16xi32>
        %parallel_loop3A_545 = arith.addi %parallel_loop3A_542, %parallel_loop3A_544 : vector<16xi32>
        tpu.vector_store_idx %arg7[%parallel_loop3A_244, %parallel_loop3A_545], %parallel_loop3A_517 : memref<128x136xf32, #tpu.memory_space<vmem>>[vector<16xi32>, vector<16xi32>], vector<16xf32>,
        %parallel_loop3A_546 = arith.constant 1 : i32
        %parallel_loop3A_547 = vector.broadcast %parallel_loop3A_546 : i32 to vector<16xi32>
        %parallel_loop3A_548 = arith.addi %parallel_loop3A_545, %parallel_loop3A_547 : vector<16xi32>
        tpu.vector_store_idx %arg7[%parallel_loop3A_244, %parallel_loop3A_548], %parallel_loop3A_521 : memref<128x136xf32, #tpu.memory_space<vmem>>[vector<16xi32>, vector<16xi32>], vector<16xf32>,
        %parallel_loop3A_549 = arith.constant 1 : i32
        %parallel_loop3A_550 = vector.broadcast %parallel_loop3A_549 : i32 to vector<16xi32>
        %parallel_loop3A_551 = arith.addi %parallel_loop3A_548, %parallel_loop3A_550 : vector<16xi32>
        %parallel_loop3A_552 = arith.constant 2 : i32
        %parallel_loop3A_553 = arith.index_cast %parallel_loop3A_552 : i32 to index
        %parallel_loop3A_554 = arith.index_cast %parallel_loop3A_242 : i32 to index
        %parallel_loop3A_555 = tpu.vector_load %arg5[%parallel_loop3A_553, %parallel_loop3A_554] {strides = array<i32>} : memref<23x128xf32, #tpu.memory_space<vmem>>, vector<16xf32>,
        %parallel_loop3A_556 = arith.fptosi %parallel_loop3A_555 : vector<16xf32> to vector<16xi32>
        %parallel_loop3A_557 = arith.constant 16 : i32
        %parallel_loop3A_558 = vector.broadcast %parallel_loop3A_557 : i32 to vector<16xi32>
        %parallel_loop3A_559 = arith.muli %parallel_loop3A_556, %parallel_loop3A_558 : vector<16xi32>
        %parallel_loop3A_560 = arith.constant 1920 : i32
        %parallel_loop3A_561 = vector.broadcast %parallel_loop3A_560 : i32 to vector<16xi32>
        %parallel_loop3A_562 = arith.addi %parallel_loop3A_559, %parallel_loop3A_561 : vector<16xi32>
        %parallel_loop3A_563 = arith.addi %mul3A_5, %parallel_loop3A_562 : vector<16xi32>
        %parallel_loop3A_564 = arith.constant 0 : i32
        %parallel_loop3A_565 = vector.broadcast %parallel_loop3A_564 : i32 to vector<16xi32>
        %parallel_loop3A_566 = arith.addi %parallel_loop3A_563, %parallel_loop3A_565 : vector<16xi32>
        %parallel_loop3A_567 = tpu.vector_load_idx %arg9[%parallel_loop3A_566] : memref<53008xf32, #tpu.memory_space<vmem>>[vector<16xi32>], vector<16xf32>,
        %parallel_loop3A_568 = arith.constant 1 : i32
        %parallel_loop3A_569 = vector.broadcast %parallel_loop3A_568 : i32 to vector<16xi32>
        %parallel_loop3A_570 = arith.addi %parallel_loop3A_563, %parallel_loop3A_569 : vector<16xi32>
        %parallel_loop3A_571 = tpu.vector_load_idx %arg9[%parallel_loop3A_570] : memref<53008xf32, #tpu.memory_space<vmem>>[vector<16xi32>], vector<16xf32>,
        %parallel_loop3A_572 = arith.constant 2 : i32
        %parallel_loop3A_573 = vector.broadcast %parallel_loop3A_572 : i32 to vector<16xi32>
        %parallel_loop3A_574 = arith.addi %parallel_loop3A_563, %parallel_loop3A_573 : vector<16xi32>
        %parallel_loop3A_575 = tpu.vector_load_idx %arg9[%parallel_loop3A_574] : memref<53008xf32, #tpu.memory_space<vmem>>[vector<16xi32>], vector<16xf32>,
        %parallel_loop3A_576 = arith.constant 3 : i32
        %parallel_loop3A_577 = vector.broadcast %parallel_loop3A_576 : i32 to vector<16xi32>
        %parallel_loop3A_578 = arith.addi %parallel_loop3A_563, %parallel_loop3A_577 : vector<16xi32>
        %parallel_loop3A_579 = tpu.vector_load_idx %arg9[%parallel_loop3A_578] : memref<53008xf32, #tpu.memory_space<vmem>>[vector<16xi32>], vector<16xf32>,
        %parallel_loop3A_580 = arith.constant 4 : i32
        %parallel_loop3A_581 = vector.broadcast %parallel_loop3A_580 : i32 to vector<16xi32>
        %parallel_loop3A_582 = arith.addi %parallel_loop3A_563, %parallel_loop3A_581 : vector<16xi32>
        %parallel_loop3A_583 = tpu.vector_load_idx %arg9[%parallel_loop3A_582] : memref<53008xf32, #tpu.memory_space<vmem>>[vector<16xi32>], vector<16xf32>,
        %parallel_loop3A_584 = arith.constant 5 : i32
        %parallel_loop3A_585 = vector.broadcast %parallel_loop3A_584 : i32 to vector<16xi32>
        %parallel_loop3A_586 = arith.addi %parallel_loop3A_563, %parallel_loop3A_585 : vector<16xi32>
        %parallel_loop3A_587 = tpu.vector_load_idx %arg9[%parallel_loop3A_586] : memref<53008xf32, #tpu.memory_space<vmem>>[vector<16xi32>], vector<16xf32>,
        %parallel_loop3A_588 = arith.constant 6 : i32
        %parallel_loop3A_589 = vector.broadcast %parallel_loop3A_588 : i32 to vector<16xi32>
        %parallel_loop3A_590 = arith.addi %parallel_loop3A_563, %parallel_loop3A_589 : vector<16xi32>
        %parallel_loop3A_591 = tpu.vector_load_idx %arg9[%parallel_loop3A_590] : memref<53008xf32, #tpu.memory_space<vmem>>[vector<16xi32>], vector<16xf32>,
        %parallel_loop3A_592 = arith.constant 7 : i32
        %parallel_loop3A_593 = vector.broadcast %parallel_loop3A_592 : i32 to vector<16xi32>
        %parallel_loop3A_594 = arith.addi %parallel_loop3A_563, %parallel_loop3A_593 : vector<16xi32>
        %parallel_loop3A_595 = tpu.vector_load_idx %arg9[%parallel_loop3A_594] : memref<53008xf32, #tpu.memory_space<vmem>>[vector<16xi32>], vector<16xf32>,
        %parallel_loop3A_596 = arith.constant 8 : i32
        %parallel_loop3A_597 = vector.broadcast %parallel_loop3A_596 : i32 to vector<16xi32>
        %parallel_loop3A_598 = arith.addi %parallel_loop3A_563, %parallel_loop3A_597 : vector<16xi32>
        %parallel_loop3A_599 = tpu.vector_load_idx %arg9[%parallel_loop3A_598] : memref<53008xf32, #tpu.memory_space<vmem>>[vector<16xi32>], vector<16xf32>,
        %parallel_loop3A_600 = arith.constant 9 : i32
        %parallel_loop3A_601 = vector.broadcast %parallel_loop3A_600 : i32 to vector<16xi32>
        %parallel_loop3A_602 = arith.addi %parallel_loop3A_563, %parallel_loop3A_601 : vector<16xi32>
        %parallel_loop3A_603 = tpu.vector_load_idx %arg9[%parallel_loop3A_602] : memref<53008xf32, #tpu.memory_space<vmem>>[vector<16xi32>], vector<16xf32>,
        tpu.vector_store_idx %arg7[%parallel_loop3A_244, %parallel_loop3A_551], %parallel_loop3A_567 : memref<128x136xf32, #tpu.memory_space<vmem>>[vector<16xi32>, vector<16xi32>], vector<16xf32>,
        %parallel_loop3A_604 = arith.constant 1 : i32
        %parallel_loop3A_605 = vector.broadcast %parallel_loop3A_604 : i32 to vector<16xi32>
        %parallel_loop3A_606 = arith.addi %parallel_loop3A_551, %parallel_loop3A_605 : vector<16xi32>
        tpu.vector_store_idx %arg7[%parallel_loop3A_244, %parallel_loop3A_606], %parallel_loop3A_571 : memref<128x136xf32, #tpu.memory_space<vmem>>[vector<16xi32>, vector<16xi32>], vector<16xf32>,
        %parallel_loop3A_607 = arith.constant 1 : i32
        %parallel_loop3A_608 = vector.broadcast %parallel_loop3A_607 : i32 to vector<16xi32>
        %parallel_loop3A_609 = arith.addi %parallel_loop3A_606, %parallel_loop3A_608 : vector<16xi32>
        tpu.vector_store_idx %arg7[%parallel_loop3A_244, %parallel_loop3A_609], %parallel_loop3A_575 : memref<128x136xf32, #tpu.memory_space<vmem>>[vector<16xi32>, vector<16xi32>], vector<16xf32>,
        %parallel_loop3A_610 = arith.constant 1 : i32
        %parallel_loop3A_611 = vector.broadcast %parallel_loop3A_610 : i32 to vector<16xi32>
        %parallel_loop3A_612 = arith.addi %parallel_loop3A_609, %parallel_loop3A_611 : vector<16xi32>
        tpu.vector_store_idx %arg7[%parallel_loop3A_244, %parallel_loop3A_612], %parallel_loop3A_579 : memref<128x136xf32, #tpu.memory_space<vmem>>[vector<16xi32>, vector<16xi32>], vector<16xf32>,
        %parallel_loop3A_613 = arith.constant 1 : i32
        %parallel_loop3A_614 = vector.broadcast %parallel_loop3A_613 : i32 to vector<16xi32>
        %parallel_loop3A_615 = arith.addi %parallel_loop3A_612, %parallel_loop3A_614 : vector<16xi32>
        tpu.vector_store_idx %arg7[%parallel_loop3A_244, %parallel_loop3A_615], %parallel_loop3A_583 : memref<128x136xf32, #tpu.memory_space<vmem>>[vector<16xi32>, vector<16xi32>], vector<16xf32>,
        %parallel_loop3A_616 = arith.constant 1 : i32
        %parallel_loop3A_617 = vector.broadcast %parallel_loop3A_616 : i32 to vector<16xi32>
        %parallel_loop3A_618 = arith.addi %parallel_loop3A_615, %parallel_loop3A_617 : vector<16xi32>
        tpu.vector_store_idx %arg7[%parallel_loop3A_244, %parallel_loop3A_618], %parallel_loop3A_587 : memref<128x136xf32, #tpu.memory_space<vmem>>[vector<16xi32>, vector<16xi32>], vector<16xf32>,
        %parallel_loop3A_619 = arith.constant 1 : i32
        %parallel_loop3A_620 = vector.broadcast %parallel_loop3A_619 : i32 to vector<16xi32>
        %parallel_loop3A_621 = arith.addi %parallel_loop3A_618, %parallel_loop3A_620 : vector<16xi32>
        tpu.vector_store_idx %arg7[%parallel_loop3A_244, %parallel_loop3A_621], %parallel_loop3A_591 : memref<128x136xf32, #tpu.memory_space<vmem>>[vector<16xi32>, vector<16xi32>], vector<16xf32>,
        %parallel_loop3A_622 = arith.constant 1 : i32
        %parallel_loop3A_623 = vector.broadcast %parallel_loop3A_622 : i32 to vector<16xi32>
        %parallel_loop3A_624 = arith.addi %parallel_loop3A_621, %parallel_loop3A_623 : vector<16xi32>
        tpu.vector_store_idx %arg7[%parallel_loop3A_244, %parallel_loop3A_624], %parallel_loop3A_595 : memref<128x136xf32, #tpu.memory_space<vmem>>[vector<16xi32>, vector<16xi32>], vector<16xf32>,
        %parallel_loop3A_625 = arith.constant 1 : i32
        %parallel_loop3A_626 = vector.broadcast %parallel_loop3A_625 : i32 to vector<16xi32>
        %parallel_loop3A_627 = arith.addi %parallel_loop3A_624, %parallel_loop3A_626 : vector<16xi32>
        tpu.vector_store_idx %arg7[%parallel_loop3A_244, %parallel_loop3A_627], %parallel_loop3A_599 : memref<128x136xf32, #tpu.memory_space<vmem>>[vector<16xi32>, vector<16xi32>], vector<16xf32>,
        %parallel_loop3A_628 = arith.constant 1 : i32
        %parallel_loop3A_629 = vector.broadcast %parallel_loop3A_628 : i32 to vector<16xi32>
        %parallel_loop3A_630 = arith.addi %parallel_loop3A_627, %parallel_loop3A_629 : vector<16xi32>
        tpu.vector_store_idx %arg7[%parallel_loop3A_244, %parallel_loop3A_630], %parallel_loop3A_603 : memref<128x136xf32, #tpu.memory_space<vmem>>[vector<16xi32>, vector<16xi32>], vector<16xf32>,
        %parallel_loop3A_631 = arith.constant 1 : i32
        %parallel_loop3A_632 = vector.broadcast %parallel_loop3A_631 : i32 to vector<16xi32>
        %parallel_loop3A_633 = arith.addi %parallel_loop3A_630, %parallel_loop3A_632 : vector<16xi32>
        %parallel_loop3A_634 = arith.constant 3 : i32
        %parallel_loop3A_635 = arith.index_cast %parallel_loop3A_634 : i32 to index
        %parallel_loop3A_636 = arith.index_cast %parallel_loop3A_242 : i32 to index
        %parallel_loop3A_637 = tpu.vector_load %arg5[%parallel_loop3A_635, %parallel_loop3A_636] {strides = array<i32>} : memref<23x128xf32, #tpu.memory_space<vmem>>, vector<16xf32>,
        %parallel_loop3A_638 = arith.fptosi %parallel_loop3A_637 : vector<16xf32> to vector<16xi32>
        %parallel_loop3A_639 = arith.constant 16 : i32
        %parallel_loop3A_640 = vector.broadcast %parallel_loop3A_639 : i32 to vector<16xi32>
        %parallel_loop3A_641 = arith.muli %parallel_loop3A_638, %parallel_loop3A_640 : vector<16xi32>
        %parallel_loop3A_642 = arith.constant 1920 : i32
        %parallel_loop3A_643 = vector.broadcast %parallel_loop3A_642 : i32 to vector<16xi32>
        %parallel_loop3A_644 = arith.addi %parallel_loop3A_641, %parallel_loop3A_643 : vector<16xi32>
        %parallel_loop3A_645 = arith.addi %mul3A_5, %parallel_loop3A_644 : vector<16xi32>
        %parallel_loop3A_646 = arith.constant 0 : i32
        %parallel_loop3A_647 = vector.broadcast %parallel_loop3A_646 : i32 to vector<16xi32>
        %parallel_loop3A_648 = arith.addi %parallel_loop3A_645, %parallel_loop3A_647 : vector<16xi32>
        %parallel_loop3A_649 = tpu.vector_load_idx %arg9[%parallel_loop3A_648] : memref<53008xf32, #tpu.memory_space<vmem>>[vector<16xi32>], vector<16xf32>,
        %parallel_loop3A_650 = arith.constant 1 : i32
        %parallel_loop3A_651 = vector.broadcast %parallel_loop3A_650 : i32 to vector<16xi32>
        %parallel_loop3A_652 = arith.addi %parallel_loop3A_645, %parallel_loop3A_651 : vector<16xi32>
        %parallel_loop3A_653 = tpu.vector_load_idx %arg9[%parallel_loop3A_652] : memref<53008xf32, #tpu.memory_space<vmem>>[vector<16xi32>], vector<16xf32>,
        %parallel_loop3A_654 = arith.constant 2 : i32
        %parallel_loop3A_655 = vector.broadcast %parallel_loop3A_654 : i32 to vector<16xi32>
        %parallel_loop3A_656 = arith.addi %parallel_loop3A_645, %parallel_loop3A_655 : vector<16xi32>
        %parallel_loop3A_657 = tpu.vector_load_idx %arg9[%parallel_loop3A_656] : memref<53008xf32, #tpu.memory_space<vmem>>[vector<16xi32>], vector<16xf32>,
        %parallel_loop3A_658 = arith.constant 3 : i32
        %parallel_loop3A_659 = vector.broadcast %parallel_loop3A_658 : i32 to vector<16xi32>
        %parallel_loop3A_660 = arith.addi %parallel_loop3A_645, %parallel_loop3A_659 : vector<16xi32>
        %parallel_loop3A_661 = tpu.vector_load_idx %arg9[%parallel_loop3A_660] : memref<53008xf32, #tpu.memory_space<vmem>>[vector<16xi32>], vector<16xf32>,
        %parallel_loop3A_662 = arith.constant 4 : i32
        %parallel_loop3A_663 = vector.broadcast %parallel_loop3A_662 : i32 to vector<16xi32>
        %parallel_loop3A_664 = arith.addi %parallel_loop3A_645, %parallel_loop3A_663 : vector<16xi32>
        %parallel_loop3A_665 = tpu.vector_load_idx %arg9[%parallel_loop3A_664] : memref<53008xf32, #tpu.memory_space<vmem>>[vector<16xi32>], vector<16xf32>,
        %parallel_loop3A_666 = arith.constant 5 : i32
        %parallel_loop3A_667 = vector.broadcast %parallel_loop3A_666 : i32 to vector<16xi32>
        %parallel_loop3A_668 = arith.addi %parallel_loop3A_645, %parallel_loop3A_667 : vector<16xi32>
        %parallel_loop3A_669 = tpu.vector_load_idx %arg9[%parallel_loop3A_668] : memref<53008xf32, #tpu.memory_space<vmem>>[vector<16xi32>], vector<16xf32>,
        %parallel_loop3A_670 = arith.constant 6 : i32
        %parallel_loop3A_671 = vector.broadcast %parallel_loop3A_670 : i32 to vector<16xi32>
        %parallel_loop3A_672 = arith.addi %parallel_loop3A_645, %parallel_loop3A_671 : vector<16xi32>
        %parallel_loop3A_673 = tpu.vector_load_idx %arg9[%parallel_loop3A_672] : memref<53008xf32, #tpu.memory_space<vmem>>[vector<16xi32>], vector<16xf32>,
        %parallel_loop3A_674 = arith.constant 7 : i32
        %parallel_loop3A_675 = vector.broadcast %parallel_loop3A_674 : i32 to vector<16xi32>
        %parallel_loop3A_676 = arith.addi %parallel_loop3A_645, %parallel_loop3A_675 : vector<16xi32>
        %parallel_loop3A_677 = tpu.vector_load_idx %arg9[%parallel_loop3A_676] : memref<53008xf32, #tpu.memory_space<vmem>>[vector<16xi32>], vector<16xf32>,
        %parallel_loop3A_678 = arith.constant 8 : i32
        %parallel_loop3A_679 = vector.broadcast %parallel_loop3A_678 : i32 to vector<16xi32>
        %parallel_loop3A_680 = arith.addi %parallel_loop3A_645, %parallel_loop3A_679 : vector<16xi32>
        %parallel_loop3A_681 = tpu.vector_load_idx %arg9[%parallel_loop3A_680] : memref<53008xf32, #tpu.memory_space<vmem>>[vector<16xi32>], vector<16xf32>,
        %parallel_loop3A_682 = arith.constant 9 : i32
        %parallel_loop3A_683 = vector.broadcast %parallel_loop3A_682 : i32 to vector<16xi32>
        %parallel_loop3A_684 = arith.addi %parallel_loop3A_645, %parallel_loop3A_683 : vector<16xi32>
        %parallel_loop3A_685 = tpu.vector_load_idx %arg9[%parallel_loop3A_684] : memref<53008xf32, #tpu.memory_space<vmem>>[vector<16xi32>], vector<16xf32>,
        tpu.vector_store_idx %arg7[%parallel_loop3A_244, %parallel_loop3A_633], %parallel_loop3A_649 : memref<128x136xf32, #tpu.memory_space<vmem>>[vector<16xi32>, vector<16xi32>], vector<16xf32>,
        %parallel_loop3A_686 = arith.constant 1 : i32
        %parallel_loop3A_687 = vector.broadcast %parallel_loop3A_686 : i32 to vector<16xi32>
        %parallel_loop3A_688 = arith.addi %parallel_loop3A_633, %parallel_loop3A_687 : vector<16xi32>
        tpu.vector_store_idx %arg7[%parallel_loop3A_244, %parallel_loop3A_688], %parallel_loop3A_653 : memref<128x136xf32, #tpu.memory_space<vmem>>[vector<16xi32>, vector<16xi32>], vector<16xf32>,
        %parallel_loop3A_689 = arith.constant 1 : i32
        %parallel_loop3A_690 = vector.broadcast %parallel_loop3A_689 : i32 to vector<16xi32>
        %parallel_loop3A_691 = arith.addi %parallel_loop3A_688, %parallel_loop3A_690 : vector<16xi32>
        tpu.vector_store_idx %arg7[%parallel_loop3A_244, %parallel_loop3A_691], %parallel_loop3A_657 : memref<128x136xf32, #tpu.memory_space<vmem>>[vector<16xi32>, vector<16xi32>], vector<16xf32>,
        %parallel_loop3A_692 = arith.constant 1 : i32
        %parallel_loop3A_693 = vector.broadcast %parallel_loop3A_692 : i32 to vector<16xi32>
        %parallel_loop3A_694 = arith.addi %parallel_loop3A_691, %parallel_loop3A_693 : vector<16xi32>
        tpu.vector_store_idx %arg7[%parallel_loop3A_244, %parallel_loop3A_694], %parallel_loop3A_661 : memref<128x136xf32, #tpu.memory_space<vmem>>[vector<16xi32>, vector<16xi32>], vector<16xf32>,
        %parallel_loop3A_695 = arith.constant 1 : i32
        %parallel_loop3A_696 = vector.broadcast %parallel_loop3A_695 : i32 to vector<16xi32>
        %parallel_loop3A_697 = arith.addi %parallel_loop3A_694, %parallel_loop3A_696 : vector<16xi32>
        tpu.vector_store_idx %arg7[%parallel_loop3A_244, %parallel_loop3A_697], %parallel_loop3A_665 : memref<128x136xf32, #tpu.memory_space<vmem>>[vector<16xi32>, vector<16xi32>], vector<16xf32>,
        %parallel_loop3A_698 = arith.constant 1 : i32
        %parallel_loop3A_699 = vector.broadcast %parallel_loop3A_698 : i32 to vector<16xi32>
        %parallel_loop3A_700 = arith.addi %parallel_loop3A_697, %parallel_loop3A_699 : vector<16xi32>
        tpu.vector_store_idx %arg7[%parallel_loop3A_244, %parallel_loop3A_700], %parallel_loop3A_669 : memref<128x136xf32, #tpu.memory_space<vmem>>[vector<16xi32>, vector<16xi32>], vector<16xf32>,
        %parallel_loop3A_701 = arith.constant 1 : i32
        %parallel_loop3A_702 = vector.broadcast %parallel_loop3A_701 : i32 to vector<16xi32>
        %parallel_loop3A_703 = arith.addi %parallel_loop3A_700, %parallel_loop3A_702 : vector<16xi32>
        tpu.vector_store_idx %arg7[%parallel_loop3A_244, %parallel_loop3A_703], %parallel_loop3A_673 : memref<128x136xf32, #tpu.memory_space<vmem>>[vector<16xi32>, vector<16xi32>], vector<16xf32>,
        %parallel_loop3A_704 = arith.constant 1 : i32
        %parallel_loop3A_705 = vector.broadcast %parallel_loop3A_704 : i32 to vector<16xi32>
        %parallel_loop3A_706 = arith.addi %parallel_loop3A_703, %parallel_loop3A_705 : vector<16xi32>
        tpu.vector_store_idx %arg7[%parallel_loop3A_244, %parallel_loop3A_706], %parallel_loop3A_677 : memref<128x136xf32, #tpu.memory_space<vmem>>[vector<16xi32>, vector<16xi32>], vector<16xf32>,
        %parallel_loop3A_707 = arith.constant 1 : i32
        %parallel_loop3A_708 = vector.broadcast %parallel_loop3A_707 : i32 to vector<16xi32>
        %parallel_loop3A_709 = arith.addi %parallel_loop3A_706, %parallel_loop3A_708 : vector<16xi32>
        tpu.vector_store_idx %arg7[%parallel_loop3A_244, %parallel_loop3A_709], %parallel_loop3A_681 : memref<128x136xf32, #tpu.memory_space<vmem>>[vector<16xi32>, vector<16xi32>], vector<16xf32>,
        %parallel_loop3A_710 = arith.constant 1 : i32
        %parallel_loop3A_711 = vector.broadcast %parallel_loop3A_710 : i32 to vector<16xi32>
        %parallel_loop3A_712 = arith.addi %parallel_loop3A_709, %parallel_loop3A_711 : vector<16xi32>
        tpu.vector_store_idx %arg7[%parallel_loop3A_244, %parallel_loop3A_712], %parallel_loop3A_685 : memref<128x136xf32, #tpu.memory_space<vmem>>[vector<16xi32>, vector<16xi32>], vector<16xf32>,
        %parallel_loop3A_713 = arith.constant 1 : i32
        %parallel_loop3A_714 = vector.broadcast %parallel_loop3A_713 : i32 to vector<16xi32>
        %parallel_loop3A_715 = arith.addi %parallel_loop3A_712, %parallel_loop3A_714 : vector<16xi32>
        %parallel_loop3A_716 = arith.constant 4 : i32
        %parallel_loop3A_717 = arith.index_cast %parallel_loop3A_716 : i32 to index
        %parallel_loop3A_718 = arith.index_cast %parallel_loop3A_242 : i32 to index
        %parallel_loop3A_719 = tpu.vector_load %arg5[%parallel_loop3A_717, %parallel_loop3A_718] {strides = array<i32>} : memref<23x128xf32, #tpu.memory_space<vmem>>, vector<16xf32>,
        %parallel_loop3A_720 = arith.fptosi %parallel_loop3A_719 : vector<16xf32> to vector<16xi32>
        %parallel_loop3A_721 = arith.constant 16 : i32
        %parallel_loop3A_722 = vector.broadcast %parallel_loop3A_721 : i32 to vector<16xi32>
        %parallel_loop3A_723 = arith.muli %parallel_loop3A_720, %parallel_loop3A_722 : vector<16xi32>
        %parallel_loop3A_724 = arith.constant 2880 : i32
        %parallel_loop3A_725 = vector.broadcast %parallel_loop3A_724 : i32 to vector<16xi32>
        %parallel_loop3A_726 = arith.addi %parallel_loop3A_723, %parallel_loop3A_725 : vector<16xi32>
        %parallel_loop3A_727 = arith.addi %mul3A_5, %parallel_loop3A_726 : vector<16xi32>
        %parallel_loop3A_728 = arith.constant 0 : i32
        %parallel_loop3A_729 = vector.broadcast %parallel_loop3A_728 : i32 to vector<16xi32>
        %parallel_loop3A_730 = arith.addi %parallel_loop3A_727, %parallel_loop3A_729 : vector<16xi32>
        %parallel_loop3A_731 = tpu.vector_load_idx %arg9[%parallel_loop3A_730] : memref<53008xf32, #tpu.memory_space<vmem>>[vector<16xi32>], vector<16xf32>,
        %parallel_loop3A_732 = arith.constant 1 : i32
        %parallel_loop3A_733 = vector.broadcast %parallel_loop3A_732 : i32 to vector<16xi32>
        %parallel_loop3A_734 = arith.addi %parallel_loop3A_727, %parallel_loop3A_733 : vector<16xi32>
        %parallel_loop3A_735 = tpu.vector_load_idx %arg9[%parallel_loop3A_734] : memref<53008xf32, #tpu.memory_space<vmem>>[vector<16xi32>], vector<16xf32>,
        %parallel_loop3A_736 = arith.constant 2 : i32
        %parallel_loop3A_737 = vector.broadcast %parallel_loop3A_736 : i32 to vector<16xi32>
        %parallel_loop3A_738 = arith.addi %parallel_loop3A_727, %parallel_loop3A_737 : vector<16xi32>
        %parallel_loop3A_739 = tpu.vector_load_idx %arg9[%parallel_loop3A_738] : memref<53008xf32, #tpu.memory_space<vmem>>[vector<16xi32>], vector<16xf32>,
        %parallel_loop3A_740 = arith.constant 3 : i32
        %parallel_loop3A_741 = vector.broadcast %parallel_loop3A_740 : i32 to vector<16xi32>
        %parallel_loop3A_742 = arith.addi %parallel_loop3A_727, %parallel_loop3A_741 : vector<16xi32>
        %parallel_loop3A_743 = tpu.vector_load_idx %arg9[%parallel_loop3A_742] : memref<53008xf32, #tpu.memory_space<vmem>>[vector<16xi32>], vector<16xf32>,
        %parallel_loop3A_744 = arith.constant 4 : i32
        %parallel_loop3A_745 = vector.broadcast %parallel_loop3A_744 : i32 to vector<16xi32>
        %parallel_loop3A_746 = arith.addi %parallel_loop3A_727, %parallel_loop3A_745 : vector<16xi32>
        %parallel_loop3A_747 = tpu.vector_load_idx %arg9[%parallel_loop3A_746] : memref<53008xf32, #tpu.memory_space<vmem>>[vector<16xi32>], vector<16xf32>,
        %parallel_loop3A_748 = arith.constant 5 : i32
        %parallel_loop3A_749 = vector.broadcast %parallel_loop3A_748 : i32 to vector<16xi32>
        %parallel_loop3A_750 = arith.addi %parallel_loop3A_727, %parallel_loop3A_749 : vector<16xi32>
        %parallel_loop3A_751 = tpu.vector_load_idx %arg9[%parallel_loop3A_750] : memref<53008xf32, #tpu.memory_space<vmem>>[vector<16xi32>], vector<16xf32>,
        %parallel_loop3A_752 = arith.constant 6 : i32
        %parallel_loop3A_753 = vector.broadcast %parallel_loop3A_752 : i32 to vector<16xi32>
        %parallel_loop3A_754 = arith.addi %parallel_loop3A_727, %parallel_loop3A_753 : vector<16xi32>
        %parallel_loop3A_755 = tpu.vector_load_idx %arg9[%parallel_loop3A_754] : memref<53008xf32, #tpu.memory_space<vmem>>[vector<16xi32>], vector<16xf32>,
        %parallel_loop3A_756 = arith.constant 7 : i32
        %parallel_loop3A_757 = vector.broadcast %parallel_loop3A_756 : i32 to vector<16xi32>
        %parallel_loop3A_758 = arith.addi %parallel_loop3A_727, %parallel_loop3A_757 : vector<16xi32>
        %parallel_loop3A_759 = tpu.vector_load_idx %arg9[%parallel_loop3A_758] : memref<53008xf32, #tpu.memory_space<vmem>>[vector<16xi32>], vector<16xf32>,
        tpu.vector_store_idx %arg7[%parallel_loop3A_244, %parallel_loop3A_715], %parallel_loop3A_731 : memref<128x136xf32, #tpu.memory_space<vmem>>[vector<16xi32>, vector<16xi32>], vector<16xf32>,
        %parallel_loop3A_760 = arith.constant 1 : i32
        %parallel_loop3A_761 = vector.broadcast %parallel_loop3A_760 : i32 to vector<16xi32>
        %parallel_loop3A_762 = arith.addi %parallel_loop3A_715, %parallel_loop3A_761 : vector<16xi32>
        tpu.vector_store_idx %arg7[%parallel_loop3A_244, %parallel_loop3A_762], %parallel_loop3A_735 : memref<128x136xf32, #tpu.memory_space<vmem>>[vector<16xi32>, vector<16xi32>], vector<16xf32>,
        %parallel_loop3A_763 = arith.constant 1 : i32
        %parallel_loop3A_764 = vector.broadcast %parallel_loop3A_763 : i32 to vector<16xi32>
        %parallel_loop3A_765 = arith.addi %parallel_loop3A_762, %parallel_loop3A_764 : vector<16xi32>
        tpu.vector_store_idx %arg7[%parallel_loop3A_244, %parallel_loop3A_765], %parallel_loop3A_739 : memref<128x136xf32, #tpu.memory_space<vmem>>[vector<16xi32>, vector<16xi32>], vector<16xf32>,
        %parallel_loop3A_766 = arith.constant 1 : i32
        %parallel_loop3A_767 = vector.broadcast %parallel_loop3A_766 : i32 to vector<16xi32>
        %parallel_loop3A_768 = arith.addi %parallel_loop3A_765, %parallel_loop3A_767 : vector<16xi32>
        tpu.vector_store_idx %arg7[%parallel_loop3A_244, %parallel_loop3A_768], %parallel_loop3A_743 : memref<128x136xf32, #tpu.memory_space<vmem>>[vector<16xi32>, vector<16xi32>], vector<16xf32>,
        %parallel_loop3A_769 = arith.constant 1 : i32
        %parallel_loop3A_770 = vector.broadcast %parallel_loop3A_769 : i32 to vector<16xi32>
        %parallel_loop3A_771 = arith.addi %parallel_loop3A_768, %parallel_loop3A_770 : vector<16xi32>
        tpu.vector_store_idx %arg7[%parallel_loop3A_244, %parallel_loop3A_771], %parallel_loop3A_747 : memref<128x136xf32, #tpu.memory_space<vmem>>[vector<16xi32>, vector<16xi32>], vector<16xf32>,
        %parallel_loop3A_772 = arith.constant 1 : i32
        %parallel_loop3A_773 = vector.broadcast %parallel_loop3A_772 : i32 to vector<16xi32>
        %parallel_loop3A_774 = arith.addi %parallel_loop3A_771, %parallel_loop3A_773 : vector<16xi32>
        tpu.vector_store_idx %arg7[%parallel_loop3A_244, %parallel_loop3A_774], %parallel_loop3A_751 : memref<128x136xf32, #tpu.memory_space<vmem>>[vector<16xi32>, vector<16xi32>], vector<16xf32>,
        %parallel_loop3A_775 = arith.constant 1 : i32
        %parallel_loop3A_776 = vector.broadcast %parallel_loop3A_775 : i32 to vector<16xi32>
        %parallel_loop3A_777 = arith.addi %parallel_loop3A_774, %parallel_loop3A_776 : vector<16xi32>
        tpu.vector_store_idx %arg7[%parallel_loop3A_244, %parallel_loop3A_777], %parallel_loop3A_755 : memref<128x136xf32, #tpu.memory_space<vmem>>[vector<16xi32>, vector<16xi32>], vector<16xf32>,
        %parallel_loop3A_778 = arith.constant 1 : i32
        %parallel_loop3A_779 = vector.broadcast %parallel_loop3A_778 : i32 to vector<16xi32>
        %parallel_loop3A_780 = arith.addi %parallel_loop3A_777, %parallel_loop3A_779 : vector<16xi32>
        tpu.vector_store_idx %arg7[%parallel_loop3A_244, %parallel_loop3A_780], %parallel_loop3A_759 : memref<128x136xf32, #tpu.memory_space<vmem>>[vector<16xi32>, vector<16xi32>], vector<16xf32>,
        %parallel_loop3A_781 = arith.constant 1 : i32
        %parallel_loop3A_782 = vector.broadcast %parallel_loop3A_781 : i32 to vector<16xi32>
        %parallel_loop3A_783 = arith.addi %parallel_loop3A_780, %parallel_loop3A_782 : vector<16xi32>
        %parallel_loop3A_784 = arith.constant 5 : i32
        %parallel_loop3A_785 = arith.index_cast %parallel_loop3A_784 : i32 to index
        %parallel_loop3A_786 = arith.index_cast %parallel_loop3A_242 : i32 to index
        %parallel_loop3A_787 = tpu.vector_load %arg5[%parallel_loop3A_785, %parallel_loop3A_786] {strides = array<i32>} : memref<23x128xf32, #tpu.memory_space<vmem>>, vector<16xf32>,
        %parallel_loop3A_788 = arith.fptosi %parallel_loop3A_787 : vector<16xf32> to vector<16xi32>
        %parallel_loop3A_789 = arith.constant 16 : i32
        %parallel_loop3A_790 = vector.broadcast %parallel_loop3A_789 : i32 to vector<16xi32>
        %parallel_loop3A_791 = arith.muli %parallel_loop3A_788, %parallel_loop3A_790 : vector<16xi32>
        %parallel_loop3A_792 = arith.constant 2880 : i32
        %parallel_loop3A_793 = vector.broadcast %parallel_loop3A_792 : i32 to vector<16xi32>
        %parallel_loop3A_794 = arith.addi %parallel_loop3A_791, %parallel_loop3A_793 : vector<16xi32>
        %parallel_loop3A_795 = arith.addi %mul3A_5, %parallel_loop3A_794 : vector<16xi32>
        %parallel_loop3A_796 = arith.constant 0 : i32
        %parallel_loop3A_797 = vector.broadcast %parallel_loop3A_796 : i32 to vector<16xi32>
        %parallel_loop3A_798 = arith.addi %parallel_loop3A_795, %parallel_loop3A_797 : vector<16xi32>
        %parallel_loop3A_799 = tpu.vector_load_idx %arg9[%parallel_loop3A_798] : memref<53008xf32, #tpu.memory_space<vmem>>[vector<16xi32>], vector<16xf32>,
        %parallel_loop3A_800 = arith.constant 1 : i32
        %parallel_loop3A_801 = vector.broadcast %parallel_loop3A_800 : i32 to vector<16xi32>
        %parallel_loop3A_802 = arith.addi %parallel_loop3A_795, %parallel_loop3A_801 : vector<16xi32>
        %parallel_loop3A_803 = tpu.vector_load_idx %arg9[%parallel_loop3A_802] : memref<53008xf32, #tpu.memory_space<vmem>>[vector<16xi32>], vector<16xf32>,
        %parallel_loop3A_804 = arith.constant 2 : i32
        %parallel_loop3A_805 = vector.broadcast %parallel_loop3A_804 : i32 to vector<16xi32>
        %parallel_loop3A_806 = arith.addi %parallel_loop3A_795, %parallel_loop3A_805 : vector<16xi32>
        %parallel_loop3A_807 = tpu.vector_load_idx %arg9[%parallel_loop3A_806] : memref<53008xf32, #tpu.memory_space<vmem>>[vector<16xi32>], vector<16xf32>,
        %parallel_loop3A_808 = arith.constant 3 : i32
        %parallel_loop3A_809 = vector.broadcast %parallel_loop3A_808 : i32 to vector<16xi32>
        %parallel_loop3A_810 = arith.addi %parallel_loop3A_795, %parallel_loop3A_809 : vector<16xi32>
        %parallel_loop3A_811 = tpu.vector_load_idx %arg9[%parallel_loop3A_810] : memref<53008xf32, #tpu.memory_space<vmem>>[vector<16xi32>], vector<16xf32>,
        %parallel_loop3A_812 = arith.constant 4 : i32
        %parallel_loop3A_813 = vector.broadcast %parallel_loop3A_812 : i32 to vector<16xi32>
        %parallel_loop3A_814 = arith.addi %parallel_loop3A_795, %parallel_loop3A_813 : vector<16xi32>
        %parallel_loop3A_815 = tpu.vector_load_idx %arg9[%parallel_loop3A_814] : memref<53008xf32, #tpu.memory_space<vmem>>[vector<16xi32>], vector<16xf32>,
        %parallel_loop3A_816 = arith.constant 5 : i32
        %parallel_loop3A_817 = vector.broadcast %parallel_loop3A_816 : i32 to vector<16xi32>
        %parallel_loop3A_818 = arith.addi %parallel_loop3A_795, %parallel_loop3A_817 : vector<16xi32>
        %parallel_loop3A_819 = tpu.vector_load_idx %arg9[%parallel_loop3A_818] : memref<53008xf32, #tpu.memory_space<vmem>>[vector<16xi32>], vector<16xf32>,
        %parallel_loop3A_820 = arith.constant 6 : i32
        %parallel_loop3A_821 = vector.broadcast %parallel_loop3A_820 : i32 to vector<16xi32>
        %parallel_loop3A_822 = arith.addi %parallel_loop3A_795, %parallel_loop3A_821 : vector<16xi32>
        %parallel_loop3A_823 = tpu.vector_load_idx %arg9[%parallel_loop3A_822] : memref<53008xf32, #tpu.memory_space<vmem>>[vector<16xi32>], vector<16xf32>,
        %parallel_loop3A_824 = arith.constant 7 : i32
        %parallel_loop3A_825 = vector.broadcast %parallel_loop3A_824 : i32 to vector<16xi32>
        %parallel_loop3A_826 = arith.addi %parallel_loop3A_795, %parallel_loop3A_825 : vector<16xi32>
        %parallel_loop3A_827 = tpu.vector_load_idx %arg9[%parallel_loop3A_826] : memref<53008xf32, #tpu.memory_space<vmem>>[vector<16xi32>], vector<16xf32>,
        tpu.vector_store_idx %arg7[%parallel_loop3A_244, %parallel_loop3A_783], %parallel_loop3A_799 : memref<128x136xf32, #tpu.memory_space<vmem>>[vector<16xi32>, vector<16xi32>], vector<16xf32>,
        %parallel_loop3A_828 = arith.constant 1 : i32
        %parallel_loop3A_829 = vector.broadcast %parallel_loop3A_828 : i32 to vector<16xi32>
        %parallel_loop3A_830 = arith.addi %parallel_loop3A_783, %parallel_loop3A_829 : vector<16xi32>
        tpu.vector_store_idx %arg7[%parallel_loop3A_244, %parallel_loop3A_830], %parallel_loop3A_803 : memref<128x136xf32, #tpu.memory_space<vmem>>[vector<16xi32>, vector<16xi32>], vector<16xf32>,
        %parallel_loop3A_831 = arith.constant 1 : i32
        %parallel_loop3A_832 = vector.broadcast %parallel_loop3A_831 : i32 to vector<16xi32>
        %parallel_loop3A_833 = arith.addi %parallel_loop3A_830, %parallel_loop3A_832 : vector<16xi32>
        tpu.vector_store_idx %arg7[%parallel_loop3A_244, %parallel_loop3A_833], %parallel_loop3A_807 : memref<128x136xf32, #tpu.memory_space<vmem>>[vector<16xi32>, vector<16xi32>], vector<16xf32>,
        %parallel_loop3A_834 = arith.constant 1 : i32
        %parallel_loop3A_835 = vector.broadcast %parallel_loop3A_834 : i32 to vector<16xi32>
        %parallel_loop3A_836 = arith.addi %parallel_loop3A_833, %parallel_loop3A_835 : vector<16xi32>
        tpu.vector_store_idx %arg7[%parallel_loop3A_244, %parallel_loop3A_836], %parallel_loop3A_811 : memref<128x136xf32, #tpu.memory_space<vmem>>[vector<16xi32>, vector<16xi32>], vector<16xf32>,
        %parallel_loop3A_837 = arith.constant 1 : i32
        %parallel_loop3A_838 = vector.broadcast %parallel_loop3A_837 : i32 to vector<16xi32>
        %parallel_loop3A_839 = arith.addi %parallel_loop3A_836, %parallel_loop3A_838 : vector<16xi32>
        tpu.vector_store_idx %arg7[%parallel_loop3A_244, %parallel_loop3A_839], %parallel_loop3A_815 : memref<128x136xf32, #tpu.memory_space<vmem>>[vector<16xi32>, vector<16xi32>], vector<16xf32>,
        %parallel_loop3A_840 = arith.constant 1 : i32
        %parallel_loop3A_841 = vector.broadcast %parallel_loop3A_840 : i32 to vector<16xi32>
        %parallel_loop3A_842 = arith.addi %parallel_loop3A_839, %parallel_loop3A_841 : vector<16xi32>
        tpu.vector_store_idx %arg7[%parallel_loop3A_244, %parallel_loop3A_842], %parallel_loop3A_819 : memref<128x136xf32, #tpu.memory_space<vmem>>[vector<16xi32>, vector<16xi32>], vector<16xf32>,
        %parallel_loop3A_843 = arith.constant 1 : i32
        %parallel_loop3A_844 = vector.broadcast %parallel_loop3A_843 : i32 to vector<16xi32>
        %parallel_loop3A_845 = arith.addi %parallel_loop3A_842, %parallel_loop3A_844 : vector<16xi32>
        tpu.vector_store_idx %arg7[%parallel_loop3A_244, %parallel_loop3A_845], %parallel_loop3A_823 : memref<128x136xf32, #tpu.memory_space<vmem>>[vector<16xi32>, vector<16xi32>], vector<16xf32>,
        %parallel_loop3A_846 = arith.constant 1 : i32
        %parallel_loop3A_847 = vector.broadcast %parallel_loop3A_846 : i32 to vector<16xi32>
        %parallel_loop3A_848 = arith.addi %parallel_loop3A_845, %parallel_loop3A_847 : vector<16xi32>
        tpu.vector_store_idx %arg7[%parallel_loop3A_244, %parallel_loop3A_848], %parallel_loop3A_827 : memref<128x136xf32, #tpu.memory_space<vmem>>[vector<16xi32>, vector<16xi32>], vector<16xf32>,
        %parallel_loop3A_849 = arith.constant 1 : i32
        %parallel_loop3A_850 = vector.broadcast %parallel_loop3A_849 : i32 to vector<16xi32>
        %parallel_loop3A_851 = arith.addi %parallel_loop3A_848, %parallel_loop3A_850 : vector<16xi32>
        %parallel_loop3A_852 = arith.constant 6 : i32
        %parallel_loop3A_853 = arith.index_cast %parallel_loop3A_852 : i32 to index
        %parallel_loop3A_854 = arith.index_cast %parallel_loop3A_242 : i32 to index
        %parallel_loop3A_855 = tpu.vector_load %arg5[%parallel_loop3A_853, %parallel_loop3A_854] {strides = array<i32>} : memref<23x128xf32, #tpu.memory_space<vmem>>, vector<16xf32>,
        %parallel_loop3A_856 = arith.fptosi %parallel_loop3A_855 : vector<16xf32> to vector<16xi32>
        %parallel_loop3A_857 = arith.constant 16 : i32
        %parallel_loop3A_858 = vector.broadcast %parallel_loop3A_857 : i32 to vector<16xi32>
        %parallel_loop3A_859 = arith.muli %parallel_loop3A_856, %parallel_loop3A_858 : vector<16xi32>
        %parallel_loop3A_860 = arith.constant 2880 : i32
        %parallel_loop3A_861 = vector.broadcast %parallel_loop3A_860 : i32 to vector<16xi32>
        %parallel_loop3A_862 = arith.addi %parallel_loop3A_859, %parallel_loop3A_861 : vector<16xi32>
        %parallel_loop3A_863 = arith.addi %mul3A_5, %parallel_loop3A_862 : vector<16xi32>
        %parallel_loop3A_864 = arith.constant 0 : i32
        %parallel_loop3A_865 = vector.broadcast %parallel_loop3A_864 : i32 to vector<16xi32>
        %parallel_loop3A_866 = arith.addi %parallel_loop3A_863, %parallel_loop3A_865 : vector<16xi32>
        %parallel_loop3A_867 = tpu.vector_load_idx %arg9[%parallel_loop3A_866] : memref<53008xf32, #tpu.memory_space<vmem>>[vector<16xi32>], vector<16xf32>,
        %parallel_loop3A_868 = arith.constant 1 : i32
        %parallel_loop3A_869 = vector.broadcast %parallel_loop3A_868 : i32 to vector<16xi32>
        %parallel_loop3A_870 = arith.addi %parallel_loop3A_863, %parallel_loop3A_869 : vector<16xi32>
        %parallel_loop3A_871 = tpu.vector_load_idx %arg9[%parallel_loop3A_870] : memref<53008xf32, #tpu.memory_space<vmem>>[vector<16xi32>], vector<16xf32>,
        %parallel_loop3A_872 = arith.constant 2 : i32
        %parallel_loop3A_873 = vector.broadcast %parallel_loop3A_872 : i32 to vector<16xi32>
        %parallel_loop3A_874 = arith.addi %parallel_loop3A_863, %parallel_loop3A_873 : vector<16xi32>
        %parallel_loop3A_875 = tpu.vector_load_idx %arg9[%parallel_loop3A_874] : memref<53008xf32, #tpu.memory_space<vmem>>[vector<16xi32>], vector<16xf32>,
        %parallel_loop3A_876 = arith.constant 3 : i32
        %parallel_loop3A_877 = vector.broadcast %parallel_loop3A_876 : i32 to vector<16xi32>
        %parallel_loop3A_878 = arith.addi %parallel_loop3A_863, %parallel_loop3A_877 : vector<16xi32>
        %parallel_loop3A_879 = tpu.vector_load_idx %arg9[%parallel_loop3A_878] : memref<53008xf32, #tpu.memory_space<vmem>>[vector<16xi32>], vector<16xf32>,
        %parallel_loop3A_880 = arith.constant 4 : i32
        %parallel_loop3A_881 = vector.broadcast %parallel_loop3A_880 : i32 to vector<16xi32>
        %parallel_loop3A_882 = arith.addi %parallel_loop3A_863, %parallel_loop3A_881 : vector<16xi32>
        %parallel_loop3A_883 = tpu.vector_load_idx %arg9[%parallel_loop3A_882] : memref<53008xf32, #tpu.memory_space<vmem>>[vector<16xi32>], vector<16xf32>,
        %parallel_loop3A_884 = arith.constant 5 : i32
        %parallel_loop3A_885 = vector.broadcast %parallel_loop3A_884 : i32 to vector<16xi32>
        %parallel_loop3A_886 = arith.addi %parallel_loop3A_863, %parallel_loop3A_885 : vector<16xi32>
        %parallel_loop3A_887 = tpu.vector_load_idx %arg9[%parallel_loop3A_886] : memref<53008xf32, #tpu.memory_space<vmem>>[vector<16xi32>], vector<16xf32>,
        %parallel_loop3A_888 = arith.constant 6 : i32
        %parallel_loop3A_889 = vector.broadcast %parallel_loop3A_888 : i32 to vector<16xi32>
        %parallel_loop3A_890 = arith.addi %parallel_loop3A_863, %parallel_loop3A_889 : vector<16xi32>
        %parallel_loop3A_891 = tpu.vector_load_idx %arg9[%parallel_loop3A_890] : memref<53008xf32, #tpu.memory_space<vmem>>[vector<16xi32>], vector<16xf32>,
        %parallel_loop3A_892 = arith.constant 7 : i32
        %parallel_loop3A_893 = vector.broadcast %parallel_loop3A_892 : i32 to vector<16xi32>
        %parallel_loop3A_894 = arith.addi %parallel_loop3A_863, %parallel_loop3A_893 : vector<16xi32>
        %parallel_loop3A_895 = tpu.vector_load_idx %arg9[%parallel_loop3A_894] : memref<53008xf32, #tpu.memory_space<vmem>>[vector<16xi32>], vector<16xf32>,
        tpu.vector_store_idx %arg7[%parallel_loop3A_244, %parallel_loop3A_851], %parallel_loop3A_867 : memref<128x136xf32, #tpu.memory_space<vmem>>[vector<16xi32>, vector<16xi32>], vector<16xf32>,
        %parallel_loop3A_896 = arith.constant 1 : i32
        %parallel_loop3A_897 = vector.broadcast %parallel_loop3A_896 : i32 to vector<16xi32>
        %parallel_loop3A_898 = arith.addi %parallel_loop3A_851, %parallel_loop3A_897 : vector<16xi32>
        tpu.vector_store_idx %arg7[%parallel_loop3A_244, %parallel_loop3A_898], %parallel_loop3A_871 : memref<128x136xf32, #tpu.memory_space<vmem>>[vector<16xi32>, vector<16xi32>], vector<16xf32>,
        %parallel_loop3A_899 = arith.constant 1 : i32
        %parallel_loop3A_900 = vector.broadcast %parallel_loop3A_899 : i32 to vector<16xi32>
        %parallel_loop3A_901 = arith.addi %parallel_loop3A_898, %parallel_loop3A_900 : vector<16xi32>
        tpu.vector_store_idx %arg7[%parallel_loop3A_244, %parallel_loop3A_901], %parallel_loop3A_875 : memref<128x136xf32, #tpu.memory_space<vmem>>[vector<16xi32>, vector<16xi32>], vector<16xf32>,
        %parallel_loop3A_902 = arith.constant 1 : i32
        %parallel_loop3A_903 = vector.broadcast %parallel_loop3A_902 : i32 to vector<16xi32>
        %parallel_loop3A_904 = arith.addi %parallel_loop3A_901, %parallel_loop3A_903 : vector<16xi32>
        tpu.vector_store_idx %arg7[%parallel_loop3A_244, %parallel_loop3A_904], %parallel_loop3A_879 : memref<128x136xf32, #tpu.memory_space<vmem>>[vector<16xi32>, vector<16xi32>], vector<16xf32>,
        %parallel_loop3A_905 = arith.constant 1 : i32
        %parallel_loop3A_906 = vector.broadcast %parallel_loop3A_905 : i32 to vector<16xi32>
        %parallel_loop3A_907 = arith.addi %parallel_loop3A_904, %parallel_loop3A_906 : vector<16xi32>
        tpu.vector_store_idx %arg7[%parallel_loop3A_244, %parallel_loop3A_907], %parallel_loop3A_883 : memref<128x136xf32, #tpu.memory_space<vmem>>[vector<16xi32>, vector<16xi32>], vector<16xf32>,
        %parallel_loop3A_908 = arith.constant 1 : i32
        %parallel_loop3A_909 = vector.broadcast %parallel_loop3A_908 : i32 to vector<16xi32>
        %parallel_loop3A_910 = arith.addi %parallel_loop3A_907, %parallel_loop3A_909 : vector<16xi32>
        tpu.vector_store_idx %arg7[%parallel_loop3A_244, %parallel_loop3A_910], %parallel_loop3A_887 : memref<128x136xf32, #tpu.memory_space<vmem>>[vector<16xi32>, vector<16xi32>], vector<16xf32>,
        %parallel_loop3A_911 = arith.constant 1 : i32
        %parallel_loop3A_912 = vector.broadcast %parallel_loop3A_911 : i32 to vector<16xi32>
        %parallel_loop3A_913 = arith.addi %parallel_loop3A_910, %parallel_loop3A_912 : vector<16xi32>
        tpu.vector_store_idx %arg7[%parallel_loop3A_244, %parallel_loop3A_913], %parallel_loop3A_891 : memref<128x136xf32, #tpu.memory_space<vmem>>[vector<16xi32>, vector<16xi32>], vector<16xf32>,
        %parallel_loop3A_914 = arith.constant 1 : i32
        %parallel_loop3A_915 = vector.broadcast %parallel_loop3A_914 : i32 to vector<16xi32>
        %parallel_loop3A_916 = arith.addi %parallel_loop3A_913, %parallel_loop3A_915 : vector<16xi32>
        tpu.vector_store_idx %arg7[%parallel_loop3A_244, %parallel_loop3A_916], %parallel_loop3A_895 : memref<128x136xf32, #tpu.memory_space<vmem>>[vector<16xi32>, vector<16xi32>], vector<16xf32>,
        %parallel_loop3A_917 = arith.constant 1 : i32
        %parallel_loop3A_918 = vector.broadcast %parallel_loop3A_917 : i32 to vector<16xi32>
        %parallel_loop3A_919 = arith.addi %parallel_loop3A_916, %parallel_loop3A_918 : vector<16xi32>
        %parallel_loop3A_920 = arith.constant 7 : i32
        %parallel_loop3A_921 = arith.index_cast %parallel_loop3A_920 : i32 to index
        %parallel_loop3A_922 = arith.index_cast %parallel_loop3A_242 : i32 to index
        %parallel_loop3A_923 = tpu.vector_load %arg5[%parallel_loop3A_921, %parallel_loop3A_922] {strides = array<i32>} : memref<23x128xf32, #tpu.memory_space<vmem>>, vector<16xf32>,
        %parallel_loop3A_924 = arith.fptosi %parallel_loop3A_923 : vector<16xf32> to vector<16xi32>
        %parallel_loop3A_925 = arith.constant 16 : i32
        %parallel_loop3A_926 = vector.broadcast %parallel_loop3A_925 : i32 to vector<16xi32>
        %parallel_loop3A_927 = arith.muli %parallel_loop3A_924, %parallel_loop3A_926 : vector<16xi32>
        %parallel_loop3A_928 = arith.constant 2880 : i32
        %parallel_loop3A_929 = vector.broadcast %parallel_loop3A_928 : i32 to vector<16xi32>
        %parallel_loop3A_930 = arith.addi %parallel_loop3A_927, %parallel_loop3A_929 : vector<16xi32>
        %parallel_loop3A_931 = arith.addi %mul3A_5, %parallel_loop3A_930 : vector<16xi32>
        %parallel_loop3A_932 = arith.constant 0 : i32
        %parallel_loop3A_933 = vector.broadcast %parallel_loop3A_932 : i32 to vector<16xi32>
        %parallel_loop3A_934 = arith.addi %parallel_loop3A_931, %parallel_loop3A_933 : vector<16xi32>
        %parallel_loop3A_935 = tpu.vector_load_idx %arg9[%parallel_loop3A_934] : memref<53008xf32, #tpu.memory_space<vmem>>[vector<16xi32>], vector<16xf32>,
        %parallel_loop3A_936 = arith.constant 1 : i32
        %parallel_loop3A_937 = vector.broadcast %parallel_loop3A_936 : i32 to vector<16xi32>
        %parallel_loop3A_938 = arith.addi %parallel_loop3A_931, %parallel_loop3A_937 : vector<16xi32>
        %parallel_loop3A_939 = tpu.vector_load_idx %arg9[%parallel_loop3A_938] : memref<53008xf32, #tpu.memory_space<vmem>>[vector<16xi32>], vector<16xf32>,
        %parallel_loop3A_940 = arith.constant 2 : i32
        %parallel_loop3A_941 = vector.broadcast %parallel_loop3A_940 : i32 to vector<16xi32>
        %parallel_loop3A_942 = arith.addi %parallel_loop3A_931, %parallel_loop3A_941 : vector<16xi32>
        %parallel_loop3A_943 = tpu.vector_load_idx %arg9[%parallel_loop3A_942] : memref<53008xf32, #tpu.memory_space<vmem>>[vector<16xi32>], vector<16xf32>,
        %parallel_loop3A_944 = arith.constant 3 : i32
        %parallel_loop3A_945 = vector.broadcast %parallel_loop3A_944 : i32 to vector<16xi32>
        %parallel_loop3A_946 = arith.addi %parallel_loop3A_931, %parallel_loop3A_945 : vector<16xi32>
        %parallel_loop3A_947 = tpu.vector_load_idx %arg9[%parallel_loop3A_946] : memref<53008xf32, #tpu.memory_space<vmem>>[vector<16xi32>], vector<16xf32>,
        %parallel_loop3A_948 = arith.constant 4 : i32
        %parallel_loop3A_949 = vector.broadcast %parallel_loop3A_948 : i32 to vector<16xi32>
        %parallel_loop3A_950 = arith.addi %parallel_loop3A_931, %parallel_loop3A_949 : vector<16xi32>
        %parallel_loop3A_951 = tpu.vector_load_idx %arg9[%parallel_loop3A_950] : memref<53008xf32, #tpu.memory_space<vmem>>[vector<16xi32>], vector<16xf32>,
        %parallel_loop3A_952 = arith.constant 5 : i32
        %parallel_loop3A_953 = vector.broadcast %parallel_loop3A_952 : i32 to vector<16xi32>
        %parallel_loop3A_954 = arith.addi %parallel_loop3A_931, %parallel_loop3A_953 : vector<16xi32>
        %parallel_loop3A_955 = tpu.vector_load_idx %arg9[%parallel_loop3A_954] : memref<53008xf32, #tpu.memory_space<vmem>>[vector<16xi32>], vector<16xf32>,
        %parallel_loop3A_956 = arith.constant 6 : i32
        %parallel_loop3A_957 = vector.broadcast %parallel_loop3A_956 : i32 to vector<16xi32>
        %parallel_loop3A_958 = arith.addi %parallel_loop3A_931, %parallel_loop3A_957 : vector<16xi32>
        %parallel_loop3A_959 = tpu.vector_load_idx %arg9[%parallel_loop3A_958] : memref<53008xf32, #tpu.memory_space<vmem>>[vector<16xi32>], vector<16xf32>,
        %parallel_loop3A_960 = arith.constant 7 : i32
        %parallel_loop3A_961 = vector.broadcast %parallel_loop3A_960 : i32 to vector<16xi32>
        %parallel_loop3A_962 = arith.addi %parallel_loop3A_931, %parallel_loop3A_961 : vector<16xi32>
        %parallel_loop3A_963 = tpu.vector_load_idx %arg9[%parallel_loop3A_962] : memref<53008xf32, #tpu.memory_space<vmem>>[vector<16xi32>], vector<16xf32>,
        tpu.vector_store_idx %arg7[%parallel_loop3A_244, %parallel_loop3A_919], %parallel_loop3A_935 : memref<128x136xf32, #tpu.memory_space<vmem>>[vector<16xi32>, vector<16xi32>], vector<16xf32>,
        %parallel_loop3A_964 = arith.constant 1 : i32
        %parallel_loop3A_965 = vector.broadcast %parallel_loop3A_964 : i32 to vector<16xi32>
        %parallel_loop3A_966 = arith.addi %parallel_loop3A_919, %parallel_loop3A_965 : vector<16xi32>
        tpu.vector_store_idx %arg7[%parallel_loop3A_244, %parallel_loop3A_966], %parallel_loop3A_939 : memref<128x136xf32, #tpu.memory_space<vmem>>[vector<16xi32>, vector<16xi32>], vector<16xf32>,
        %parallel_loop3A_967 = arith.constant 1 : i32
        %parallel_loop3A_968 = vector.broadcast %parallel_loop3A_967 : i32 to vector<16xi32>
        %parallel_loop3A_969 = arith.addi %parallel_loop3A_966, %parallel_loop3A_968 : vector<16xi32>
        tpu.vector_store_idx %arg7[%parallel_loop3A_244, %parallel_loop3A_969], %parallel_loop3A_943 : memref<128x136xf32, #tpu.memory_space<vmem>>[vector<16xi32>, vector<16xi32>], vector<16xf32>,
        %parallel_loop3A_970 = arith.constant 1 : i32
        %parallel_loop3A_971 = vector.broadcast %parallel_loop3A_970 : i32 to vector<16xi32>
        %parallel_loop3A_972 = arith.addi %parallel_loop3A_969, %parallel_loop3A_971 : vector<16xi32>
        tpu.vector_store_idx %arg7[%parallel_loop3A_244, %parallel_loop3A_972], %parallel_loop3A_947 : memref<128x136xf32, #tpu.memory_space<vmem>>[vector<16xi32>, vector<16xi32>], vector<16xf32>,
        %parallel_loop3A_973 = arith.constant 1 : i32
        %parallel_loop3A_974 = vector.broadcast %parallel_loop3A_973 : i32 to vector<16xi32>
        %parallel_loop3A_975 = arith.addi %parallel_loop3A_972, %parallel_loop3A_974 : vector<16xi32>
        tpu.vector_store_idx %arg7[%parallel_loop3A_244, %parallel_loop3A_975], %parallel_loop3A_951 : memref<128x136xf32, #tpu.memory_space<vmem>>[vector<16xi32>, vector<16xi32>], vector<16xf32>,
        %parallel_loop3A_976 = arith.constant 1 : i32
        %parallel_loop3A_977 = vector.broadcast %parallel_loop3A_976 : i32 to vector<16xi32>
        %parallel_loop3A_978 = arith.addi %parallel_loop3A_975, %parallel_loop3A_977 : vector<16xi32>
        tpu.vector_store_idx %arg7[%parallel_loop3A_244, %parallel_loop3A_978], %parallel_loop3A_955 : memref<128x136xf32, #tpu.memory_space<vmem>>[vector<16xi32>, vector<16xi32>], vector<16xf32>,
        %parallel_loop3A_979 = arith.constant 1 : i32
        %parallel_loop3A_980 = vector.broadcast %parallel_loop3A_979 : i32 to vector<16xi32>
        %parallel_loop3A_981 = arith.addi %parallel_loop3A_978, %parallel_loop3A_980 : vector<16xi32>
        tpu.vector_store_idx %arg7[%parallel_loop3A_244, %parallel_loop3A_981], %parallel_loop3A_959 : memref<128x136xf32, #tpu.memory_space<vmem>>[vector<16xi32>, vector<16xi32>], vector<16xf32>,
        %parallel_loop3A_982 = arith.constant 1 : i32
        %parallel_loop3A_983 = vector.broadcast %parallel_loop3A_982 : i32 to vector<16xi32>
        %parallel_loop3A_984 = arith.addi %parallel_loop3A_981, %parallel_loop3A_983 : vector<16xi32>
        tpu.vector_store_idx %arg7[%parallel_loop3A_244, %parallel_loop3A_984], %parallel_loop3A_963 : memref<128x136xf32, #tpu.memory_space<vmem>>[vector<16xi32>, vector<16xi32>], vector<16xf32>,
        %parallel_loop3A_985 = arith.constant 1 : i32
        %parallel_loop3A_986 = vector.broadcast %parallel_loop3A_985 : i32 to vector<16xi32>
        %parallel_loop3A_987 = arith.addi %parallel_loop3A_984, %parallel_loop3A_986 : vector<16xi32>
        %parallel_loop3A_988 = arith.constant 8 : i32
        %parallel_loop3A_989 = arith.index_cast %parallel_loop3A_988 : i32 to index
        %parallel_loop3A_990 = arith.index_cast %parallel_loop3A_242 : i32 to index
        %parallel_loop3A_991 = tpu.vector_load %arg5[%parallel_loop3A_989, %parallel_loop3A_990] {strides = array<i32>} : memref<23x128xf32, #tpu.memory_space<vmem>>, vector<16xf32>,
        %parallel_loop3A_992 = arith.fptosi %parallel_loop3A_991 : vector<16xf32> to vector<16xi32>
        %parallel_loop3A_993 = arith.constant 16 : i32
        %parallel_loop3A_994 = vector.broadcast %parallel_loop3A_993 : i32 to vector<16xi32>
        %parallel_loop3A_995 = arith.muli %parallel_loop3A_992, %parallel_loop3A_994 : vector<16xi32>
        %parallel_loop3A_996 = arith.constant 2880 : i32
        %parallel_loop3A_997 = vector.broadcast %parallel_loop3A_996 : i32 to vector<16xi32>
        %parallel_loop3A_998 = arith.addi %parallel_loop3A_995, %parallel_loop3A_997 : vector<16xi32>
        %parallel_loop3A_999 = arith.addi %mul3A_5, %parallel_loop3A_998 : vector<16xi32>
        %parallel_loop3A_1000 = arith.constant 0 : i32
        %parallel_loop3A_1001 = vector.broadcast %parallel_loop3A_1000 : i32 to vector<16xi32>
        %parallel_loop3A_1002 = arith.addi %parallel_loop3A_999, %parallel_loop3A_1001 : vector<16xi32>
        %parallel_loop3A_1003 = tpu.vector_load_idx %arg9[%parallel_loop3A_1002] : memref<53008xf32, #tpu.memory_space<vmem>>[vector<16xi32>], vector<16xf32>,
        %parallel_loop3A_1004 = arith.constant 1 : i32
        %parallel_loop3A_1005 = vector.broadcast %parallel_loop3A_1004 : i32 to vector<16xi32>
        %parallel_loop3A_1006 = arith.addi %parallel_loop3A_999, %parallel_loop3A_1005 : vector<16xi32>
        %parallel_loop3A_1007 = tpu.vector_load_idx %arg9[%parallel_loop3A_1006] : memref<53008xf32, #tpu.memory_space<vmem>>[vector<16xi32>], vector<16xf32>,
        %parallel_loop3A_1008 = arith.constant 2 : i32
        %parallel_loop3A_1009 = vector.broadcast %parallel_loop3A_1008 : i32 to vector<16xi32>
        %parallel_loop3A_1010 = arith.addi %parallel_loop3A_999, %parallel_loop3A_1009 : vector<16xi32>
        %parallel_loop3A_1011 = tpu.vector_load_idx %arg9[%parallel_loop3A_1010] : memref<53008xf32, #tpu.memory_space<vmem>>[vector<16xi32>], vector<16xf32>,
        %parallel_loop3A_1012 = arith.constant 3 : i32
        %parallel_loop3A_1013 = vector.broadcast %parallel_loop3A_1012 : i32 to vector<16xi32>
        %parallel_loop3A_1014 = arith.addi %parallel_loop3A_999, %parallel_loop3A_1013 : vector<16xi32>
        %parallel_loop3A_1015 = tpu.vector_load_idx %arg9[%parallel_loop3A_1014] : memref<53008xf32, #tpu.memory_space<vmem>>[vector<16xi32>], vector<16xf32>,
        %parallel_loop3A_1016 = arith.constant 4 : i32
        %parallel_loop3A_1017 = vector.broadcast %parallel_loop3A_1016 : i32 to vector<16xi32>
        %parallel_loop3A_1018 = arith.addi %parallel_loop3A_999, %parallel_loop3A_1017 : vector<16xi32>
        %parallel_loop3A_1019 = tpu.vector_load_idx %arg9[%parallel_loop3A_1018] : memref<53008xf32, #tpu.memory_space<vmem>>[vector<16xi32>], vector<16xf32>,
        %parallel_loop3A_1020 = arith.constant 5 : i32
        %parallel_loop3A_1021 = vector.broadcast %parallel_loop3A_1020 : i32 to vector<16xi32>
        %parallel_loop3A_1022 = arith.addi %parallel_loop3A_999, %parallel_loop3A_1021 : vector<16xi32>
        %parallel_loop3A_1023 = tpu.vector_load_idx %arg9[%parallel_loop3A_1022] : memref<53008xf32, #tpu.memory_space<vmem>>[vector<16xi32>], vector<16xf32>,
        %parallel_loop3A_1024 = arith.constant 6 : i32
        %parallel_loop3A_1025 = vector.broadcast %parallel_loop3A_1024 : i32 to vector<16xi32>
        %parallel_loop3A_1026 = arith.addi %parallel_loop3A_999, %parallel_loop3A_1025 : vector<16xi32>
        %parallel_loop3A_1027 = tpu.vector_load_idx %arg9[%parallel_loop3A_1026] : memref<53008xf32, #tpu.memory_space<vmem>>[vector<16xi32>], vector<16xf32>,
        %parallel_loop3A_1028 = arith.constant 7 : i32
        %parallel_loop3A_1029 = vector.broadcast %parallel_loop3A_1028 : i32 to vector<16xi32>
        %parallel_loop3A_1030 = arith.addi %parallel_loop3A_999, %parallel_loop3A_1029 : vector<16xi32>
        %parallel_loop3A_1031 = tpu.vector_load_idx %arg9[%parallel_loop3A_1030] : memref<53008xf32, #tpu.memory_space<vmem>>[vector<16xi32>], vector<16xf32>,
        tpu.vector_store_idx %arg7[%parallel_loop3A_244, %parallel_loop3A_987], %parallel_loop3A_1003 : memref<128x136xf32, #tpu.memory_space<vmem>>[vector<16xi32>, vector<16xi32>], vector<16xf32>,
        %parallel_loop3A_1032 = arith.constant 1 : i32
        %parallel_loop3A_1033 = vector.broadcast %parallel_loop3A_1032 : i32 to vector<16xi32>
        %parallel_loop3A_1034 = arith.addi %parallel_loop3A_987, %parallel_loop3A_1033 : vector<16xi32>
        tpu.vector_store_idx %arg7[%parallel_loop3A_244, %parallel_loop3A_1034], %parallel_loop3A_1007 : memref<128x136xf32, #tpu.memory_space<vmem>>[vector<16xi32>, vector<16xi32>], vector<16xf32>,
        %parallel_loop3A_1035 = arith.constant 1 : i32
        %parallel_loop3A_1036 = vector.broadcast %parallel_loop3A_1035 : i32 to vector<16xi32>
        %parallel_loop3A_1037 = arith.addi %parallel_loop3A_1034, %parallel_loop3A_1036 : vector<16xi32>
        tpu.vector_store_idx %arg7[%parallel_loop3A_244, %parallel_loop3A_1037], %parallel_loop3A_1011 : memref<128x136xf32, #tpu.memory_space<vmem>>[vector<16xi32>, vector<16xi32>], vector<16xf32>,
        %parallel_loop3A_1038 = arith.constant 1 : i32
        %parallel_loop3A_1039 = vector.broadcast %parallel_loop3A_1038 : i32 to vector<16xi32>
        %parallel_loop3A_1040 = arith.addi %parallel_loop3A_1037, %parallel_loop3A_1039 : vector<16xi32>
        tpu.vector_store_idx %arg7[%parallel_loop3A_244, %parallel_loop3A_1040], %parallel_loop3A_1015 : memref<128x136xf32, #tpu.memory_space<vmem>>[vector<16xi32>, vector<16xi32>], vector<16xf32>,
        %parallel_loop3A_1041 = arith.constant 1 : i32
        %parallel_loop3A_1042 = vector.broadcast %parallel_loop3A_1041 : i32 to vector<16xi32>
        %parallel_loop3A_1043 = arith.addi %parallel_loop3A_1040, %parallel_loop3A_1042 : vector<16xi32>
        tpu.vector_store_idx %arg7[%parallel_loop3A_244, %parallel_loop3A_1043], %parallel_loop3A_1019 : memref<128x136xf32, #tpu.memory_space<vmem>>[vector<16xi32>, vector<16xi32>], vector<16xf32>,
        %parallel_loop3A_1044 = arith.constant 1 : i32
        %parallel_loop3A_1045 = vector.broadcast %parallel_loop3A_1044 : i32 to vector<16xi32>
        %parallel_loop3A_1046 = arith.addi %parallel_loop3A_1043, %parallel_loop3A_1045 : vector<16xi32>
        tpu.vector_store_idx %arg7[%parallel_loop3A_244, %parallel_loop3A_1046], %parallel_loop3A_1023 : memref<128x136xf32, #tpu.memory_space<vmem>>[vector<16xi32>, vector<16xi32>], vector<16xf32>,
        %parallel_loop3A_1047 = arith.constant 1 : i32
        %parallel_loop3A_1048 = vector.broadcast %parallel_loop3A_1047 : i32 to vector<16xi32>
        %parallel_loop3A_1049 = arith.addi %parallel_loop3A_1046, %parallel_loop3A_1048 : vector<16xi32>
        tpu.vector_store_idx %arg7[%parallel_loop3A_244, %parallel_loop3A_1049], %parallel_loop3A_1027 : memref<128x136xf32, #tpu.memory_space<vmem>>[vector<16xi32>, vector<16xi32>], vector<16xf32>,
        %parallel_loop3A_1050 = arith.constant 1 : i32
        %parallel_loop3A_1051 = vector.broadcast %parallel_loop3A_1050 : i32 to vector<16xi32>
        %parallel_loop3A_1052 = arith.addi %parallel_loop3A_1049, %parallel_loop3A_1051 : vector<16xi32>
        tpu.vector_store_idx %arg7[%parallel_loop3A_244, %parallel_loop3A_1052], %parallel_loop3A_1031 : memref<128x136xf32, #tpu.memory_space<vmem>>[vector<16xi32>, vector<16xi32>], vector<16xf32>,
        %parallel_loop3A_1053 = arith.constant 1 : i32
        %parallel_loop3A_1054 = vector.broadcast %parallel_loop3A_1053 : i32 to vector<16xi32>
        %parallel_loop3A_1055 = arith.addi %parallel_loop3A_1052, %parallel_loop3A_1054 : vector<16xi32>
        %parallel_loop3A_1056 = arith.constant 9 : i32
        %parallel_loop3A_1057 = arith.index_cast %parallel_loop3A_1056 : i32 to index
        %parallel_loop3A_1058 = arith.index_cast %parallel_loop3A_242 : i32 to index
        %parallel_loop3A_1059 = tpu.vector_load %arg5[%parallel_loop3A_1057, %parallel_loop3A_1058] {strides = array<i32>} : memref<23x128xf32, #tpu.memory_space<vmem>>, vector<16xf32>,
        %parallel_loop3A_1060 = arith.fptosi %parallel_loop3A_1059 : vector<16xf32> to vector<16xi32>
        %parallel_loop3A_1061 = arith.constant 16 : i32
        %parallel_loop3A_1062 = vector.broadcast %parallel_loop3A_1061 : i32 to vector<16xi32>
        %parallel_loop3A_1063 = arith.muli %parallel_loop3A_1060, %parallel_loop3A_1062 : vector<16xi32>
        %parallel_loop3A_1064 = arith.constant 2880 : i32
        %parallel_loop3A_1065 = vector.broadcast %parallel_loop3A_1064 : i32 to vector<16xi32>
        %parallel_loop3A_1066 = arith.addi %parallel_loop3A_1063, %parallel_loop3A_1065 : vector<16xi32>
        %parallel_loop3A_1067 = arith.addi %mul3A_5, %parallel_loop3A_1066 : vector<16xi32>
        %parallel_loop3A_1068 = arith.constant 0 : i32
        %parallel_loop3A_1069 = vector.broadcast %parallel_loop3A_1068 : i32 to vector<16xi32>
        %parallel_loop3A_1070 = arith.addi %parallel_loop3A_1067, %parallel_loop3A_1069 : vector<16xi32>
        %parallel_loop3A_1071 = tpu.vector_load_idx %arg9[%parallel_loop3A_1070] : memref<53008xf32, #tpu.memory_space<vmem>>[vector<16xi32>], vector<16xf32>,
        %parallel_loop3A_1072 = arith.constant 1 : i32
        %parallel_loop3A_1073 = vector.broadcast %parallel_loop3A_1072 : i32 to vector<16xi32>
        %parallel_loop3A_1074 = arith.addi %parallel_loop3A_1067, %parallel_loop3A_1073 : vector<16xi32>
        %parallel_loop3A_1075 = tpu.vector_load_idx %arg9[%parallel_loop3A_1074] : memref<53008xf32, #tpu.memory_space<vmem>>[vector<16xi32>], vector<16xf32>,
        %parallel_loop3A_1076 = arith.constant 2 : i32
        %parallel_loop3A_1077 = vector.broadcast %parallel_loop3A_1076 : i32 to vector<16xi32>
        %parallel_loop3A_1078 = arith.addi %parallel_loop3A_1067, %parallel_loop3A_1077 : vector<16xi32>
        %parallel_loop3A_1079 = tpu.vector_load_idx %arg9[%parallel_loop3A_1078] : memref<53008xf32, #tpu.memory_space<vmem>>[vector<16xi32>], vector<16xf32>,
        %parallel_loop3A_1080 = arith.constant 3 : i32
        %parallel_loop3A_1081 = vector.broadcast %parallel_loop3A_1080 : i32 to vector<16xi32>
        %parallel_loop3A_1082 = arith.addi %parallel_loop3A_1067, %parallel_loop3A_1081 : vector<16xi32>
        %parallel_loop3A_1083 = tpu.vector_load_idx %arg9[%parallel_loop3A_1082] : memref<53008xf32, #tpu.memory_space<vmem>>[vector<16xi32>], vector<16xf32>,
        %parallel_loop3A_1084 = arith.constant 4 : i32
        %parallel_loop3A_1085 = vector.broadcast %parallel_loop3A_1084 : i32 to vector<16xi32>
        %parallel_loop3A_1086 = arith.addi %parallel_loop3A_1067, %parallel_loop3A_1085 : vector<16xi32>
        %parallel_loop3A_1087 = tpu.vector_load_idx %arg9[%parallel_loop3A_1086] : memref<53008xf32, #tpu.memory_space<vmem>>[vector<16xi32>], vector<16xf32>,
        %parallel_loop3A_1088 = arith.constant 5 : i32
        %parallel_loop3A_1089 = vector.broadcast %parallel_loop3A_1088 : i32 to vector<16xi32>
        %parallel_loop3A_1090 = arith.addi %parallel_loop3A_1067, %parallel_loop3A_1089 : vector<16xi32>
        %parallel_loop3A_1091 = tpu.vector_load_idx %arg9[%parallel_loop3A_1090] : memref<53008xf32, #tpu.memory_space<vmem>>[vector<16xi32>], vector<16xf32>,
        %parallel_loop3A_1092 = arith.constant 6 : i32
        %parallel_loop3A_1093 = vector.broadcast %parallel_loop3A_1092 : i32 to vector<16xi32>
        %parallel_loop3A_1094 = arith.addi %parallel_loop3A_1067, %parallel_loop3A_1093 : vector<16xi32>
        %parallel_loop3A_1095 = tpu.vector_load_idx %arg9[%parallel_loop3A_1094] : memref<53008xf32, #tpu.memory_space<vmem>>[vector<16xi32>], vector<16xf32>,
        %parallel_loop3A_1096 = arith.constant 7 : i32
        %parallel_loop3A_1097 = vector.broadcast %parallel_loop3A_1096 : i32 to vector<16xi32>
        %parallel_loop3A_1098 = arith.addi %parallel_loop3A_1067, %parallel_loop3A_1097 : vector<16xi32>
        %parallel_loop3A_1099 = tpu.vector_load_idx %arg9[%parallel_loop3A_1098] : memref<53008xf32, #tpu.memory_space<vmem>>[vector<16xi32>], vector<16xf32>,
        tpu.vector_store_idx %arg7[%parallel_loop3A_244, %parallel_loop3A_1055], %parallel_loop3A_1071 : memref<128x136xf32, #tpu.memory_space<vmem>>[vector<16xi32>, vector<16xi32>], vector<16xf32>,
        %parallel_loop3A_1100 = arith.constant 1 : i32
        %parallel_loop3A_1101 = vector.broadcast %parallel_loop3A_1100 : i32 to vector<16xi32>
        %parallel_loop3A_1102 = arith.addi %parallel_loop3A_1055, %parallel_loop3A_1101 : vector<16xi32>
        tpu.vector_store_idx %arg7[%parallel_loop3A_244, %parallel_loop3A_1102], %parallel_loop3A_1075 : memref<128x136xf32, #tpu.memory_space<vmem>>[vector<16xi32>, vector<16xi32>], vector<16xf32>,
        %parallel_loop3A_1103 = arith.constant 1 : i32
        %parallel_loop3A_1104 = vector.broadcast %parallel_loop3A_1103 : i32 to vector<16xi32>
        %parallel_loop3A_1105 = arith.addi %parallel_loop3A_1102, %parallel_loop3A_1104 : vector<16xi32>
        tpu.vector_store_idx %arg7[%parallel_loop3A_244, %parallel_loop3A_1105], %parallel_loop3A_1079 : memref<128x136xf32, #tpu.memory_space<vmem>>[vector<16xi32>, vector<16xi32>], vector<16xf32>,
        %parallel_loop3A_1106 = arith.constant 1 : i32
        %parallel_loop3A_1107 = vector.broadcast %parallel_loop3A_1106 : i32 to vector<16xi32>
        %parallel_loop3A_1108 = arith.addi %parallel_loop3A_1105, %parallel_loop3A_1107 : vector<16xi32>
        tpu.vector_store_idx %arg7[%parallel_loop3A_244, %parallel_loop3A_1108], %parallel_loop3A_1083 : memref<128x136xf32, #tpu.memory_space<vmem>>[vector<16xi32>, vector<16xi32>], vector<16xf32>,
        %parallel_loop3A_1109 = arith.constant 1 : i32
        %parallel_loop3A_1110 = vector.broadcast %parallel_loop3A_1109 : i32 to vector<16xi32>
        %parallel_loop3A_1111 = arith.addi %parallel_loop3A_1108, %parallel_loop3A_1110 : vector<16xi32>
        tpu.vector_store_idx %arg7[%parallel_loop3A_244, %parallel_loop3A_1111], %parallel_loop3A_1087 : memref<128x136xf32, #tpu.memory_space<vmem>>[vector<16xi32>, vector<16xi32>], vector<16xf32>,
        %parallel_loop3A_1112 = arith.constant 1 : i32
        %parallel_loop3A_1113 = vector.broadcast %parallel_loop3A_1112 : i32 to vector<16xi32>
        %parallel_loop3A_1114 = arith.addi %parallel_loop3A_1111, %parallel_loop3A_1113 : vector<16xi32>
        tpu.vector_store_idx %arg7[%parallel_loop3A_244, %parallel_loop3A_1114], %parallel_loop3A_1091 : memref<128x136xf32, #tpu.memory_space<vmem>>[vector<16xi32>, vector<16xi32>], vector<16xf32>,
        %parallel_loop3A_1115 = arith.constant 1 : i32
        %parallel_loop3A_1116 = vector.broadcast %parallel_loop3A_1115 : i32 to vector<16xi32>
        %parallel_loop3A_1117 = arith.addi %parallel_loop3A_1114, %parallel_loop3A_1116 : vector<16xi32>
        tpu.vector_store_idx %arg7[%parallel_loop3A_244, %parallel_loop3A_1117], %parallel_loop3A_1095 : memref<128x136xf32, #tpu.memory_space<vmem>>[vector<16xi32>, vector<16xi32>], vector<16xf32>,
        %parallel_loop3A_1118 = arith.constant 1 : i32
        %parallel_loop3A_1119 = vector.broadcast %parallel_loop3A_1118 : i32 to vector<16xi32>
        %parallel_loop3A_1120 = arith.addi %parallel_loop3A_1117, %parallel_loop3A_1119 : vector<16xi32>
        tpu.vector_store_idx %arg7[%parallel_loop3A_244, %parallel_loop3A_1120], %parallel_loop3A_1099 : memref<128x136xf32, #tpu.memory_space<vmem>>[vector<16xi32>, vector<16xi32>], vector<16xf32>,
        %parallel_loop3A_1121 = arith.constant 1 : i32
        %parallel_loop3A_1122 = vector.broadcast %parallel_loop3A_1121 : i32 to vector<16xi32>
        %parallel_loop3A_1123 = arith.addi %parallel_loop3A_1120, %parallel_loop3A_1122 : vector<16xi32>
        %parallel_loop3A_1124 = arith.constant 10 : i32
        %parallel_loop3A_1125 = arith.index_cast %parallel_loop3A_1124 : i32 to index
        %parallel_loop3A_1126 = arith.index_cast %parallel_loop3A_242 : i32 to index
        %parallel_loop3A_1127 = tpu.vector_load %arg5[%parallel_loop3A_1125, %parallel_loop3A_1126] {strides = array<i32>} : memref<23x128xf32, #tpu.memory_space<vmem>>, vector<16xf32>,
        %parallel_loop3A_1128 = arith.fptosi %parallel_loop3A_1127 : vector<16xf32> to vector<16xi32>
        %parallel_loop3A_1129 = arith.constant 16 : i32
        %parallel_loop3A_1130 = vector.broadcast %parallel_loop3A_1129 : i32 to vector<16xi32>
        %parallel_loop3A_1131 = arith.muli %parallel_loop3A_1128, %parallel_loop3A_1130 : vector<16xi32>
        %parallel_loop3A_1132 = arith.constant 2880 : i32
        %parallel_loop3A_1133 = vector.broadcast %parallel_loop3A_1132 : i32 to vector<16xi32>
        %parallel_loop3A_1134 = arith.addi %parallel_loop3A_1131, %parallel_loop3A_1133 : vector<16xi32>
        %parallel_loop3A_1135 = arith.addi %mul3A_5, %parallel_loop3A_1134 : vector<16xi32>
        %parallel_loop3A_1136 = arith.constant 0 : i32
        %parallel_loop3A_1137 = vector.broadcast %parallel_loop3A_1136 : i32 to vector<16xi32>
        %parallel_loop3A_1138 = arith.addi %parallel_loop3A_1135, %parallel_loop3A_1137 : vector<16xi32>
        %parallel_loop3A_1139 = tpu.vector_load_idx %arg9[%parallel_loop3A_1138] : memref<53008xf32, #tpu.memory_space<vmem>>[vector<16xi32>], vector<16xf32>,
        %parallel_loop3A_1140 = arith.constant 1 : i32
        %parallel_loop3A_1141 = vector.broadcast %parallel_loop3A_1140 : i32 to vector<16xi32>
        %parallel_loop3A_1142 = arith.addi %parallel_loop3A_1135, %parallel_loop3A_1141 : vector<16xi32>
        %parallel_loop3A_1143 = tpu.vector_load_idx %arg9[%parallel_loop3A_1142] : memref<53008xf32, #tpu.memory_space<vmem>>[vector<16xi32>], vector<16xf32>,
        %parallel_loop3A_1144 = arith.constant 2 : i32
        %parallel_loop3A_1145 = vector.broadcast %parallel_loop3A_1144 : i32 to vector<16xi32>
        %parallel_loop3A_1146 = arith.addi %parallel_loop3A_1135, %parallel_loop3A_1145 : vector<16xi32>
        %parallel_loop3A_1147 = tpu.vector_load_idx %arg9[%parallel_loop3A_1146] : memref<53008xf32, #tpu.memory_space<vmem>>[vector<16xi32>], vector<16xf32>,
        %parallel_loop3A_1148 = arith.constant 3 : i32
        %parallel_loop3A_1149 = vector.broadcast %parallel_loop3A_1148 : i32 to vector<16xi32>
        %parallel_loop3A_1150 = arith.addi %parallel_loop3A_1135, %parallel_loop3A_1149 : vector<16xi32>
        %parallel_loop3A_1151 = tpu.vector_load_idx %arg9[%parallel_loop3A_1150] : memref<53008xf32, #tpu.memory_space<vmem>>[vector<16xi32>], vector<16xf32>,
        %parallel_loop3A_1152 = arith.constant 4 : i32
        %parallel_loop3A_1153 = vector.broadcast %parallel_loop3A_1152 : i32 to vector<16xi32>
        %parallel_loop3A_1154 = arith.addi %parallel_loop3A_1135, %parallel_loop3A_1153 : vector<16xi32>
        %parallel_loop3A_1155 = tpu.vector_load_idx %arg9[%parallel_loop3A_1154] : memref<53008xf32, #tpu.memory_space<vmem>>[vector<16xi32>], vector<16xf32>,
        %parallel_loop3A_1156 = arith.constant 5 : i32
        %parallel_loop3A_1157 = vector.broadcast %parallel_loop3A_1156 : i32 to vector<16xi32>
        %parallel_loop3A_1158 = arith.addi %parallel_loop3A_1135, %parallel_loop3A_1157 : vector<16xi32>
        %parallel_loop3A_1159 = tpu.vector_load_idx %arg9[%parallel_loop3A_1158] : memref<53008xf32, #tpu.memory_space<vmem>>[vector<16xi32>], vector<16xf32>,
        %parallel_loop3A_1160 = arith.constant 6 : i32
        %parallel_loop3A_1161 = vector.broadcast %parallel_loop3A_1160 : i32 to vector<16xi32>
        %parallel_loop3A_1162 = arith.addi %parallel_loop3A_1135, %parallel_loop3A_1161 : vector<16xi32>
        %parallel_loop3A_1163 = tpu.vector_load_idx %arg9[%parallel_loop3A_1162] : memref<53008xf32, #tpu.memory_space<vmem>>[vector<16xi32>], vector<16xf32>,
        %parallel_loop3A_1164 = arith.constant 7 : i32
        %parallel_loop3A_1165 = vector.broadcast %parallel_loop3A_1164 : i32 to vector<16xi32>
        %parallel_loop3A_1166 = arith.addi %parallel_loop3A_1135, %parallel_loop3A_1165 : vector<16xi32>
        %parallel_loop3A_1167 = tpu.vector_load_idx %arg9[%parallel_loop3A_1166] : memref<53008xf32, #tpu.memory_space<vmem>>[vector<16xi32>], vector<16xf32>,
        tpu.vector_store_idx %arg7[%parallel_loop3A_244, %parallel_loop3A_1123], %parallel_loop3A_1139 : memref<128x136xf32, #tpu.memory_space<vmem>>[vector<16xi32>, vector<16xi32>], vector<16xf32>,
        %parallel_loop3A_1168 = arith.constant 1 : i32
        %parallel_loop3A_1169 = vector.broadcast %parallel_loop3A_1168 : i32 to vector<16xi32>
        %parallel_loop3A_1170 = arith.addi %parallel_loop3A_1123, %parallel_loop3A_1169 : vector<16xi32>
        tpu.vector_store_idx %arg7[%parallel_loop3A_244, %parallel_loop3A_1170], %parallel_loop3A_1143 : memref<128x136xf32, #tpu.memory_space<vmem>>[vector<16xi32>, vector<16xi32>], vector<16xf32>,
        %parallel_loop3A_1171 = arith.constant 1 : i32
        %parallel_loop3A_1172 = vector.broadcast %parallel_loop3A_1171 : i32 to vector<16xi32>
        %parallel_loop3A_1173 = arith.addi %parallel_loop3A_1170, %parallel_loop3A_1172 : vector<16xi32>
        tpu.vector_store_idx %arg7[%parallel_loop3A_244, %parallel_loop3A_1173], %parallel_loop3A_1147 : memref<128x136xf32, #tpu.memory_space<vmem>>[vector<16xi32>, vector<16xi32>], vector<16xf32>,
        %parallel_loop3A_1174 = arith.constant 1 : i32
        %parallel_loop3A_1175 = vector.broadcast %parallel_loop3A_1174 : i32 to vector<16xi32>
        %parallel_loop3A_1176 = arith.addi %parallel_loop3A_1173, %parallel_loop3A_1175 : vector<16xi32>
        tpu.vector_store_idx %arg7[%parallel_loop3A_244, %parallel_loop3A_1176], %parallel_loop3A_1151 : memref<128x136xf32, #tpu.memory_space<vmem>>[vector<16xi32>, vector<16xi32>], vector<16xf32>,
        %parallel_loop3A_1177 = arith.constant 1 : i32
        %parallel_loop3A_1178 = vector.broadcast %parallel_loop3A_1177 : i32 to vector<16xi32>
        %parallel_loop3A_1179 = arith.addi %parallel_loop3A_1176, %parallel_loop3A_1178 : vector<16xi32>
        tpu.vector_store_idx %arg7[%parallel_loop3A_244, %parallel_loop3A_1179], %parallel_loop3A_1155 : memref<128x136xf32, #tpu.memory_space<vmem>>[vector<16xi32>, vector<16xi32>], vector<16xf32>,
        %parallel_loop3A_1180 = arith.constant 1 : i32
        %parallel_loop3A_1181 = vector.broadcast %parallel_loop3A_1180 : i32 to vector<16xi32>
        %parallel_loop3A_1182 = arith.addi %parallel_loop3A_1179, %parallel_loop3A_1181 : vector<16xi32>
        tpu.vector_store_idx %arg7[%parallel_loop3A_244, %parallel_loop3A_1182], %parallel_loop3A_1159 : memref<128x136xf32, #tpu.memory_space<vmem>>[vector<16xi32>, vector<16xi32>], vector<16xf32>,
        %parallel_loop3A_1183 = arith.constant 1 : i32
        %parallel_loop3A_1184 = vector.broadcast %parallel_loop3A_1183 : i32 to vector<16xi32>
        %parallel_loop3A_1185 = arith.addi %parallel_loop3A_1182, %parallel_loop3A_1184 : vector<16xi32>
        tpu.vector_store_idx %arg7[%parallel_loop3A_244, %parallel_loop3A_1185], %parallel_loop3A_1163 : memref<128x136xf32, #tpu.memory_space<vmem>>[vector<16xi32>, vector<16xi32>], vector<16xf32>,
        %parallel_loop3A_1186 = arith.constant 1 : i32
        %parallel_loop3A_1187 = vector.broadcast %parallel_loop3A_1186 : i32 to vector<16xi32>
        %parallel_loop3A_1188 = arith.addi %parallel_loop3A_1185, %parallel_loop3A_1187 : vector<16xi32>
        tpu.vector_store_idx %arg7[%parallel_loop3A_244, %parallel_loop3A_1188], %parallel_loop3A_1167 : memref<128x136xf32, #tpu.memory_space<vmem>>[vector<16xi32>, vector<16xi32>], vector<16xf32>,
        %parallel_loop3A_1189 = arith.constant 1 : i32
        %parallel_loop3A_1190 = vector.broadcast %parallel_loop3A_1189 : i32 to vector<16xi32>
        %parallel_loop3A_1191 = arith.addi %parallel_loop3A_1188, %parallel_loop3A_1190 : vector<16xi32>
        %parallel_loop3A_1192 = arith.constant 11 : i32
        %parallel_loop3A_1193 = arith.index_cast %parallel_loop3A_1192 : i32 to index
        %parallel_loop3A_1194 = arith.index_cast %parallel_loop3A_242 : i32 to index
        %parallel_loop3A_1195 = tpu.vector_load %arg5[%parallel_loop3A_1193, %parallel_loop3A_1194] {strides = array<i32>} : memref<23x128xf32, #tpu.memory_space<vmem>>, vector<16xf32>,
        %parallel_loop3A_1196 = arith.constant 12 : i32
        %parallel_loop3A_1197 = arith.index_cast %parallel_loop3A_1196 : i32 to index
        %parallel_loop3A_1198 = arith.index_cast %parallel_loop3A_242 : i32 to index
        %parallel_loop3A_1199 = tpu.vector_load %arg5[%parallel_loop3A_1197, %parallel_loop3A_1198] {strides = array<i32>} : memref<23x128xf32, #tpu.memory_space<vmem>>, vector<16xf32>,
        %parallel_loop3A_1200 = arith.constant 13 : i32
        %parallel_loop3A_1201 = arith.index_cast %parallel_loop3A_1200 : i32 to index
        %parallel_loop3A_1202 = arith.index_cast %parallel_loop3A_242 : i32 to index
        %parallel_loop3A_1203 = tpu.vector_load %arg5[%parallel_loop3A_1201, %parallel_loop3A_1202] {strides = array<i32>} : memref<23x128xf32, #tpu.memory_space<vmem>>, vector<16xf32>,
        %parallel_loop3A_1204 = arith.constant 14 : i32
        %parallel_loop3A_1205 = arith.index_cast %parallel_loop3A_1204 : i32 to index
        %parallel_loop3A_1206 = arith.index_cast %parallel_loop3A_242 : i32 to index
        %parallel_loop3A_1207 = tpu.vector_load %arg5[%parallel_loop3A_1205, %parallel_loop3A_1206] {strides = array<i32>} : memref<23x128xf32, #tpu.memory_space<vmem>>, vector<16xf32>,
        %parallel_loop3A_1208 = arith.constant 15 : i32
        %parallel_loop3A_1209 = arith.index_cast %parallel_loop3A_1208 : i32 to index
        %parallel_loop3A_1210 = arith.index_cast %parallel_loop3A_242 : i32 to index
        %parallel_loop3A_1211 = tpu.vector_load %arg5[%parallel_loop3A_1209, %parallel_loop3A_1210] {strides = array<i32>} : memref<23x128xf32, #tpu.memory_space<vmem>>, vector<16xf32>,
        %parallel_loop3A_1212 = arith.constant 16 : i32
        %parallel_loop3A_1213 = arith.index_cast %parallel_loop3A_1212 : i32 to index
        %parallel_loop3A_1214 = arith.index_cast %parallel_loop3A_242 : i32 to index
        %parallel_loop3A_1215 = tpu.vector_load %arg5[%parallel_loop3A_1213, %parallel_loop3A_1214] {strides = array<i32>} : memref<23x128xf32, #tpu.memory_space<vmem>>, vector<16xf32>,
        %parallel_loop3A_1216 = arith.constant 17 : i32
        %parallel_loop3A_1217 = arith.index_cast %parallel_loop3A_1216 : i32 to index
        %parallel_loop3A_1218 = arith.index_cast %parallel_loop3A_242 : i32 to index
        %parallel_loop3A_1219 = tpu.vector_load %arg5[%parallel_loop3A_1217, %parallel_loop3A_1218] {strides = array<i32>} : memref<23x128xf32, #tpu.memory_space<vmem>>, vector<16xf32>,
        %parallel_loop3A_1220 = arith.constant 18 : i32
        %parallel_loop3A_1221 = arith.index_cast %parallel_loop3A_1220 : i32 to index
        %parallel_loop3A_1222 = arith.index_cast %parallel_loop3A_242 : i32 to index
        %parallel_loop3A_1223 = tpu.vector_load %arg5[%parallel_loop3A_1221, %parallel_loop3A_1222] {strides = array<i32>} : memref<23x128xf32, #tpu.memory_space<vmem>>, vector<16xf32>,
        %parallel_loop3A_1224 = arith.constant 19 : i32
        %parallel_loop3A_1225 = arith.index_cast %parallel_loop3A_1224 : i32 to index
        %parallel_loop3A_1226 = arith.index_cast %parallel_loop3A_242 : i32 to index
        %parallel_loop3A_1227 = tpu.vector_load %arg5[%parallel_loop3A_1225, %parallel_loop3A_1226] {strides = array<i32>} : memref<23x128xf32, #tpu.memory_space<vmem>>, vector<16xf32>,
        %parallel_loop3A_1228 = arith.constant 20 : i32
        %parallel_loop3A_1229 = arith.index_cast %parallel_loop3A_1228 : i32 to index
        %parallel_loop3A_1230 = arith.index_cast %parallel_loop3A_242 : i32 to index
        %parallel_loop3A_1231 = tpu.vector_load %arg5[%parallel_loop3A_1229, %parallel_loop3A_1230] {strides = array<i32>} : memref<23x128xf32, #tpu.memory_space<vmem>>, vector<16xf32>,
        %parallel_loop3A_1232 = arith.constant 21 : i32
        %parallel_loop3A_1233 = arith.index_cast %parallel_loop3A_1232 : i32 to index
        %parallel_loop3A_1234 = arith.index_cast %parallel_loop3A_242 : i32 to index
        %parallel_loop3A_1235 = tpu.vector_load %arg5[%parallel_loop3A_1233, %parallel_loop3A_1234] {strides = array<i32>} : memref<23x128xf32, #tpu.memory_space<vmem>>, vector<16xf32>,
        %parallel_loop3A_1236 = arith.constant 22 : i32
        %parallel_loop3A_1237 = arith.index_cast %parallel_loop3A_1236 : i32 to index
        %parallel_loop3A_1238 = arith.index_cast %parallel_loop3A_242 : i32 to index
        %parallel_loop3A_1239 = tpu.vector_load %arg5[%parallel_loop3A_1237, %parallel_loop3A_1238] {strides = array<i32>} : memref<23x128xf32, #tpu.memory_space<vmem>>, vector<16xf32>,
        tpu.vector_store_idx %arg7[%parallel_loop3A_244, %parallel_loop3A_1191], %parallel_loop3A_1195 : memref<128x136xf32, #tpu.memory_space<vmem>>[vector<16xi32>, vector<16xi32>], vector<16xf32>,
        %parallel_loop3A_1240 = arith.constant 1 : i32
        %parallel_loop3A_1241 = vector.broadcast %parallel_loop3A_1240 : i32 to vector<16xi32>
        %parallel_loop3A_1242 = arith.addi %parallel_loop3A_1191, %parallel_loop3A_1241 : vector<16xi32>
        tpu.vector_store_idx %arg7[%parallel_loop3A_244, %parallel_loop3A_1242], %parallel_loop3A_1199 : memref<128x136xf32, #tpu.memory_space<vmem>>[vector<16xi32>, vector<16xi32>], vector<16xf32>,
        %parallel_loop3A_1243 = arith.constant 1 : i32
        %parallel_loop3A_1244 = vector.broadcast %parallel_loop3A_1243 : i32 to vector<16xi32>
        %parallel_loop3A_1245 = arith.addi %parallel_loop3A_1242, %parallel_loop3A_1244 : vector<16xi32>
        tpu.vector_store_idx %arg7[%parallel_loop3A_244, %parallel_loop3A_1245], %parallel_loop3A_1203 : memref<128x136xf32, #tpu.memory_space<vmem>>[vector<16xi32>, vector<16xi32>], vector<16xf32>,
        %parallel_loop3A_1246 = arith.constant 1 : i32
        %parallel_loop3A_1247 = vector.broadcast %parallel_loop3A_1246 : i32 to vector<16xi32>
        %parallel_loop3A_1248 = arith.addi %parallel_loop3A_1245, %parallel_loop3A_1247 : vector<16xi32>
        tpu.vector_store_idx %arg7[%parallel_loop3A_244, %parallel_loop3A_1248], %parallel_loop3A_1207 : memref<128x136xf32, #tpu.memory_space<vmem>>[vector<16xi32>, vector<16xi32>], vector<16xf32>,
        %parallel_loop3A_1249 = arith.constant 1 : i32
        %parallel_loop3A_1250 = vector.broadcast %parallel_loop3A_1249 : i32 to vector<16xi32>
        %parallel_loop3A_1251 = arith.addi %parallel_loop3A_1248, %parallel_loop3A_1250 : vector<16xi32>
        tpu.vector_store_idx %arg7[%parallel_loop3A_244, %parallel_loop3A_1251], %parallel_loop3A_1211 : memref<128x136xf32, #tpu.memory_space<vmem>>[vector<16xi32>, vector<16xi32>], vector<16xf32>,
        %parallel_loop3A_1252 = arith.constant 1 : i32
        %parallel_loop3A_1253 = vector.broadcast %parallel_loop3A_1252 : i32 to vector<16xi32>
        %parallel_loop3A_1254 = arith.addi %parallel_loop3A_1251, %parallel_loop3A_1253 : vector<16xi32>
        tpu.vector_store_idx %arg7[%parallel_loop3A_244, %parallel_loop3A_1254], %parallel_loop3A_1215 : memref<128x136xf32, #tpu.memory_space<vmem>>[vector<16xi32>, vector<16xi32>], vector<16xf32>,
        %parallel_loop3A_1255 = arith.constant 1 : i32
        %parallel_loop3A_1256 = vector.broadcast %parallel_loop3A_1255 : i32 to vector<16xi32>
        %parallel_loop3A_1257 = arith.addi %parallel_loop3A_1254, %parallel_loop3A_1256 : vector<16xi32>
        tpu.vector_store_idx %arg7[%parallel_loop3A_244, %parallel_loop3A_1257], %parallel_loop3A_1219 : memref<128x136xf32, #tpu.memory_space<vmem>>[vector<16xi32>, vector<16xi32>], vector<16xf32>,
        %parallel_loop3A_1258 = arith.constant 1 : i32
        %parallel_loop3A_1259 = vector.broadcast %parallel_loop3A_1258 : i32 to vector<16xi32>
        %parallel_loop3A_1260 = arith.addi %parallel_loop3A_1257, %parallel_loop3A_1259 : vector<16xi32>
        tpu.vector_store_idx %arg7[%parallel_loop3A_244, %parallel_loop3A_1260], %parallel_loop3A_1223 : memref<128x136xf32, #tpu.memory_space<vmem>>[vector<16xi32>, vector<16xi32>], vector<16xf32>,
        %parallel_loop3A_1261 = arith.constant 1 : i32
        %parallel_loop3A_1262 = vector.broadcast %parallel_loop3A_1261 : i32 to vector<16xi32>
        %parallel_loop3A_1263 = arith.addi %parallel_loop3A_1260, %parallel_loop3A_1262 : vector<16xi32>
        tpu.vector_store_idx %arg7[%parallel_loop3A_244, %parallel_loop3A_1263], %parallel_loop3A_1227 : memref<128x136xf32, #tpu.memory_space<vmem>>[vector<16xi32>, vector<16xi32>], vector<16xf32>,
        %parallel_loop3A_1264 = arith.constant 1 : i32
        %parallel_loop3A_1265 = vector.broadcast %parallel_loop3A_1264 : i32 to vector<16xi32>
        %parallel_loop3A_1266 = arith.addi %parallel_loop3A_1263, %parallel_loop3A_1265 : vector<16xi32>
        tpu.vector_store_idx %arg7[%parallel_loop3A_244, %parallel_loop3A_1266], %parallel_loop3A_1231 : memref<128x136xf32, #tpu.memory_space<vmem>>[vector<16xi32>, vector<16xi32>], vector<16xf32>,
        %parallel_loop3A_1267 = arith.constant 1 : i32
        %parallel_loop3A_1268 = vector.broadcast %parallel_loop3A_1267 : i32 to vector<16xi32>
        %parallel_loop3A_1269 = arith.addi %parallel_loop3A_1266, %parallel_loop3A_1268 : vector<16xi32>
        tpu.vector_store_idx %arg7[%parallel_loop3A_244, %parallel_loop3A_1269], %parallel_loop3A_1235 : memref<128x136xf32, #tpu.memory_space<vmem>>[vector<16xi32>, vector<16xi32>], vector<16xf32>,
        %parallel_loop3A_1270 = arith.constant 1 : i32
        %parallel_loop3A_1271 = vector.broadcast %parallel_loop3A_1270 : i32 to vector<16xi32>
        %parallel_loop3A_1272 = arith.addi %parallel_loop3A_1269, %parallel_loop3A_1271 : vector<16xi32>
        tpu.vector_store_idx %arg7[%parallel_loop3A_244, %parallel_loop3A_1272], %parallel_loop3A_1239 : memref<128x136xf32, #tpu.memory_space<vmem>>[vector<16xi32>, vector<16xi32>], vector<16xf32>,
        %parallel_loop3A_1273 = arith.constant 1 : i32
        %parallel_loop3A_1274 = vector.broadcast %parallel_loop3A_1273 : i32 to vector<16xi32>
        %parallel_loop3A_1275 = arith.addi %parallel_loop3A_1272, %parallel_loop3A_1274 : vector<16xi32>
      } {sc.loop_unroll_factor = 1 : i64, sc.parallel_access}
      %jit3A_96 = arith.constant 50 : i32
      %div3A_97 = arith.divsi %add3A_62, %jit3A_96 : i32
      %sign3A_98 = arith.constant 0 : i32
      %sign3A_99 = arith.cmpi sgt, %add3A_62, %sign3A_98 : i32
      %sign3A_100 = arith.extui %sign3A_99 : i1 to i32
      %sign3A_101 = arith.constant 0 : i32
      %sign3A_102 = arith.cmpi slt, %add3A_62, %sign3A_101 : i32
      %sign3A_103 = arith.extui %sign3A_102 : i1 to i32
      %sign3A_104 = arith.subi %sign3A_100, %sign3A_103 : i32
      %sign3A_105 = arith.constant 0 : i32
      %sign3A_106 = arith.cmpi sgt, %jit3A_96, %sign3A_105 : i32
      %sign3A_107 = arith.extui %sign3A_106 : i1 to i32
      %sign3A_108 = arith.constant 0 : i32
      %sign3A_109 = arith.cmpi slt, %jit3A_96, %sign3A_108 : i32
      %sign3A_110 = arith.extui %sign3A_109 : i1 to i32
      %sign3A_111 = arith.subi %sign3A_107, %sign3A_110 : i32
      %ne3A_112 = arith.cmpi ne, %sign3A_104, %sign3A_111 : i32
      %rem3A_113 = arith.remsi %add3A_62, %jit3A_96 : i32
      %ne3A_114 = arith.constant 0 : i32
      %ne3A_115 = arith.cmpi ne, %rem3A_113, %ne3A_114 : i32
      %and3A_116 = arith.andi %ne3A_112, %ne3A_115 : i1
      %sub3A_117 = arith.constant 1 : i32
      %sub3A_118 = arith.subi %div3A_97, %sub3A_117 : i32
      %select_n3A_119 = arith.select %and3A_116, %sub3A_118, %div3A_97 : i32
      %mul3A_120 = arith.constant 50 : i32
      %mul3A_121 = arith.muli %select_n3A_119, %mul3A_120 : i32
      %sub3A_122 = arith.subi %add3A_62, %mul3A_121 : i32
      %mul3A_123 = arith.constant 128 : i32
      %mul3A_124 = arith.muli %select_n3A_119, %mul3A_123 : i32
      %add3A_125 = arith.addi %mul3A_2, %mul3A_124 : i32
      %dma_start3A_126 = arith.constant 0 : i32
      %dma_start3A_127 = arith.constant 0 : i32
      %dma_start3A_128 = tpu.memref_slice %arg7[%dma_start3A_126, %dma_start3A_127] : memref<128x136xf32, #tpu.memory_space<vmem>> -> memref<128x128xf32, #tpu.memory_space<vmem>>
      %dma_start3A_129 = arith.constant 0 : i32
      %dma_start3A_130 = tpu.memref_slice %arg4[%sub3A_122, %add3A_125, %dma_start3A_129] : memref<50x16384x128xf32, #tpu.memory_space<hbm>> -> memref<1x128x128xf32, #tpu.memory_space<hbm>>
      %dma_start3A_131 = tpu.memref_squeeze %dma_start3A_130 : memref<1x128x128xf32, #tpu.memory_space<hbm>> -> memref<128x128xf32, #tpu.memory_space<hbm>>
      %dma_start3A_132 = arith.constant 0 : i32
      %dma_start3A_133 = tpu.memref_slice %arg4[%sub3A_122, %add3A_125, %dma_start3A_132] : memref<50x16384x128xf32, #tpu.memory_space<hbm>> -> memref<1x128x128xf32, #tpu.memory_space<hbm>>
      %dma_start3A_134 = tpu.memref_squeeze %dma_start3A_133 : memref<1x128x128xf32, #tpu.memory_space<hbm>> -> memref<128x128xf32, #tpu.memory_space<hbm>>
      %dma_start3A_135 = arith.constant 0 : i32
      %dma_start3A_136 = arith.constant 0 : i32
      %dma_start3A_137 = tpu.memref_slice %arg7[%dma_start3A_135, %dma_start3A_136] : memref<128x136xf32, #tpu.memory_space<vmem>> -> memref<128x128xf32, #tpu.memory_space<vmem>>
      tpu.enqueue_dma source(%dma_start3A_137 : memref<128x128xf32, #tpu.memory_space<vmem>>) target(%dma_start3A_134 : memref<128x128xf32, #tpu.memory_space<hbm>>) target_semaphore(%arg12 : memref<!tpu.dma_semaphore, #tpu.memory_space<semaphore_mem>>)
      %add3A_138 = arith.constant 2 : i32
      %add3A_139 = arith.addi %add3A_62, %add3A_138 : i32
      %lt3A = arith.constant 200 : i32
      %lt3A_140 = arith.cmpi slt, %add3A_139, %lt3A : i32
      %convert_element_type3A_141 = arith.extui %lt3A_140 : i1 to i32
      %cond3A_142 = arith.constant 0 : i32
      %cond3A_143 = arith.cmpi ne, %convert_element_type3A_141, %cond3A_142 : i32
      scf.if %cond3A_143 {
        %add3A_240 = arith.constant 2 : i32
        %add3A_241 = arith.addi %add3A_62, %add3A_240 : i32
        %jit3A_242 = arith.constant 50 : i32
        %div3A_243 = arith.divsi %add3A_241, %jit3A_242 : i32
        %sign3A_244 = arith.constant 0 : i32
        %sign3A_245 = arith.cmpi sgt, %add3A_241, %sign3A_244 : i32
        %sign3A_246 = arith.extui %sign3A_245 : i1 to i32
        %sign3A_247 = arith.constant 0 : i32
        %sign3A_248 = arith.cmpi slt, %add3A_241, %sign3A_247 : i32
        %sign3A_249 = arith.extui %sign3A_248 : i1 to i32
        %sign3A_250 = arith.subi %sign3A_246, %sign3A_249 : i32
        %sign3A_251 = arith.constant 0 : i32
        %sign3A_252 = arith.cmpi sgt, %jit3A_242, %sign3A_251 : i32
        %sign3A_253 = arith.extui %sign3A_252 : i1 to i32
        %sign3A_254 = arith.constant 0 : i32
        %sign3A_255 = arith.cmpi slt, %jit3A_242, %sign3A_254 : i32
        %sign3A_256 = arith.extui %sign3A_255 : i1 to i32
        %sign3A_257 = arith.subi %sign3A_253, %sign3A_256 : i32
        %ne3A_258 = arith.cmpi ne, %sign3A_250, %sign3A_257 : i32
        %rem3A_259 = arith.remsi %add3A_241, %jit3A_242 : i32
        %ne3A_260 = arith.constant 0 : i32
        %ne3A_261 = arith.cmpi ne, %rem3A_259, %ne3A_260 : i32
        %and3A_262 = arith.andi %ne3A_258, %ne3A_261 : i1
        %sub3A_263 = arith.constant 1 : i32
        %sub3A_264 = arith.subi %div3A_243, %sub3A_263 : i32
        %select_n3A_265 = arith.select %and3A_262, %sub3A_264, %div3A_243 : i32
        %mul3A_266 = arith.constant 50 : i32
        %mul3A_267 = arith.muli %select_n3A_265, %mul3A_266 : i32
        %sub3A_268 = arith.subi %add3A_241, %mul3A_267 : i32
        %mul3A_269 = arith.constant 128 : i32
        %mul3A_270 = arith.muli %select_n3A_265, %mul3A_269 : i32
        %add3A_271 = arith.addi %mul3A_2, %mul3A_270 : i32
        %dma_start3A_272 = arith.constant 0 : i32
        %dma_start3A_273 = tpu.memref_slice %arg2[%sub3A_268, %dma_start3A_272, %add3A_271] : memref<50x23x16384xf32, #tpu.memory_space<hbm>> -> memref<1x23x128xf32, #tpu.memory_space<hbm>>
        %dma_start3A_274 = tpu.memref_squeeze %dma_start3A_273 : memref<1x23x128xf32, #tpu.memory_space<hbm>> -> memref<23x128xf32, #tpu.memory_space<hbm>>
        %dma_start3A_275 = arith.constant 0 : i32
        %dma_start3A_276 = tpu.memref_slice %arg2[%sub3A_268, %dma_start3A_275, %add3A_271] : memref<50x23x16384xf32, #tpu.memory_space<hbm>> -> memref<1x23x128xf32, #tpu.memory_space<hbm>>
        %dma_start3A_277 = tpu.memref_squeeze %dma_start3A_276 : memref<1x23x128xf32, #tpu.memory_space<hbm>> -> memref<23x128xf32, #tpu.memory_space<hbm>>
        tpu.enqueue_dma source(%dma_start3A_277 : memref<23x128xf32, #tpu.memory_space<hbm>>) target(%arg5 : memref<23x128xf32, #tpu.memory_space<vmem>>) target_semaphore(%arg10 : memref<!tpu.dma_semaphore, #tpu.memory_space<semaphore_mem>>)
      } else {
      }
      %add3A_144 = arith.constant 1 : i32
      %add3A_145 = arith.addi %add3A_60, %add3A_144 : i32
      %jit3A_146 = arith.constant 50 : i32
      %div3A_147 = arith.divsi %add3A_145, %jit3A_146 : i32
      %sign3A_148 = arith.constant 0 : i32
      %sign3A_149 = arith.cmpi sgt, %add3A_145, %sign3A_148 : i32
      %sign3A_150 = arith.extui %sign3A_149 : i1 to i32
      %sign3A_151 = arith.constant 0 : i32
      %sign3A_152 = arith.cmpi slt, %add3A_145, %sign3A_151 : i32
      %sign3A_153 = arith.extui %sign3A_152 : i1 to i32
      %sign3A_154 = arith.subi %sign3A_150, %sign3A_153 : i32
      %sign3A_155 = arith.constant 0 : i32
      %sign3A_156 = arith.cmpi sgt, %jit3A_146, %sign3A_155 : i32
      %sign3A_157 = arith.extui %sign3A_156 : i1 to i32
      %sign3A_158 = arith.constant 0 : i32
      %sign3A_159 = arith.cmpi slt, %jit3A_146, %sign3A_158 : i32
      %sign3A_160 = arith.extui %sign3A_159 : i1 to i32
      %sign3A_161 = arith.subi %sign3A_157, %sign3A_160 : i32
      %ne3A_162 = arith.cmpi ne, %sign3A_154, %sign3A_161 : i32
      %rem3A_163 = arith.remsi %add3A_145, %jit3A_146 : i32
      %ne3A_164 = arith.constant 0 : i32
      %ne3A_165 = arith.cmpi ne, %rem3A_163, %ne3A_164 : i32
      %and3A_166 = arith.andi %ne3A_162, %ne3A_165 : i1
      %sub3A_167 = arith.constant 1 : i32
      %sub3A_168 = arith.subi %div3A_147, %sub3A_167 : i32
      %select_n3A_169 = arith.select %and3A_166, %sub3A_168, %div3A_147 : i32
      %mul3A_170 = arith.constant 50 : i32
      %mul3A_171 = arith.muli %select_n3A_169, %mul3A_170 : i32
      %sub3A_172 = arith.subi %add3A_145, %mul3A_171 : i32
      %mul3A_173 = arith.constant 128 : i32
      %mul3A_174 = arith.muli %select_n3A_169, %mul3A_173 : i32
      %add3A_175 = arith.addi %mul3A_2, %mul3A_174 : i32
      %dma_wait3A_176 = arith.constant 0 : i32
      %dma_wait3A_177 = tpu.memref_slice %arg2[%sub3A_172, %dma_wait3A_176, %add3A_175] : memref<50x23x16384xf32, #tpu.memory_space<hbm>> -> memref<1x23x128xf32, #tpu.memory_space<hbm>>
      %dma_wait3A_178 = tpu.memref_squeeze %dma_wait3A_177 : memref<1x23x128xf32, #tpu.memory_space<hbm>> -> memref<23x128xf32, #tpu.memory_space<hbm>>
      %dma_wait3A_179 = arith.constant 0 : i32
      %dma_wait3A_180 = tpu.memref_slice %arg2[%sub3A_172, %dma_wait3A_179, %add3A_175] : memref<50x23x16384xf32, #tpu.memory_space<hbm>> -> memref<1x23x128xf32, #tpu.memory_space<hbm>>
      %dma_wait3A_181 = tpu.memref_squeeze %dma_wait3A_180 : memref<1x23x128xf32, #tpu.memory_space<hbm>> -> memref<23x128xf32, #tpu.memory_space<hbm>>
      tpu.wait_dma2 semaphore(%arg11 : memref<!tpu.dma_semaphore, #tpu.memory_space<semaphore_mem>>) src(%dma_wait3A_181 : memref<23x128xf32, #tpu.memory_space<hbm>>) dst(%arg6 : memref<23x128xf32, #tpu.memory_space<vmem>>)
      %ge3A_182 = arith.constant 2 : i32
      %ge3A_183 = arith.cmpi sge, %add3A_145, %ge3A_182 : i32
      %convert_element_type3A_184 = arith.extui %ge3A_183 : i1 to i32
      %cond3A_185 = arith.constant 0 : i32
      %cond3A_186 = arith.cmpi ne, %convert_element_type3A_184, %cond3A_185 : i32
      scf.if %cond3A_186 {
        %sub3A_240 = arith.constant 2 : i32
        %sub3A_241 = arith.subi %add3A_145, %sub3A_240 : i32
        %jit3A_242 = arith.constant 50 : i32
        %div3A_243 = arith.divsi %sub3A_241, %jit3A_242 : i32
        %sign3A_244 = arith.constant 0 : i32
        %sign3A_245 = arith.cmpi sgt, %sub3A_241, %sign3A_244 : i32
        %sign3A_246 = arith.extui %sign3A_245 : i1 to i32
        %sign3A_247 = arith.constant 0 : i32
        %sign3A_248 = arith.cmpi slt, %sub3A_241, %sign3A_247 : i32
        %sign3A_249 = arith.extui %sign3A_248 : i1 to i32
        %sign3A_250 = arith.subi %sign3A_246, %sign3A_249 : i32
        %sign3A_251 = arith.constant 0 : i32
        %sign3A_252 = arith.cmpi sgt, %jit3A_242, %sign3A_251 : i32
        %sign3A_253 = arith.extui %sign3A_252 : i1 to i32
        %sign3A_254 = arith.constant 0 : i32
        %sign3A_255 = arith.cmpi slt, %jit3A_242, %sign3A_254 : i32
        %sign3A_256 = arith.extui %sign3A_255 : i1 to i32
        %sign3A_257 = arith.subi %sign3A_253, %sign3A_256 : i32
        %ne3A_258 = arith.cmpi ne, %sign3A_250, %sign3A_257 : i32
        %rem3A_259 = arith.remsi %sub3A_241, %jit3A_242 : i32
        %ne3A_260 = arith.constant 0 : i32
        %ne3A_261 = arith.cmpi ne, %rem3A_259, %ne3A_260 : i32
        %and3A_262 = arith.andi %ne3A_258, %ne3A_261 : i1
        %sub3A_263 = arith.constant 1 : i32
        %sub3A_264 = arith.subi %div3A_243, %sub3A_263 : i32
        %select_n3A_265 = arith.select %and3A_262, %sub3A_264, %div3A_243 : i32
        %mul3A_266 = arith.constant 50 : i32
        %mul3A_267 = arith.muli %select_n3A_265, %mul3A_266 : i32
        %sub3A_268 = arith.subi %sub3A_241, %mul3A_267 : i32
        %mul3A_269 = arith.constant 128 : i32
        %mul3A_270 = arith.muli %select_n3A_265, %mul3A_269 : i32
        %add3A_271 = arith.addi %mul3A_2, %mul3A_270 : i32
        %dma_wait3A_272 = arith.constant 0 : i32
        %dma_wait3A_273 = arith.constant 0 : i32
        %dma_wait3A_274 = tpu.memref_slice %arg8[%dma_wait3A_272, %dma_wait3A_273] : memref<128x136xf32, #tpu.memory_space<vmem>> -> memref<128x128xf32, #tpu.memory_space<vmem>>
        %dma_wait3A_275 = arith.constant 0 : i32
        %dma_wait3A_276 = tpu.memref_slice %arg4[%sub3A_268, %add3A_271, %dma_wait3A_275] : memref<50x16384x128xf32, #tpu.memory_space<hbm>> -> memref<1x128x128xf32, #tpu.memory_space<hbm>>
        %dma_wait3A_277 = tpu.memref_squeeze %dma_wait3A_276 : memref<1x128x128xf32, #tpu.memory_space<hbm>> -> memref<128x128xf32, #tpu.memory_space<hbm>>
        %dma_wait3A_278 = arith.constant 0 : i32
        %dma_wait3A_279 = tpu.memref_slice %arg4[%sub3A_268, %add3A_271, %dma_wait3A_278] : memref<50x16384x128xf32, #tpu.memory_space<hbm>> -> memref<1x128x128xf32, #tpu.memory_space<hbm>>
        %dma_wait3A_280 = tpu.memref_squeeze %dma_wait3A_279 : memref<1x128x128xf32, #tpu.memory_space<hbm>> -> memref<128x128xf32, #tpu.memory_space<hbm>>
        %dma_wait3A_281 = arith.constant 0 : i32
        %dma_wait3A_282 = arith.constant 0 : i32
        %dma_wait3A_283 = tpu.memref_slice %arg8[%dma_wait3A_281, %dma_wait3A_282] : memref<128x136xf32, #tpu.memory_space<vmem>> -> memref<128x128xf32, #tpu.memory_space<vmem>>
        tpu.wait_dma2 semaphore(%arg13 : memref<!tpu.dma_semaphore, #tpu.memory_space<semaphore_mem>>) src(%dma_wait3A_283 : memref<128x128xf32, #tpu.memory_space<vmem>>) dst(%dma_wait3A_280 : memref<128x128xf32, #tpu.memory_space<hbm>>)
      } else {
      }
      %iota3A_187 = tpu.iota {dimensions = array<i32: 0>} : vector<16xi32>
      %parallel_loop3A_188 = arith.constant 0 : i32
      %parallel_loop3A_189 = arith.constant 8 : i32
      %parallel_loop3A_190 = arith.constant 1 : i32
      scf.for %parallel_loop3A_240 = %parallel_loop3A_188 to %parallel_loop3A_189 step %parallel_loop3A_190  : i32 {
        %parallel_loop3A_241 = arith.constant 16 : i32
        %parallel_loop3A_242 = arith.muli %parallel_loop3A_240, %parallel_loop3A_241 : i32
        %parallel_loop3A_243 = vector.broadcast %parallel_loop3A_242 : i32 to vector<16xi32>
        %parallel_loop3A_244 = arith.addi %iota3A_187, %parallel_loop3A_243 : vector<16xi32>
        %parallel_loop3A_245 = arith.constant 0 : i32
        %parallel_loop3A_246 = arith.index_cast %parallel_loop3A_245 : i32 to index
        %parallel_loop3A_247 = arith.index_cast %parallel_loop3A_242 : i32 to index
        %parallel_loop3A_248 = tpu.vector_load %arg6[%parallel_loop3A_246, %parallel_loop3A_247] {strides = array<i32>} : memref<23x128xf32, #tpu.memory_space<vmem>>, vector<16xf32>,
        %parallel_loop3A_249 = arith.fptosi %parallel_loop3A_248 : vector<16xf32> to vector<16xi32>
        %parallel_loop3A_250 = arith.constant 0 : i32
        %parallel_loop3A_251 = vector.broadcast %parallel_loop3A_250 : i32 to vector<16xi32>
        %parallel_loop3A_252 = arith.minsi %parallel_loop3A_249, %parallel_loop3A_251 : vector<16xi32>
        %parallel_loop3A_253 = arith.constant 32 : i32
        %parallel_loop3A_254 = vector.broadcast %parallel_loop3A_253 : i32 to vector<16xi32>
        %parallel_loop3A_255 = arith.muli %parallel_loop3A_249, %parallel_loop3A_254 : vector<16xi32>
        %parallel_loop3A_256 = arith.constant 0 : i32
        %parallel_loop3A_257 = vector.broadcast %parallel_loop3A_256 : i32 to vector<16xi32>
        %parallel_loop3A_258 = arith.addi %parallel_loop3A_255, %parallel_loop3A_257 : vector<16xi32>
        %parallel_loop3A_259 = arith.addi %mul3A_5, %parallel_loop3A_258 : vector<16xi32>
        %parallel_loop3A_260 = arith.constant 0 : i32
        %parallel_loop3A_261 = vector.broadcast %parallel_loop3A_260 : i32 to vector<16xi32>
        %parallel_loop3A_262 = arith.addi %parallel_loop3A_259, %parallel_loop3A_261 : vector<16xi32>
        %parallel_loop3A_263 = tpu.vector_load_idx %arg9[%parallel_loop3A_262] : memref<53008xf32, #tpu.memory_space<vmem>>[vector<16xi32>], vector<16xf32>,
        %parallel_loop3A_264 = arith.constant 1 : i32
        %parallel_loop3A_265 = vector.broadcast %parallel_loop3A_264 : i32 to vector<16xi32>
        %parallel_loop3A_266 = arith.addi %parallel_loop3A_259, %parallel_loop3A_265 : vector<16xi32>
        %parallel_loop3A_267 = tpu.vector_load_idx %arg9[%parallel_loop3A_266] : memref<53008xf32, #tpu.memory_space<vmem>>[vector<16xi32>], vector<16xf32>,
        %parallel_loop3A_268 = arith.constant 2 : i32
        %parallel_loop3A_269 = vector.broadcast %parallel_loop3A_268 : i32 to vector<16xi32>
        %parallel_loop3A_270 = arith.addi %parallel_loop3A_259, %parallel_loop3A_269 : vector<16xi32>
        %parallel_loop3A_271 = tpu.vector_load_idx %arg9[%parallel_loop3A_270] : memref<53008xf32, #tpu.memory_space<vmem>>[vector<16xi32>], vector<16xf32>,
        %parallel_loop3A_272 = arith.constant 3 : i32
        %parallel_loop3A_273 = vector.broadcast %parallel_loop3A_272 : i32 to vector<16xi32>
        %parallel_loop3A_274 = arith.addi %parallel_loop3A_259, %parallel_loop3A_273 : vector<16xi32>
        %parallel_loop3A_275 = tpu.vector_load_idx %arg9[%parallel_loop3A_274] : memref<53008xf32, #tpu.memory_space<vmem>>[vector<16xi32>], vector<16xf32>,
        %parallel_loop3A_276 = arith.constant 4 : i32
        %parallel_loop3A_277 = vector.broadcast %parallel_loop3A_276 : i32 to vector<16xi32>
        %parallel_loop3A_278 = arith.addi %parallel_loop3A_259, %parallel_loop3A_277 : vector<16xi32>
        %parallel_loop3A_279 = tpu.vector_load_idx %arg9[%parallel_loop3A_278] : memref<53008xf32, #tpu.memory_space<vmem>>[vector<16xi32>], vector<16xf32>,
        %parallel_loop3A_280 = arith.constant 5 : i32
        %parallel_loop3A_281 = vector.broadcast %parallel_loop3A_280 : i32 to vector<16xi32>
        %parallel_loop3A_282 = arith.addi %parallel_loop3A_259, %parallel_loop3A_281 : vector<16xi32>
        %parallel_loop3A_283 = tpu.vector_load_idx %arg9[%parallel_loop3A_282] : memref<53008xf32, #tpu.memory_space<vmem>>[vector<16xi32>], vector<16xf32>,
        %parallel_loop3A_284 = arith.constant 6 : i32
        %parallel_loop3A_285 = vector.broadcast %parallel_loop3A_284 : i32 to vector<16xi32>
        %parallel_loop3A_286 = arith.addi %parallel_loop3A_259, %parallel_loop3A_285 : vector<16xi32>
        %parallel_loop3A_287 = tpu.vector_load_idx %arg9[%parallel_loop3A_286] : memref<53008xf32, #tpu.memory_space<vmem>>[vector<16xi32>], vector<16xf32>,
        %parallel_loop3A_288 = arith.constant 7 : i32
        %parallel_loop3A_289 = vector.broadcast %parallel_loop3A_288 : i32 to vector<16xi32>
        %parallel_loop3A_290 = arith.addi %parallel_loop3A_259, %parallel_loop3A_289 : vector<16xi32>
        %parallel_loop3A_291 = tpu.vector_load_idx %arg9[%parallel_loop3A_290] : memref<53008xf32, #tpu.memory_space<vmem>>[vector<16xi32>], vector<16xf32>,
        %parallel_loop3A_292 = arith.constant 8 : i32
        %parallel_loop3A_293 = vector.broadcast %parallel_loop3A_292 : i32 to vector<16xi32>
        %parallel_loop3A_294 = arith.addi %parallel_loop3A_259, %parallel_loop3A_293 : vector<16xi32>
        %parallel_loop3A_295 = tpu.vector_load_idx %arg9[%parallel_loop3A_294] : memref<53008xf32, #tpu.memory_space<vmem>>[vector<16xi32>], vector<16xf32>,
        %parallel_loop3A_296 = arith.constant 9 : i32
        %parallel_loop3A_297 = vector.broadcast %parallel_loop3A_296 : i32 to vector<16xi32>
        %parallel_loop3A_298 = arith.addi %parallel_loop3A_259, %parallel_loop3A_297 : vector<16xi32>
        %parallel_loop3A_299 = tpu.vector_load_idx %arg9[%parallel_loop3A_298] : memref<53008xf32, #tpu.memory_space<vmem>>[vector<16xi32>], vector<16xf32>,
        %parallel_loop3A_300 = arith.constant 10 : i32
        %parallel_loop3A_301 = vector.broadcast %parallel_loop3A_300 : i32 to vector<16xi32>
        %parallel_loop3A_302 = arith.addi %parallel_loop3A_259, %parallel_loop3A_301 : vector<16xi32>
        %parallel_loop3A_303 = tpu.vector_load_idx %arg9[%parallel_loop3A_302] : memref<53008xf32, #tpu.memory_space<vmem>>[vector<16xi32>], vector<16xf32>,
        %parallel_loop3A_304 = arith.constant 11 : i32
        %parallel_loop3A_305 = vector.broadcast %parallel_loop3A_304 : i32 to vector<16xi32>
        %parallel_loop3A_306 = arith.addi %parallel_loop3A_259, %parallel_loop3A_305 : vector<16xi32>
        %parallel_loop3A_307 = tpu.vector_load_idx %arg9[%parallel_loop3A_306] : memref<53008xf32, #tpu.memory_space<vmem>>[vector<16xi32>], vector<16xf32>,
        %parallel_loop3A_308 = arith.constant 12 : i32
        %parallel_loop3A_309 = vector.broadcast %parallel_loop3A_308 : i32 to vector<16xi32>
        %parallel_loop3A_310 = arith.addi %parallel_loop3A_259, %parallel_loop3A_309 : vector<16xi32>
        %parallel_loop3A_311 = tpu.vector_load_idx %arg9[%parallel_loop3A_310] : memref<53008xf32, #tpu.memory_space<vmem>>[vector<16xi32>], vector<16xf32>,
        %parallel_loop3A_312 = arith.constant 13 : i32
        %parallel_loop3A_313 = vector.broadcast %parallel_loop3A_312 : i32 to vector<16xi32>
        %parallel_loop3A_314 = arith.addi %parallel_loop3A_259, %parallel_loop3A_313 : vector<16xi32>
        %parallel_loop3A_315 = tpu.vector_load_idx %arg9[%parallel_loop3A_314] : memref<53008xf32, #tpu.memory_space<vmem>>[vector<16xi32>], vector<16xf32>,
        %parallel_loop3A_316 = arith.constant 14 : i32
        %parallel_loop3A_317 = vector.broadcast %parallel_loop3A_316 : i32 to vector<16xi32>
        %parallel_loop3A_318 = arith.addi %parallel_loop3A_259, %parallel_loop3A_317 : vector<16xi32>
        %parallel_loop3A_319 = tpu.vector_load_idx %arg9[%parallel_loop3A_318] : memref<53008xf32, #tpu.memory_space<vmem>>[vector<16xi32>], vector<16xf32>,
        %parallel_loop3A_320 = arith.constant 15 : i32
        %parallel_loop3A_321 = vector.broadcast %parallel_loop3A_320 : i32 to vector<16xi32>
        %parallel_loop3A_322 = arith.addi %parallel_loop3A_259, %parallel_loop3A_321 : vector<16xi32>
        %parallel_loop3A_323 = tpu.vector_load_idx %arg9[%parallel_loop3A_322] : memref<53008xf32, #tpu.memory_space<vmem>>[vector<16xi32>], vector<16xf32>,
        %parallel_loop3A_324 = arith.constant 16 : i32
        %parallel_loop3A_325 = vector.broadcast %parallel_loop3A_324 : i32 to vector<16xi32>
        %parallel_loop3A_326 = arith.addi %parallel_loop3A_259, %parallel_loop3A_325 : vector<16xi32>
        %parallel_loop3A_327 = tpu.vector_load_idx %arg9[%parallel_loop3A_326] : memref<53008xf32, #tpu.memory_space<vmem>>[vector<16xi32>], vector<16xf32>,
        %parallel_loop3A_328 = arith.constant 17 : i32
        %parallel_loop3A_329 = vector.broadcast %parallel_loop3A_328 : i32 to vector<16xi32>
        %parallel_loop3A_330 = arith.addi %parallel_loop3A_259, %parallel_loop3A_329 : vector<16xi32>
        %parallel_loop3A_331 = tpu.vector_load_idx %arg9[%parallel_loop3A_330] : memref<53008xf32, #tpu.memory_space<vmem>>[vector<16xi32>], vector<16xf32>,
        %parallel_loop3A_332 = arith.constant 18 : i32
        %parallel_loop3A_333 = vector.broadcast %parallel_loop3A_332 : i32 to vector<16xi32>
        %parallel_loop3A_334 = arith.addi %parallel_loop3A_259, %parallel_loop3A_333 : vector<16xi32>
        %parallel_loop3A_335 = tpu.vector_load_idx %arg9[%parallel_loop3A_334] : memref<53008xf32, #tpu.memory_space<vmem>>[vector<16xi32>], vector<16xf32>,
        %parallel_loop3A_336 = arith.constant 19 : i32
        %parallel_loop3A_337 = vector.broadcast %parallel_loop3A_336 : i32 to vector<16xi32>
        %parallel_loop3A_338 = arith.addi %parallel_loop3A_259, %parallel_loop3A_337 : vector<16xi32>
        %parallel_loop3A_339 = tpu.vector_load_idx %arg9[%parallel_loop3A_338] : memref<53008xf32, #tpu.memory_space<vmem>>[vector<16xi32>], vector<16xf32>,
        %parallel_loop3A_340 = arith.constant 20 : i32
        %parallel_loop3A_341 = vector.broadcast %parallel_loop3A_340 : i32 to vector<16xi32>
        %parallel_loop3A_342 = arith.addi %parallel_loop3A_259, %parallel_loop3A_341 : vector<16xi32>
        %parallel_loop3A_343 = tpu.vector_load_idx %arg9[%parallel_loop3A_342] : memref<53008xf32, #tpu.memory_space<vmem>>[vector<16xi32>], vector<16xf32>,
        %parallel_loop3A_344 = arith.constant 21 : i32
        %parallel_loop3A_345 = vector.broadcast %parallel_loop3A_344 : i32 to vector<16xi32>
        %parallel_loop3A_346 = arith.addi %parallel_loop3A_259, %parallel_loop3A_345 : vector<16xi32>
        %parallel_loop3A_347 = tpu.vector_load_idx %arg9[%parallel_loop3A_346] : memref<53008xf32, #tpu.memory_space<vmem>>[vector<16xi32>], vector<16xf32>,
        %parallel_loop3A_348 = arith.constant 22 : i32
        %parallel_loop3A_349 = vector.broadcast %parallel_loop3A_348 : i32 to vector<16xi32>
        %parallel_loop3A_350 = arith.addi %parallel_loop3A_259, %parallel_loop3A_349 : vector<16xi32>
        %parallel_loop3A_351 = tpu.vector_load_idx %arg9[%parallel_loop3A_350] : memref<53008xf32, #tpu.memory_space<vmem>>[vector<16xi32>], vector<16xf32>,
        %parallel_loop3A_352 = arith.constant 23 : i32
        %parallel_loop3A_353 = vector.broadcast %parallel_loop3A_352 : i32 to vector<16xi32>
        %parallel_loop3A_354 = arith.addi %parallel_loop3A_259, %parallel_loop3A_353 : vector<16xi32>
        %parallel_loop3A_355 = tpu.vector_load_idx %arg9[%parallel_loop3A_354] : memref<53008xf32, #tpu.memory_space<vmem>>[vector<16xi32>], vector<16xf32>,
        %parallel_loop3A_356 = arith.constant 24 : i32
        %parallel_loop3A_357 = vector.broadcast %parallel_loop3A_356 : i32 to vector<16xi32>
        %parallel_loop3A_358 = arith.addi %parallel_loop3A_259, %parallel_loop3A_357 : vector<16xi32>
        %parallel_loop3A_359 = tpu.vector_load_idx %arg9[%parallel_loop3A_358] : memref<53008xf32, #tpu.memory_space<vmem>>[vector<16xi32>], vector<16xf32>,
        %parallel_loop3A_360 = arith.constant 25 : i32
        %parallel_loop3A_361 = vector.broadcast %parallel_loop3A_360 : i32 to vector<16xi32>
        %parallel_loop3A_362 = arith.addi %parallel_loop3A_259, %parallel_loop3A_361 : vector<16xi32>
        %parallel_loop3A_363 = tpu.vector_load_idx %arg9[%parallel_loop3A_362] : memref<53008xf32, #tpu.memory_space<vmem>>[vector<16xi32>], vector<16xf32>,
        %parallel_loop3A_364 = arith.constant 26 : i32
        %parallel_loop3A_365 = vector.broadcast %parallel_loop3A_364 : i32 to vector<16xi32>
        %parallel_loop3A_366 = arith.addi %parallel_loop3A_259, %parallel_loop3A_365 : vector<16xi32>
        %parallel_loop3A_367 = tpu.vector_load_idx %arg9[%parallel_loop3A_366] : memref<53008xf32, #tpu.memory_space<vmem>>[vector<16xi32>], vector<16xf32>,
        %parallel_loop3A_368 = arith.constant 27 : i32
        %parallel_loop3A_369 = vector.broadcast %parallel_loop3A_368 : i32 to vector<16xi32>
        %parallel_loop3A_370 = arith.addi %parallel_loop3A_259, %parallel_loop3A_369 : vector<16xi32>
        %parallel_loop3A_371 = tpu.vector_load_idx %arg9[%parallel_loop3A_370] : memref<53008xf32, #tpu.memory_space<vmem>>[vector<16xi32>], vector<16xf32>,
        %parallel_loop3A_372 = arith.constant 28 : i32
        %parallel_loop3A_373 = vector.broadcast %parallel_loop3A_372 : i32 to vector<16xi32>
        %parallel_loop3A_374 = arith.addi %parallel_loop3A_259, %parallel_loop3A_373 : vector<16xi32>
        %parallel_loop3A_375 = tpu.vector_load_idx %arg9[%parallel_loop3A_374] : memref<53008xf32, #tpu.memory_space<vmem>>[vector<16xi32>], vector<16xf32>,
        %parallel_loop3A_376 = arith.constant 29 : i32
        %parallel_loop3A_377 = vector.broadcast %parallel_loop3A_376 : i32 to vector<16xi32>
        %parallel_loop3A_378 = arith.addi %parallel_loop3A_259, %parallel_loop3A_377 : vector<16xi32>
        %parallel_loop3A_379 = tpu.vector_load_idx %arg9[%parallel_loop3A_378] : memref<53008xf32, #tpu.memory_space<vmem>>[vector<16xi32>], vector<16xf32>,
        tpu.vector_store_idx %arg8[%parallel_loop3A_244, %parallel_loop3A_252], %parallel_loop3A_263 : memref<128x136xf32, #tpu.memory_space<vmem>>[vector<16xi32>, vector<16xi32>], vector<16xf32>,
        %parallel_loop3A_380 = arith.constant 1 : i32
        %parallel_loop3A_381 = vector.broadcast %parallel_loop3A_380 : i32 to vector<16xi32>
        %parallel_loop3A_382 = arith.addi %parallel_loop3A_252, %parallel_loop3A_381 : vector<16xi32>
        tpu.vector_store_idx %arg8[%parallel_loop3A_244, %parallel_loop3A_382], %parallel_loop3A_267 : memref<128x136xf32, #tpu.memory_space<vmem>>[vector<16xi32>, vector<16xi32>], vector<16xf32>,
        %parallel_loop3A_383 = arith.constant 1 : i32
        %parallel_loop3A_384 = vector.broadcast %parallel_loop3A_383 : i32 to vector<16xi32>
        %parallel_loop3A_385 = arith.addi %parallel_loop3A_382, %parallel_loop3A_384 : vector<16xi32>
        tpu.vector_store_idx %arg8[%parallel_loop3A_244, %parallel_loop3A_385], %parallel_loop3A_271 : memref<128x136xf32, #tpu.memory_space<vmem>>[vector<16xi32>, vector<16xi32>], vector<16xf32>,
        %parallel_loop3A_386 = arith.constant 1 : i32
        %parallel_loop3A_387 = vector.broadcast %parallel_loop3A_386 : i32 to vector<16xi32>
        %parallel_loop3A_388 = arith.addi %parallel_loop3A_385, %parallel_loop3A_387 : vector<16xi32>
        tpu.vector_store_idx %arg8[%parallel_loop3A_244, %parallel_loop3A_388], %parallel_loop3A_275 : memref<128x136xf32, #tpu.memory_space<vmem>>[vector<16xi32>, vector<16xi32>], vector<16xf32>,
        %parallel_loop3A_389 = arith.constant 1 : i32
        %parallel_loop3A_390 = vector.broadcast %parallel_loop3A_389 : i32 to vector<16xi32>
        %parallel_loop3A_391 = arith.addi %parallel_loop3A_388, %parallel_loop3A_390 : vector<16xi32>
        tpu.vector_store_idx %arg8[%parallel_loop3A_244, %parallel_loop3A_391], %parallel_loop3A_279 : memref<128x136xf32, #tpu.memory_space<vmem>>[vector<16xi32>, vector<16xi32>], vector<16xf32>,
        %parallel_loop3A_392 = arith.constant 1 : i32
        %parallel_loop3A_393 = vector.broadcast %parallel_loop3A_392 : i32 to vector<16xi32>
        %parallel_loop3A_394 = arith.addi %parallel_loop3A_391, %parallel_loop3A_393 : vector<16xi32>
        tpu.vector_store_idx %arg8[%parallel_loop3A_244, %parallel_loop3A_394], %parallel_loop3A_283 : memref<128x136xf32, #tpu.memory_space<vmem>>[vector<16xi32>, vector<16xi32>], vector<16xf32>,
        %parallel_loop3A_395 = arith.constant 1 : i32
        %parallel_loop3A_396 = vector.broadcast %parallel_loop3A_395 : i32 to vector<16xi32>
        %parallel_loop3A_397 = arith.addi %parallel_loop3A_394, %parallel_loop3A_396 : vector<16xi32>
        tpu.vector_store_idx %arg8[%parallel_loop3A_244, %parallel_loop3A_397], %parallel_loop3A_287 : memref<128x136xf32, #tpu.memory_space<vmem>>[vector<16xi32>, vector<16xi32>], vector<16xf32>,
        %parallel_loop3A_398 = arith.constant 1 : i32
        %parallel_loop3A_399 = vector.broadcast %parallel_loop3A_398 : i32 to vector<16xi32>
        %parallel_loop3A_400 = arith.addi %parallel_loop3A_397, %parallel_loop3A_399 : vector<16xi32>
        tpu.vector_store_idx %arg8[%parallel_loop3A_244, %parallel_loop3A_400], %parallel_loop3A_291 : memref<128x136xf32, #tpu.memory_space<vmem>>[vector<16xi32>, vector<16xi32>], vector<16xf32>,
        %parallel_loop3A_401 = arith.constant 1 : i32
        %parallel_loop3A_402 = vector.broadcast %parallel_loop3A_401 : i32 to vector<16xi32>
        %parallel_loop3A_403 = arith.addi %parallel_loop3A_400, %parallel_loop3A_402 : vector<16xi32>
        tpu.vector_store_idx %arg8[%parallel_loop3A_244, %parallel_loop3A_403], %parallel_loop3A_295 : memref<128x136xf32, #tpu.memory_space<vmem>>[vector<16xi32>, vector<16xi32>], vector<16xf32>,
        %parallel_loop3A_404 = arith.constant 1 : i32
        %parallel_loop3A_405 = vector.broadcast %parallel_loop3A_404 : i32 to vector<16xi32>
        %parallel_loop3A_406 = arith.addi %parallel_loop3A_403, %parallel_loop3A_405 : vector<16xi32>
        tpu.vector_store_idx %arg8[%parallel_loop3A_244, %parallel_loop3A_406], %parallel_loop3A_299 : memref<128x136xf32, #tpu.memory_space<vmem>>[vector<16xi32>, vector<16xi32>], vector<16xf32>,
        %parallel_loop3A_407 = arith.constant 1 : i32
        %parallel_loop3A_408 = vector.broadcast %parallel_loop3A_407 : i32 to vector<16xi32>
        %parallel_loop3A_409 = arith.addi %parallel_loop3A_406, %parallel_loop3A_408 : vector<16xi32>
        tpu.vector_store_idx %arg8[%parallel_loop3A_244, %parallel_loop3A_409], %parallel_loop3A_303 : memref<128x136xf32, #tpu.memory_space<vmem>>[vector<16xi32>, vector<16xi32>], vector<16xf32>,
        %parallel_loop3A_410 = arith.constant 1 : i32
        %parallel_loop3A_411 = vector.broadcast %parallel_loop3A_410 : i32 to vector<16xi32>
        %parallel_loop3A_412 = arith.addi %parallel_loop3A_409, %parallel_loop3A_411 : vector<16xi32>
        tpu.vector_store_idx %arg8[%parallel_loop3A_244, %parallel_loop3A_412], %parallel_loop3A_307 : memref<128x136xf32, #tpu.memory_space<vmem>>[vector<16xi32>, vector<16xi32>], vector<16xf32>,
        %parallel_loop3A_413 = arith.constant 1 : i32
        %parallel_loop3A_414 = vector.broadcast %parallel_loop3A_413 : i32 to vector<16xi32>
        %parallel_loop3A_415 = arith.addi %parallel_loop3A_412, %parallel_loop3A_414 : vector<16xi32>
        tpu.vector_store_idx %arg8[%parallel_loop3A_244, %parallel_loop3A_415], %parallel_loop3A_311 : memref<128x136xf32, #tpu.memory_space<vmem>>[vector<16xi32>, vector<16xi32>], vector<16xf32>,
        %parallel_loop3A_416 = arith.constant 1 : i32
        %parallel_loop3A_417 = vector.broadcast %parallel_loop3A_416 : i32 to vector<16xi32>
        %parallel_loop3A_418 = arith.addi %parallel_loop3A_415, %parallel_loop3A_417 : vector<16xi32>
        tpu.vector_store_idx %arg8[%parallel_loop3A_244, %parallel_loop3A_418], %parallel_loop3A_315 : memref<128x136xf32, #tpu.memory_space<vmem>>[vector<16xi32>, vector<16xi32>], vector<16xf32>,
        %parallel_loop3A_419 = arith.constant 1 : i32
        %parallel_loop3A_420 = vector.broadcast %parallel_loop3A_419 : i32 to vector<16xi32>
        %parallel_loop3A_421 = arith.addi %parallel_loop3A_418, %parallel_loop3A_420 : vector<16xi32>
        tpu.vector_store_idx %arg8[%parallel_loop3A_244, %parallel_loop3A_421], %parallel_loop3A_319 : memref<128x136xf32, #tpu.memory_space<vmem>>[vector<16xi32>, vector<16xi32>], vector<16xf32>,
        %parallel_loop3A_422 = arith.constant 1 : i32
        %parallel_loop3A_423 = vector.broadcast %parallel_loop3A_422 : i32 to vector<16xi32>
        %parallel_loop3A_424 = arith.addi %parallel_loop3A_421, %parallel_loop3A_423 : vector<16xi32>
        tpu.vector_store_idx %arg8[%parallel_loop3A_244, %parallel_loop3A_424], %parallel_loop3A_323 : memref<128x136xf32, #tpu.memory_space<vmem>>[vector<16xi32>, vector<16xi32>], vector<16xf32>,
        %parallel_loop3A_425 = arith.constant 1 : i32
        %parallel_loop3A_426 = vector.broadcast %parallel_loop3A_425 : i32 to vector<16xi32>
        %parallel_loop3A_427 = arith.addi %parallel_loop3A_424, %parallel_loop3A_426 : vector<16xi32>
        tpu.vector_store_idx %arg8[%parallel_loop3A_244, %parallel_loop3A_427], %parallel_loop3A_327 : memref<128x136xf32, #tpu.memory_space<vmem>>[vector<16xi32>, vector<16xi32>], vector<16xf32>,
        %parallel_loop3A_428 = arith.constant 1 : i32
        %parallel_loop3A_429 = vector.broadcast %parallel_loop3A_428 : i32 to vector<16xi32>
        %parallel_loop3A_430 = arith.addi %parallel_loop3A_427, %parallel_loop3A_429 : vector<16xi32>
        tpu.vector_store_idx %arg8[%parallel_loop3A_244, %parallel_loop3A_430], %parallel_loop3A_331 : memref<128x136xf32, #tpu.memory_space<vmem>>[vector<16xi32>, vector<16xi32>], vector<16xf32>,
        %parallel_loop3A_431 = arith.constant 1 : i32
        %parallel_loop3A_432 = vector.broadcast %parallel_loop3A_431 : i32 to vector<16xi32>
        %parallel_loop3A_433 = arith.addi %parallel_loop3A_430, %parallel_loop3A_432 : vector<16xi32>
        tpu.vector_store_idx %arg8[%parallel_loop3A_244, %parallel_loop3A_433], %parallel_loop3A_335 : memref<128x136xf32, #tpu.memory_space<vmem>>[vector<16xi32>, vector<16xi32>], vector<16xf32>,
        %parallel_loop3A_434 = arith.constant 1 : i32
        %parallel_loop3A_435 = vector.broadcast %parallel_loop3A_434 : i32 to vector<16xi32>
        %parallel_loop3A_436 = arith.addi %parallel_loop3A_433, %parallel_loop3A_435 : vector<16xi32>
        tpu.vector_store_idx %arg8[%parallel_loop3A_244, %parallel_loop3A_436], %parallel_loop3A_339 : memref<128x136xf32, #tpu.memory_space<vmem>>[vector<16xi32>, vector<16xi32>], vector<16xf32>,
        %parallel_loop3A_437 = arith.constant 1 : i32
        %parallel_loop3A_438 = vector.broadcast %parallel_loop3A_437 : i32 to vector<16xi32>
        %parallel_loop3A_439 = arith.addi %parallel_loop3A_436, %parallel_loop3A_438 : vector<16xi32>
        tpu.vector_store_idx %arg8[%parallel_loop3A_244, %parallel_loop3A_439], %parallel_loop3A_343 : memref<128x136xf32, #tpu.memory_space<vmem>>[vector<16xi32>, vector<16xi32>], vector<16xf32>,
        %parallel_loop3A_440 = arith.constant 1 : i32
        %parallel_loop3A_441 = vector.broadcast %parallel_loop3A_440 : i32 to vector<16xi32>
        %parallel_loop3A_442 = arith.addi %parallel_loop3A_439, %parallel_loop3A_441 : vector<16xi32>
        tpu.vector_store_idx %arg8[%parallel_loop3A_244, %parallel_loop3A_442], %parallel_loop3A_347 : memref<128x136xf32, #tpu.memory_space<vmem>>[vector<16xi32>, vector<16xi32>], vector<16xf32>,
        %parallel_loop3A_443 = arith.constant 1 : i32
        %parallel_loop3A_444 = vector.broadcast %parallel_loop3A_443 : i32 to vector<16xi32>
        %parallel_loop3A_445 = arith.addi %parallel_loop3A_442, %parallel_loop3A_444 : vector<16xi32>
        tpu.vector_store_idx %arg8[%parallel_loop3A_244, %parallel_loop3A_445], %parallel_loop3A_351 : memref<128x136xf32, #tpu.memory_space<vmem>>[vector<16xi32>, vector<16xi32>], vector<16xf32>,
        %parallel_loop3A_446 = arith.constant 1 : i32
        %parallel_loop3A_447 = vector.broadcast %parallel_loop3A_446 : i32 to vector<16xi32>
        %parallel_loop3A_448 = arith.addi %parallel_loop3A_445, %parallel_loop3A_447 : vector<16xi32>
        tpu.vector_store_idx %arg8[%parallel_loop3A_244, %parallel_loop3A_448], %parallel_loop3A_355 : memref<128x136xf32, #tpu.memory_space<vmem>>[vector<16xi32>, vector<16xi32>], vector<16xf32>,
        %parallel_loop3A_449 = arith.constant 1 : i32
        %parallel_loop3A_450 = vector.broadcast %parallel_loop3A_449 : i32 to vector<16xi32>
        %parallel_loop3A_451 = arith.addi %parallel_loop3A_448, %parallel_loop3A_450 : vector<16xi32>
        tpu.vector_store_idx %arg8[%parallel_loop3A_244, %parallel_loop3A_451], %parallel_loop3A_359 : memref<128x136xf32, #tpu.memory_space<vmem>>[vector<16xi32>, vector<16xi32>], vector<16xf32>,
        %parallel_loop3A_452 = arith.constant 1 : i32
        %parallel_loop3A_453 = vector.broadcast %parallel_loop3A_452 : i32 to vector<16xi32>
        %parallel_loop3A_454 = arith.addi %parallel_loop3A_451, %parallel_loop3A_453 : vector<16xi32>
        tpu.vector_store_idx %arg8[%parallel_loop3A_244, %parallel_loop3A_454], %parallel_loop3A_363 : memref<128x136xf32, #tpu.memory_space<vmem>>[vector<16xi32>, vector<16xi32>], vector<16xf32>,
        %parallel_loop3A_455 = arith.constant 1 : i32
        %parallel_loop3A_456 = vector.broadcast %parallel_loop3A_455 : i32 to vector<16xi32>
        %parallel_loop3A_457 = arith.addi %parallel_loop3A_454, %parallel_loop3A_456 : vector<16xi32>
        tpu.vector_store_idx %arg8[%parallel_loop3A_244, %parallel_loop3A_457], %parallel_loop3A_367 : memref<128x136xf32, #tpu.memory_space<vmem>>[vector<16xi32>, vector<16xi32>], vector<16xf32>,
        %parallel_loop3A_458 = arith.constant 1 : i32
        %parallel_loop3A_459 = vector.broadcast %parallel_loop3A_458 : i32 to vector<16xi32>
        %parallel_loop3A_460 = arith.addi %parallel_loop3A_457, %parallel_loop3A_459 : vector<16xi32>
        tpu.vector_store_idx %arg8[%parallel_loop3A_244, %parallel_loop3A_460], %parallel_loop3A_371 : memref<128x136xf32, #tpu.memory_space<vmem>>[vector<16xi32>, vector<16xi32>], vector<16xf32>,
        %parallel_loop3A_461 = arith.constant 1 : i32
        %parallel_loop3A_462 = vector.broadcast %parallel_loop3A_461 : i32 to vector<16xi32>
        %parallel_loop3A_463 = arith.addi %parallel_loop3A_460, %parallel_loop3A_462 : vector<16xi32>
        tpu.vector_store_idx %arg8[%parallel_loop3A_244, %parallel_loop3A_463], %parallel_loop3A_375 : memref<128x136xf32, #tpu.memory_space<vmem>>[vector<16xi32>, vector<16xi32>], vector<16xf32>,
        %parallel_loop3A_464 = arith.constant 1 : i32
        %parallel_loop3A_465 = vector.broadcast %parallel_loop3A_464 : i32 to vector<16xi32>
        %parallel_loop3A_466 = arith.addi %parallel_loop3A_463, %parallel_loop3A_465 : vector<16xi32>
        tpu.vector_store_idx %arg8[%parallel_loop3A_244, %parallel_loop3A_466], %parallel_loop3A_379 : memref<128x136xf32, #tpu.memory_space<vmem>>[vector<16xi32>, vector<16xi32>], vector<16xf32>,
        %parallel_loop3A_467 = arith.constant 1 : i32
        %parallel_loop3A_468 = vector.broadcast %parallel_loop3A_467 : i32 to vector<16xi32>
        %parallel_loop3A_469 = arith.addi %parallel_loop3A_466, %parallel_loop3A_468 : vector<16xi32>
        %parallel_loop3A_470 = arith.constant 1 : i32
        %parallel_loop3A_471 = arith.index_cast %parallel_loop3A_470 : i32 to index
        %parallel_loop3A_472 = arith.index_cast %parallel_loop3A_242 : i32 to index
        %parallel_loop3A_473 = tpu.vector_load %arg6[%parallel_loop3A_471, %parallel_loop3A_472] {strides = array<i32>} : memref<23x128xf32, #tpu.memory_space<vmem>>, vector<16xf32>,
        %parallel_loop3A_474 = arith.fptosi %parallel_loop3A_473 : vector<16xf32> to vector<16xi32>
        %parallel_loop3A_475 = arith.constant 16 : i32
        %parallel_loop3A_476 = vector.broadcast %parallel_loop3A_475 : i32 to vector<16xi32>
        %parallel_loop3A_477 = arith.muli %parallel_loop3A_474, %parallel_loop3A_476 : vector<16xi32>
        %parallel_loop3A_478 = arith.constant 1920 : i32
        %parallel_loop3A_479 = vector.broadcast %parallel_loop3A_478 : i32 to vector<16xi32>
        %parallel_loop3A_480 = arith.addi %parallel_loop3A_477, %parallel_loop3A_479 : vector<16xi32>
        %parallel_loop3A_481 = arith.addi %mul3A_5, %parallel_loop3A_480 : vector<16xi32>
        %parallel_loop3A_482 = arith.constant 0 : i32
        %parallel_loop3A_483 = vector.broadcast %parallel_loop3A_482 : i32 to vector<16xi32>
        %parallel_loop3A_484 = arith.addi %parallel_loop3A_481, %parallel_loop3A_483 : vector<16xi32>
        %parallel_loop3A_485 = tpu.vector_load_idx %arg9[%parallel_loop3A_484] : memref<53008xf32, #tpu.memory_space<vmem>>[vector<16xi32>], vector<16xf32>,
        %parallel_loop3A_486 = arith.constant 1 : i32
        %parallel_loop3A_487 = vector.broadcast %parallel_loop3A_486 : i32 to vector<16xi32>
        %parallel_loop3A_488 = arith.addi %parallel_loop3A_481, %parallel_loop3A_487 : vector<16xi32>
        %parallel_loop3A_489 = tpu.vector_load_idx %arg9[%parallel_loop3A_488] : memref<53008xf32, #tpu.memory_space<vmem>>[vector<16xi32>], vector<16xf32>,
        %parallel_loop3A_490 = arith.constant 2 : i32
        %parallel_loop3A_491 = vector.broadcast %parallel_loop3A_490 : i32 to vector<16xi32>
        %parallel_loop3A_492 = arith.addi %parallel_loop3A_481, %parallel_loop3A_491 : vector<16xi32>
        %parallel_loop3A_493 = tpu.vector_load_idx %arg9[%parallel_loop3A_492] : memref<53008xf32, #tpu.memory_space<vmem>>[vector<16xi32>], vector<16xf32>,
        %parallel_loop3A_494 = arith.constant 3 : i32
        %parallel_loop3A_495 = vector.broadcast %parallel_loop3A_494 : i32 to vector<16xi32>
        %parallel_loop3A_496 = arith.addi %parallel_loop3A_481, %parallel_loop3A_495 : vector<16xi32>
        %parallel_loop3A_497 = tpu.vector_load_idx %arg9[%parallel_loop3A_496] : memref<53008xf32, #tpu.memory_space<vmem>>[vector<16xi32>], vector<16xf32>,
        %parallel_loop3A_498 = arith.constant 4 : i32
        %parallel_loop3A_499 = vector.broadcast %parallel_loop3A_498 : i32 to vector<16xi32>
        %parallel_loop3A_500 = arith.addi %parallel_loop3A_481, %parallel_loop3A_499 : vector<16xi32>
        %parallel_loop3A_501 = tpu.vector_load_idx %arg9[%parallel_loop3A_500] : memref<53008xf32, #tpu.memory_space<vmem>>[vector<16xi32>], vector<16xf32>,
        %parallel_loop3A_502 = arith.constant 5 : i32
        %parallel_loop3A_503 = vector.broadcast %parallel_loop3A_502 : i32 to vector<16xi32>
        %parallel_loop3A_504 = arith.addi %parallel_loop3A_481, %parallel_loop3A_503 : vector<16xi32>
        %parallel_loop3A_505 = tpu.vector_load_idx %arg9[%parallel_loop3A_504] : memref<53008xf32, #tpu.memory_space<vmem>>[vector<16xi32>], vector<16xf32>,
        %parallel_loop3A_506 = arith.constant 6 : i32
        %parallel_loop3A_507 = vector.broadcast %parallel_loop3A_506 : i32 to vector<16xi32>
        %parallel_loop3A_508 = arith.addi %parallel_loop3A_481, %parallel_loop3A_507 : vector<16xi32>
        %parallel_loop3A_509 = tpu.vector_load_idx %arg9[%parallel_loop3A_508] : memref<53008xf32, #tpu.memory_space<vmem>>[vector<16xi32>], vector<16xf32>,
        %parallel_loop3A_510 = arith.constant 7 : i32
        %parallel_loop3A_511 = vector.broadcast %parallel_loop3A_510 : i32 to vector<16xi32>
        %parallel_loop3A_512 = arith.addi %parallel_loop3A_481, %parallel_loop3A_511 : vector<16xi32>
        %parallel_loop3A_513 = tpu.vector_load_idx %arg9[%parallel_loop3A_512] : memref<53008xf32, #tpu.memory_space<vmem>>[vector<16xi32>], vector<16xf32>,
        %parallel_loop3A_514 = arith.constant 8 : i32
        %parallel_loop3A_515 = vector.broadcast %parallel_loop3A_514 : i32 to vector<16xi32>
        %parallel_loop3A_516 = arith.addi %parallel_loop3A_481, %parallel_loop3A_515 : vector<16xi32>
        %parallel_loop3A_517 = tpu.vector_load_idx %arg9[%parallel_loop3A_516] : memref<53008xf32, #tpu.memory_space<vmem>>[vector<16xi32>], vector<16xf32>,
        %parallel_loop3A_518 = arith.constant 9 : i32
        %parallel_loop3A_519 = vector.broadcast %parallel_loop3A_518 : i32 to vector<16xi32>
        %parallel_loop3A_520 = arith.addi %parallel_loop3A_481, %parallel_loop3A_519 : vector<16xi32>
        %parallel_loop3A_521 = tpu.vector_load_idx %arg9[%parallel_loop3A_520] : memref<53008xf32, #tpu.memory_space<vmem>>[vector<16xi32>], vector<16xf32>,
        tpu.vector_store_idx %arg8[%parallel_loop3A_244, %parallel_loop3A_469], %parallel_loop3A_485 : memref<128x136xf32, #tpu.memory_space<vmem>>[vector<16xi32>, vector<16xi32>], vector<16xf32>,
        %parallel_loop3A_522 = arith.constant 1 : i32
        %parallel_loop3A_523 = vector.broadcast %parallel_loop3A_522 : i32 to vector<16xi32>
        %parallel_loop3A_524 = arith.addi %parallel_loop3A_469, %parallel_loop3A_523 : vector<16xi32>
        tpu.vector_store_idx %arg8[%parallel_loop3A_244, %parallel_loop3A_524], %parallel_loop3A_489 : memref<128x136xf32, #tpu.memory_space<vmem>>[vector<16xi32>, vector<16xi32>], vector<16xf32>,
        %parallel_loop3A_525 = arith.constant 1 : i32
        %parallel_loop3A_526 = vector.broadcast %parallel_loop3A_525 : i32 to vector<16xi32>
        %parallel_loop3A_527 = arith.addi %parallel_loop3A_524, %parallel_loop3A_526 : vector<16xi32>
        tpu.vector_store_idx %arg8[%parallel_loop3A_244, %parallel_loop3A_527], %parallel_loop3A_493 : memref<128x136xf32, #tpu.memory_space<vmem>>[vector<16xi32>, vector<16xi32>], vector<16xf32>,
        %parallel_loop3A_528 = arith.constant 1 : i32
        %parallel_loop3A_529 = vector.broadcast %parallel_loop3A_528 : i32 to vector<16xi32>
        %parallel_loop3A_530 = arith.addi %parallel_loop3A_527, %parallel_loop3A_529 : vector<16xi32>
        tpu.vector_store_idx %arg8[%parallel_loop3A_244, %parallel_loop3A_530], %parallel_loop3A_497 : memref<128x136xf32, #tpu.memory_space<vmem>>[vector<16xi32>, vector<16xi32>], vector<16xf32>,
        %parallel_loop3A_531 = arith.constant 1 : i32
        %parallel_loop3A_532 = vector.broadcast %parallel_loop3A_531 : i32 to vector<16xi32>
        %parallel_loop3A_533 = arith.addi %parallel_loop3A_530, %parallel_loop3A_532 : vector<16xi32>
        tpu.vector_store_idx %arg8[%parallel_loop3A_244, %parallel_loop3A_533], %parallel_loop3A_501 : memref<128x136xf32, #tpu.memory_space<vmem>>[vector<16xi32>, vector<16xi32>], vector<16xf32>,
        %parallel_loop3A_534 = arith.constant 1 : i32
        %parallel_loop3A_535 = vector.broadcast %parallel_loop3A_534 : i32 to vector<16xi32>
        %parallel_loop3A_536 = arith.addi %parallel_loop3A_533, %parallel_loop3A_535 : vector<16xi32>
        tpu.vector_store_idx %arg8[%parallel_loop3A_244, %parallel_loop3A_536], %parallel_loop3A_505 : memref<128x136xf32, #tpu.memory_space<vmem>>[vector<16xi32>, vector<16xi32>], vector<16xf32>,
        %parallel_loop3A_537 = arith.constant 1 : i32
        %parallel_loop3A_538 = vector.broadcast %parallel_loop3A_537 : i32 to vector<16xi32>
        %parallel_loop3A_539 = arith.addi %parallel_loop3A_536, %parallel_loop3A_538 : vector<16xi32>
        tpu.vector_store_idx %arg8[%parallel_loop3A_244, %parallel_loop3A_539], %parallel_loop3A_509 : memref<128x136xf32, #tpu.memory_space<vmem>>[vector<16xi32>, vector<16xi32>], vector<16xf32>,
        %parallel_loop3A_540 = arith.constant 1 : i32
        %parallel_loop3A_541 = vector.broadcast %parallel_loop3A_540 : i32 to vector<16xi32>
        %parallel_loop3A_542 = arith.addi %parallel_loop3A_539, %parallel_loop3A_541 : vector<16xi32>
        tpu.vector_store_idx %arg8[%parallel_loop3A_244, %parallel_loop3A_542], %parallel_loop3A_513 : memref<128x136xf32, #tpu.memory_space<vmem>>[vector<16xi32>, vector<16xi32>], vector<16xf32>,
        %parallel_loop3A_543 = arith.constant 1 : i32
        %parallel_loop3A_544 = vector.broadcast %parallel_loop3A_543 : i32 to vector<16xi32>
        %parallel_loop3A_545 = arith.addi %parallel_loop3A_542, %parallel_loop3A_544 : vector<16xi32>
        tpu.vector_store_idx %arg8[%parallel_loop3A_244, %parallel_loop3A_545], %parallel_loop3A_517 : memref<128x136xf32, #tpu.memory_space<vmem>>[vector<16xi32>, vector<16xi32>], vector<16xf32>,
        %parallel_loop3A_546 = arith.constant 1 : i32
        %parallel_loop3A_547 = vector.broadcast %parallel_loop3A_546 : i32 to vector<16xi32>
        %parallel_loop3A_548 = arith.addi %parallel_loop3A_545, %parallel_loop3A_547 : vector<16xi32>
        tpu.vector_store_idx %arg8[%parallel_loop3A_244, %parallel_loop3A_548], %parallel_loop3A_521 : memref<128x136xf32, #tpu.memory_space<vmem>>[vector<16xi32>, vector<16xi32>], vector<16xf32>,
        %parallel_loop3A_549 = arith.constant 1 : i32
        %parallel_loop3A_550 = vector.broadcast %parallel_loop3A_549 : i32 to vector<16xi32>
        %parallel_loop3A_551 = arith.addi %parallel_loop3A_548, %parallel_loop3A_550 : vector<16xi32>
        %parallel_loop3A_552 = arith.constant 2 : i32
        %parallel_loop3A_553 = arith.index_cast %parallel_loop3A_552 : i32 to index
        %parallel_loop3A_554 = arith.index_cast %parallel_loop3A_242 : i32 to index
        %parallel_loop3A_555 = tpu.vector_load %arg6[%parallel_loop3A_553, %parallel_loop3A_554] {strides = array<i32>} : memref<23x128xf32, #tpu.memory_space<vmem>>, vector<16xf32>,
        %parallel_loop3A_556 = arith.fptosi %parallel_loop3A_555 : vector<16xf32> to vector<16xi32>
        %parallel_loop3A_557 = arith.constant 16 : i32
        %parallel_loop3A_558 = vector.broadcast %parallel_loop3A_557 : i32 to vector<16xi32>
        %parallel_loop3A_559 = arith.muli %parallel_loop3A_556, %parallel_loop3A_558 : vector<16xi32>
        %parallel_loop3A_560 = arith.constant 1920 : i32
        %parallel_loop3A_561 = vector.broadcast %parallel_loop3A_560 : i32 to vector<16xi32>
        %parallel_loop3A_562 = arith.addi %parallel_loop3A_559, %parallel_loop3A_561 : vector<16xi32>
        %parallel_loop3A_563 = arith.addi %mul3A_5, %parallel_loop3A_562 : vector<16xi32>
        %parallel_loop3A_564 = arith.constant 0 : i32
        %parallel_loop3A_565 = vector.broadcast %parallel_loop3A_564 : i32 to vector<16xi32>
        %parallel_loop3A_566 = arith.addi %parallel_loop3A_563, %parallel_loop3A_565 : vector<16xi32>
        %parallel_loop3A_567 = tpu.vector_load_idx %arg9[%parallel_loop3A_566] : memref<53008xf32, #tpu.memory_space<vmem>>[vector<16xi32>], vector<16xf32>,
        %parallel_loop3A_568 = arith.constant 1 : i32
        %parallel_loop3A_569 = vector.broadcast %parallel_loop3A_568 : i32 to vector<16xi32>
        %parallel_loop3A_570 = arith.addi %parallel_loop3A_563, %parallel_loop3A_569 : vector<16xi32>
        %parallel_loop3A_571 = tpu.vector_load_idx %arg9[%parallel_loop3A_570] : memref<53008xf32, #tpu.memory_space<vmem>>[vector<16xi32>], vector<16xf32>,
        %parallel_loop3A_572 = arith.constant 2 : i32
        %parallel_loop3A_573 = vector.broadcast %parallel_loop3A_572 : i32 to vector<16xi32>
        %parallel_loop3A_574 = arith.addi %parallel_loop3A_563, %parallel_loop3A_573 : vector<16xi32>
        %parallel_loop3A_575 = tpu.vector_load_idx %arg9[%parallel_loop3A_574] : memref<53008xf32, #tpu.memory_space<vmem>>[vector<16xi32>], vector<16xf32>,
        %parallel_loop3A_576 = arith.constant 3 : i32
        %parallel_loop3A_577 = vector.broadcast %parallel_loop3A_576 : i32 to vector<16xi32>
        %parallel_loop3A_578 = arith.addi %parallel_loop3A_563, %parallel_loop3A_577 : vector<16xi32>
        %parallel_loop3A_579 = tpu.vector_load_idx %arg9[%parallel_loop3A_578] : memref<53008xf32, #tpu.memory_space<vmem>>[vector<16xi32>], vector<16xf32>,
        %parallel_loop3A_580 = arith.constant 4 : i32
        %parallel_loop3A_581 = vector.broadcast %parallel_loop3A_580 : i32 to vector<16xi32>
        %parallel_loop3A_582 = arith.addi %parallel_loop3A_563, %parallel_loop3A_581 : vector<16xi32>
        %parallel_loop3A_583 = tpu.vector_load_idx %arg9[%parallel_loop3A_582] : memref<53008xf32, #tpu.memory_space<vmem>>[vector<16xi32>], vector<16xf32>,
        %parallel_loop3A_584 = arith.constant 5 : i32
        %parallel_loop3A_585 = vector.broadcast %parallel_loop3A_584 : i32 to vector<16xi32>
        %parallel_loop3A_586 = arith.addi %parallel_loop3A_563, %parallel_loop3A_585 : vector<16xi32>
        %parallel_loop3A_587 = tpu.vector_load_idx %arg9[%parallel_loop3A_586] : memref<53008xf32, #tpu.memory_space<vmem>>[vector<16xi32>], vector<16xf32>,
        %parallel_loop3A_588 = arith.constant 6 : i32
        %parallel_loop3A_589 = vector.broadcast %parallel_loop3A_588 : i32 to vector<16xi32>
        %parallel_loop3A_590 = arith.addi %parallel_loop3A_563, %parallel_loop3A_589 : vector<16xi32>
        %parallel_loop3A_591 = tpu.vector_load_idx %arg9[%parallel_loop3A_590] : memref<53008xf32, #tpu.memory_space<vmem>>[vector<16xi32>], vector<16xf32>,
        %parallel_loop3A_592 = arith.constant 7 : i32
        %parallel_loop3A_593 = vector.broadcast %parallel_loop3A_592 : i32 to vector<16xi32>
        %parallel_loop3A_594 = arith.addi %parallel_loop3A_563, %parallel_loop3A_593 : vector<16xi32>
        %parallel_loop3A_595 = tpu.vector_load_idx %arg9[%parallel_loop3A_594] : memref<53008xf32, #tpu.memory_space<vmem>>[vector<16xi32>], vector<16xf32>,
        %parallel_loop3A_596 = arith.constant 8 : i32
        %parallel_loop3A_597 = vector.broadcast %parallel_loop3A_596 : i32 to vector<16xi32>
        %parallel_loop3A_598 = arith.addi %parallel_loop3A_563, %parallel_loop3A_597 : vector<16xi32>
        %parallel_loop3A_599 = tpu.vector_load_idx %arg9[%parallel_loop3A_598] : memref<53008xf32, #tpu.memory_space<vmem>>[vector<16xi32>], vector<16xf32>,
        %parallel_loop3A_600 = arith.constant 9 : i32
        %parallel_loop3A_601 = vector.broadcast %parallel_loop3A_600 : i32 to vector<16xi32>
        %parallel_loop3A_602 = arith.addi %parallel_loop3A_563, %parallel_loop3A_601 : vector<16xi32>
        %parallel_loop3A_603 = tpu.vector_load_idx %arg9[%parallel_loop3A_602] : memref<53008xf32, #tpu.memory_space<vmem>>[vector<16xi32>], vector<16xf32>,
        tpu.vector_store_idx %arg8[%parallel_loop3A_244, %parallel_loop3A_551], %parallel_loop3A_567 : memref<128x136xf32, #tpu.memory_space<vmem>>[vector<16xi32>, vector<16xi32>], vector<16xf32>,
        %parallel_loop3A_604 = arith.constant 1 : i32
        %parallel_loop3A_605 = vector.broadcast %parallel_loop3A_604 : i32 to vector<16xi32>
        %parallel_loop3A_606 = arith.addi %parallel_loop3A_551, %parallel_loop3A_605 : vector<16xi32>
        tpu.vector_store_idx %arg8[%parallel_loop3A_244, %parallel_loop3A_606], %parallel_loop3A_571 : memref<128x136xf32, #tpu.memory_space<vmem>>[vector<16xi32>, vector<16xi32>], vector<16xf32>,
        %parallel_loop3A_607 = arith.constant 1 : i32
        %parallel_loop3A_608 = vector.broadcast %parallel_loop3A_607 : i32 to vector<16xi32>
        %parallel_loop3A_609 = arith.addi %parallel_loop3A_606, %parallel_loop3A_608 : vector<16xi32>
        tpu.vector_store_idx %arg8[%parallel_loop3A_244, %parallel_loop3A_609], %parallel_loop3A_575 : memref<128x136xf32, #tpu.memory_space<vmem>>[vector<16xi32>, vector<16xi32>], vector<16xf32>,
        %parallel_loop3A_610 = arith.constant 1 : i32
        %parallel_loop3A_611 = vector.broadcast %parallel_loop3A_610 : i32 to vector<16xi32>
        %parallel_loop3A_612 = arith.addi %parallel_loop3A_609, %parallel_loop3A_611 : vector<16xi32>
        tpu.vector_store_idx %arg8[%parallel_loop3A_244, %parallel_loop3A_612], %parallel_loop3A_579 : memref<128x136xf32, #tpu.memory_space<vmem>>[vector<16xi32>, vector<16xi32>], vector<16xf32>,
        %parallel_loop3A_613 = arith.constant 1 : i32
        %parallel_loop3A_614 = vector.broadcast %parallel_loop3A_613 : i32 to vector<16xi32>
        %parallel_loop3A_615 = arith.addi %parallel_loop3A_612, %parallel_loop3A_614 : vector<16xi32>
        tpu.vector_store_idx %arg8[%parallel_loop3A_244, %parallel_loop3A_615], %parallel_loop3A_583 : memref<128x136xf32, #tpu.memory_space<vmem>>[vector<16xi32>, vector<16xi32>], vector<16xf32>,
        %parallel_loop3A_616 = arith.constant 1 : i32
        %parallel_loop3A_617 = vector.broadcast %parallel_loop3A_616 : i32 to vector<16xi32>
        %parallel_loop3A_618 = arith.addi %parallel_loop3A_615, %parallel_loop3A_617 : vector<16xi32>
        tpu.vector_store_idx %arg8[%parallel_loop3A_244, %parallel_loop3A_618], %parallel_loop3A_587 : memref<128x136xf32, #tpu.memory_space<vmem>>[vector<16xi32>, vector<16xi32>], vector<16xf32>,
        %parallel_loop3A_619 = arith.constant 1 : i32
        %parallel_loop3A_620 = vector.broadcast %parallel_loop3A_619 : i32 to vector<16xi32>
        %parallel_loop3A_621 = arith.addi %parallel_loop3A_618, %parallel_loop3A_620 : vector<16xi32>
        tpu.vector_store_idx %arg8[%parallel_loop3A_244, %parallel_loop3A_621], %parallel_loop3A_591 : memref<128x136xf32, #tpu.memory_space<vmem>>[vector<16xi32>, vector<16xi32>], vector<16xf32>,
        %parallel_loop3A_622 = arith.constant 1 : i32
        %parallel_loop3A_623 = vector.broadcast %parallel_loop3A_622 : i32 to vector<16xi32>
        %parallel_loop3A_624 = arith.addi %parallel_loop3A_621, %parallel_loop3A_623 : vector<16xi32>
        tpu.vector_store_idx %arg8[%parallel_loop3A_244, %parallel_loop3A_624], %parallel_loop3A_595 : memref<128x136xf32, #tpu.memory_space<vmem>>[vector<16xi32>, vector<16xi32>], vector<16xf32>,
        %parallel_loop3A_625 = arith.constant 1 : i32
        %parallel_loop3A_626 = vector.broadcast %parallel_loop3A_625 : i32 to vector<16xi32>
        %parallel_loop3A_627 = arith.addi %parallel_loop3A_624, %parallel_loop3A_626 : vector<16xi32>
        tpu.vector_store_idx %arg8[%parallel_loop3A_244, %parallel_loop3A_627], %parallel_loop3A_599 : memref<128x136xf32, #tpu.memory_space<vmem>>[vector<16xi32>, vector<16xi32>], vector<16xf32>,
        %parallel_loop3A_628 = arith.constant 1 : i32
        %parallel_loop3A_629 = vector.broadcast %parallel_loop3A_628 : i32 to vector<16xi32>
        %parallel_loop3A_630 = arith.addi %parallel_loop3A_627, %parallel_loop3A_629 : vector<16xi32>
        tpu.vector_store_idx %arg8[%parallel_loop3A_244, %parallel_loop3A_630], %parallel_loop3A_603 : memref<128x136xf32, #tpu.memory_space<vmem>>[vector<16xi32>, vector<16xi32>], vector<16xf32>,
        %parallel_loop3A_631 = arith.constant 1 : i32
        %parallel_loop3A_632 = vector.broadcast %parallel_loop3A_631 : i32 to vector<16xi32>
        %parallel_loop3A_633 = arith.addi %parallel_loop3A_630, %parallel_loop3A_632 : vector<16xi32>
        %parallel_loop3A_634 = arith.constant 3 : i32
        %parallel_loop3A_635 = arith.index_cast %parallel_loop3A_634 : i32 to index
        %parallel_loop3A_636 = arith.index_cast %parallel_loop3A_242 : i32 to index
        %parallel_loop3A_637 = tpu.vector_load %arg6[%parallel_loop3A_635, %parallel_loop3A_636] {strides = array<i32>} : memref<23x128xf32, #tpu.memory_space<vmem>>, vector<16xf32>,
        %parallel_loop3A_638 = arith.fptosi %parallel_loop3A_637 : vector<16xf32> to vector<16xi32>
        %parallel_loop3A_639 = arith.constant 16 : i32
        %parallel_loop3A_640 = vector.broadcast %parallel_loop3A_639 : i32 to vector<16xi32>
        %parallel_loop3A_641 = arith.muli %parallel_loop3A_638, %parallel_loop3A_640 : vector<16xi32>
        %parallel_loop3A_642 = arith.constant 1920 : i32
        %parallel_loop3A_643 = vector.broadcast %parallel_loop3A_642 : i32 to vector<16xi32>
        %parallel_loop3A_644 = arith.addi %parallel_loop3A_641, %parallel_loop3A_643 : vector<16xi32>
        %parallel_loop3A_645 = arith.addi %mul3A_5, %parallel_loop3A_644 : vector<16xi32>
        %parallel_loop3A_646 = arith.constant 0 : i32
        %parallel_loop3A_647 = vector.broadcast %parallel_loop3A_646 : i32 to vector<16xi32>
        %parallel_loop3A_648 = arith.addi %parallel_loop3A_645, %parallel_loop3A_647 : vector<16xi32>
        %parallel_loop3A_649 = tpu.vector_load_idx %arg9[%parallel_loop3A_648] : memref<53008xf32, #tpu.memory_space<vmem>>[vector<16xi32>], vector<16xf32>,
        %parallel_loop3A_650 = arith.constant 1 : i32
        %parallel_loop3A_651 = vector.broadcast %parallel_loop3A_650 : i32 to vector<16xi32>
        %parallel_loop3A_652 = arith.addi %parallel_loop3A_645, %parallel_loop3A_651 : vector<16xi32>
        %parallel_loop3A_653 = tpu.vector_load_idx %arg9[%parallel_loop3A_652] : memref<53008xf32, #tpu.memory_space<vmem>>[vector<16xi32>], vector<16xf32>,
        %parallel_loop3A_654 = arith.constant 2 : i32
        %parallel_loop3A_655 = vector.broadcast %parallel_loop3A_654 : i32 to vector<16xi32>
        %parallel_loop3A_656 = arith.addi %parallel_loop3A_645, %parallel_loop3A_655 : vector<16xi32>
        %parallel_loop3A_657 = tpu.vector_load_idx %arg9[%parallel_loop3A_656] : memref<53008xf32, #tpu.memory_space<vmem>>[vector<16xi32>], vector<16xf32>,
        %parallel_loop3A_658 = arith.constant 3 : i32
        %parallel_loop3A_659 = vector.broadcast %parallel_loop3A_658 : i32 to vector<16xi32>
        %parallel_loop3A_660 = arith.addi %parallel_loop3A_645, %parallel_loop3A_659 : vector<16xi32>
        %parallel_loop3A_661 = tpu.vector_load_idx %arg9[%parallel_loop3A_660] : memref<53008xf32, #tpu.memory_space<vmem>>[vector<16xi32>], vector<16xf32>,
        %parallel_loop3A_662 = arith.constant 4 : i32
        %parallel_loop3A_663 = vector.broadcast %parallel_loop3A_662 : i32 to vector<16xi32>
        %parallel_loop3A_664 = arith.addi %parallel_loop3A_645, %parallel_loop3A_663 : vector<16xi32>
        %parallel_loop3A_665 = tpu.vector_load_idx %arg9[%parallel_loop3A_664] : memref<53008xf32, #tpu.memory_space<vmem>>[vector<16xi32>], vector<16xf32>,
        %parallel_loop3A_666 = arith.constant 5 : i32
        %parallel_loop3A_667 = vector.broadcast %parallel_loop3A_666 : i32 to vector<16xi32>
        %parallel_loop3A_668 = arith.addi %parallel_loop3A_645, %parallel_loop3A_667 : vector<16xi32>
        %parallel_loop3A_669 = tpu.vector_load_idx %arg9[%parallel_loop3A_668] : memref<53008xf32, #tpu.memory_space<vmem>>[vector<16xi32>], vector<16xf32>,
        %parallel_loop3A_670 = arith.constant 6 : i32
        %parallel_loop3A_671 = vector.broadcast %parallel_loop3A_670 : i32 to vector<16xi32>
        %parallel_loop3A_672 = arith.addi %parallel_loop3A_645, %parallel_loop3A_671 : vector<16xi32>
        %parallel_loop3A_673 = tpu.vector_load_idx %arg9[%parallel_loop3A_672] : memref<53008xf32, #tpu.memory_space<vmem>>[vector<16xi32>], vector<16xf32>,
        %parallel_loop3A_674 = arith.constant 7 : i32
        %parallel_loop3A_675 = vector.broadcast %parallel_loop3A_674 : i32 to vector<16xi32>
        %parallel_loop3A_676 = arith.addi %parallel_loop3A_645, %parallel_loop3A_675 : vector<16xi32>
        %parallel_loop3A_677 = tpu.vector_load_idx %arg9[%parallel_loop3A_676] : memref<53008xf32, #tpu.memory_space<vmem>>[vector<16xi32>], vector<16xf32>,
        %parallel_loop3A_678 = arith.constant 8 : i32
        %parallel_loop3A_679 = vector.broadcast %parallel_loop3A_678 : i32 to vector<16xi32>
        %parallel_loop3A_680 = arith.addi %parallel_loop3A_645, %parallel_loop3A_679 : vector<16xi32>
        %parallel_loop3A_681 = tpu.vector_load_idx %arg9[%parallel_loop3A_680] : memref<53008xf32, #tpu.memory_space<vmem>>[vector<16xi32>], vector<16xf32>,
        %parallel_loop3A_682 = arith.constant 9 : i32
        %parallel_loop3A_683 = vector.broadcast %parallel_loop3A_682 : i32 to vector<16xi32>
        %parallel_loop3A_684 = arith.addi %parallel_loop3A_645, %parallel_loop3A_683 : vector<16xi32>
        %parallel_loop3A_685 = tpu.vector_load_idx %arg9[%parallel_loop3A_684] : memref<53008xf32, #tpu.memory_space<vmem>>[vector<16xi32>], vector<16xf32>,
        tpu.vector_store_idx %arg8[%parallel_loop3A_244, %parallel_loop3A_633], %parallel_loop3A_649 : memref<128x136xf32, #tpu.memory_space<vmem>>[vector<16xi32>, vector<16xi32>], vector<16xf32>,
        %parallel_loop3A_686 = arith.constant 1 : i32
        %parallel_loop3A_687 = vector.broadcast %parallel_loop3A_686 : i32 to vector<16xi32>
        %parallel_loop3A_688 = arith.addi %parallel_loop3A_633, %parallel_loop3A_687 : vector<16xi32>
        tpu.vector_store_idx %arg8[%parallel_loop3A_244, %parallel_loop3A_688], %parallel_loop3A_653 : memref<128x136xf32, #tpu.memory_space<vmem>>[vector<16xi32>, vector<16xi32>], vector<16xf32>,
        %parallel_loop3A_689 = arith.constant 1 : i32
        %parallel_loop3A_690 = vector.broadcast %parallel_loop3A_689 : i32 to vector<16xi32>
        %parallel_loop3A_691 = arith.addi %parallel_loop3A_688, %parallel_loop3A_690 : vector<16xi32>
        tpu.vector_store_idx %arg8[%parallel_loop3A_244, %parallel_loop3A_691], %parallel_loop3A_657 : memref<128x136xf32, #tpu.memory_space<vmem>>[vector<16xi32>, vector<16xi32>], vector<16xf32>,
        %parallel_loop3A_692 = arith.constant 1 : i32
        %parallel_loop3A_693 = vector.broadcast %parallel_loop3A_692 : i32 to vector<16xi32>
        %parallel_loop3A_694 = arith.addi %parallel_loop3A_691, %parallel_loop3A_693 : vector<16xi32>
        tpu.vector_store_idx %arg8[%parallel_loop3A_244, %parallel_loop3A_694], %parallel_loop3A_661 : memref<128x136xf32, #tpu.memory_space<vmem>>[vector<16xi32>, vector<16xi32>], vector<16xf32>,
        %parallel_loop3A_695 = arith.constant 1 : i32
        %parallel_loop3A_696 = vector.broadcast %parallel_loop3A_695 : i32 to vector<16xi32>
        %parallel_loop3A_697 = arith.addi %parallel_loop3A_694, %parallel_loop3A_696 : vector<16xi32>
        tpu.vector_store_idx %arg8[%parallel_loop3A_244, %parallel_loop3A_697], %parallel_loop3A_665 : memref<128x136xf32, #tpu.memory_space<vmem>>[vector<16xi32>, vector<16xi32>], vector<16xf32>,
        %parallel_loop3A_698 = arith.constant 1 : i32
        %parallel_loop3A_699 = vector.broadcast %parallel_loop3A_698 : i32 to vector<16xi32>
        %parallel_loop3A_700 = arith.addi %parallel_loop3A_697, %parallel_loop3A_699 : vector<16xi32>
        tpu.vector_store_idx %arg8[%parallel_loop3A_244, %parallel_loop3A_700], %parallel_loop3A_669 : memref<128x136xf32, #tpu.memory_space<vmem>>[vector<16xi32>, vector<16xi32>], vector<16xf32>,
        %parallel_loop3A_701 = arith.constant 1 : i32
        %parallel_loop3A_702 = vector.broadcast %parallel_loop3A_701 : i32 to vector<16xi32>
        %parallel_loop3A_703 = arith.addi %parallel_loop3A_700, %parallel_loop3A_702 : vector<16xi32>
        tpu.vector_store_idx %arg8[%parallel_loop3A_244, %parallel_loop3A_703], %parallel_loop3A_673 : memref<128x136xf32, #tpu.memory_space<vmem>>[vector<16xi32>, vector<16xi32>], vector<16xf32>,
        %parallel_loop3A_704 = arith.constant 1 : i32
        %parallel_loop3A_705 = vector.broadcast %parallel_loop3A_704 : i32 to vector<16xi32>
        %parallel_loop3A_706 = arith.addi %parallel_loop3A_703, %parallel_loop3A_705 : vector<16xi32>
        tpu.vector_store_idx %arg8[%parallel_loop3A_244, %parallel_loop3A_706], %parallel_loop3A_677 : memref<128x136xf32, #tpu.memory_space<vmem>>[vector<16xi32>, vector<16xi32>], vector<16xf32>,
        %parallel_loop3A_707 = arith.constant 1 : i32
        %parallel_loop3A_708 = vector.broadcast %parallel_loop3A_707 : i32 to vector<16xi32>
        %parallel_loop3A_709 = arith.addi %parallel_loop3A_706, %parallel_loop3A_708 : vector<16xi32>
        tpu.vector_store_idx %arg8[%parallel_loop3A_244, %parallel_loop3A_709], %parallel_loop3A_681 : memref<128x136xf32, #tpu.memory_space<vmem>>[vector<16xi32>, vector<16xi32>], vector<16xf32>,
        %parallel_loop3A_710 = arith.constant 1 : i32
        %parallel_loop3A_711 = vector.broadcast %parallel_loop3A_710 : i32 to vector<16xi32>
        %parallel_loop3A_712 = arith.addi %parallel_loop3A_709, %parallel_loop3A_711 : vector<16xi32>
        tpu.vector_store_idx %arg8[%parallel_loop3A_244, %parallel_loop3A_712], %parallel_loop3A_685 : memref<128x136xf32, #tpu.memory_space<vmem>>[vector<16xi32>, vector<16xi32>], vector<16xf32>,
        %parallel_loop3A_713 = arith.constant 1 : i32
        %parallel_loop3A_714 = vector.broadcast %parallel_loop3A_713 : i32 to vector<16xi32>
        %parallel_loop3A_715 = arith.addi %parallel_loop3A_712, %parallel_loop3A_714 : vector<16xi32>
        %parallel_loop3A_716 = arith.constant 4 : i32
        %parallel_loop3A_717 = arith.index_cast %parallel_loop3A_716 : i32 to index
        %parallel_loop3A_718 = arith.index_cast %parallel_loop3A_242 : i32 to index
        %parallel_loop3A_719 = tpu.vector_load %arg6[%parallel_loop3A_717, %parallel_loop3A_718] {strides = array<i32>} : memref<23x128xf32, #tpu.memory_space<vmem>>, vector<16xf32>,
        %parallel_loop3A_720 = arith.fptosi %parallel_loop3A_719 : vector<16xf32> to vector<16xi32>
        %parallel_loop3A_721 = arith.constant 16 : i32
        %parallel_loop3A_722 = vector.broadcast %parallel_loop3A_721 : i32 to vector<16xi32>
        %parallel_loop3A_723 = arith.muli %parallel_loop3A_720, %parallel_loop3A_722 : vector<16xi32>
        %parallel_loop3A_724 = arith.constant 2880 : i32
        %parallel_loop3A_725 = vector.broadcast %parallel_loop3A_724 : i32 to vector<16xi32>
        %parallel_loop3A_726 = arith.addi %parallel_loop3A_723, %parallel_loop3A_725 : vector<16xi32>
        %parallel_loop3A_727 = arith.addi %mul3A_5, %parallel_loop3A_726 : vector<16xi32>
        %parallel_loop3A_728 = arith.constant 0 : i32
        %parallel_loop3A_729 = vector.broadcast %parallel_loop3A_728 : i32 to vector<16xi32>
        %parallel_loop3A_730 = arith.addi %parallel_loop3A_727, %parallel_loop3A_729 : vector<16xi32>
        %parallel_loop3A_731 = tpu.vector_load_idx %arg9[%parallel_loop3A_730] : memref<53008xf32, #tpu.memory_space<vmem>>[vector<16xi32>], vector<16xf32>,
        %parallel_loop3A_732 = arith.constant 1 : i32
        %parallel_loop3A_733 = vector.broadcast %parallel_loop3A_732 : i32 to vector<16xi32>
        %parallel_loop3A_734 = arith.addi %parallel_loop3A_727, %parallel_loop3A_733 : vector<16xi32>
        %parallel_loop3A_735 = tpu.vector_load_idx %arg9[%parallel_loop3A_734] : memref<53008xf32, #tpu.memory_space<vmem>>[vector<16xi32>], vector<16xf32>,
        %parallel_loop3A_736 = arith.constant 2 : i32
        %parallel_loop3A_737 = vector.broadcast %parallel_loop3A_736 : i32 to vector<16xi32>
        %parallel_loop3A_738 = arith.addi %parallel_loop3A_727, %parallel_loop3A_737 : vector<16xi32>
        %parallel_loop3A_739 = tpu.vector_load_idx %arg9[%parallel_loop3A_738] : memref<53008xf32, #tpu.memory_space<vmem>>[vector<16xi32>], vector<16xf32>,
        %parallel_loop3A_740 = arith.constant 3 : i32
        %parallel_loop3A_741 = vector.broadcast %parallel_loop3A_740 : i32 to vector<16xi32>
        %parallel_loop3A_742 = arith.addi %parallel_loop3A_727, %parallel_loop3A_741 : vector<16xi32>
        %parallel_loop3A_743 = tpu.vector_load_idx %arg9[%parallel_loop3A_742] : memref<53008xf32, #tpu.memory_space<vmem>>[vector<16xi32>], vector<16xf32>,
        %parallel_loop3A_744 = arith.constant 4 : i32
        %parallel_loop3A_745 = vector.broadcast %parallel_loop3A_744 : i32 to vector<16xi32>
        %parallel_loop3A_746 = arith.addi %parallel_loop3A_727, %parallel_loop3A_745 : vector<16xi32>
        %parallel_loop3A_747 = tpu.vector_load_idx %arg9[%parallel_loop3A_746] : memref<53008xf32, #tpu.memory_space<vmem>>[vector<16xi32>], vector<16xf32>,
        %parallel_loop3A_748 = arith.constant 5 : i32
        %parallel_loop3A_749 = vector.broadcast %parallel_loop3A_748 : i32 to vector<16xi32>
        %parallel_loop3A_750 = arith.addi %parallel_loop3A_727, %parallel_loop3A_749 : vector<16xi32>
        %parallel_loop3A_751 = tpu.vector_load_idx %arg9[%parallel_loop3A_750] : memref<53008xf32, #tpu.memory_space<vmem>>[vector<16xi32>], vector<16xf32>,
        %parallel_loop3A_752 = arith.constant 6 : i32
        %parallel_loop3A_753 = vector.broadcast %parallel_loop3A_752 : i32 to vector<16xi32>
        %parallel_loop3A_754 = arith.addi %parallel_loop3A_727, %parallel_loop3A_753 : vector<16xi32>
        %parallel_loop3A_755 = tpu.vector_load_idx %arg9[%parallel_loop3A_754] : memref<53008xf32, #tpu.memory_space<vmem>>[vector<16xi32>], vector<16xf32>,
        %parallel_loop3A_756 = arith.constant 7 : i32
        %parallel_loop3A_757 = vector.broadcast %parallel_loop3A_756 : i32 to vector<16xi32>
        %parallel_loop3A_758 = arith.addi %parallel_loop3A_727, %parallel_loop3A_757 : vector<16xi32>
        %parallel_loop3A_759 = tpu.vector_load_idx %arg9[%parallel_loop3A_758] : memref<53008xf32, #tpu.memory_space<vmem>>[vector<16xi32>], vector<16xf32>,
        tpu.vector_store_idx %arg8[%parallel_loop3A_244, %parallel_loop3A_715], %parallel_loop3A_731 : memref<128x136xf32, #tpu.memory_space<vmem>>[vector<16xi32>, vector<16xi32>], vector<16xf32>,
        %parallel_loop3A_760 = arith.constant 1 : i32
        %parallel_loop3A_761 = vector.broadcast %parallel_loop3A_760 : i32 to vector<16xi32>
        %parallel_loop3A_762 = arith.addi %parallel_loop3A_715, %parallel_loop3A_761 : vector<16xi32>
        tpu.vector_store_idx %arg8[%parallel_loop3A_244, %parallel_loop3A_762], %parallel_loop3A_735 : memref<128x136xf32, #tpu.memory_space<vmem>>[vector<16xi32>, vector<16xi32>], vector<16xf32>,
        %parallel_loop3A_763 = arith.constant 1 : i32
        %parallel_loop3A_764 = vector.broadcast %parallel_loop3A_763 : i32 to vector<16xi32>
        %parallel_loop3A_765 = arith.addi %parallel_loop3A_762, %parallel_loop3A_764 : vector<16xi32>
        tpu.vector_store_idx %arg8[%parallel_loop3A_244, %parallel_loop3A_765], %parallel_loop3A_739 : memref<128x136xf32, #tpu.memory_space<vmem>>[vector<16xi32>, vector<16xi32>], vector<16xf32>,
        %parallel_loop3A_766 = arith.constant 1 : i32
        %parallel_loop3A_767 = vector.broadcast %parallel_loop3A_766 : i32 to vector<16xi32>
        %parallel_loop3A_768 = arith.addi %parallel_loop3A_765, %parallel_loop3A_767 : vector<16xi32>
        tpu.vector_store_idx %arg8[%parallel_loop3A_244, %parallel_loop3A_768], %parallel_loop3A_743 : memref<128x136xf32, #tpu.memory_space<vmem>>[vector<16xi32>, vector<16xi32>], vector<16xf32>,
        %parallel_loop3A_769 = arith.constant 1 : i32
        %parallel_loop3A_770 = vector.broadcast %parallel_loop3A_769 : i32 to vector<16xi32>
        %parallel_loop3A_771 = arith.addi %parallel_loop3A_768, %parallel_loop3A_770 : vector<16xi32>
        tpu.vector_store_idx %arg8[%parallel_loop3A_244, %parallel_loop3A_771], %parallel_loop3A_747 : memref<128x136xf32, #tpu.memory_space<vmem>>[vector<16xi32>, vector<16xi32>], vector<16xf32>,
        %parallel_loop3A_772 = arith.constant 1 : i32
        %parallel_loop3A_773 = vector.broadcast %parallel_loop3A_772 : i32 to vector<16xi32>
        %parallel_loop3A_774 = arith.addi %parallel_loop3A_771, %parallel_loop3A_773 : vector<16xi32>
        tpu.vector_store_idx %arg8[%parallel_loop3A_244, %parallel_loop3A_774], %parallel_loop3A_751 : memref<128x136xf32, #tpu.memory_space<vmem>>[vector<16xi32>, vector<16xi32>], vector<16xf32>,
        %parallel_loop3A_775 = arith.constant 1 : i32
        %parallel_loop3A_776 = vector.broadcast %parallel_loop3A_775 : i32 to vector<16xi32>
        %parallel_loop3A_777 = arith.addi %parallel_loop3A_774, %parallel_loop3A_776 : vector<16xi32>
        tpu.vector_store_idx %arg8[%parallel_loop3A_244, %parallel_loop3A_777], %parallel_loop3A_755 : memref<128x136xf32, #tpu.memory_space<vmem>>[vector<16xi32>, vector<16xi32>], vector<16xf32>,
        %parallel_loop3A_778 = arith.constant 1 : i32
        %parallel_loop3A_779 = vector.broadcast %parallel_loop3A_778 : i32 to vector<16xi32>
        %parallel_loop3A_780 = arith.addi %parallel_loop3A_777, %parallel_loop3A_779 : vector<16xi32>
        tpu.vector_store_idx %arg8[%parallel_loop3A_244, %parallel_loop3A_780], %parallel_loop3A_759 : memref<128x136xf32, #tpu.memory_space<vmem>>[vector<16xi32>, vector<16xi32>], vector<16xf32>,
        %parallel_loop3A_781 = arith.constant 1 : i32
        %parallel_loop3A_782 = vector.broadcast %parallel_loop3A_781 : i32 to vector<16xi32>
        %parallel_loop3A_783 = arith.addi %parallel_loop3A_780, %parallel_loop3A_782 : vector<16xi32>
        %parallel_loop3A_784 = arith.constant 5 : i32
        %parallel_loop3A_785 = arith.index_cast %parallel_loop3A_784 : i32 to index
        %parallel_loop3A_786 = arith.index_cast %parallel_loop3A_242 : i32 to index
        %parallel_loop3A_787 = tpu.vector_load %arg6[%parallel_loop3A_785, %parallel_loop3A_786] {strides = array<i32>} : memref<23x128xf32, #tpu.memory_space<vmem>>, vector<16xf32>,
        %parallel_loop3A_788 = arith.fptosi %parallel_loop3A_787 : vector<16xf32> to vector<16xi32>
        %parallel_loop3A_789 = arith.constant 16 : i32
        %parallel_loop3A_790 = vector.broadcast %parallel_loop3A_789 : i32 to vector<16xi32>
        %parallel_loop3A_791 = arith.muli %parallel_loop3A_788, %parallel_loop3A_790 : vector<16xi32>
        %parallel_loop3A_792 = arith.constant 2880 : i32
        %parallel_loop3A_793 = vector.broadcast %parallel_loop3A_792 : i32 to vector<16xi32>
        %parallel_loop3A_794 = arith.addi %parallel_loop3A_791, %parallel_loop3A_793 : vector<16xi32>
        %parallel_loop3A_795 = arith.addi %mul3A_5, %parallel_loop3A_794 : vector<16xi32>
        %parallel_loop3A_796 = arith.constant 0 : i32
        %parallel_loop3A_797 = vector.broadcast %parallel_loop3A_796 : i32 to vector<16xi32>
        %parallel_loop3A_798 = arith.addi %parallel_loop3A_795, %parallel_loop3A_797 : vector<16xi32>
        %parallel_loop3A_799 = tpu.vector_load_idx %arg9[%parallel_loop3A_798] : memref<53008xf32, #tpu.memory_space<vmem>>[vector<16xi32>], vector<16xf32>,
        %parallel_loop3A_800 = arith.constant 1 : i32
        %parallel_loop3A_801 = vector.broadcast %parallel_loop3A_800 : i32 to vector<16xi32>
        %parallel_loop3A_802 = arith.addi %parallel_loop3A_795, %parallel_loop3A_801 : vector<16xi32>
        %parallel_loop3A_803 = tpu.vector_load_idx %arg9[%parallel_loop3A_802] : memref<53008xf32, #tpu.memory_space<vmem>>[vector<16xi32>], vector<16xf32>,
        %parallel_loop3A_804 = arith.constant 2 : i32
        %parallel_loop3A_805 = vector.broadcast %parallel_loop3A_804 : i32 to vector<16xi32>
        %parallel_loop3A_806 = arith.addi %parallel_loop3A_795, %parallel_loop3A_805 : vector<16xi32>
        %parallel_loop3A_807 = tpu.vector_load_idx %arg9[%parallel_loop3A_806] : memref<53008xf32, #tpu.memory_space<vmem>>[vector<16xi32>], vector<16xf32>,
        %parallel_loop3A_808 = arith.constant 3 : i32
        %parallel_loop3A_809 = vector.broadcast %parallel_loop3A_808 : i32 to vector<16xi32>
        %parallel_loop3A_810 = arith.addi %parallel_loop3A_795, %parallel_loop3A_809 : vector<16xi32>
        %parallel_loop3A_811 = tpu.vector_load_idx %arg9[%parallel_loop3A_810] : memref<53008xf32, #tpu.memory_space<vmem>>[vector<16xi32>], vector<16xf32>,
        %parallel_loop3A_812 = arith.constant 4 : i32
        %parallel_loop3A_813 = vector.broadcast %parallel_loop3A_812 : i32 to vector<16xi32>
        %parallel_loop3A_814 = arith.addi %parallel_loop3A_795, %parallel_loop3A_813 : vector<16xi32>
        %parallel_loop3A_815 = tpu.vector_load_idx %arg9[%parallel_loop3A_814] : memref<53008xf32, #tpu.memory_space<vmem>>[vector<16xi32>], vector<16xf32>,
        %parallel_loop3A_816 = arith.constant 5 : i32
        %parallel_loop3A_817 = vector.broadcast %parallel_loop3A_816 : i32 to vector<16xi32>
        %parallel_loop3A_818 = arith.addi %parallel_loop3A_795, %parallel_loop3A_817 : vector<16xi32>
        %parallel_loop3A_819 = tpu.vector_load_idx %arg9[%parallel_loop3A_818] : memref<53008xf32, #tpu.memory_space<vmem>>[vector<16xi32>], vector<16xf32>,
        %parallel_loop3A_820 = arith.constant 6 : i32
        %parallel_loop3A_821 = vector.broadcast %parallel_loop3A_820 : i32 to vector<16xi32>
        %parallel_loop3A_822 = arith.addi %parallel_loop3A_795, %parallel_loop3A_821 : vector<16xi32>
        %parallel_loop3A_823 = tpu.vector_load_idx %arg9[%parallel_loop3A_822] : memref<53008xf32, #tpu.memory_space<vmem>>[vector<16xi32>], vector<16xf32>,
        %parallel_loop3A_824 = arith.constant 7 : i32
        %parallel_loop3A_825 = vector.broadcast %parallel_loop3A_824 : i32 to vector<16xi32>
        %parallel_loop3A_826 = arith.addi %parallel_loop3A_795, %parallel_loop3A_825 : vector<16xi32>
        %parallel_loop3A_827 = tpu.vector_load_idx %arg9[%parallel_loop3A_826] : memref<53008xf32, #tpu.memory_space<vmem>>[vector<16xi32>], vector<16xf32>,
        tpu.vector_store_idx %arg8[%parallel_loop3A_244, %parallel_loop3A_783], %parallel_loop3A_799 : memref<128x136xf32, #tpu.memory_space<vmem>>[vector<16xi32>, vector<16xi32>], vector<16xf32>,
        %parallel_loop3A_828 = arith.constant 1 : i32
        %parallel_loop3A_829 = vector.broadcast %parallel_loop3A_828 : i32 to vector<16xi32>
        %parallel_loop3A_830 = arith.addi %parallel_loop3A_783, %parallel_loop3A_829 : vector<16xi32>
        tpu.vector_store_idx %arg8[%parallel_loop3A_244, %parallel_loop3A_830], %parallel_loop3A_803 : memref<128x136xf32, #tpu.memory_space<vmem>>[vector<16xi32>, vector<16xi32>], vector<16xf32>,
        %parallel_loop3A_831 = arith.constant 1 : i32
        %parallel_loop3A_832 = vector.broadcast %parallel_loop3A_831 : i32 to vector<16xi32>
        %parallel_loop3A_833 = arith.addi %parallel_loop3A_830, %parallel_loop3A_832 : vector<16xi32>
        tpu.vector_store_idx %arg8[%parallel_loop3A_244, %parallel_loop3A_833], %parallel_loop3A_807 : memref<128x136xf32, #tpu.memory_space<vmem>>[vector<16xi32>, vector<16xi32>], vector<16xf32>,
        %parallel_loop3A_834 = arith.constant 1 : i32
        %parallel_loop3A_835 = vector.broadcast %parallel_loop3A_834 : i32 to vector<16xi32>
        %parallel_loop3A_836 = arith.addi %parallel_loop3A_833, %parallel_loop3A_835 : vector<16xi32>
        tpu.vector_store_idx %arg8[%parallel_loop3A_244, %parallel_loop3A_836], %parallel_loop3A_811 : memref<128x136xf32, #tpu.memory_space<vmem>>[vector<16xi32>, vector<16xi32>], vector<16xf32>,
        %parallel_loop3A_837 = arith.constant 1 : i32
        %parallel_loop3A_838 = vector.broadcast %parallel_loop3A_837 : i32 to vector<16xi32>
        %parallel_loop3A_839 = arith.addi %parallel_loop3A_836, %parallel_loop3A_838 : vector<16xi32>
        tpu.vector_store_idx %arg8[%parallel_loop3A_244, %parallel_loop3A_839], %parallel_loop3A_815 : memref<128x136xf32, #tpu.memory_space<vmem>>[vector<16xi32>, vector<16xi32>], vector<16xf32>,
        %parallel_loop3A_840 = arith.constant 1 : i32
        %parallel_loop3A_841 = vector.broadcast %parallel_loop3A_840 : i32 to vector<16xi32>
        %parallel_loop3A_842 = arith.addi %parallel_loop3A_839, %parallel_loop3A_841 : vector<16xi32>
        tpu.vector_store_idx %arg8[%parallel_loop3A_244, %parallel_loop3A_842], %parallel_loop3A_819 : memref<128x136xf32, #tpu.memory_space<vmem>>[vector<16xi32>, vector<16xi32>], vector<16xf32>,
        %parallel_loop3A_843 = arith.constant 1 : i32
        %parallel_loop3A_844 = vector.broadcast %parallel_loop3A_843 : i32 to vector<16xi32>
        %parallel_loop3A_845 = arith.addi %parallel_loop3A_842, %parallel_loop3A_844 : vector<16xi32>
        tpu.vector_store_idx %arg8[%parallel_loop3A_244, %parallel_loop3A_845], %parallel_loop3A_823 : memref<128x136xf32, #tpu.memory_space<vmem>>[vector<16xi32>, vector<16xi32>], vector<16xf32>,
        %parallel_loop3A_846 = arith.constant 1 : i32
        %parallel_loop3A_847 = vector.broadcast %parallel_loop3A_846 : i32 to vector<16xi32>
        %parallel_loop3A_848 = arith.addi %parallel_loop3A_845, %parallel_loop3A_847 : vector<16xi32>
        tpu.vector_store_idx %arg8[%parallel_loop3A_244, %parallel_loop3A_848], %parallel_loop3A_827 : memref<128x136xf32, #tpu.memory_space<vmem>>[vector<16xi32>, vector<16xi32>], vector<16xf32>,
        %parallel_loop3A_849 = arith.constant 1 : i32
        %parallel_loop3A_850 = vector.broadcast %parallel_loop3A_849 : i32 to vector<16xi32>
        %parallel_loop3A_851 = arith.addi %parallel_loop3A_848, %parallel_loop3A_850 : vector<16xi32>
        %parallel_loop3A_852 = arith.constant 6 : i32
        %parallel_loop3A_853 = arith.index_cast %parallel_loop3A_852 : i32 to index
        %parallel_loop3A_854 = arith.index_cast %parallel_loop3A_242 : i32 to index
        %parallel_loop3A_855 = tpu.vector_load %arg6[%parallel_loop3A_853, %parallel_loop3A_854] {strides = array<i32>} : memref<23x128xf32, #tpu.memory_space<vmem>>, vector<16xf32>,
        %parallel_loop3A_856 = arith.fptosi %parallel_loop3A_855 : vector<16xf32> to vector<16xi32>
        %parallel_loop3A_857 = arith.constant 16 : i32
        %parallel_loop3A_858 = vector.broadcast %parallel_loop3A_857 : i32 to vector<16xi32>
        %parallel_loop3A_859 = arith.muli %parallel_loop3A_856, %parallel_loop3A_858 : vector<16xi32>
        %parallel_loop3A_860 = arith.constant 2880 : i32
        %parallel_loop3A_861 = vector.broadcast %parallel_loop3A_860 : i32 to vector<16xi32>
        %parallel_loop3A_862 = arith.addi %parallel_loop3A_859, %parallel_loop3A_861 : vector<16xi32>
        %parallel_loop3A_863 = arith.addi %mul3A_5, %parallel_loop3A_862 : vector<16xi32>
        %parallel_loop3A_864 = arith.constant 0 : i32
        %parallel_loop3A_865 = vector.broadcast %parallel_loop3A_864 : i32 to vector<16xi32>
        %parallel_loop3A_866 = arith.addi %parallel_loop3A_863, %parallel_loop3A_865 : vector<16xi32>
        %parallel_loop3A_867 = tpu.vector_load_idx %arg9[%parallel_loop3A_866] : memref<53008xf32, #tpu.memory_space<vmem>>[vector<16xi32>], vector<16xf32>,
        %parallel_loop3A_868 = arith.constant 1 : i32
        %parallel_loop3A_869 = vector.broadcast %parallel_loop3A_868 : i32 to vector<16xi32>
        %parallel_loop3A_870 = arith.addi %parallel_loop3A_863, %parallel_loop3A_869 : vector<16xi32>
        %parallel_loop3A_871 = tpu.vector_load_idx %arg9[%parallel_loop3A_870] : memref<53008xf32, #tpu.memory_space<vmem>>[vector<16xi32>], vector<16xf32>,
        %parallel_loop3A_872 = arith.constant 2 : i32
        %parallel_loop3A_873 = vector.broadcast %parallel_loop3A_872 : i32 to vector<16xi32>
        %parallel_loop3A_874 = arith.addi %parallel_loop3A_863, %parallel_loop3A_873 : vector<16xi32>
        %parallel_loop3A_875 = tpu.vector_load_idx %arg9[%parallel_loop3A_874] : memref<53008xf32, #tpu.memory_space<vmem>>[vector<16xi32>], vector<16xf32>,
        %parallel_loop3A_876 = arith.constant 3 : i32
        %parallel_loop3A_877 = vector.broadcast %parallel_loop3A_876 : i32 to vector<16xi32>
        %parallel_loop3A_878 = arith.addi %parallel_loop3A_863, %parallel_loop3A_877 : vector<16xi32>
        %parallel_loop3A_879 = tpu.vector_load_idx %arg9[%parallel_loop3A_878] : memref<53008xf32, #tpu.memory_space<vmem>>[vector<16xi32>], vector<16xf32>,
        %parallel_loop3A_880 = arith.constant 4 : i32
        %parallel_loop3A_881 = vector.broadcast %parallel_loop3A_880 : i32 to vector<16xi32>
        %parallel_loop3A_882 = arith.addi %parallel_loop3A_863, %parallel_loop3A_881 : vector<16xi32>
        %parallel_loop3A_883 = tpu.vector_load_idx %arg9[%parallel_loop3A_882] : memref<53008xf32, #tpu.memory_space<vmem>>[vector<16xi32>], vector<16xf32>,
        %parallel_loop3A_884 = arith.constant 5 : i32
        %parallel_loop3A_885 = vector.broadcast %parallel_loop3A_884 : i32 to vector<16xi32>
        %parallel_loop3A_886 = arith.addi %parallel_loop3A_863, %parallel_loop3A_885 : vector<16xi32>
        %parallel_loop3A_887 = tpu.vector_load_idx %arg9[%parallel_loop3A_886] : memref<53008xf32, #tpu.memory_space<vmem>>[vector<16xi32>], vector<16xf32>,
        %parallel_loop3A_888 = arith.constant 6 : i32
        %parallel_loop3A_889 = vector.broadcast %parallel_loop3A_888 : i32 to vector<16xi32>
        %parallel_loop3A_890 = arith.addi %parallel_loop3A_863, %parallel_loop3A_889 : vector<16xi32>
        %parallel_loop3A_891 = tpu.vector_load_idx %arg9[%parallel_loop3A_890] : memref<53008xf32, #tpu.memory_space<vmem>>[vector<16xi32>], vector<16xf32>,
        %parallel_loop3A_892 = arith.constant 7 : i32
        %parallel_loop3A_893 = vector.broadcast %parallel_loop3A_892 : i32 to vector<16xi32>
        %parallel_loop3A_894 = arith.addi %parallel_loop3A_863, %parallel_loop3A_893 : vector<16xi32>
        %parallel_loop3A_895 = tpu.vector_load_idx %arg9[%parallel_loop3A_894] : memref<53008xf32, #tpu.memory_space<vmem>>[vector<16xi32>], vector<16xf32>,
        tpu.vector_store_idx %arg8[%parallel_loop3A_244, %parallel_loop3A_851], %parallel_loop3A_867 : memref<128x136xf32, #tpu.memory_space<vmem>>[vector<16xi32>, vector<16xi32>], vector<16xf32>,
        %parallel_loop3A_896 = arith.constant 1 : i32
        %parallel_loop3A_897 = vector.broadcast %parallel_loop3A_896 : i32 to vector<16xi32>
        %parallel_loop3A_898 = arith.addi %parallel_loop3A_851, %parallel_loop3A_897 : vector<16xi32>
        tpu.vector_store_idx %arg8[%parallel_loop3A_244, %parallel_loop3A_898], %parallel_loop3A_871 : memref<128x136xf32, #tpu.memory_space<vmem>>[vector<16xi32>, vector<16xi32>], vector<16xf32>,
        %parallel_loop3A_899 = arith.constant 1 : i32
        %parallel_loop3A_900 = vector.broadcast %parallel_loop3A_899 : i32 to vector<16xi32>
        %parallel_loop3A_901 = arith.addi %parallel_loop3A_898, %parallel_loop3A_900 : vector<16xi32>
        tpu.vector_store_idx %arg8[%parallel_loop3A_244, %parallel_loop3A_901], %parallel_loop3A_875 : memref<128x136xf32, #tpu.memory_space<vmem>>[vector<16xi32>, vector<16xi32>], vector<16xf32>,
        %parallel_loop3A_902 = arith.constant 1 : i32
        %parallel_loop3A_903 = vector.broadcast %parallel_loop3A_902 : i32 to vector<16xi32>
        %parallel_loop3A_904 = arith.addi %parallel_loop3A_901, %parallel_loop3A_903 : vector<16xi32>
        tpu.vector_store_idx %arg8[%parallel_loop3A_244, %parallel_loop3A_904], %parallel_loop3A_879 : memref<128x136xf32, #tpu.memory_space<vmem>>[vector<16xi32>, vector<16xi32>], vector<16xf32>,
        %parallel_loop3A_905 = arith.constant 1 : i32
        %parallel_loop3A_906 = vector.broadcast %parallel_loop3A_905 : i32 to vector<16xi32>
        %parallel_loop3A_907 = arith.addi %parallel_loop3A_904, %parallel_loop3A_906 : vector<16xi32>
        tpu.vector_store_idx %arg8[%parallel_loop3A_244, %parallel_loop3A_907], %parallel_loop3A_883 : memref<128x136xf32, #tpu.memory_space<vmem>>[vector<16xi32>, vector<16xi32>], vector<16xf32>,
        %parallel_loop3A_908 = arith.constant 1 : i32
        %parallel_loop3A_909 = vector.broadcast %parallel_loop3A_908 : i32 to vector<16xi32>
        %parallel_loop3A_910 = arith.addi %parallel_loop3A_907, %parallel_loop3A_909 : vector<16xi32>
        tpu.vector_store_idx %arg8[%parallel_loop3A_244, %parallel_loop3A_910], %parallel_loop3A_887 : memref<128x136xf32, #tpu.memory_space<vmem>>[vector<16xi32>, vector<16xi32>], vector<16xf32>,
        %parallel_loop3A_911 = arith.constant 1 : i32
        %parallel_loop3A_912 = vector.broadcast %parallel_loop3A_911 : i32 to vector<16xi32>
        %parallel_loop3A_913 = arith.addi %parallel_loop3A_910, %parallel_loop3A_912 : vector<16xi32>
        tpu.vector_store_idx %arg8[%parallel_loop3A_244, %parallel_loop3A_913], %parallel_loop3A_891 : memref<128x136xf32, #tpu.memory_space<vmem>>[vector<16xi32>, vector<16xi32>], vector<16xf32>,
        %parallel_loop3A_914 = arith.constant 1 : i32
        %parallel_loop3A_915 = vector.broadcast %parallel_loop3A_914 : i32 to vector<16xi32>
        %parallel_loop3A_916 = arith.addi %parallel_loop3A_913, %parallel_loop3A_915 : vector<16xi32>
        tpu.vector_store_idx %arg8[%parallel_loop3A_244, %parallel_loop3A_916], %parallel_loop3A_895 : memref<128x136xf32, #tpu.memory_space<vmem>>[vector<16xi32>, vector<16xi32>], vector<16xf32>,
        %parallel_loop3A_917 = arith.constant 1 : i32
        %parallel_loop3A_918 = vector.broadcast %parallel_loop3A_917 : i32 to vector<16xi32>
        %parallel_loop3A_919 = arith.addi %parallel_loop3A_916, %parallel_loop3A_918 : vector<16xi32>
        %parallel_loop3A_920 = arith.constant 7 : i32
        %parallel_loop3A_921 = arith.index_cast %parallel_loop3A_920 : i32 to index
        %parallel_loop3A_922 = arith.index_cast %parallel_loop3A_242 : i32 to index
        %parallel_loop3A_923 = tpu.vector_load %arg6[%parallel_loop3A_921, %parallel_loop3A_922] {strides = array<i32>} : memref<23x128xf32, #tpu.memory_space<vmem>>, vector<16xf32>,
        %parallel_loop3A_924 = arith.fptosi %parallel_loop3A_923 : vector<16xf32> to vector<16xi32>
        %parallel_loop3A_925 = arith.constant 16 : i32
        %parallel_loop3A_926 = vector.broadcast %parallel_loop3A_925 : i32 to vector<16xi32>
        %parallel_loop3A_927 = arith.muli %parallel_loop3A_924, %parallel_loop3A_926 : vector<16xi32>
        %parallel_loop3A_928 = arith.constant 2880 : i32
        %parallel_loop3A_929 = vector.broadcast %parallel_loop3A_928 : i32 to vector<16xi32>
        %parallel_loop3A_930 = arith.addi %parallel_loop3A_927, %parallel_loop3A_929 : vector<16xi32>
        %parallel_loop3A_931 = arith.addi %mul3A_5, %parallel_loop3A_930 : vector<16xi32>
        %parallel_loop3A_932 = arith.constant 0 : i32
        %parallel_loop3A_933 = vector.broadcast %parallel_loop3A_932 : i32 to vector<16xi32>
        %parallel_loop3A_934 = arith.addi %parallel_loop3A_931, %parallel_loop3A_933 : vector<16xi32>
        %parallel_loop3A_935 = tpu.vector_load_idx %arg9[%parallel_loop3A_934] : memref<53008xf32, #tpu.memory_space<vmem>>[vector<16xi32>], vector<16xf32>,
        %parallel_loop3A_936 = arith.constant 1 : i32
        %parallel_loop3A_937 = vector.broadcast %parallel_loop3A_936 : i32 to vector<16xi32>
        %parallel_loop3A_938 = arith.addi %parallel_loop3A_931, %parallel_loop3A_937 : vector<16xi32>
        %parallel_loop3A_939 = tpu.vector_load_idx %arg9[%parallel_loop3A_938] : memref<53008xf32, #tpu.memory_space<vmem>>[vector<16xi32>], vector<16xf32>,
        %parallel_loop3A_940 = arith.constant 2 : i32
        %parallel_loop3A_941 = vector.broadcast %parallel_loop3A_940 : i32 to vector<16xi32>
        %parallel_loop3A_942 = arith.addi %parallel_loop3A_931, %parallel_loop3A_941 : vector<16xi32>
        %parallel_loop3A_943 = tpu.vector_load_idx %arg9[%parallel_loop3A_942] : memref<53008xf32, #tpu.memory_space<vmem>>[vector<16xi32>], vector<16xf32>,
        %parallel_loop3A_944 = arith.constant 3 : i32
        %parallel_loop3A_945 = vector.broadcast %parallel_loop3A_944 : i32 to vector<16xi32>
        %parallel_loop3A_946 = arith.addi %parallel_loop3A_931, %parallel_loop3A_945 : vector<16xi32>
        %parallel_loop3A_947 = tpu.vector_load_idx %arg9[%parallel_loop3A_946] : memref<53008xf32, #tpu.memory_space<vmem>>[vector<16xi32>], vector<16xf32>,
        %parallel_loop3A_948 = arith.constant 4 : i32
        %parallel_loop3A_949 = vector.broadcast %parallel_loop3A_948 : i32 to vector<16xi32>
        %parallel_loop3A_950 = arith.addi %parallel_loop3A_931, %parallel_loop3A_949 : vector<16xi32>
        %parallel_loop3A_951 = tpu.vector_load_idx %arg9[%parallel_loop3A_950] : memref<53008xf32, #tpu.memory_space<vmem>>[vector<16xi32>], vector<16xf32>,
        %parallel_loop3A_952 = arith.constant 5 : i32
        %parallel_loop3A_953 = vector.broadcast %parallel_loop3A_952 : i32 to vector<16xi32>
        %parallel_loop3A_954 = arith.addi %parallel_loop3A_931, %parallel_loop3A_953 : vector<16xi32>
        %parallel_loop3A_955 = tpu.vector_load_idx %arg9[%parallel_loop3A_954] : memref<53008xf32, #tpu.memory_space<vmem>>[vector<16xi32>], vector<16xf32>,
        %parallel_loop3A_956 = arith.constant 6 : i32
        %parallel_loop3A_957 = vector.broadcast %parallel_loop3A_956 : i32 to vector<16xi32>
        %parallel_loop3A_958 = arith.addi %parallel_loop3A_931, %parallel_loop3A_957 : vector<16xi32>
        %parallel_loop3A_959 = tpu.vector_load_idx %arg9[%parallel_loop3A_958] : memref<53008xf32, #tpu.memory_space<vmem>>[vector<16xi32>], vector<16xf32>,
        %parallel_loop3A_960 = arith.constant 7 : i32
        %parallel_loop3A_961 = vector.broadcast %parallel_loop3A_960 : i32 to vector<16xi32>
        %parallel_loop3A_962 = arith.addi %parallel_loop3A_931, %parallel_loop3A_961 : vector<16xi32>
        %parallel_loop3A_963 = tpu.vector_load_idx %arg9[%parallel_loop3A_962] : memref<53008xf32, #tpu.memory_space<vmem>>[vector<16xi32>], vector<16xf32>,
        tpu.vector_store_idx %arg8[%parallel_loop3A_244, %parallel_loop3A_919], %parallel_loop3A_935 : memref<128x136xf32, #tpu.memory_space<vmem>>[vector<16xi32>, vector<16xi32>], vector<16xf32>,
        %parallel_loop3A_964 = arith.constant 1 : i32
        %parallel_loop3A_965 = vector.broadcast %parallel_loop3A_964 : i32 to vector<16xi32>
        %parallel_loop3A_966 = arith.addi %parallel_loop3A_919, %parallel_loop3A_965 : vector<16xi32>
        tpu.vector_store_idx %arg8[%parallel_loop3A_244, %parallel_loop3A_966], %parallel_loop3A_939 : memref<128x136xf32, #tpu.memory_space<vmem>>[vector<16xi32>, vector<16xi32>], vector<16xf32>,
        %parallel_loop3A_967 = arith.constant 1 : i32
        %parallel_loop3A_968 = vector.broadcast %parallel_loop3A_967 : i32 to vector<16xi32>
        %parallel_loop3A_969 = arith.addi %parallel_loop3A_966, %parallel_loop3A_968 : vector<16xi32>
        tpu.vector_store_idx %arg8[%parallel_loop3A_244, %parallel_loop3A_969], %parallel_loop3A_943 : memref<128x136xf32, #tpu.memory_space<vmem>>[vector<16xi32>, vector<16xi32>], vector<16xf32>,
        %parallel_loop3A_970 = arith.constant 1 : i32
        %parallel_loop3A_971 = vector.broadcast %parallel_loop3A_970 : i32 to vector<16xi32>
        %parallel_loop3A_972 = arith.addi %parallel_loop3A_969, %parallel_loop3A_971 : vector<16xi32>
        tpu.vector_store_idx %arg8[%parallel_loop3A_244, %parallel_loop3A_972], %parallel_loop3A_947 : memref<128x136xf32, #tpu.memory_space<vmem>>[vector<16xi32>, vector<16xi32>], vector<16xf32>,
        %parallel_loop3A_973 = arith.constant 1 : i32
        %parallel_loop3A_974 = vector.broadcast %parallel_loop3A_973 : i32 to vector<16xi32>
        %parallel_loop3A_975 = arith.addi %parallel_loop3A_972, %parallel_loop3A_974 : vector<16xi32>
        tpu.vector_store_idx %arg8[%parallel_loop3A_244, %parallel_loop3A_975], %parallel_loop3A_951 : memref<128x136xf32, #tpu.memory_space<vmem>>[vector<16xi32>, vector<16xi32>], vector<16xf32>,
        %parallel_loop3A_976 = arith.constant 1 : i32
        %parallel_loop3A_977 = vector.broadcast %parallel_loop3A_976 : i32 to vector<16xi32>
        %parallel_loop3A_978 = arith.addi %parallel_loop3A_975, %parallel_loop3A_977 : vector<16xi32>
        tpu.vector_store_idx %arg8[%parallel_loop3A_244, %parallel_loop3A_978], %parallel_loop3A_955 : memref<128x136xf32, #tpu.memory_space<vmem>>[vector<16xi32>, vector<16xi32>], vector<16xf32>,
        %parallel_loop3A_979 = arith.constant 1 : i32
        %parallel_loop3A_980 = vector.broadcast %parallel_loop3A_979 : i32 to vector<16xi32>
        %parallel_loop3A_981 = arith.addi %parallel_loop3A_978, %parallel_loop3A_980 : vector<16xi32>
        tpu.vector_store_idx %arg8[%parallel_loop3A_244, %parallel_loop3A_981], %parallel_loop3A_959 : memref<128x136xf32, #tpu.memory_space<vmem>>[vector<16xi32>, vector<16xi32>], vector<16xf32>,
        %parallel_loop3A_982 = arith.constant 1 : i32
        %parallel_loop3A_983 = vector.broadcast %parallel_loop3A_982 : i32 to vector<16xi32>
        %parallel_loop3A_984 = arith.addi %parallel_loop3A_981, %parallel_loop3A_983 : vector<16xi32>
        tpu.vector_store_idx %arg8[%parallel_loop3A_244, %parallel_loop3A_984], %parallel_loop3A_963 : memref<128x136xf32, #tpu.memory_space<vmem>>[vector<16xi32>, vector<16xi32>], vector<16xf32>,
        %parallel_loop3A_985 = arith.constant 1 : i32
        %parallel_loop3A_986 = vector.broadcast %parallel_loop3A_985 : i32 to vector<16xi32>
        %parallel_loop3A_987 = arith.addi %parallel_loop3A_984, %parallel_loop3A_986 : vector<16xi32>
        %parallel_loop3A_988 = arith.constant 8 : i32
        %parallel_loop3A_989 = arith.index_cast %parallel_loop3A_988 : i32 to index
        %parallel_loop3A_990 = arith.index_cast %parallel_loop3A_242 : i32 to index
        %parallel_loop3A_991 = tpu.vector_load %arg6[%parallel_loop3A_989, %parallel_loop3A_990] {strides = array<i32>} : memref<23x128xf32, #tpu.memory_space<vmem>>, vector<16xf32>,
        %parallel_loop3A_992 = arith.fptosi %parallel_loop3A_991 : vector<16xf32> to vector<16xi32>
        %parallel_loop3A_993 = arith.constant 16 : i32
        %parallel_loop3A_994 = vector.broadcast %parallel_loop3A_993 : i32 to vector<16xi32>
        %parallel_loop3A_995 = arith.muli %parallel_loop3A_992, %parallel_loop3A_994 : vector<16xi32>
        %parallel_loop3A_996 = arith.constant 2880 : i32
        %parallel_loop3A_997 = vector.broadcast %parallel_loop3A_996 : i32 to vector<16xi32>
        %parallel_loop3A_998 = arith.addi %parallel_loop3A_995, %parallel_loop3A_997 : vector<16xi32>
        %parallel_loop3A_999 = arith.addi %mul3A_5, %parallel_loop3A_998 : vector<16xi32>
        %parallel_loop3A_1000 = arith.constant 0 : i32
        %parallel_loop3A_1001 = vector.broadcast %parallel_loop3A_1000 : i32 to vector<16xi32>
        %parallel_loop3A_1002 = arith.addi %parallel_loop3A_999, %parallel_loop3A_1001 : vector<16xi32>
        %parallel_loop3A_1003 = tpu.vector_load_idx %arg9[%parallel_loop3A_1002] : memref<53008xf32, #tpu.memory_space<vmem>>[vector<16xi32>], vector<16xf32>,
        %parallel_loop3A_1004 = arith.constant 1 : i32
        %parallel_loop3A_1005 = vector.broadcast %parallel_loop3A_1004 : i32 to vector<16xi32>
        %parallel_loop3A_1006 = arith.addi %parallel_loop3A_999, %parallel_loop3A_1005 : vector<16xi32>
        %parallel_loop3A_1007 = tpu.vector_load_idx %arg9[%parallel_loop3A_1006] : memref<53008xf32, #tpu.memory_space<vmem>>[vector<16xi32>], vector<16xf32>,
        %parallel_loop3A_1008 = arith.constant 2 : i32
        %parallel_loop3A_1009 = vector.broadcast %parallel_loop3A_1008 : i32 to vector<16xi32>
        %parallel_loop3A_1010 = arith.addi %parallel_loop3A_999, %parallel_loop3A_1009 : vector<16xi32>
        %parallel_loop3A_1011 = tpu.vector_load_idx %arg9[%parallel_loop3A_1010] : memref<53008xf32, #tpu.memory_space<vmem>>[vector<16xi32>], vector<16xf32>,
        %parallel_loop3A_1012 = arith.constant 3 : i32
        %parallel_loop3A_1013 = vector.broadcast %parallel_loop3A_1012 : i32 to vector<16xi32>
        %parallel_loop3A_1014 = arith.addi %parallel_loop3A_999, %parallel_loop3A_1013 : vector<16xi32>
        %parallel_loop3A_1015 = tpu.vector_load_idx %arg9[%parallel_loop3A_1014] : memref<53008xf32, #tpu.memory_space<vmem>>[vector<16xi32>], vector<16xf32>,
        %parallel_loop3A_1016 = arith.constant 4 : i32
        %parallel_loop3A_1017 = vector.broadcast %parallel_loop3A_1016 : i32 to vector<16xi32>
        %parallel_loop3A_1018 = arith.addi %parallel_loop3A_999, %parallel_loop3A_1017 : vector<16xi32>
        %parallel_loop3A_1019 = tpu.vector_load_idx %arg9[%parallel_loop3A_1018] : memref<53008xf32, #tpu.memory_space<vmem>>[vector<16xi32>], vector<16xf32>,
        %parallel_loop3A_1020 = arith.constant 5 : i32
        %parallel_loop3A_1021 = vector.broadcast %parallel_loop3A_1020 : i32 to vector<16xi32>
        %parallel_loop3A_1022 = arith.addi %parallel_loop3A_999, %parallel_loop3A_1021 : vector<16xi32>
        %parallel_loop3A_1023 = tpu.vector_load_idx %arg9[%parallel_loop3A_1022] : memref<53008xf32, #tpu.memory_space<vmem>>[vector<16xi32>], vector<16xf32>,
        %parallel_loop3A_1024 = arith.constant 6 : i32
        %parallel_loop3A_1025 = vector.broadcast %parallel_loop3A_1024 : i32 to vector<16xi32>
        %parallel_loop3A_1026 = arith.addi %parallel_loop3A_999, %parallel_loop3A_1025 : vector<16xi32>
        %parallel_loop3A_1027 = tpu.vector_load_idx %arg9[%parallel_loop3A_1026] : memref<53008xf32, #tpu.memory_space<vmem>>[vector<16xi32>], vector<16xf32>,
        %parallel_loop3A_1028 = arith.constant 7 : i32
        %parallel_loop3A_1029 = vector.broadcast %parallel_loop3A_1028 : i32 to vector<16xi32>
        %parallel_loop3A_1030 = arith.addi %parallel_loop3A_999, %parallel_loop3A_1029 : vector<16xi32>
        %parallel_loop3A_1031 = tpu.vector_load_idx %arg9[%parallel_loop3A_1030] : memref<53008xf32, #tpu.memory_space<vmem>>[vector<16xi32>], vector<16xf32>,
        tpu.vector_store_idx %arg8[%parallel_loop3A_244, %parallel_loop3A_987], %parallel_loop3A_1003 : memref<128x136xf32, #tpu.memory_space<vmem>>[vector<16xi32>, vector<16xi32>], vector<16xf32>,
        %parallel_loop3A_1032 = arith.constant 1 : i32
        %parallel_loop3A_1033 = vector.broadcast %parallel_loop3A_1032 : i32 to vector<16xi32>
        %parallel_loop3A_1034 = arith.addi %parallel_loop3A_987, %parallel_loop3A_1033 : vector<16xi32>
        tpu.vector_store_idx %arg8[%parallel_loop3A_244, %parallel_loop3A_1034], %parallel_loop3A_1007 : memref<128x136xf32, #tpu.memory_space<vmem>>[vector<16xi32>, vector<16xi32>], vector<16xf32>,
        %parallel_loop3A_1035 = arith.constant 1 : i32
        %parallel_loop3A_1036 = vector.broadcast %parallel_loop3A_1035 : i32 to vector<16xi32>
        %parallel_loop3A_1037 = arith.addi %parallel_loop3A_1034, %parallel_loop3A_1036 : vector<16xi32>
        tpu.vector_store_idx %arg8[%parallel_loop3A_244, %parallel_loop3A_1037], %parallel_loop3A_1011 : memref<128x136xf32, #tpu.memory_space<vmem>>[vector<16xi32>, vector<16xi32>], vector<16xf32>,
        %parallel_loop3A_1038 = arith.constant 1 : i32
        %parallel_loop3A_1039 = vector.broadcast %parallel_loop3A_1038 : i32 to vector<16xi32>
        %parallel_loop3A_1040 = arith.addi %parallel_loop3A_1037, %parallel_loop3A_1039 : vector<16xi32>
        tpu.vector_store_idx %arg8[%parallel_loop3A_244, %parallel_loop3A_1040], %parallel_loop3A_1015 : memref<128x136xf32, #tpu.memory_space<vmem>>[vector<16xi32>, vector<16xi32>], vector<16xf32>,
        %parallel_loop3A_1041 = arith.constant 1 : i32
        %parallel_loop3A_1042 = vector.broadcast %parallel_loop3A_1041 : i32 to vector<16xi32>
        %parallel_loop3A_1043 = arith.addi %parallel_loop3A_1040, %parallel_loop3A_1042 : vector<16xi32>
        tpu.vector_store_idx %arg8[%parallel_loop3A_244, %parallel_loop3A_1043], %parallel_loop3A_1019 : memref<128x136xf32, #tpu.memory_space<vmem>>[vector<16xi32>, vector<16xi32>], vector<16xf32>,
        %parallel_loop3A_1044 = arith.constant 1 : i32
        %parallel_loop3A_1045 = vector.broadcast %parallel_loop3A_1044 : i32 to vector<16xi32>
        %parallel_loop3A_1046 = arith.addi %parallel_loop3A_1043, %parallel_loop3A_1045 : vector<16xi32>
        tpu.vector_store_idx %arg8[%parallel_loop3A_244, %parallel_loop3A_1046], %parallel_loop3A_1023 : memref<128x136xf32, #tpu.memory_space<vmem>>[vector<16xi32>, vector<16xi32>], vector<16xf32>,
        %parallel_loop3A_1047 = arith.constant 1 : i32
        %parallel_loop3A_1048 = vector.broadcast %parallel_loop3A_1047 : i32 to vector<16xi32>
        %parallel_loop3A_1049 = arith.addi %parallel_loop3A_1046, %parallel_loop3A_1048 : vector<16xi32>
        tpu.vector_store_idx %arg8[%parallel_loop3A_244, %parallel_loop3A_1049], %parallel_loop3A_1027 : memref<128x136xf32, #tpu.memory_space<vmem>>[vector<16xi32>, vector<16xi32>], vector<16xf32>,
        %parallel_loop3A_1050 = arith.constant 1 : i32
        %parallel_loop3A_1051 = vector.broadcast %parallel_loop3A_1050 : i32 to vector<16xi32>
        %parallel_loop3A_1052 = arith.addi %parallel_loop3A_1049, %parallel_loop3A_1051 : vector<16xi32>
        tpu.vector_store_idx %arg8[%parallel_loop3A_244, %parallel_loop3A_1052], %parallel_loop3A_1031 : memref<128x136xf32, #tpu.memory_space<vmem>>[vector<16xi32>, vector<16xi32>], vector<16xf32>,
        %parallel_loop3A_1053 = arith.constant 1 : i32
        %parallel_loop3A_1054 = vector.broadcast %parallel_loop3A_1053 : i32 to vector<16xi32>
        %parallel_loop3A_1055 = arith.addi %parallel_loop3A_1052, %parallel_loop3A_1054 : vector<16xi32>
        %parallel_loop3A_1056 = arith.constant 9 : i32
        %parallel_loop3A_1057 = arith.index_cast %parallel_loop3A_1056 : i32 to index
        %parallel_loop3A_1058 = arith.index_cast %parallel_loop3A_242 : i32 to index
        %parallel_loop3A_1059 = tpu.vector_load %arg6[%parallel_loop3A_1057, %parallel_loop3A_1058] {strides = array<i32>} : memref<23x128xf32, #tpu.memory_space<vmem>>, vector<16xf32>,
        %parallel_loop3A_1060 = arith.fptosi %parallel_loop3A_1059 : vector<16xf32> to vector<16xi32>
        %parallel_loop3A_1061 = arith.constant 16 : i32
        %parallel_loop3A_1062 = vector.broadcast %parallel_loop3A_1061 : i32 to vector<16xi32>
        %parallel_loop3A_1063 = arith.muli %parallel_loop3A_1060, %parallel_loop3A_1062 : vector<16xi32>
        %parallel_loop3A_1064 = arith.constant 2880 : i32
        %parallel_loop3A_1065 = vector.broadcast %parallel_loop3A_1064 : i32 to vector<16xi32>
        %parallel_loop3A_1066 = arith.addi %parallel_loop3A_1063, %parallel_loop3A_1065 : vector<16xi32>
        %parallel_loop3A_1067 = arith.addi %mul3A_5, %parallel_loop3A_1066 : vector<16xi32>
        %parallel_loop3A_1068 = arith.constant 0 : i32
        %parallel_loop3A_1069 = vector.broadcast %parallel_loop3A_1068 : i32 to vector<16xi32>
        %parallel_loop3A_1070 = arith.addi %parallel_loop3A_1067, %parallel_loop3A_1069 : vector<16xi32>
        %parallel_loop3A_1071 = tpu.vector_load_idx %arg9[%parallel_loop3A_1070] : memref<53008xf32, #tpu.memory_space<vmem>>[vector<16xi32>], vector<16xf32>,
        %parallel_loop3A_1072 = arith.constant 1 : i32
        %parallel_loop3A_1073 = vector.broadcast %parallel_loop3A_1072 : i32 to vector<16xi32>
        %parallel_loop3A_1074 = arith.addi %parallel_loop3A_1067, %parallel_loop3A_1073 : vector<16xi32>
        %parallel_loop3A_1075 = tpu.vector_load_idx %arg9[%parallel_loop3A_1074] : memref<53008xf32, #tpu.memory_space<vmem>>[vector<16xi32>], vector<16xf32>,
        %parallel_loop3A_1076 = arith.constant 2 : i32
        %parallel_loop3A_1077 = vector.broadcast %parallel_loop3A_1076 : i32 to vector<16xi32>
        %parallel_loop3A_1078 = arith.addi %parallel_loop3A_1067, %parallel_loop3A_1077 : vector<16xi32>
        %parallel_loop3A_1079 = tpu.vector_load_idx %arg9[%parallel_loop3A_1078] : memref<53008xf32, #tpu.memory_space<vmem>>[vector<16xi32>], vector<16xf32>,
        %parallel_loop3A_1080 = arith.constant 3 : i32
        %parallel_loop3A_1081 = vector.broadcast %parallel_loop3A_1080 : i32 to vector<16xi32>
        %parallel_loop3A_1082 = arith.addi %parallel_loop3A_1067, %parallel_loop3A_1081 : vector<16xi32>
        %parallel_loop3A_1083 = tpu.vector_load_idx %arg9[%parallel_loop3A_1082] : memref<53008xf32, #tpu.memory_space<vmem>>[vector<16xi32>], vector<16xf32>,
        %parallel_loop3A_1084 = arith.constant 4 : i32
        %parallel_loop3A_1085 = vector.broadcast %parallel_loop3A_1084 : i32 to vector<16xi32>
        %parallel_loop3A_1086 = arith.addi %parallel_loop3A_1067, %parallel_loop3A_1085 : vector<16xi32>
        %parallel_loop3A_1087 = tpu.vector_load_idx %arg9[%parallel_loop3A_1086] : memref<53008xf32, #tpu.memory_space<vmem>>[vector<16xi32>], vector<16xf32>,
        %parallel_loop3A_1088 = arith.constant 5 : i32
        %parallel_loop3A_1089 = vector.broadcast %parallel_loop3A_1088 : i32 to vector<16xi32>
        %parallel_loop3A_1090 = arith.addi %parallel_loop3A_1067, %parallel_loop3A_1089 : vector<16xi32>
        %parallel_loop3A_1091 = tpu.vector_load_idx %arg9[%parallel_loop3A_1090] : memref<53008xf32, #tpu.memory_space<vmem>>[vector<16xi32>], vector<16xf32>,
        %parallel_loop3A_1092 = arith.constant 6 : i32
        %parallel_loop3A_1093 = vector.broadcast %parallel_loop3A_1092 : i32 to vector<16xi32>
        %parallel_loop3A_1094 = arith.addi %parallel_loop3A_1067, %parallel_loop3A_1093 : vector<16xi32>
        %parallel_loop3A_1095 = tpu.vector_load_idx %arg9[%parallel_loop3A_1094] : memref<53008xf32, #tpu.memory_space<vmem>>[vector<16xi32>], vector<16xf32>,
        %parallel_loop3A_1096 = arith.constant 7 : i32
        %parallel_loop3A_1097 = vector.broadcast %parallel_loop3A_1096 : i32 to vector<16xi32>
        %parallel_loop3A_1098 = arith.addi %parallel_loop3A_1067, %parallel_loop3A_1097 : vector<16xi32>
        %parallel_loop3A_1099 = tpu.vector_load_idx %arg9[%parallel_loop3A_1098] : memref<53008xf32, #tpu.memory_space<vmem>>[vector<16xi32>], vector<16xf32>,
        tpu.vector_store_idx %arg8[%parallel_loop3A_244, %parallel_loop3A_1055], %parallel_loop3A_1071 : memref<128x136xf32, #tpu.memory_space<vmem>>[vector<16xi32>, vector<16xi32>], vector<16xf32>,
        %parallel_loop3A_1100 = arith.constant 1 : i32
        %parallel_loop3A_1101 = vector.broadcast %parallel_loop3A_1100 : i32 to vector<16xi32>
        %parallel_loop3A_1102 = arith.addi %parallel_loop3A_1055, %parallel_loop3A_1101 : vector<16xi32>
        tpu.vector_store_idx %arg8[%parallel_loop3A_244, %parallel_loop3A_1102], %parallel_loop3A_1075 : memref<128x136xf32, #tpu.memory_space<vmem>>[vector<16xi32>, vector<16xi32>], vector<16xf32>,
        %parallel_loop3A_1103 = arith.constant 1 : i32
        %parallel_loop3A_1104 = vector.broadcast %parallel_loop3A_1103 : i32 to vector<16xi32>
        %parallel_loop3A_1105 = arith.addi %parallel_loop3A_1102, %parallel_loop3A_1104 : vector<16xi32>
        tpu.vector_store_idx %arg8[%parallel_loop3A_244, %parallel_loop3A_1105], %parallel_loop3A_1079 : memref<128x136xf32, #tpu.memory_space<vmem>>[vector<16xi32>, vector<16xi32>], vector<16xf32>,
        %parallel_loop3A_1106 = arith.constant 1 : i32
        %parallel_loop3A_1107 = vector.broadcast %parallel_loop3A_1106 : i32 to vector<16xi32>
        %parallel_loop3A_1108 = arith.addi %parallel_loop3A_1105, %parallel_loop3A_1107 : vector<16xi32>
        tpu.vector_store_idx %arg8[%parallel_loop3A_244, %parallel_loop3A_1108], %parallel_loop3A_1083 : memref<128x136xf32, #tpu.memory_space<vmem>>[vector<16xi32>, vector<16xi32>], vector<16xf32>,
        %parallel_loop3A_1109 = arith.constant 1 : i32
        %parallel_loop3A_1110 = vector.broadcast %parallel_loop3A_1109 : i32 to vector<16xi32>
        %parallel_loop3A_1111 = arith.addi %parallel_loop3A_1108, %parallel_loop3A_1110 : vector<16xi32>
        tpu.vector_store_idx %arg8[%parallel_loop3A_244, %parallel_loop3A_1111], %parallel_loop3A_1087 : memref<128x136xf32, #tpu.memory_space<vmem>>[vector<16xi32>, vector<16xi32>], vector<16xf32>,
        %parallel_loop3A_1112 = arith.constant 1 : i32
        %parallel_loop3A_1113 = vector.broadcast %parallel_loop3A_1112 : i32 to vector<16xi32>
        %parallel_loop3A_1114 = arith.addi %parallel_loop3A_1111, %parallel_loop3A_1113 : vector<16xi32>
        tpu.vector_store_idx %arg8[%parallel_loop3A_244, %parallel_loop3A_1114], %parallel_loop3A_1091 : memref<128x136xf32, #tpu.memory_space<vmem>>[vector<16xi32>, vector<16xi32>], vector<16xf32>,
        %parallel_loop3A_1115 = arith.constant 1 : i32
        %parallel_loop3A_1116 = vector.broadcast %parallel_loop3A_1115 : i32 to vector<16xi32>
        %parallel_loop3A_1117 = arith.addi %parallel_loop3A_1114, %parallel_loop3A_1116 : vector<16xi32>
        tpu.vector_store_idx %arg8[%parallel_loop3A_244, %parallel_loop3A_1117], %parallel_loop3A_1095 : memref<128x136xf32, #tpu.memory_space<vmem>>[vector<16xi32>, vector<16xi32>], vector<16xf32>,
        %parallel_loop3A_1118 = arith.constant 1 : i32
        %parallel_loop3A_1119 = vector.broadcast %parallel_loop3A_1118 : i32 to vector<16xi32>
        %parallel_loop3A_1120 = arith.addi %parallel_loop3A_1117, %parallel_loop3A_1119 : vector<16xi32>
        tpu.vector_store_idx %arg8[%parallel_loop3A_244, %parallel_loop3A_1120], %parallel_loop3A_1099 : memref<128x136xf32, #tpu.memory_space<vmem>>[vector<16xi32>, vector<16xi32>], vector<16xf32>,
        %parallel_loop3A_1121 = arith.constant 1 : i32
        %parallel_loop3A_1122 = vector.broadcast %parallel_loop3A_1121 : i32 to vector<16xi32>
        %parallel_loop3A_1123 = arith.addi %parallel_loop3A_1120, %parallel_loop3A_1122 : vector<16xi32>
        %parallel_loop3A_1124 = arith.constant 10 : i32
        %parallel_loop3A_1125 = arith.index_cast %parallel_loop3A_1124 : i32 to index
        %parallel_loop3A_1126 = arith.index_cast %parallel_loop3A_242 : i32 to index
        %parallel_loop3A_1127 = tpu.vector_load %arg6[%parallel_loop3A_1125, %parallel_loop3A_1126] {strides = array<i32>} : memref<23x128xf32, #tpu.memory_space<vmem>>, vector<16xf32>,
        %parallel_loop3A_1128 = arith.fptosi %parallel_loop3A_1127 : vector<16xf32> to vector<16xi32>
        %parallel_loop3A_1129 = arith.constant 16 : i32
        %parallel_loop3A_1130 = vector.broadcast %parallel_loop3A_1129 : i32 to vector<16xi32>
        %parallel_loop3A_1131 = arith.muli %parallel_loop3A_1128, %parallel_loop3A_1130 : vector<16xi32>
        %parallel_loop3A_1132 = arith.constant 2880 : i32
        %parallel_loop3A_1133 = vector.broadcast %parallel_loop3A_1132 : i32 to vector<16xi32>
        %parallel_loop3A_1134 = arith.addi %parallel_loop3A_1131, %parallel_loop3A_1133 : vector<16xi32>
        %parallel_loop3A_1135 = arith.addi %mul3A_5, %parallel_loop3A_1134 : vector<16xi32>
        %parallel_loop3A_1136 = arith.constant 0 : i32
        %parallel_loop3A_1137 = vector.broadcast %parallel_loop3A_1136 : i32 to vector<16xi32>
        %parallel_loop3A_1138 = arith.addi %parallel_loop3A_1135, %parallel_loop3A_1137 : vector<16xi32>
        %parallel_loop3A_1139 = tpu.vector_load_idx %arg9[%parallel_loop3A_1138] : memref<53008xf32, #tpu.memory_space<vmem>>[vector<16xi32>], vector<16xf32>,
        %parallel_loop3A_1140 = arith.constant 1 : i32
        %parallel_loop3A_1141 = vector.broadcast %parallel_loop3A_1140 : i32 to vector<16xi32>
        %parallel_loop3A_1142 = arith.addi %parallel_loop3A_1135, %parallel_loop3A_1141 : vector<16xi32>
        %parallel_loop3A_1143 = tpu.vector_load_idx %arg9[%parallel_loop3A_1142] : memref<53008xf32, #tpu.memory_space<vmem>>[vector<16xi32>], vector<16xf32>,
        %parallel_loop3A_1144 = arith.constant 2 : i32
        %parallel_loop3A_1145 = vector.broadcast %parallel_loop3A_1144 : i32 to vector<16xi32>
        %parallel_loop3A_1146 = arith.addi %parallel_loop3A_1135, %parallel_loop3A_1145 : vector<16xi32>
        %parallel_loop3A_1147 = tpu.vector_load_idx %arg9[%parallel_loop3A_1146] : memref<53008xf32, #tpu.memory_space<vmem>>[vector<16xi32>], vector<16xf32>,
        %parallel_loop3A_1148 = arith.constant 3 : i32
        %parallel_loop3A_1149 = vector.broadcast %parallel_loop3A_1148 : i32 to vector<16xi32>
        %parallel_loop3A_1150 = arith.addi %parallel_loop3A_1135, %parallel_loop3A_1149 : vector<16xi32>
        %parallel_loop3A_1151 = tpu.vector_load_idx %arg9[%parallel_loop3A_1150] : memref<53008xf32, #tpu.memory_space<vmem>>[vector<16xi32>], vector<16xf32>,
        %parallel_loop3A_1152 = arith.constant 4 : i32
        %parallel_loop3A_1153 = vector.broadcast %parallel_loop3A_1152 : i32 to vector<16xi32>
        %parallel_loop3A_1154 = arith.addi %parallel_loop3A_1135, %parallel_loop3A_1153 : vector<16xi32>
        %parallel_loop3A_1155 = tpu.vector_load_idx %arg9[%parallel_loop3A_1154] : memref<53008xf32, #tpu.memory_space<vmem>>[vector<16xi32>], vector<16xf32>,
        %parallel_loop3A_1156 = arith.constant 5 : i32
        %parallel_loop3A_1157 = vector.broadcast %parallel_loop3A_1156 : i32 to vector<16xi32>
        %parallel_loop3A_1158 = arith.addi %parallel_loop3A_1135, %parallel_loop3A_1157 : vector<16xi32>
        %parallel_loop3A_1159 = tpu.vector_load_idx %arg9[%parallel_loop3A_1158] : memref<53008xf32, #tpu.memory_space<vmem>>[vector<16xi32>], vector<16xf32>,
        %parallel_loop3A_1160 = arith.constant 6 : i32
        %parallel_loop3A_1161 = vector.broadcast %parallel_loop3A_1160 : i32 to vector<16xi32>
        %parallel_loop3A_1162 = arith.addi %parallel_loop3A_1135, %parallel_loop3A_1161 : vector<16xi32>
        %parallel_loop3A_1163 = tpu.vector_load_idx %arg9[%parallel_loop3A_1162] : memref<53008xf32, #tpu.memory_space<vmem>>[vector<16xi32>], vector<16xf32>,
        %parallel_loop3A_1164 = arith.constant 7 : i32
        %parallel_loop3A_1165 = vector.broadcast %parallel_loop3A_1164 : i32 to vector<16xi32>
        %parallel_loop3A_1166 = arith.addi %parallel_loop3A_1135, %parallel_loop3A_1165 : vector<16xi32>
        %parallel_loop3A_1167 = tpu.vector_load_idx %arg9[%parallel_loop3A_1166] : memref<53008xf32, #tpu.memory_space<vmem>>[vector<16xi32>], vector<16xf32>,
        tpu.vector_store_idx %arg8[%parallel_loop3A_244, %parallel_loop3A_1123], %parallel_loop3A_1139 : memref<128x136xf32, #tpu.memory_space<vmem>>[vector<16xi32>, vector<16xi32>], vector<16xf32>,
        %parallel_loop3A_1168 = arith.constant 1 : i32
        %parallel_loop3A_1169 = vector.broadcast %parallel_loop3A_1168 : i32 to vector<16xi32>
        %parallel_loop3A_1170 = arith.addi %parallel_loop3A_1123, %parallel_loop3A_1169 : vector<16xi32>
        tpu.vector_store_idx %arg8[%parallel_loop3A_244, %parallel_loop3A_1170], %parallel_loop3A_1143 : memref<128x136xf32, #tpu.memory_space<vmem>>[vector<16xi32>, vector<16xi32>], vector<16xf32>,
        %parallel_loop3A_1171 = arith.constant 1 : i32
        %parallel_loop3A_1172 = vector.broadcast %parallel_loop3A_1171 : i32 to vector<16xi32>
        %parallel_loop3A_1173 = arith.addi %parallel_loop3A_1170, %parallel_loop3A_1172 : vector<16xi32>
        tpu.vector_store_idx %arg8[%parallel_loop3A_244, %parallel_loop3A_1173], %parallel_loop3A_1147 : memref<128x136xf32, #tpu.memory_space<vmem>>[vector<16xi32>, vector<16xi32>], vector<16xf32>,
        %parallel_loop3A_1174 = arith.constant 1 : i32
        %parallel_loop3A_1175 = vector.broadcast %parallel_loop3A_1174 : i32 to vector<16xi32>
        %parallel_loop3A_1176 = arith.addi %parallel_loop3A_1173, %parallel_loop3A_1175 : vector<16xi32>
        tpu.vector_store_idx %arg8[%parallel_loop3A_244, %parallel_loop3A_1176], %parallel_loop3A_1151 : memref<128x136xf32, #tpu.memory_space<vmem>>[vector<16xi32>, vector<16xi32>], vector<16xf32>,
        %parallel_loop3A_1177 = arith.constant 1 : i32
        %parallel_loop3A_1178 = vector.broadcast %parallel_loop3A_1177 : i32 to vector<16xi32>
        %parallel_loop3A_1179 = arith.addi %parallel_loop3A_1176, %parallel_loop3A_1178 : vector<16xi32>
        tpu.vector_store_idx %arg8[%parallel_loop3A_244, %parallel_loop3A_1179], %parallel_loop3A_1155 : memref<128x136xf32, #tpu.memory_space<vmem>>[vector<16xi32>, vector<16xi32>], vector<16xf32>,
        %parallel_loop3A_1180 = arith.constant 1 : i32
        %parallel_loop3A_1181 = vector.broadcast %parallel_loop3A_1180 : i32 to vector<16xi32>
        %parallel_loop3A_1182 = arith.addi %parallel_loop3A_1179, %parallel_loop3A_1181 : vector<16xi32>
        tpu.vector_store_idx %arg8[%parallel_loop3A_244, %parallel_loop3A_1182], %parallel_loop3A_1159 : memref<128x136xf32, #tpu.memory_space<vmem>>[vector<16xi32>, vector<16xi32>], vector<16xf32>,
        %parallel_loop3A_1183 = arith.constant 1 : i32
        %parallel_loop3A_1184 = vector.broadcast %parallel_loop3A_1183 : i32 to vector<16xi32>
        %parallel_loop3A_1185 = arith.addi %parallel_loop3A_1182, %parallel_loop3A_1184 : vector<16xi32>
        tpu.vector_store_idx %arg8[%parallel_loop3A_244, %parallel_loop3A_1185], %parallel_loop3A_1163 : memref<128x136xf32, #tpu.memory_space<vmem>>[vector<16xi32>, vector<16xi32>], vector<16xf32>,
        %parallel_loop3A_1186 = arith.constant 1 : i32
        %parallel_loop3A_1187 = vector.broadcast %parallel_loop3A_1186 : i32 to vector<16xi32>
        %parallel_loop3A_1188 = arith.addi %parallel_loop3A_1185, %parallel_loop3A_1187 : vector<16xi32>
        tpu.vector_store_idx %arg8[%parallel_loop3A_244, %parallel_loop3A_1188], %parallel_loop3A_1167 : memref<128x136xf32, #tpu.memory_space<vmem>>[vector<16xi32>, vector<16xi32>], vector<16xf32>,
        %parallel_loop3A_1189 = arith.constant 1 : i32
        %parallel_loop3A_1190 = vector.broadcast %parallel_loop3A_1189 : i32 to vector<16xi32>
        %parallel_loop3A_1191 = arith.addi %parallel_loop3A_1188, %parallel_loop3A_1190 : vector<16xi32>
        %parallel_loop3A_1192 = arith.constant 11 : i32
        %parallel_loop3A_1193 = arith.index_cast %parallel_loop3A_1192 : i32 to index
        %parallel_loop3A_1194 = arith.index_cast %parallel_loop3A_242 : i32 to index
        %parallel_loop3A_1195 = tpu.vector_load %arg6[%parallel_loop3A_1193, %parallel_loop3A_1194] {strides = array<i32>} : memref<23x128xf32, #tpu.memory_space<vmem>>, vector<16xf32>,
        %parallel_loop3A_1196 = arith.constant 12 : i32
        %parallel_loop3A_1197 = arith.index_cast %parallel_loop3A_1196 : i32 to index
        %parallel_loop3A_1198 = arith.index_cast %parallel_loop3A_242 : i32 to index
        %parallel_loop3A_1199 = tpu.vector_load %arg6[%parallel_loop3A_1197, %parallel_loop3A_1198] {strides = array<i32>} : memref<23x128xf32, #tpu.memory_space<vmem>>, vector<16xf32>,
        %parallel_loop3A_1200 = arith.constant 13 : i32
        %parallel_loop3A_1201 = arith.index_cast %parallel_loop3A_1200 : i32 to index
        %parallel_loop3A_1202 = arith.index_cast %parallel_loop3A_242 : i32 to index
        %parallel_loop3A_1203 = tpu.vector_load %arg6[%parallel_loop3A_1201, %parallel_loop3A_1202] {strides = array<i32>} : memref<23x128xf32, #tpu.memory_space<vmem>>, vector<16xf32>,
        %parallel_loop3A_1204 = arith.constant 14 : i32
        %parallel_loop3A_1205 = arith.index_cast %parallel_loop3A_1204 : i32 to index
        %parallel_loop3A_1206 = arith.index_cast %parallel_loop3A_242 : i32 to index
        %parallel_loop3A_1207 = tpu.vector_load %arg6[%parallel_loop3A_1205, %parallel_loop3A_1206] {strides = array<i32>} : memref<23x128xf32, #tpu.memory_space<vmem>>, vector<16xf32>,
        %parallel_loop3A_1208 = arith.constant 15 : i32
        %parallel_loop3A_1209 = arith.index_cast %parallel_loop3A_1208 : i32 to index
        %parallel_loop3A_1210 = arith.index_cast %parallel_loop3A_242 : i32 to index
        %parallel_loop3A_1211 = tpu.vector_load %arg6[%parallel_loop3A_1209, %parallel_loop3A_1210] {strides = array<i32>} : memref<23x128xf32, #tpu.memory_space<vmem>>, vector<16xf32>,
        %parallel_loop3A_1212 = arith.constant 16 : i32
        %parallel_loop3A_1213 = arith.index_cast %parallel_loop3A_1212 : i32 to index
        %parallel_loop3A_1214 = arith.index_cast %parallel_loop3A_242 : i32 to index
        %parallel_loop3A_1215 = tpu.vector_load %arg6[%parallel_loop3A_1213, %parallel_loop3A_1214] {strides = array<i32>} : memref<23x128xf32, #tpu.memory_space<vmem>>, vector<16xf32>,
        %parallel_loop3A_1216 = arith.constant 17 : i32
        %parallel_loop3A_1217 = arith.index_cast %parallel_loop3A_1216 : i32 to index
        %parallel_loop3A_1218 = arith.index_cast %parallel_loop3A_242 : i32 to index
        %parallel_loop3A_1219 = tpu.vector_load %arg6[%parallel_loop3A_1217, %parallel_loop3A_1218] {strides = array<i32>} : memref<23x128xf32, #tpu.memory_space<vmem>>, vector<16xf32>,
        %parallel_loop3A_1220 = arith.constant 18 : i32
        %parallel_loop3A_1221 = arith.index_cast %parallel_loop3A_1220 : i32 to index
        %parallel_loop3A_1222 = arith.index_cast %parallel_loop3A_242 : i32 to index
        %parallel_loop3A_1223 = tpu.vector_load %arg6[%parallel_loop3A_1221, %parallel_loop3A_1222] {strides = array<i32>} : memref<23x128xf32, #tpu.memory_space<vmem>>, vector<16xf32>,
        %parallel_loop3A_1224 = arith.constant 19 : i32
        %parallel_loop3A_1225 = arith.index_cast %parallel_loop3A_1224 : i32 to index
        %parallel_loop3A_1226 = arith.index_cast %parallel_loop3A_242 : i32 to index
        %parallel_loop3A_1227 = tpu.vector_load %arg6[%parallel_loop3A_1225, %parallel_loop3A_1226] {strides = array<i32>} : memref<23x128xf32, #tpu.memory_space<vmem>>, vector<16xf32>,
        %parallel_loop3A_1228 = arith.constant 20 : i32
        %parallel_loop3A_1229 = arith.index_cast %parallel_loop3A_1228 : i32 to index
        %parallel_loop3A_1230 = arith.index_cast %parallel_loop3A_242 : i32 to index
        %parallel_loop3A_1231 = tpu.vector_load %arg6[%parallel_loop3A_1229, %parallel_loop3A_1230] {strides = array<i32>} : memref<23x128xf32, #tpu.memory_space<vmem>>, vector<16xf32>,
        %parallel_loop3A_1232 = arith.constant 21 : i32
        %parallel_loop3A_1233 = arith.index_cast %parallel_loop3A_1232 : i32 to index
        %parallel_loop3A_1234 = arith.index_cast %parallel_loop3A_242 : i32 to index
        %parallel_loop3A_1235 = tpu.vector_load %arg6[%parallel_loop3A_1233, %parallel_loop3A_1234] {strides = array<i32>} : memref<23x128xf32, #tpu.memory_space<vmem>>, vector<16xf32>,
        %parallel_loop3A_1236 = arith.constant 22 : i32
        %parallel_loop3A_1237 = arith.index_cast %parallel_loop3A_1236 : i32 to index
        %parallel_loop3A_1238 = arith.index_cast %parallel_loop3A_242 : i32 to index
        %parallel_loop3A_1239 = tpu.vector_load %arg6[%parallel_loop3A_1237, %parallel_loop3A_1238] {strides = array<i32>} : memref<23x128xf32, #tpu.memory_space<vmem>>, vector<16xf32>,
        tpu.vector_store_idx %arg8[%parallel_loop3A_244, %parallel_loop3A_1191], %parallel_loop3A_1195 : memref<128x136xf32, #tpu.memory_space<vmem>>[vector<16xi32>, vector<16xi32>], vector<16xf32>,
        %parallel_loop3A_1240 = arith.constant 1 : i32
        %parallel_loop3A_1241 = vector.broadcast %parallel_loop3A_1240 : i32 to vector<16xi32>
        %parallel_loop3A_1242 = arith.addi %parallel_loop3A_1191, %parallel_loop3A_1241 : vector<16xi32>
        tpu.vector_store_idx %arg8[%parallel_loop3A_244, %parallel_loop3A_1242], %parallel_loop3A_1199 : memref<128x136xf32, #tpu.memory_space<vmem>>[vector<16xi32>, vector<16xi32>], vector<16xf32>,
        %parallel_loop3A_1243 = arith.constant 1 : i32
        %parallel_loop3A_1244 = vector.broadcast %parallel_loop3A_1243 : i32 to vector<16xi32>
        %parallel_loop3A_1245 = arith.addi %parallel_loop3A_1242, %parallel_loop3A_1244 : vector<16xi32>
        tpu.vector_store_idx %arg8[%parallel_loop3A_244, %parallel_loop3A_1245], %parallel_loop3A_1203 : memref<128x136xf32, #tpu.memory_space<vmem>>[vector<16xi32>, vector<16xi32>], vector<16xf32>,
        %parallel_loop3A_1246 = arith.constant 1 : i32
        %parallel_loop3A_1247 = vector.broadcast %parallel_loop3A_1246 : i32 to vector<16xi32>
        %parallel_loop3A_1248 = arith.addi %parallel_loop3A_1245, %parallel_loop3A_1247 : vector<16xi32>
        tpu.vector_store_idx %arg8[%parallel_loop3A_244, %parallel_loop3A_1248], %parallel_loop3A_1207 : memref<128x136xf32, #tpu.memory_space<vmem>>[vector<16xi32>, vector<16xi32>], vector<16xf32>,
        %parallel_loop3A_1249 = arith.constant 1 : i32
        %parallel_loop3A_1250 = vector.broadcast %parallel_loop3A_1249 : i32 to vector<16xi32>
        %parallel_loop3A_1251 = arith.addi %parallel_loop3A_1248, %parallel_loop3A_1250 : vector<16xi32>
        tpu.vector_store_idx %arg8[%parallel_loop3A_244, %parallel_loop3A_1251], %parallel_loop3A_1211 : memref<128x136xf32, #tpu.memory_space<vmem>>[vector<16xi32>, vector<16xi32>], vector<16xf32>,
        %parallel_loop3A_1252 = arith.constant 1 : i32
        %parallel_loop3A_1253 = vector.broadcast %parallel_loop3A_1252 : i32 to vector<16xi32>
        %parallel_loop3A_1254 = arith.addi %parallel_loop3A_1251, %parallel_loop3A_1253 : vector<16xi32>
        tpu.vector_store_idx %arg8[%parallel_loop3A_244, %parallel_loop3A_1254], %parallel_loop3A_1215 : memref<128x136xf32, #tpu.memory_space<vmem>>[vector<16xi32>, vector<16xi32>], vector<16xf32>,
        %parallel_loop3A_1255 = arith.constant 1 : i32
        %parallel_loop3A_1256 = vector.broadcast %parallel_loop3A_1255 : i32 to vector<16xi32>
        %parallel_loop3A_1257 = arith.addi %parallel_loop3A_1254, %parallel_loop3A_1256 : vector<16xi32>
        tpu.vector_store_idx %arg8[%parallel_loop3A_244, %parallel_loop3A_1257], %parallel_loop3A_1219 : memref<128x136xf32, #tpu.memory_space<vmem>>[vector<16xi32>, vector<16xi32>], vector<16xf32>,
        %parallel_loop3A_1258 = arith.constant 1 : i32
        %parallel_loop3A_1259 = vector.broadcast %parallel_loop3A_1258 : i32 to vector<16xi32>
        %parallel_loop3A_1260 = arith.addi %parallel_loop3A_1257, %parallel_loop3A_1259 : vector<16xi32>
        tpu.vector_store_idx %arg8[%parallel_loop3A_244, %parallel_loop3A_1260], %parallel_loop3A_1223 : memref<128x136xf32, #tpu.memory_space<vmem>>[vector<16xi32>, vector<16xi32>], vector<16xf32>,
        %parallel_loop3A_1261 = arith.constant 1 : i32
        %parallel_loop3A_1262 = vector.broadcast %parallel_loop3A_1261 : i32 to vector<16xi32>
        %parallel_loop3A_1263 = arith.addi %parallel_loop3A_1260, %parallel_loop3A_1262 : vector<16xi32>
        tpu.vector_store_idx %arg8[%parallel_loop3A_244, %parallel_loop3A_1263], %parallel_loop3A_1227 : memref<128x136xf32, #tpu.memory_space<vmem>>[vector<16xi32>, vector<16xi32>], vector<16xf32>,
        %parallel_loop3A_1264 = arith.constant 1 : i32
        %parallel_loop3A_1265 = vector.broadcast %parallel_loop3A_1264 : i32 to vector<16xi32>
        %parallel_loop3A_1266 = arith.addi %parallel_loop3A_1263, %parallel_loop3A_1265 : vector<16xi32>
        tpu.vector_store_idx %arg8[%parallel_loop3A_244, %parallel_loop3A_1266], %parallel_loop3A_1231 : memref<128x136xf32, #tpu.memory_space<vmem>>[vector<16xi32>, vector<16xi32>], vector<16xf32>,
        %parallel_loop3A_1267 = arith.constant 1 : i32
        %parallel_loop3A_1268 = vector.broadcast %parallel_loop3A_1267 : i32 to vector<16xi32>
        %parallel_loop3A_1269 = arith.addi %parallel_loop3A_1266, %parallel_loop3A_1268 : vector<16xi32>
        tpu.vector_store_idx %arg8[%parallel_loop3A_244, %parallel_loop3A_1269], %parallel_loop3A_1235 : memref<128x136xf32, #tpu.memory_space<vmem>>[vector<16xi32>, vector<16xi32>], vector<16xf32>,
        %parallel_loop3A_1270 = arith.constant 1 : i32
        %parallel_loop3A_1271 = vector.broadcast %parallel_loop3A_1270 : i32 to vector<16xi32>
        %parallel_loop3A_1272 = arith.addi %parallel_loop3A_1269, %parallel_loop3A_1271 : vector<16xi32>
        tpu.vector_store_idx %arg8[%parallel_loop3A_244, %parallel_loop3A_1272], %parallel_loop3A_1239 : memref<128x136xf32, #tpu.memory_space<vmem>>[vector<16xi32>, vector<16xi32>], vector<16xf32>,
        %parallel_loop3A_1273 = arith.constant 1 : i32
        %parallel_loop3A_1274 = vector.broadcast %parallel_loop3A_1273 : i32 to vector<16xi32>
        %parallel_loop3A_1275 = arith.addi %parallel_loop3A_1272, %parallel_loop3A_1274 : vector<16xi32>
      } {sc.loop_unroll_factor = 1 : i64, sc.parallel_access}
      %jit3A_191 = arith.constant 50 : i32
      %div3A_192 = arith.divsi %add3A_145, %jit3A_191 : i32
      %sign3A_193 = arith.constant 0 : i32
      %sign3A_194 = arith.cmpi sgt, %add3A_145, %sign3A_193 : i32
      %sign3A_195 = arith.extui %sign3A_194 : i1 to i32
      %sign3A_196 = arith.constant 0 : i32
      %sign3A_197 = arith.cmpi slt, %add3A_145, %sign3A_196 : i32
      %sign3A_198 = arith.extui %sign3A_197 : i1 to i32
      %sign3A_199 = arith.subi %sign3A_195, %sign3A_198 : i32
      %sign3A_200 = arith.constant 0 : i32
      %sign3A_201 = arith.cmpi sgt, %jit3A_191, %sign3A_200 : i32
      %sign3A_202 = arith.extui %sign3A_201 : i1 to i32
      %sign3A_203 = arith.constant 0 : i32
      %sign3A_204 = arith.cmpi slt, %jit3A_191, %sign3A_203 : i32
      %sign3A_205 = arith.extui %sign3A_204 : i1 to i32
      %sign3A_206 = arith.subi %sign3A_202, %sign3A_205 : i32
      %ne3A_207 = arith.cmpi ne, %sign3A_199, %sign3A_206 : i32
      %rem3A_208 = arith.remsi %add3A_145, %jit3A_191 : i32
      %ne3A_209 = arith.constant 0 : i32
      %ne3A_210 = arith.cmpi ne, %rem3A_208, %ne3A_209 : i32
      %and3A_211 = arith.andi %ne3A_207, %ne3A_210 : i1
      %sub3A_212 = arith.constant 1 : i32
      %sub3A_213 = arith.subi %div3A_192, %sub3A_212 : i32
      %select_n3A_214 = arith.select %and3A_211, %sub3A_213, %div3A_192 : i32
      %mul3A_215 = arith.constant 50 : i32
      %mul3A_216 = arith.muli %select_n3A_214, %mul3A_215 : i32
      %sub3A_217 = arith.subi %add3A_145, %mul3A_216 : i32
      %mul3A_218 = arith.constant 128 : i32
      %mul3A_219 = arith.muli %select_n3A_214, %mul3A_218 : i32
      %add3A_220 = arith.addi %mul3A_2, %mul3A_219 : i32
      %dma_start3A_221 = arith.constant 0 : i32
      %dma_start3A_222 = arith.constant 0 : i32
      %dma_start3A_223 = tpu.memref_slice %arg8[%dma_start3A_221, %dma_start3A_222] : memref<128x136xf32, #tpu.memory_space<vmem>> -> memref<128x128xf32, #tpu.memory_space<vmem>>
      %dma_start3A_224 = arith.constant 0 : i32
      %dma_start3A_225 = tpu.memref_slice %arg4[%sub3A_217, %add3A_220, %dma_start3A_224] : memref<50x16384x128xf32, #tpu.memory_space<hbm>> -> memref<1x128x128xf32, #tpu.memory_space<hbm>>
      %dma_start3A_226 = tpu.memref_squeeze %dma_start3A_225 : memref<1x128x128xf32, #tpu.memory_space<hbm>> -> memref<128x128xf32, #tpu.memory_space<hbm>>
      %dma_start3A_227 = arith.constant 0 : i32
      %dma_start3A_228 = tpu.memref_slice %arg4[%sub3A_217, %add3A_220, %dma_start3A_227] : memref<50x16384x128xf32, #tpu.memory_space<hbm>> -> memref<1x128x128xf32, #tpu.memory_space<hbm>>
      %dma_start3A_229 = tpu.memref_squeeze %dma_start3A_228 : memref<1x128x128xf32, #tpu.memory_space<hbm>> -> memref<128x128xf32, #tpu.memory_space<hbm>>
      %dma_start3A_230 = arith.constant 0 : i32
      %dma_start3A_231 = arith.constant 0 : i32
      %dma_start3A_232 = tpu.memref_slice %arg8[%dma_start3A_230, %dma_start3A_231] : memref<128x136xf32, #tpu.memory_space<vmem>> -> memref<128x128xf32, #tpu.memory_space<vmem>>
      tpu.enqueue_dma source(%dma_start3A_232 : memref<128x128xf32, #tpu.memory_space<vmem>>) target(%dma_start3A_229 : memref<128x128xf32, #tpu.memory_space<hbm>>) target_semaphore(%arg13 : memref<!tpu.dma_semaphore, #tpu.memory_space<semaphore_mem>>)
      %add3A_233 = arith.constant 2 : i32
      %add3A_234 = arith.addi %add3A_145, %add3A_233 : i32
      %lt3A_235 = arith.constant 200 : i32
      %lt3A_236 = arith.cmpi slt, %add3A_234, %lt3A_235 : i32
      %convert_element_type3A_237 = arith.extui %lt3A_236 : i1 to i32
      %cond3A_238 = arith.constant 0 : i32
      %cond3A_239 = arith.cmpi ne, %convert_element_type3A_237, %cond3A_238 : i32
      scf.if %cond3A_239 {
        %add3A_240 = arith.constant 2 : i32
        %add3A_241 = arith.addi %add3A_145, %add3A_240 : i32
        %jit3A_242 = arith.constant 50 : i32
        %div3A_243 = arith.divsi %add3A_241, %jit3A_242 : i32
        %sign3A_244 = arith.constant 0 : i32
        %sign3A_245 = arith.cmpi sgt, %add3A_241, %sign3A_244 : i32
        %sign3A_246 = arith.extui %sign3A_245 : i1 to i32
        %sign3A_247 = arith.constant 0 : i32
        %sign3A_248 = arith.cmpi slt, %add3A_241, %sign3A_247 : i32
        %sign3A_249 = arith.extui %sign3A_248 : i1 to i32
        %sign3A_250 = arith.subi %sign3A_246, %sign3A_249 : i32
        %sign3A_251 = arith.constant 0 : i32
        %sign3A_252 = arith.cmpi sgt, %jit3A_242, %sign3A_251 : i32
        %sign3A_253 = arith.extui %sign3A_252 : i1 to i32
        %sign3A_254 = arith.constant 0 : i32
        %sign3A_255 = arith.cmpi slt, %jit3A_242, %sign3A_254 : i32
        %sign3A_256 = arith.extui %sign3A_255 : i1 to i32
        %sign3A_257 = arith.subi %sign3A_253, %sign3A_256 : i32
        %ne3A_258 = arith.cmpi ne, %sign3A_250, %sign3A_257 : i32
        %rem3A_259 = arith.remsi %add3A_241, %jit3A_242 : i32
        %ne3A_260 = arith.constant 0 : i32
        %ne3A_261 = arith.cmpi ne, %rem3A_259, %ne3A_260 : i32
        %and3A_262 = arith.andi %ne3A_258, %ne3A_261 : i1
        %sub3A_263 = arith.constant 1 : i32
        %sub3A_264 = arith.subi %div3A_243, %sub3A_263 : i32
        %select_n3A_265 = arith.select %and3A_262, %sub3A_264, %div3A_243 : i32
        %mul3A_266 = arith.constant 50 : i32
        %mul3A_267 = arith.muli %select_n3A_265, %mul3A_266 : i32
        %sub3A_268 = arith.subi %add3A_241, %mul3A_267 : i32
        %mul3A_269 = arith.constant 128 : i32
        %mul3A_270 = arith.muli %select_n3A_265, %mul3A_269 : i32
        %add3A_271 = arith.addi %mul3A_2, %mul3A_270 : i32
        %dma_start3A_272 = arith.constant 0 : i32
        %dma_start3A_273 = tpu.memref_slice %arg2[%sub3A_268, %dma_start3A_272, %add3A_271] : memref<50x23x16384xf32, #tpu.memory_space<hbm>> -> memref<1x23x128xf32, #tpu.memory_space<hbm>>
        %dma_start3A_274 = tpu.memref_squeeze %dma_start3A_273 : memref<1x23x128xf32, #tpu.memory_space<hbm>> -> memref<23x128xf32, #tpu.memory_space<hbm>>
        %dma_start3A_275 = arith.constant 0 : i32
        %dma_start3A_276 = tpu.memref_slice %arg2[%sub3A_268, %dma_start3A_275, %add3A_271] : memref<50x23x16384xf32, #tpu.memory_space<hbm>> -> memref<1x23x128xf32, #tpu.memory_space<hbm>>
        %dma_start3A_277 = tpu.memref_squeeze %dma_start3A_276 : memref<1x23x128xf32, #tpu.memory_space<hbm>> -> memref<23x128xf32, #tpu.memory_space<hbm>>
        tpu.enqueue_dma source(%dma_start3A_277 : memref<23x128xf32, #tpu.memory_space<hbm>>) target(%arg6 : memref<23x128xf32, #tpu.memory_space<vmem>>) target_semaphore(%arg11 : memref<!tpu.dma_semaphore, #tpu.memory_space<semaphore_mem>>)
      } else {
      }
    }
    %scan3A_26 = arith.constant 100 : i32
    %add3A_27 = arith.constant 384 : i32
    %add3A_28 = arith.addi %mul3A_2, %add3A_27 : i32
    %dma_wait3A = arith.constant 48 : i32
    %dma_wait3A_29 = arith.constant 0 : i32
    %dma_wait3A_30 = arith.constant 0 : i32
    %dma_wait3A_31 = tpu.memref_slice %arg7[%dma_wait3A_29, %dma_wait3A_30] : memref<128x136xf32, #tpu.memory_space<vmem>> -> memref<128x128xf32, #tpu.memory_space<vmem>>
    %dma_wait3A_32 = arith.constant 0 : i32
    %dma_wait3A_33 = tpu.memref_slice %arg4[%dma_wait3A, %add3A_28, %dma_wait3A_32] : memref<50x16384x128xf32, #tpu.memory_space<hbm>> -> memref<1x128x128xf32, #tpu.memory_space<hbm>>
    %dma_wait3A_34 = tpu.memref_squeeze %dma_wait3A_33 : memref<1x128x128xf32, #tpu.memory_space<hbm>> -> memref<128x128xf32, #tpu.memory_space<hbm>>
    %dma_wait3A_35 = arith.constant 0 : i32
    %dma_wait3A_36 = tpu.memref_slice %arg4[%dma_wait3A, %add3A_28, %dma_wait3A_35] : memref<50x16384x128xf32, #tpu.memory_space<hbm>> -> memref<1x128x128xf32, #tpu.memory_space<hbm>>
    %dma_wait3A_37 = tpu.memref_squeeze %dma_wait3A_36 : memref<1x128x128xf32, #tpu.memory_space<hbm>> -> memref<128x128xf32, #tpu.memory_space<hbm>>
    %dma_wait3A_38 = arith.constant 0 : i32
    %dma_wait3A_39 = arith.constant 0 : i32
    %dma_wait3A_40 = tpu.memref_slice %arg7[%dma_wait3A_38, %dma_wait3A_39] : memref<128x136xf32, #tpu.memory_space<vmem>> -> memref<128x128xf32, #tpu.memory_space<vmem>>
    tpu.wait_dma2 semaphore(%arg12 : memref<!tpu.dma_semaphore, #tpu.memory_space<semaphore_mem>>) src(%dma_wait3A_40 : memref<128x128xf32, #tpu.memory_space<vmem>>) dst(%dma_wait3A_37 : memref<128x128xf32, #tpu.memory_space<hbm>>)
    %add3A_41 = arith.constant 384 : i32
    %add3A_42 = arith.addi %mul3A_2, %add3A_41 : i32
    %dma_wait3A_43 = arith.constant 49 : i32
    %dma_wait3A_44 = arith.constant 0 : i32
    %dma_wait3A_45 = arith.constant 0 : i32
    %dma_wait3A_46 = tpu.memref_slice %arg8[%dma_wait3A_44, %dma_wait3A_45] : memref<128x136xf32, #tpu.memory_space<vmem>> -> memref<128x128xf32, #tpu.memory_space<vmem>>
    %dma_wait3A_47 = arith.constant 0 : i32
    %dma_wait3A_48 = tpu.memref_slice %arg4[%dma_wait3A_43, %add3A_42, %dma_wait3A_47] : memref<50x16384x128xf32, #tpu.memory_space<hbm>> -> memref<1x128x128xf32, #tpu.memory_space<hbm>>
    %dma_wait3A_49 = tpu.memref_squeeze %dma_wait3A_48 : memref<1x128x128xf32, #tpu.memory_space<hbm>> -> memref<128x128xf32, #tpu.memory_space<hbm>>
    %dma_wait3A_50 = arith.constant 0 : i32
    %dma_wait3A_51 = tpu.memref_slice %arg4[%dma_wait3A_43, %add3A_42, %dma_wait3A_50] : memref<50x16384x128xf32, #tpu.memory_space<hbm>> -> memref<1x128x128xf32, #tpu.memory_space<hbm>>
    %dma_wait3A_52 = tpu.memref_squeeze %dma_wait3A_51 : memref<1x128x128xf32, #tpu.memory_space<hbm>> -> memref<128x128xf32, #tpu.memory_space<hbm>>
    %dma_wait3A_53 = arith.constant 0 : i32
    %dma_wait3A_54 = arith.constant 0 : i32
    %dma_wait3A_55 = tpu.memref_slice %arg8[%dma_wait3A_53, %dma_wait3A_54] : memref<128x136xf32, #tpu.memory_space<vmem>> -> memref<128x128xf32, #tpu.memory_space<vmem>>
    tpu.wait_dma2 semaphore(%arg13 : memref<!tpu.dma_semaphore, #tpu.memory_space<semaphore_mem>>) src(%dma_wait3A_55 : memref<128x128xf32, #tpu.memory_space<vmem>>) dst(%dma_wait3A_52 : memref<128x128xf32, #tpu.memory_space<hbm>>)
    return
  }
}

</mosaic_0001>

<sc_bundles>
// kernel: kernel.3.cloned.1.call-start
scs
__scs_entry_jumppad:
0x0: {  	(pc) =	sbr.rel $0x88, $3  }
0x1: {  	(tag) =	ssettag $0x0;
	lr =	simm.s32 $0x1  }
0x2: {  	[smem:$0x3F9D] =	sst lr;
	_ =	strace $0xD0000000  }
0x3: {  	_ = 	snop  }
0x4: {  	_ = 	snop  }
0x5: {  	_ = 	snop  }
0x6: {  	_ = 	snop  }
0x7: {  	_ = 	snop  }
__scs_overlays_trampoline_lowered:
0x8: {  	[smem:$0x3FAC] =	sst s0  }
0x9: {  	[smem:$0x3FAD] =	sst s1  }
0xa: {  	[smem:$0x3FAE] =	sst s2  }
0xb: {  	[smem:$0x3FAF] =	sst s3  }
0xc: {  	[smem:$0x3FB0] =	sst s4  }
0xd: {  	[smem:$0x3FB1] =	sst s5  }
0xe: {  	[smem:$0x3FB2] =	sst s6  }
0xf: {  	[smem:$0x3FB3] =	sst s7  }
0x10: {  	[smem:$0x3FB4] =	sst s8  }
0x11: {  	[smem:$0x3FB5] =	sst s9;
	s0 =	simm.s32 @!p0 $0x0  }
0x12: {  	s1 =	sld [smem:$0x3F9B];
	s0 =	simm.s32 @p0 $0x1  }
0x13: {  	[smem:$0x3FB6] =	sst s0;
	s0 =	simm.s32 @!p1 $0x0  }
0x14: {  	s2 =	sld [smem:$0x3F9A];
	s0 =	simm.s32 @p1 $0x1  }
0x15: {  	[smem:$0x3FB7] =	sst s0;
	s0 =	simm.s32 @!p2 $0x0  }
0x16: {  	s3 =	sld [smem:$0x3FDB];
	s0 =	simm.s32 @p2 $0x1  }
0x17: {  	s4 =	simm.s32 $0x1BF5;
	[smem:$0x3FB9] =	sst s0  }
0x18: {  	s0 =	sld [smem:$0x3F9C];
	_ =	swait.ge [sflag:s4], $0x0  }
0x19: {  	s7 =	sld [smem:$0x3F9D]  }
0x1a: {  	s8 =	sadd.s32 $0xFFFFE003, lr  }
0x1b: {  	s9 =	sadd.s32 $0xFFFFFEF7, lr;
	s5 =	simm.s32 $0xFFFFFFFF;
	p2 =	slt.u32 s8, $0xFFFFF086  }
0x1c: {  	p1 =	slt.u32 s9, $0xF7A;
	s5 =	simm.s32 @!p2 $0x0  }
0x1d: {  	s5 =	simm.s32 @p1 $0x1;
	p0 =	seq.s32 s7, s2  }
0x1e: {  	s7 =	smul.u32 @!p0 $0xF7A, s2;
	p2 =	seq.s32 @!p0 s5, $0x0  }
0x1f: {  	s9 =	smul.u32 $0xF7A, s1;
	s8 =	simm.s32 @!p0 $0x1BF5;
	p2 =	por !p2, p0  }
0x20: {  	[sflag:s8] =	ssyncset.s32 @!p0 $0xFFFFF086;
	s6 =	sadd.s32 @!p0 s3, s7;
	s7 =	simm.s32 @!p0 $0x108  }
0x21: {  	s3 =	sadd.s32 s3, s9;
	s6 =	sadd.s32 @!p0 $0x88, s6;
	s7 =	simm.s32 @p2 $0x1082  }
0x22: {  	[simem:s7], [sflag:s8] =	dma.local @!p0 [hbm:s6], $0xF7A  }
0x23: {  	s9 =	sor.u32 $0xD0000000, s2;
	s6 =	simm.s32 $0x108;
	_ =	swait.ge @!p0 [sflag:s8], $0x0  }
0x24: {  	s3 =	sadd.s32 $0x88, s3;
	s6 =	simm.s32 @!p1 $0x1082;
	[sflag:s4] =	ssyncset.s32 $0xFFFFF086  }
0x25: {  	[simem:s6], [sflag:s4] =	dma.local [hbm:s3], $0xF7A  }
0x26: {  	[smem:$0x3F9D] =	sst s1;
	(tag) =	ssettag s2;
	_ =	strace s9  }
0x27: {  	s1 =	sld [smem:$0x3FAD]  }
0x28: {  	s2 =	sld [smem:$0x3FAE]  }
0x29: {  	s4 =	sld [smem:$0x3FB0]  }
0x2a: {  	p0 =	seq.s32 s5, $0x0;
	s5 =	sld [smem:$0x3FB1]  }
0x2b: {  	s6 =	sld [smem:$0x3FB2]  }
0x2c: {  	s7 =	sld [smem:$0x3FB3]  }
0x2d: {  	s3 =	simm.s32 $0x108;
	s8 =	sld [smem:$0x3FB4]  }
0x2e: {  	s3 =	simm.s32 @!p0 $0x1082;
	s9 =	sld [smem:$0x3FB5]  }
0x2f: {  	lr =	sadd.s32 s0, s3;
	s0 =	sld [smem:$0x3FAC]  }
0x30: {  	s3 =	sld [smem:$0x3FAF]  }
0x31: {  	[smem:$0x3FB8] =	sst s10  }
0x32: {  	s10 =	sld [smem:$0x3FB6];
	_ =	sdelay $0x3  }
0x33: {  	p0 =	seq.s32 s10, $0x1;
	s10 =	sld [smem:$0x3FB8];
	_ =	sdelay $0x3  }
0x34: {  	[smem:$0x3FB8] =	sst s10  }
0x35: {  	s10 =	sld [smem:$0x3FB7];
	_ =	sdelay $0x3  }
0x36: {  	p1 =	seq.s32 s10, $0x1;
	s10 =	sld [smem:$0x3FB8];
	_ =	sdelay $0x3  }
0x37: {  	[smem:$0x3FB8] =	sst s10  }
0x38: {  	s10 =	sld [smem:$0x3FB9]  }
0x39: {  	_ = 	snop;
	(pc) =	sbr.ind lr, $3  }
0x3a: {  	_ = 	snop  }
0x3b: {  	_ = 	snop  }
0x3c: {  	p2 =	seq.s32 s10, $0x1;
	s10 =	sld [smem:$0x3FB8]  }
0x3d: {  	_ =	shalt  }
0x3e: {  	_ =	shalt  }
0x3f: {  	_ =	shalt  }
0x40: {  	_ =	shalt  }
0x41: {  	_ =	shalt  }
0x42: {  	_ =	shalt  }
0x43: {  	_ =	shalt  }
0x44: {  	_ =	shalt  }
0x45: {  	_ =	shalt  }
0x46: {  	_ =	shalt  }
0x47: {  	_ =	shalt  }
0x48: {  	_ =	shalt  }
0x49: {  	_ =	shalt  }
0x4a: {  	_ =	shalt  }
0x4b: {  	_ =	shalt  }
0x4c: {  	_ =	shalt  }
0x4d: {  	_ =	shalt  }
0x4e: {  	_ =	shalt  }
0x4f: {  	_ =	shalt  }
0x50: {  	_ =	shalt  }
0x51: {  	_ =	shalt  }
0x52: {  	_ =	shalt  }
0x53: {  	_ =	shalt  }
0x54: {  	_ =	shalt  }
0x55: {  	_ =	shalt  }
0x56: {  	_ =	shalt  }
0x57: {  	_ =	shalt  }
0x58: {  	_ =	shalt  }
0x59: {  	_ =	shalt  }
0x5a: {  	_ =	shalt  }
0x5b: {  	_ =	shalt  }
0x5c: {  	_ =	shalt  }
0x5d: {  	_ =	shalt  }
0x5e: {  	_ =	shalt  }
0x5f: {  	_ =	shalt  }
0x60: {  	_ =	shalt  }
0x61: {  	_ =	shalt  }
0x62: {  	_ =	shalt  }
0x63: {  	_ =	shalt  }
0x64: {  	_ =	shalt  }
0x65: {  	_ =	shalt  }
0x66: {  	_ =	shalt  }
0x67: {  	_ =	shalt  }
0x68: {  	_ =	shalt  }
0x69: {  	_ =	shalt  }
0x6a: {  	_ =	shalt  }
0x6b: {  	_ =	shalt  }
0x6c: {  	_ =	shalt  }
0x6d: {  	_ =	shalt  }
0x6e: {  	_ =	shalt  }
0x6f: {  	_ =	shalt  }
0x70: {  	_ =	shalt  }
0x71: {  	_ =	shalt  }
0x72: {  	_ =	shalt  }
0x73: {  	_ =	shalt  }
0x74: {  	_ =	shalt  }
0x75: {  	_ =	shalt  }
0x76: {  	_ =	shalt  }
0x77: {  	_ =	shalt  }
0x78: {  	_ =	shalt  }
0x79: {  	_ =	shalt  }
0x7a: {  	_ =	shalt  }
0x7b: {  	_ =	shalt  }
0x7c: {  	_ =	shalt  }
0x7d: {  	_ =	shalt  }
0x7e: {  	_ =	shalt  }
0x7f: {  	_ =	shalt  }
0x80: {  	_ =	shalt  }
0x81: {  	_ =	shalt  }
0x82: {  	_ =	shalt  }
0x83: {  	_ =	shalt  }
0x84: {  	_ =	shalt  }
0x85: {  	_ =	shalt  }
0x86: {  	_ =	shalt  }
0x87: {  	_ =	shalt  }
.Lfunc_end0:
.L_simem_size_0:
called_computation_lowered:
.L_overlay_start_0:
0x88: {  	s2 =	sld [smem:$0x3FD9]  }
0x89: {  	s3 =	sld [smem:$0x3FFE];
	_ =	sdelay $0x1  }
0x8a: {  	s1 =	srdreg.scid  }
0x8b: {  	s0 =	sand.u32 $0x1, s1  }
0x8c: {  	s17 =	sshll.u32 s0, $0xA;
	s2 =	sadd.s32 s3, s2  }
0x8d: {  	s2 =	sadd.s32 s2, s17  }
0x8e: {  	[smem:$0x3FC4] =	sst s2  }
0x8f: {  	_ = 	snop  }
0x90: {  	s2 =	sld [smem:$0x3FC9]  }
0x91: {  	s18 =	sld [smem:$0x3FD0];
	(tm) =	ssettm $0x1  }
0x92: {  	s4 =	sld [smem:$0x3FFB];
	_ =	sdelay $0x3  }
0x93: {  	_ =	strace s4  }
0x94: {  	s4 =	sld [smem:$0x3FFC];
	_ =	sdelay $0x3  }
0x95: {  	_ =	strace s4  }
0x96: {  	s4 =	sld [smem:$0x3FFD];
	_ =	sdelay $0x3  }
0x97: {  	_ =	strace s4  }
0x98: {  	_ =	strace $0x8FFFFFFF  }
0x99: {  	s19 =	sld [smem:$0x3FDB];
	_ =	sdelay $0x1  }
0x9a: {  	s5 =	simm.s32 $_scs_section_size  }
0x9b: {  	s6 =	simm.s32 $_size__tile_overlayer_lowered;
	s7 =	simm.s32 $_tile_overlayer_lowered  }
0x9c: {  	s22 =	simm.s32 $0x1BFF;
	s21 =	sshll.u32 s7, $0x1;
	s4 =	sadd.s32 s5, s19  }
0x9d: {  	s8 =	simm.s32 $0x0;
	s20 =	sshll.u32 s6, $0x1;
	s6 =	sadd.s32 s21, s4  }
0x9e: {  	[timem:s8], [sflag:s22] =	dma.local [hbm:s6], s20  }
0x9f: {  	_ =	swait.ge [sflag:s22], s20  }
0xa0: {  	s5 =	ssub.s32 $0x0, s20;
	[sflag:s22] =	ssyncset.done $0x0  }
0xa1: {  	[sflag:s22] =	ssyncadd.s32 s5;
	_ =	sdelay $0x1  }
0xa2: {  	s23 =	simm.s32 $0x1B8B  }
0xa3: {  	_ =	swait.ge [sflag:s23], $0x1  }
0xa4: {  	[sflag:s23] =	ssyncset.done $0x0  }
0xa5: {  	s25 =	simm.s32 $0x1B8E;
	s24 =	sld [smem:$0x3FFE];
	[sflag:s23] =	ssyncadd.s32 $0xFFFFFFFF  }
0xa6: {  	s26 =	simm.s32 $execute0_lowered;
	[smem:$0x3FD2] =	sst s25  }
0xa7: {  	s6 =	sshll.u32 s26, $0x1;
	_ =	strace $0x80000046;
	[dreg:$0x1] =	wrdreg $0xFFFFFFFF  }
0xa8: {  	s28 =	simm.s32 $_size_execute0_lowered;
	s4 =	sadd.s32 s4, s6;
	[dreg:$0x0] =	wrdreg $0x0  }
0xa9: {  	s6 =	sshll.u32 s28, $0x1;
	[dreg:$0x2] =	wrdreg s4  }
0xaa: {  	[dreg:$0x3] =	wrdreg s6  }
0xab: {  	[dreg:$0x4] =	wrdreg $0xC0  }
0xac: {  	_ =	task [dreg:s8], $0x5FFFF  }
0xad: {  	[dreg:$0x1] =	wrdreg $0xFFFFFFFF  }
0xae: {  	[dreg:$0x0] =	wrdreg $0x60  }
0xaf: {  	[dreg:$0x2] =	wrdreg s2  }
0xb0: {  	[dreg:$0x3] =	wrdreg s24  }
0xb1: {  	[dreg:$0x4] =	wrdreg s18  }
0xb2: {  	[dreg:$0x5] =	wrdreg $0x9  }
0xb3: {  	_ =	task.clear_ibuf [dreg:s8], $0x6FFFF;
	_ =	strace $0x90000046  }
0xb4: {  	s29 =	simm.s32 $0x9;
	_ =	strace $0x80000048  }
0xb5: {  	_ =	swait.ge [sflag:s29], $0x1  }
0xb6: {  	[sflag:s29] =	ssyncadd.s32 $0xFFFFFFFF  }
0xb7: {  	_ =	strace $0x90000048  }
0xb8: {  	_ =	sfence  }
0xb9: {  	s30 =	sld [smem:$0x0];
	_ =	sdelay $0x2  }
0xba: {  	s31 =	sshll.u32 s1, $0xD;
	s1 =	sshrl.u32 s1, $0x2  }
0xbb: {  	s3 =	sand.u32 $0x4000, s31;
	s1 =	sadd.s32 s1, s30  }
0xbc: {  	s0 =	sor.u32 s3, s0;
	s1 =	sshll.u32 s1, $0x11  }
0xbd: {  	s0 =	sor.u32 s1, s0  }
0xbe: {  	s0 =	sadd.s32 $0x8F2B, s0  }
0xbf: {  	[sflag:s0] =	ssyncadd.remote.s32 $0x1  }
0xc0: {  	_ =	sfence.sel $0xFFFF  }
0xc1: {  	[dreg:$0x0] =	wrdreg $0xFFFFFFFF;
	(pc) =	sbr.abs _section_cstart, $3  }
0xc2: {  	[dreg:$0x1] =	wrdreg $0xFFFFFFFF  }
0xc3: {  	_ =	task.clear_ibuf [dreg:s8], $0x2FFFF;
	_ =	strace $0x9FFFFFFF  }
0xc4: {  	(tm) =	ssettm $0x7FFFFFFF  }
0xc5: {  	_ =	shalt  }
tec
execute0_lowered:
.L_overlay_start_1:
0x0: {  	(tag) =	ssettag $0x1  }
0x1: {  	s1 =	rddreg [dreg:$0x0];
	v0 =	vlaneseq.u32  }
0x2: {  	s0 =	rddreg [dreg:$0x1];
	s4 =	simm.s32 $0x0;
	v3 =	vmul.u32 $0xCF1, v0  }
0x3: {  	[smem:$0x7FF] =	sst s4;
	v39 =	vmul.u32 $0x100, v0  }
0x4: {  	s3 =	rddreg [dreg:$0x2];
	_ =	strace $0x80000047;
	[tilespmem:$0x1FD70] =	vst v3  }
0x5: {  	v4 =	vadd.s32 $0x1, v3;
	[tilespmem:$0x1FF50] =	vst v39  }
0x6: {  	v5 =	vadd.s32 $0x2, v3;
	[tilespmem:$0x1FD80] =	vst v4  }
0x7: {  	v11 =	vadd.s32 $0x3, v3;
	[tilespmem:$0x1FD90] =	vst v5  }
0x8: {  	v12 =	vadd.s32 $0x4, v3;
	[tilespmem:$0x1FDA0] =	vst v11  }
0x9: {  	v13 =	vadd.s32 $0x5, v3;
	[tilespmem:$0x1FDB0] =	vst v12  }
0xa: {  	v14 =	vadd.s32 $0x6, v3;
	[tilespmem:$0x1FDC0] =	vst v13  }
0xb: {  	v15 =	vadd.s32 $0x7, v3;
	[tilespmem:$0x1FDD0] =	vst v14  }
0xc: {  	v16 =	vadd.s32 $0x8, v3;
	[tilespmem:$0x1FDE0] =	vst v15  }
0xd: {  	v17 =	vadd.s32 $0x9, v3;
	[tilespmem:$0x1FDF0] =	vst v16  }
0xe: {  	v18 =	vadd.s32 $0xA, v3;
	[tilespmem:$0x1FE00] =	vst v17  }
0xf: {  	v19 =	vadd.s32 $0xB, v3;
	[tilespmem:$0x1FE10] =	vst v18  }
0x10: {  	v20 =	vadd.s32 $0xC, v3;
	[tilespmem:$0x1FE20] =	vst v19  }
0x11: {  	v21 =	vadd.s32 $0xD, v3;
	[tilespmem:$0x1FE30] =	vst v20  }
0x12: {  	v22 =	vadd.s32 $0xE, v3;
	[tilespmem:$0x1FE40] =	vst v21  }
0x13: {  	v23 =	vadd.s32 $0xF, v3;
	[tilespmem:$0x1FE50] =	vst v22  }
0x14: {  	v24 =	vadd.s32 $0x10, v3;
	[tilespmem:$0x1FE60] =	vst v23  }
0x15: {  	v25 =	vadd.s32 $0x11, v3;
	[tilespmem:$0x1FE70] =	vst v24  }
0x16: {  	v26 =	vadd.s32 $0x12, v3;
	[tilespmem:$0x1FE80] =	vst v25  }
0x17: {  	v27 =	vadd.s32 $0x13, v3;
	[tilespmem:$0x1FE90] =	vst v26  }
0x18: {  	v28 =	vadd.s32 $0x14, v3;
	[tilespmem:$0x1FEA0] =	vst v27  }
0x19: {  	v29 =	vadd.s32 $0x15, v3;
	[tilespmem:$0x1FEB0] =	vst v28  }
0x1a: {  	v30 =	vadd.s32 $0x16, v3;
	[tilespmem:$0x1FEC0] =	vst v29  }
0x1b: {  	v32 =	vadd.s32 $0x17, v3;
	[tilespmem:$0x1FED0] =	vst v30  }
0x1c: {  	v33 =	vadd.s32 $0x18, v3;
	[tilespmem:$0x1FEE0] =	vst v32  }
0x1d: {  	v34 =	vadd.s32 $0x19, v3;
	[tilespmem:$0x1FEF0] =	vst v33  }
0x1e: {  	v35 =	vadd.s32 $0x1A, v3;
	[tilespmem:$0x1FF00] =	vst v34  }
0x1f: {  	s2 =	srdreg.scid;
	s5 =	stileid.u32;
	s11 =	simm.s32 $0x11800;
	v36 =	vadd.s32 $0x1B, v3;
	[tilespmem:$0x1FF10] =	vst v35  }
0x20: {  	s13 =	simm.s32 $0x400;
	s14 =	simm.s32 $0x20000;
	s20 =	simm.s32 $0x1;
	v37 =	vadd.s32 $0x1C, v3;
	[tilespmem:$0x1FF20] =	vst v36  }
0x21: {  	s21 =	simm.s32 $0x1800;
	s18 =	simm.s32 $0x2;
	s7 =	simm.s32 $0x9800;
	v38 =	vadd.s32 $0x1D, v3;
	[tilespmem:$0x1FF30] =	vst v37  }
0x22: {  	s28 =	simm.s32 $0xE800;
	s29 =	simm.s32 $0xF000;
	s30 =	simm.s32 $0xF800;
	v40 =	vadd.s32 $0x780, v3;
	[tilespmem:$0x1FF40] =	vst v38  }
0x23: {  	s31 =	simm.s32 $0x10000;
	s10 =	simm.s32 $0x0;
	s2 =	sand.u32 $0x1, s2;
	v41 =	vadd.s32 $0x781, v3;
	[tilespmem:$0x1FF60] =	vst v40  }
0x24: {  	s5 =	sshll.u32 s5, $0xA;
	s6 =	sshll.u32 s2, $0x9;
	s2 =	ssub.s32 $0x2, s2;
	v52 =	vadd.s32 $0x782, v3;
	[tilespmem:$0x1FF70] =	vst v41  }
0x25: {  	s0 =	sadd.s32 $0x400, s0;
	s5 =	sor.u32 s6, s5;
	s23 =	sshrl.u32 s2, $0x1;
	v53 =	vadd.s32 $0x783, v3;
	[tilespmem:$0x1FF80] =	vst v52  }
0x26: {  	[dreg:$0x4] =	wrdreg s0;
	v54 =	vadd.s32 $0x784, v3;
	s6 =	sadd.s32 s1, s5;
	s0 =	ssub.s32 s2, s23;
	[tilespmem:$0x1FF90] =	vst v53  }
0x27: {  	v1 =	vand.u32 $0x7, v0;
	v55 =	vadd.s32 $0x785, v3;
	s8 =	sshll.u32 s5, $0x7;
	[tilespmem:$0x1FFA0] =	vst v54;
	s0 =	smax.u32 s0, $0x1;
	[dreg:$0x5] =	wrdreg s6  }
.Ltmp0:
0x28: {  	v31 =	vmul.u32 $0x80, v1;
	v56 =	vadd.s32 $0x786, v3;
	[tilespmem:$0x1FFB0] =	vst v55;
	s25 =	sadd.s32 $0x8000, s6;
	[dreg:$0x7] =	wrdreg s0;
	(pc) =	sbr.rel .LBB2_1-.Ltmp0, $4  }
0x29: {  	v57 =	vadd.s32 $0x787, v3;
	v58 =	vadd.s32 $0x788, v3;
	v59 =	vadd.s32 $0x789, v3;
	s9 =	sshrl.u32 s5, $0x7;
	[tilespmem:$0x1FFC0] =	vst v56;
	s24 =	sadd.s32 $0xC000, s6;
	[dreg:$0x8] =	wrdreg s25  }
0x2a: {  	v42 =	vadd.s32 $0xB40, v3;
	v43 =	vadd.s32 $0xB41, v3;
	v44 =	vadd.s32 $0xB42, v3;
	s23 =	simm.s32 $0xC800;
	s2 =	simm.s32 $0x11000;
	[tilespmem:$0x1FFD0] =	vst v57;
	[dreg:$0x6] =	wrdreg s24  }
0x2b: {  	v45 =	vadd.s32 $0xB43, v3;
	v46 =	vadd.s32 $0xB44, v3;
	[tilespmem:$0x1FFE0] =	vst v58;
	s26 =	sadd.s32 $0x8000, s24;
	s24 =	simm.s32 $0xD000;
	s25 =	simm.s32 $0xD800  }
0x2c: {  	v47 =	vadd.s32 $0xB45, v3;
	v48 =	vadd.s32 $0xB46, v3;
	v49 =	vadd.s32 $0xB47, v3;
	[tilespmem:$0x1FFF0] =	vst v59;
	s0 =	simm.s32 $0x10800;
	[dreg:$0x9] =	wrdreg s26;
	s26 =	simm.s32 $0xE000  }
.LBB2_8:
0x2d: {  	s5 =	simm.s32 $0x3  }
0x2e: {  	_ =	swait.ge [sflag:s5], $0x4000  }
0x2f: {  	[sflag:s5] =	ssyncset.done $0x0  }
0x30: {  	s6 =	simm.s32 $0x4;
	[sflag:s5] =	ssyncadd.s32 $0xFFFFC000  }
0x31: {  	_ =	swait.ge [sflag:s6], $0x4000  }
0x32: {  	s10 =	rddreg [dreg:$0xa]  }
0x33: {  	s22 =	rddreg [dreg:$0x7];
	s10 =	sadd.s32 $0x1, s10  }
0x34: {  	p0 =	sne.s32 s10, s22  }
.Ltmp1:
0x35: {  	_ = 	snop;
	(pc) =	sbr.rel @!p0 .LBB2_9-.Ltmp1, $3  }
0x36: {  	_ =	sdelay $0x1  }
0x37: {  	[sflag:s6] =	ssyncset.done $0x0  }
0x38: {  	[sflag:s6] =	ssyncadd.s32 $0xFFFFC000  }
.LBB2_1:
0x39: {  	[dreg:$0xa] =	wrdreg s10  }
0x3a: {  	s5 =	rddreg [dreg:$0x4];
	s10 =	simm.s32 $0x5  }
0x3b: {  	[tilespmem:s11], [sflag:$0x5] =	stream.linear.gather [hbm4b:s5+s4], $0xCF80, $0x38;
	[tilespmem:$0x1E780] =	vst v63  }
0x3c: {  	_ =	swait.ge [sflag:s10], $0xCF80  }
0x3d: {  	[sflag:s10] =	ssyncset.done $0x0  }
0x3e: {  	s12 =	rddreg [dreg:$0x5];
	[sflag:s10] =	ssyncadd.s32 $0xFFFF3080  }
0x3f: {  	[tilespmem:s4], [sflag:$0x1] =	stream.strided.gather [hbm4b:s12+s13], $0x800, s14, s13, $0x38;
	[tilespmem:$0x1E780] =	vst v63  }
0x40: {  	s6 =	simm.s32 $0x800;
	s15 =	rddreg [dreg:$0x8]  }
0x41: {  	[tilespmem:s6], [sflag:$0x1] =	stream.linear.gather [hbm4b:s15+s4], $0x380, $0x38;
	[tilespmem:$0x1E780] =	vst v63  }
0x42: {  	s17 =	simm.s32 $0xC00;
	s16 =	rddreg [dreg:$0x6]  }
0x43: {  	[tilespmem:s17], [sflag:$0x2] =	stream.strided.gather [hbm4b:s16+s13], $0x800, s14, s13, $0x38;
	[tilespmem:$0x1E780] =	vst v63  }
0x44: {  	s22 =	simm.s32 $0x1400;
	s19 =	rddreg [dreg:$0x9];
	s16 =	simm.s32 $0x0  }
0x45: {  	[tilespmem:s22], [sflag:$0x2] =	stream.linear.gather [hbm4b:s19+s4], $0x380, $0x38;
	[tilespmem:$0x1E780] =	vst v63  }
.LBB2_2:
0x46: {  	s5 =	smul.u32 $0x29, s16;
	_ =	swait.ge [sflag:s20], $0xB80  }
0x47: {  	p0 =	seq.s32 s16, $0x0;
	[sflag:s20] =	ssyncset.done $0x0  }
0x48: {  	s12 =	simm.s32 @!p0 $0x3;
	s5 =	sshrl.u32 s5, $0xA;
	[sflag:s20] =	ssyncadd.s32 $0xFFFFF480  }
0x49: {  	s15 =	sand.u32 $0x3F, s5;
	_ =	swait.ge @!p0 [sflag:s12], $0x4000  }
0x4a: {  	s6 =	smul.u32 $0xFFFFFFCE, s15;
	[sflag:s12] =	ssyncset.done @!p0 $0x0  }
0x4b: {  	s5 =	sshll.u32 s16, $0x1;
	[sflag:s12] =	ssyncadd.s32 @!p0 $0xFFFFC000  }
0x4c: {  	s12 =	simm.s32 $0x580;
	s10 =	sadd.s32 s5, s6;
	s6 =	simm.s32 $0x0  }
.LBB2_3:
0x4d: {  	v0 =	vld [tilespmem:s12+$0xFFFFFA80];
	_ =	sdelay $0x4  }
0x4e: {  	v1 =	vmov s6;
	v0 =	vtrunc.f32 v0  }
0x4f: {  	v51 =	vshll.u32 v1, $0x8;
	v0 =	vcvt.f32.s32 v0  }
0x50: {  	v51 =	vor.u32 v39, v51  }
0x51: {  	v51 =	vand.u32 $0x7800, v51;
	v2 =	vshra.s32 v0, $0x1F;
	v54 =	vshll.u32 v0, $0x5  }
0x52: {  	v50 =	vand.u32 v2, v0;
	v6 =	vadd.s32 v3, v54;
	v7 =	vadd.s32 v4, v54  }
0x53: {  	v8 =	vadd.s32 v5, v54;
	v9 =	vadd.s32 v11, v54;
	v10 =	vadd.s32 v12, v54  }
0x54: {  	v11 =	vadd.s32 v13, v54;
	v12 =	vadd.s32 v14, v54;
	v13 =	vadd.s32 v15, v54  }
0x55: {  	v14 =	vadd.s32 v16, v54;
	v15 =	vadd.s32 v17, v54;
	v16 =	vadd.s32 v18, v54  }
0x56: {  	v17 =	vadd.s32 v19, v54;
	v18 =	vadd.s32 v20, v54;
	v19 =	vadd.s32 v21, v54  }
0x57: {  	v20 =	vadd.s32 v22, v54;
	v21 =	vadd.s32 v23, v54;
	v22 =	vadd.s32 v24, v54  }
0x58: {  	v5 =	vadd.s32 v25, v54;
	v4 =	vadd.s32 v26, v54;
	v3 =	vadd.s32 v27, v54  }
0x59: {  	v2 =	vadd.s32 v28, v54;
	v1 =	vadd.s32 v29, v54;
	v0 =	vadd.s32 v30, v54  }
0x5a: {  	v61 =	vadd.s32 v32, v54;
	v59 =	vadd.s32 v33, v54;
	v58 =	vadd.s32 v34, v54  }
0x5b: {  	v55 =	vadd.s32 v35, v54;
	v53 =	vadd.s32 v36, v54;
	v52 =	vadd.s32 v37, v54  }
0x5c: {  	v54 =	vadd.s32 v38, v54;
	v56 =	vshll.u32 v50, $0x3;
	v57 =	vadd.s32 $0x1, v50  }
0x5d: {  	v60 =	vand.u32 $0x7F, v50;
	v63 =	vadd.s32 $0x2, v50;
	v34 =	vadd.s32 $0x3, v50  }
0x5e: {  	v35 =	vadd.s32 $0x4, v50;
	v25 =	vadd.s32 $0x5, v50;
	v38 =	vadd.s32 $0xC, v50  }
0x5f: {  	v56 =	vand.u32 $0xFFFFFC00, v56;
	v62 =	vshll.u32 v57, $0x3;
	v41 =	vand.u32 $0x7F, v57  }
0x60: {  	v33 =	vshll.u32 v63, $0x3;
	v63 =	vand.u32 $0x7F, v63;
	v23 =	vshll.u32 v34, $0x3  }
0x61: {  	v24 =	vshll.u32 v35, $0x3;
	v36 =	vand.u32 $0x7F, v35;
	v39 =	vshll.u32 v38, $0x3  }
0x62: {  	v35 =	vadd.s32 $0xF, v50;
	v56 =	vadd.s32 v51, v56;
	v40 =	vand.u32 $0xFFFFFC00, v62  }
0x63: {  	v23 =	vand.u32 $0xFFFFFC00, v23;
	v62 =	vand.u32 $0x7F, v34;
	v24 =	vand.u32 $0xFFFFFC00, v24  }
0x64: {  	v56 =	vor.u32 v60, v56;
	v60 =	vadd.s32 v51, v40;
	v23 =	vadd.s32 v51, v23  }
0x65: {  	v24 =	vadd.s32 v51, v24;
	v40 =	vadd.s32 $0xD, v50;
	v57 =	vor.u32 v31, v56  }
0x66: {  	v32 =	vor.u32 v41, v60;
	v60 =	vand.u32 $0xFFFFFC00, v33;
	v23 =	vor.u32 v62, v23  }
0x67: {  	v41 =	vshll.u32 v40, $0x3;
	v33 =	vand.u32 $0x7F, v40;
	v40 =	vshll.u32 v35, $0x3  }
0x68: {  	v35 =	vand.u32 $0x7F, v35;
	v56 =	vor.u32 v31, v32;
	v60 =	vadd.s32 v51, v60  }
0x69: {  	v32 =	vand.u32 $0x7F, v38;
	v60 =	vor.u32 v63, v60;
	v63 =	vor.u32 v31, v23  }
0x6a: {  	v23 =	vor.u32 v36, v24;
	v24 =	vshll.u32 v25, $0x3;
	v25 =	vand.u32 $0x7F, v25  }
0x6b: {  	v6 =	vld.idx.msk [tilespmem:v6+s11+$0x0], $0xffff;
	v36 =	vand.u32 $0xFFFFFC00, v41;
	v41 =	vand.u32 $0xFFFFFC00, v40;
	v60 =	vor.u32 v31, v60  }
0x6c: {  	v7 =	vld.idx.msk [tilespmem:v7+s11+$0x0], $0xffff;
	v62 =	vor.u32 v31, v23;
	v23 =	vand.u32 $0xFFFFFC00, v24;
	v24 =	vadd.s32 $0x6, v50  }
0x6d: {  	v8 =	vld.idx.msk [tilespmem:v8+s11+$0x0], $0xffff;
	v23 =	vadd.s32 v51, v23;
	v26 =	vshll.u32 v24, $0x3;
	v24 =	vand.u32 $0x7F, v24  }
0x6e: {  	v9 =	vld.idx.msk [tilespmem:v9+s11+$0x0], $0xffff;
	v23 =	vor.u32 v25, v23;
	v25 =	vand.u32 $0xFFFFFC00, v26;
	v26 =	vadd.s32 $0x7, v50  }
0x6f: {  	v10 =	vld.idx.msk [tilespmem:v10+s11+$0x0], $0xffff;
	v25 =	vadd.s32 v51, v25;
	v27 =	vshll.u32 v26, $0x3;
	v26 =	vand.u32 $0x7F, v26  }
0x70: {  	v11 =	vld.idx.msk [tilespmem:v11+s11+$0x0], $0xffff;
	v24 =	vor.u32 v24, v25;
	v25 =	vand.u32 $0xFFFFFC00, v27;
	v27 =	vadd.s32 $0x8, v50  }
0x71: {  	v12 =	vld.idx.msk [tilespmem:v12+s11+$0x0], $0xffff;
	v23 =	vor.u32 v31, v23;
	v25 =	vadd.s32 v51, v25;
	v28 =	vshll.u32 v27, $0x3  }
0x72: {  	v13 =	vld.idx.msk [tilespmem:v13+s11+$0x0], $0xffff;
	v27 =	vand.u32 $0x7F, v27;
	v25 =	vor.u32 v26, v25;
	v26 =	vand.u32 $0xFFFFFC00, v28  }
0x73: {  	v14 =	vld.idx.msk [tilespmem:v14+s11+$0x0], $0xffff;
	v24 =	vor.u32 v31, v24;
	v28 =	vadd.s32 $0x9, v50;
	v26 =	vadd.s32 v51, v26  }
0x74: {  	v15 =	vld.idx.msk [tilespmem:v15+s11+$0x0], $0xffff;
	v29 =	vshll.u32 v28, $0x3;
	v28 =	vand.u32 $0x7F, v28;
	v25 =	vor.u32 v31, v25  }
0x75: {  	v16 =	vld.idx.msk [tilespmem:v16+s11+$0x0], $0xffff;
	v26 =	vor.u32 v27, v26;
	v27 =	vand.u32 $0xFFFFFC00, v29;
	v29 =	vadd.s32 $0xA, v50  }
0x76: {  	v17 =	vld.idx.msk [tilespmem:v17+s11+$0x0], $0xffff;
	v27 =	vadd.s32 v51, v27;
	v30 =	vshll.u32 v29, $0x3;
	v29 =	vand.u32 $0x7F, v29  }
0x77: {  	v18 =	vld.idx.msk [tilespmem:v18+s11+$0x0], $0xffff;
	v27 =	vor.u32 v28, v27;
	v28 =	vand.u32 $0xFFFFFC00, v30;
	v30 =	vadd.s32 $0xB, v50  }
0x78: {  	v19 =	vld.idx.msk [tilespmem:v19+s11+$0x0], $0xffff;
	v28 =	vadd.s32 v51, v28;
	v37 =	vshll.u32 v30, $0x3;
	v30 =	vand.u32 $0x7F, v30  }
0x79: {  	v20 =	vld.idx.msk [tilespmem:v20+s11+$0x0], $0xffff;
	v28 =	vor.u32 v29, v28;
	v29 =	vand.u32 $0xFFFFFC00, v37;
	v37 =	vadd.s32 $0xE, v50  }
0x7a: {  	v21 =	vld.idx.msk [tilespmem:v21+s11+$0x0], $0xffff;
	v29 =	vadd.s32 v51, v29;
	v38 =	vshll.u32 v37, $0x3;
	v34 =	vand.u32 $0x7F, v37  }
0x7b: {  	v22 =	vld.idx.msk [tilespmem:v22+s11+$0x0], $0xffff;
	v37 =	vadd.s32 $0x11, v50;
	v29 =	vor.u32 v30, v29;
	v30 =	vand.u32 $0xFFFFFC00, v39  }
0x7c: {  	v5 =	vld.idx.msk [tilespmem:v5+s11+$0x0], $0xffff;
	v39 =	vand.u32 $0xFFFFFC00, v38;
	v38 =	vadd.s32 $0x12, v50;
	v30 =	vadd.s32 v51, v30  }
0x7d: {  	v4 =	vld.idx.msk [tilespmem:v4+s11+$0x0], $0xffff;
	v30 =	vor.u32 v32, v30;
	v32 =	vadd.s32 v51, v36;
	v36 =	vadd.s32 $0x10, v50  }
0x7e: {  	v3 =	vld.idx.msk [tilespmem:v3+s11+$0x0], $0xffff;
	v32 =	vor.u32 v33, v32;
	v33 =	vadd.s32 v51, v39;
	v40 =	vshll.u32 v36, $0x3  }
0x7f: {  	v2 =	vld.idx.msk [tilespmem:v2+s11+$0x0], $0xffff;
	v36 =	vand.u32 $0x7F, v36;
	v39 =	vshll.u32 v38, $0x3;
	v33 =	vor.u32 v34, v33  }
0x80: {  	v1 =	vld.idx.msk [tilespmem:v1+s11+$0x0], $0xffff;
	v34 =	vadd.s32 v51, v41;
	v41 =	vand.u32 $0xFFFFFC00, v40;
	v40 =	vshll.u32 v37, $0x3  }
0x81: {  	v0 =	vld.idx.msk [tilespmem:v0+s11+$0x0], $0xffff;
	v34 =	vor.u32 v35, v34;
	v35 =	vadd.s32 v51, v41;
	v41 =	vand.u32 $0xFFFFFC00, v40  }
0x82: {  	v61 =	vld.idx.msk [tilespmem:v61+s11+$0x0], $0xffff;
	v37 =	vand.u32 $0x7F, v37;
	v35 =	vor.u32 v36, v35;
	v36 =	vadd.s32 v51, v41  }
0x83: {  	v59 =	vld.idx.msk [tilespmem:v59+s11+$0x0], $0xffff;
	v36 =	vor.u32 v37, v36;
	v37 =	vand.u32 $0xFFFFFC00, v39;
	v39 =	vadd.s32 $0x13, v50  }
0x84: {  	v58 =	vld.idx.msk [tilespmem:v58+s11+$0x0], $0xffff;
	v38 =	vand.u32 $0x7F, v38;
	v37 =	vadd.s32 v51, v37;
	v40 =	vshll.u32 v39, $0x3  }
0x85: {  	v55 =	vld.idx.msk [tilespmem:v55+s11+$0x0], $0xffff;
	v37 =	vor.u32 v38, v37;
	v38 =	vand.u32 $0xFFFFFC00, v40;
	v40 =	vadd.s32 $0x14, v50  }
0x86: {  	v52 =	vld.idx.msk [tilespmem:v52+s11+$0x0], $0xffff;
	v39 =	vand.u32 $0x7F, v39;
	v38 =	vadd.s32 v51, v38;
	v41 =	vshll.u32 v40, $0x3  }
0x87: {  	v54 =	vld.idx.msk [tilespmem:v54+s11+$0x0], $0xffff;
	v26 =	vor.u32 v31, v26;
	v38 =	vor.u32 v39, v38;
	v39 =	vand.u32 $0xFFFFFC00, v41  }
0x88: {  	v40 =	vand.u32 $0x7F, v40;
	v41 =	vld.idx.msk [tilespmem:v53+s11+$0x0], $0xffff;
	v53 =	vadd.s32 $0x15, v50;
	[tilespmem:v57+s21+$0x0] =	vst.idx.msk $0xffff, v6;
	v39 =	vadd.s32 v51, v39  }
0x89: {  	v6 =	vand.u32 $0x7F, v53;
	[tilespmem:v56+s21+$0x0] =	vst.idx.msk $0xffff, v7;
	v7 =	vor.u32 v31, v27;
	v39 =	vor.u32 v40, v39  }
0x8a: {  	v40 =	vshll.u32 v53, $0x3;
	v53 =	vadd.s32 $0x16, v50;
	[tilespmem:v60+s21+$0x0] =	vst.idx.msk $0xffff, v8;
	v8 =	vor.u32 v31, v28  }
0x8b: {  	v28 =	vor.u32 v31, v29;
	v40 =	vand.u32 $0xFFFFFC00, v40;
	v27 =	vshll.u32 v53, $0x3;
	[tilespmem:v63+s21+$0x0] =	vst.idx.msk $0xffff, v9  }
0x8c: {  	v29 =	vadd.s32 $0x17, v50;
	v40 =	vadd.s32 v51, v40;
	v27 =	vand.u32 $0xFFFFFC00, v27;
	[tilespmem:v62+s21+$0x0] =	vst.idx.msk $0xffff, v10  }
0x8d: {  	v10 =	vor.u32 v31, v30;
	v6 =	vor.u32 v6, v40;
	v27 =	vadd.s32 v51, v27  }
0x8e: {  	v9 =	vand.u32 $0x7F, v53;
	[tilespmem:v23+s21+$0x0] =	vst.idx.msk $0xffff, v11;
	v11 =	vor.u32 v31, v32;
	v23 =	vor.u32 v31, v33  }
0x8f: {  	v9 =	vor.u32 v9, v27;
	v27 =	vshll.u32 v29, $0x3;
	[tilespmem:v24+s21+$0x0] =	vst.idx.msk $0xffff, v12;
	v12 =	vand.u32 $0x7F, v29  }
0x90: {  	v6 =	vor.u32 v31, v6;
	v27 =	vand.u32 $0xFFFFFC00, v27;
	[tilespmem:v25+s21+$0x0] =	vst.idx.msk $0xffff, v13;
	v13 =	vor.u32 v31, v34  }
0x91: {  	v25 =	vor.u32 v31, v36;
	v24 =	vadd.s32 v51, v27;
	v27 =	vadd.s32 $0x18, v50  }
0x92: {  	v9 =	vor.u32 v31, v9;
	[tilespmem:v26+s21+$0x0] =	vst.idx.msk $0xffff, v14;
	v12 =	vor.u32 v12, v24;
	v24 =	vshll.u32 v27, $0x3  }
0x93: {  	v14 =	vor.u32 v31, v35;
	[tilespmem:v7+s21+$0x0] =	vst.idx.msk $0xffff, v15;
	v7 =	vand.u32 $0x7F, v27;
	v24 =	vand.u32 $0xFFFFFC00, v24  }
0x94: {  	[tilespmem:v8+s21+$0x0] =	vst.idx.msk $0xffff, v16;
	v8 =	vor.u32 v31, v37;
	v15 =	vadd.s32 v51, v24;
	v24 =	vadd.s32 $0x19, v50  }
0x95: {  	v16 =	vor.u32 v31, v38;
	[tilespmem:v28+s21+$0x0] =	vst.idx.msk $0xffff, v17;
	v7 =	vor.u32 v7, v15;
	v15 =	vshll.u32 v24, $0x3  }
0x96: {  	v12 =	vor.u32 v31, v12;
	[tilespmem:v10+s21+$0x0] =	vst.idx.msk $0xffff, v18;
	v18 =	vadd.s32 $0x1A, v50;
	v15 =	vand.u32 $0xFFFFFC00, v15  }
0x97: {  	v10 =	vand.u32 $0x7F, v24;
	[tilespmem:v11+s21+$0x0] =	vst.idx.msk $0xffff, v19;
	v11 =	vshll.u32 v18, $0x3;
	v15 =	vadd.s32 v51, v15  }
0x98: {  	v17 =	vor.u32 v31, v39;
	[tilespmem:v23+s21+$0x0] =	vst.idx.msk $0xffff, v20;
	v11 =	vand.u32 $0xFFFFFC00, v11;
	v10 =	vor.u32 v10, v15  }
0x99: {  	[tilespmem:v13+s21+$0x0] =	vst.idx.msk $0xffff, v21;
	v13 =	vand.u32 $0x7F, v18;
	v11 =	vadd.s32 v51, v11;
	v15 =	vadd.s32 $0x1B, v50  }
0x9a: {  	v7 =	vor.u32 v31, v7;
	[tilespmem:v14+s21+$0x0] =	vst.idx.msk $0xffff, v22;
	v11 =	vor.u32 v13, v11;
	v13 =	vshll.u32 v15, $0x3  }
0x9b: {  	[tilespmem:v25+s21+$0x0] =	vst.idx.msk $0xffff, v5;
	v5 =	vor.u32 v31, v10;
	v10 =	vor.u32 v31, v11;
	v11 =	vand.u32 $0xFFFFFC00, v13  }
0x9c: {  	[tilespmem:v8+s21+$0x0] =	vst.idx.msk $0xffff, v4;
	v4 =	vand.u32 $0x7F, v15;
	v8 =	vadd.s32 v51, v11;
	v11 =	vadd.s32 $0x1C, v50  }
0x9d: {  	[tilespmem:v16+s21+$0x0] =	vst.idx.msk $0xffff, v3;
	v3 =	vor.u32 v4, v8;
	v4 =	vshll.u32 v11, $0x3;
	v8 =	vadd.s32 $0x1D, v50  }
0x9e: {  	[tilespmem:v17+s21+$0x0] =	vst.idx.msk $0xffff, v2;
	v2 =	vor.u32 v31, v3;
	v3 =	vand.u32 $0xFFFFFC00, v4;
	v4 =	vshll.u32 v8, $0x3  }
0x9f: {  	[tilespmem:v6+s21+$0x0] =	vst.idx.msk $0xffff, v1;
	v1 =	vand.u32 $0x7F, v11;
	v3 =	vadd.s32 v51, v3;
	v4 =	vand.u32 $0xFFFFFC00, v4  }
0xa0: {  	[tilespmem:v9+s21+$0x0] =	vst.idx.msk $0xffff, v0;
	v0 =	vor.u32 v1, v3;
	v1 =	vand.u32 $0x7F, v8;
	v3 =	vadd.s32 v51, v4  }
0xa1: {  	[tilespmem:v12+s21+$0x0] =	vst.idx.msk $0xffff, v61;
	v0 =	vor.u32 v31, v0;
	v1 =	vor.u32 v1, v3  }
0xa2: {  	[tilespmem:v7+s21+$0x0] =	vst.idx.msk $0xffff, v59;
	v1 =	vor.u32 v31, v1  }
0xa3: {  	[tilespmem:v5+s21+$0x0] =	vst.idx.msk $0xffff, v58  }
0xa4: {  	[tilespmem:v10+s21+$0x0] =	vst.idx.msk $0xffff, v55  }
0xa5: {  	[tilespmem:v2+s21+$0x0] =	vst.idx.msk $0xffff, v41  }
0xa6: {  	[tilespmem:v0+s21+$0x0] =	vst.idx.msk $0xffff, v52  }
0xa7: {  	v19 =	vadd.s32 $0x25, v50;
	v14 =	vadd.s32 $0x21, v50;
	[tilespmem:v1+s21+$0x0] =	vst.idx.msk $0xffff, v54  }
0xa8: {  	v20 =	vadd.s32 $0x27, v50;
	v13 =	vadd.s32 $0x20, v50;
	v15 =	vshll.u32 v14, $0x3;
	v0 =	vld [tilespmem:s12+$0xFFFFFB00]  }
0xa9: {  	v14 =	vand.u32 $0x7F, v14;
	v15 =	vand.u32 $0xFFFFFC00, v15;
	v16 =	vadd.s32 $0x22, v50  }
0xaa: {  	v60 =	vld [tilespmem:$0x1FFB0];
	v15 =	vadd.s32 v51, v15;
	v17 =	vadd.s32 $0x24, v50;
	v1 =	vadd.s32 $0x1E, v50  }
0xab: {  	v53 =	vld [tilespmem:$0x1FF90];
	v11 =	vadd.s32 $0x1F, v50;
	v18 =	vshll.u32 v17, $0x3;
	v8 =	vshll.u32 v1, $0x3  }
0xac: {  	v40 =	vld [tilespmem:$0x1FF60];
	v17 =	vand.u32 $0x7F, v17;
	v18 =	vand.u32 $0xFFFFFC00, v18;
	v8 =	vand.u32 $0xFFFFFC00, v8  }
0xad: {  	v61 =	vld [tilespmem:$0x1FF70];
	v1 =	vand.u32 $0x7F, v1;
	v8 =	vadd.s32 v51, v8;
	v0 =	vtrunc.f32 v0  }
0xae: {  	v62 =	vld [tilespmem:$0x1FF80];
	v1 =	vor.u32 v1, v8;
	v8 =	vshll.u32 v11, $0x3;
	v0 =	vcvt.f32.s32 v0  }
0xaf: {  	v63 =	vld [tilespmem:$0x1FFA0];
	v18 =	vadd.s32 v51, v18;
	v11 =	vand.u32 $0x7F, v11;
	v8 =	vand.u32 $0xFFFFFC00, v8  }
0xb0: {  	v57 =	vld [tilespmem:$0x1FFD0];
	v1 =	vor.u32 v31, v1;
	v8 =	vadd.s32 v51, v8;
	v0 =	vshll.u32 v0, $0x4  }
0xb1: {  	v56 =	vld [tilespmem:$0x1FFC0];
	v8 =	vor.u32 v11, v8;
	v11 =	vshll.u32 v13, $0x3;
	v2 =	vadd.s32 v40, v0  }
0xb2: {  	v13 =	vand.u32 $0x7F, v13;
	v11 =	vand.u32 $0xFFFFFC00, v11;
	v3 =	vadd.s32 v61, v0  }
0xb3: {  	v58 =	vld [tilespmem:$0x1FFE0];
	v8 =	vor.u32 v31, v8;
	v11 =	vadd.s32 v51, v11;
	v4 =	vadd.s32 v62, v0  }
0xb4: {  	v59 =	vld [tilespmem:$0x1FFF0];
	v5 =	vadd.s32 v53, v0;
	v6 =	vadd.s32 v63, v0;
	v7 =	vadd.s32 v60, v0  }
0xb5: {  	v11 =	vor.u32 v13, v11;
	v13 =	vor.u32 v14, v15;
	v14 =	vshll.u32 v16, $0x3  }
0xb6: {  	v9 =	vadd.s32 v56, v0;
	v10 =	vadd.s32 v57, v0;
	v14 =	vand.u32 $0xFFFFFC00, v14;
	v2 =	vld.idx.msk [tilespmem:v2+s11+$0x0], $0xffff  }
0xb7: {  	v15 =	vand.u32 $0x7F, v16;
	v16 =	vadd.s32 $0x23, v50;
	v14 =	vadd.s32 v51, v14;
	v3 =	vld.idx.msk [tilespmem:v3+s11+$0x0], $0xffff  }
0xb8: {  	v12 =	vadd.s32 v58, v0;
	v14 =	vor.u32 v15, v14;
	v15 =	vshll.u32 v16, $0x3;
	v4 =	vld.idx.msk [tilespmem:v4+s11+$0x0], $0xffff  }
0xb9: {  	v0 =	vadd.s32 v59, v0;
	v11 =	vor.u32 v31, v11;
	v15 =	vand.u32 $0xFFFFFC00, v15;
	v5 =	vld.idx.msk [tilespmem:v5+s11+$0x0], $0xffff  }
0xba: {  	v13 =	vor.u32 v31, v13;
	v16 =	vand.u32 $0x7F, v16;
	v6 =	vld.idx.msk [tilespmem:v6+s11+$0x0], $0xffff;
	v15 =	vadd.s32 v51, v15  }
0xbb: {  	v7 =	vld.idx.msk [tilespmem:v7+s11+$0x0], $0xffff;
	v15 =	vor.u32 v16, v15;
	v16 =	vor.u32 v17, v18;
	v17 =	vshll.u32 v19, $0x3  }
0xbc: {  	v14 =	vor.u32 v31, v14;
	v9 =	vld.idx.msk [tilespmem:v9+s11+$0x0], $0xffff;
	v18 =	vand.u32 $0x7F, v19;
	v17 =	vand.u32 $0xFFFFFC00, v17  }
0xbd: {  	v10 =	vld.idx.msk [tilespmem:v10+s11+$0x0], $0xffff;
	v19 =	vadd.s32 $0x26, v50;
	v15 =	vor.u32 v31, v15;
	v17 =	vadd.s32 v51, v17  }
0xbe: {  	v12 =	vld.idx.msk [tilespmem:v12+s11+$0x0], $0xffff;
	v16 =	vor.u32 v31, v16;
	v17 =	vor.u32 v18, v17;
	v18 =	vshll.u32 v19, $0x3  }
0xbf: {  	v0 =	vld.idx.msk [tilespmem:v0+s11+$0x0], $0xffff;
	[tilespmem:v1+s21+$0x0] =	vst.idx.msk $0xffff, v2;
	v1 =	vor.u32 v31, v17;
	v2 =	vand.u32 $0xFFFFFC00, v18;
	v17 =	vshll.u32 v20, $0x3  }
0xc0: {  	[tilespmem:v8+s21+$0x0] =	vst.idx.msk $0xffff, v3;
	v3 =	vand.u32 $0x7F, v19;
	v2 =	vadd.s32 v51, v2;
	v8 =	vand.u32 $0xFFFFFC00, v17  }
0xc1: {  	[tilespmem:v11+s21+$0x0] =	vst.idx.msk $0xffff, v4;
	v2 =	vor.u32 v3, v2;
	v3 =	vand.u32 $0x7F, v20;
	v4 =	vadd.s32 v51, v8  }
0xc2: {  	[tilespmem:v13+s21+$0x0] =	vst.idx.msk $0xffff, v5;
	v2 =	vor.u32 v31, v2;
	v3 =	vor.u32 v3, v4  }
0xc3: {  	[tilespmem:v14+s21+$0x0] =	vst.idx.msk $0xffff, v6;
	v3 =	vor.u32 v31, v3  }
0xc4: {  	[tilespmem:v15+s21+$0x0] =	vst.idx.msk $0xffff, v7  }
0xc5: {  	[tilespmem:v16+s21+$0x0] =	vst.idx.msk $0xffff, v9  }
0xc6: {  	[tilespmem:v1+s21+$0x0] =	vst.idx.msk $0xffff, v10  }
0xc7: {  	[tilespmem:v2+s21+$0x0] =	vst.idx.msk $0xffff, v12  }
0xc8: {  	v17 =	vadd.s32 $0x2E, v50;
	v19 =	vadd.s32 $0x2F, v50;
	[tilespmem:v3+s21+$0x0] =	vst.idx.msk $0xffff, v0  }
0xc9: {  	v11 =	vadd.s32 $0x29, v50;
	v18 =	vshll.u32 v17, $0x3;
	v17 =	vand.u32 $0x7F, v17;
	v0 =	vld [tilespmem:s12+$0xFFFFFB80]  }
0xca: {  	v20 =	vadd.s32 $0x31, v50;
	v13 =	vadd.s32 $0x2A, v50;
	v18 =	vand.u32 $0xFFFFFC00, v18  }
0xcb: {  	v14 =	vadd.s32 $0x2B, v50;
	v18 =	vadd.s32 v51, v18;
	v1 =	vadd.s32 $0x28, v50  }
0xcc: {  	v15 =	vshll.u32 v14, $0x3;
	v14 =	vand.u32 $0x7F, v14;
	v8 =	vshll.u32 v1, $0x3  }
0xcd: {  	v15 =	vand.u32 $0xFFFFFC00, v15;
	v16 =	vadd.s32 $0x2C, v50;
	v8 =	vand.u32 $0xFFFFFC00, v8  }
0xce: {  	v1 =	vand.u32 $0x7F, v1;
	v8 =	vadd.s32 v51, v8;
	v0 =	vtrunc.f32 v0  }
0xcf: {  	v1 =	vor.u32 v1, v8;
	v8 =	vshll.u32 v11, $0x3;
	v0 =	vcvt.f32.s32 v0  }
0xd0: {  	v15 =	vadd.s32 v51, v15;
	v11 =	vand.u32 $0x7F, v11;
	v8 =	vand.u32 $0xFFFFFC00, v8  }
0xd1: {  	v1 =	vor.u32 v31, v1;
	v8 =	vadd.s32 v51, v8;
	v0 =	vshll.u32 v0, $0x4  }
0xd2: {  	v8 =	vor.u32 v11, v8;
	v11 =	vshll.u32 v13, $0x3;
	v2 =	vadd.s32 v40, v0  }
0xd3: {  	v13 =	vand.u32 $0x7F, v13;
	v11 =	vand.u32 $0xFFFFFC00, v11;
	v3 =	vadd.s32 v61, v0  }
0xd4: {  	v8 =	vor.u32 v31, v8;
	v11 =	vadd.s32 v51, v11;
	v4 =	vadd.s32 v62, v0  }
0xd5: {  	v11 =	vor.u32 v13, v11;
	v13 =	vor.u32 v14, v15;
	v5 =	vadd.s32 v53, v0  }
0xd6: {  	v14 =	vshll.u32 v16, $0x3;
	v15 =	vand.u32 $0x7F, v16;
	v6 =	vadd.s32 v63, v0  }
0xd7: {  	v16 =	vadd.s32 $0x2D, v50;
	v14 =	vand.u32 $0xFFFFFC00, v14;
	v7 =	vadd.s32 v60, v0;
	v2 =	vld.idx.msk [tilespmem:v2+s11+$0x0], $0xffff  }
0xd8: {  	v11 =	vor.u32 v31, v11;
	v9 =	vadd.s32 v56, v0;
	v14 =	vadd.s32 v51, v14;
	v3 =	vld.idx.msk [tilespmem:v3+s11+$0x0], $0xffff  }
0xd9: {  	v10 =	vadd.s32 v57, v0;
	v14 =	vor.u32 v15, v14;
	v15 =	vshll.u32 v16, $0x3;
	v4 =	vld.idx.msk [tilespmem:v4+s11+$0x0], $0xffff  }
0xda: {  	v13 =	vor.u32 v31, v13;
	v12 =	vadd.s32 v58, v0;
	v15 =	vand.u32 $0xFFFFFC00, v15;
	v5 =	vld.idx.msk [tilespmem:v5+s11+$0x0], $0xffff  }
0xdb: {  	v0 =	vadd.s32 v59, v0;
	v16 =	vand.u32 $0x7F, v16;
	v15 =	vadd.s32 v51, v15;
	v6 =	vld.idx.msk [tilespmem:v6+s11+$0x0], $0xffff  }
0xdc: {  	v15 =	vor.u32 v16, v15;
	v16 =	vor.u32 v17, v18;
	v17 =	vshll.u32 v19, $0x3;
	v7 =	vld.idx.msk [tilespmem:v7+s11+$0x0], $0xffff  }
0xdd: {  	v14 =	vor.u32 v31, v14;
	v18 =	vand.u32 $0x7F, v19;
	v9 =	vld.idx.msk [tilespmem:v9+s11+$0x0], $0xffff;
	v17 =	vand.u32 $0xFFFFFC00, v17  }
0xde: {  	v19 =	vadd.s32 $0x30, v50;
	v10 =	vld.idx.msk [tilespmem:v10+s11+$0x0], $0xffff;
	v15 =	vor.u32 v31, v15;
	v17 =	vadd.s32 v51, v17  }
0xdf: {  	v16 =	vor.u32 v31, v16;
	v12 =	vld.idx.msk [tilespmem:v12+s11+$0x0], $0xffff;
	v17 =	vor.u32 v18, v17;
	v18 =	vshll.u32 v19, $0x3  }
0xe0: {  	v0 =	vld.idx.msk [tilespmem:v0+s11+$0x0], $0xffff;
	[tilespmem:v1+s21+$0x0] =	vst.idx.msk $0xffff, v2;
	v1 =	vor.u32 v31, v17;
	v2 =	vand.u32 $0xFFFFFC00, v18;
	v17 =	vshll.u32 v20, $0x3  }
0xe1: {  	[tilespmem:v8+s21+$0x0] =	vst.idx.msk $0xffff, v3;
	v3 =	vand.u32 $0x7F, v19;
	v2 =	vadd.s32 v51, v2;
	v8 =	vand.u32 $0xFFFFFC00, v17  }
0xe2: {  	[tilespmem:v11+s21+$0x0] =	vst.idx.msk $0xffff, v4;
	v2 =	vor.u32 v3, v2;
	v3 =	vand.u32 $0x7F, v20;
	v4 =	vadd.s32 v51, v8  }
0xe3: {  	[tilespmem:v13+s21+$0x0] =	vst.idx.msk $0xffff, v5;
	v2 =	vor.u32 v31, v2;
	v3 =	vor.u32 v3, v4  }
0xe4: {  	[tilespmem:v14+s21+$0x0] =	vst.idx.msk $0xffff, v6;
	v3 =	vor.u32 v31, v3  }
0xe5: {  	[tilespmem:v15+s21+$0x0] =	vst.idx.msk $0xffff, v7  }
0xe6: {  	[tilespmem:v16+s21+$0x0] =	vst.idx.msk $0xffff, v9  }
0xe7: {  	[tilespmem:v1+s21+$0x0] =	vst.idx.msk $0xffff, v10  }
0xe8: {  	[tilespmem:v2+s21+$0x0] =	vst.idx.msk $0xffff, v12  }
0xe9: {  	v17 =	vadd.s32 $0x38, v50;
	v19 =	vadd.s32 $0x39, v50;
	[tilespmem:v3+s21+$0x0] =	vst.idx.msk $0xffff, v0  }
0xea: {  	v11 =	vadd.s32 $0x33, v50;
	v18 =	vshll.u32 v17, $0x3;
	v17 =	vand.u32 $0x7F, v17;
	v0 =	vld [tilespmem:s12+$0xFFFFFC00]  }
0xeb: {  	v20 =	vadd.s32 $0x3B, v50;
	v13 =	vadd.s32 $0x34, v50;
	v18 =	vand.u32 $0xFFFFFC00, v18  }
0xec: {  	v14 =	vadd.s32 $0x35, v50;
	v18 =	vadd.s32 v51, v18;
	v1 =	vadd.s32 $0x32, v50  }
0xed: {  	v15 =	vshll.u32 v14, $0x3;
	v14 =	vand.u32 $0x7F, v14;
	v8 =	vshll.u32 v1, $0x3  }
0xee: {  	v15 =	vand.u32 $0xFFFFFC00, v15;
	v16 =	vadd.s32 $0x36, v50;
	v8 =	vand.u32 $0xFFFFFC00, v8  }
0xef: {  	v1 =	vand.u32 $0x7F, v1;
	v8 =	vadd.s32 v51, v8;
	v0 =	vtrunc.f32 v0  }
0xf0: {  	v1 =	vor.u32 v1, v8;
	v8 =	vshll.u32 v11, $0x3;
	v0 =	vcvt.f32.s32 v0  }
0xf1: {  	v15 =	vadd.s32 v51, v15;
	v11 =	vand.u32 $0x7F, v11;
	v8 =	vand.u32 $0xFFFFFC00, v8  }
0xf2: {  	v1 =	vor.u32 v31, v1;
	v8 =	vadd.s32 v51, v8;
	v0 =	vshll.u32 v0, $0x4  }
0xf3: {  	v8 =	vor.u32 v11, v8;
	v11 =	vshll.u32 v13, $0x3;
	v2 =	vadd.s32 v40, v0  }
0xf4: {  	v13 =	vand.u32 $0x7F, v13;
	v11 =	vand.u32 $0xFFFFFC00, v11;
	v3 =	vadd.s32 v61, v0  }
0xf5: {  	v8 =	vor.u32 v31, v8;
	v11 =	vadd.s32 v51, v11;
	v4 =	vadd.s32 v62, v0  }
0xf6: {  	v11 =	vor.u32 v13, v11;
	v13 =	vor.u32 v14, v15;
	v5 =	vadd.s32 v53, v0  }
0xf7: {  	v14 =	vshll.u32 v16, $0x3;
	v15 =	vand.u32 $0x7F, v16;
	v6 =	vadd.s32 v63, v0  }
0xf8: {  	v16 =	vadd.s32 $0x37, v50;
	v14 =	vand.u32 $0xFFFFFC00, v14;
	v7 =	vadd.s32 v60, v0;
	v2 =	vld.idx.msk [tilespmem:v2+s11+$0x0], $0xffff  }
0xf9: {  	v11 =	vor.u32 v31, v11;
	v9 =	vadd.s32 v56, v0;
	v14 =	vadd.s32 v51, v14;
	v3 =	vld.idx.msk [tilespmem:v3+s11+$0x0], $0xffff  }
0xfa: {  	v10 =	vadd.s32 v57, v0;
	v14 =	vor.u32 v15, v14;
	v15 =	vshll.u32 v16, $0x3;
	v4 =	vld.idx.msk [tilespmem:v4+s11+$0x0], $0xffff  }
0xfb: {  	v13 =	vor.u32 v31, v13;
	v12 =	vadd.s32 v58, v0;
	v15 =	vand.u32 $0xFFFFFC00, v15;
	v5 =	vld.idx.msk [tilespmem:v5+s11+$0x0], $0xffff  }
0xfc: {  	v0 =	vadd.s32 v59, v0;
	v16 =	vand.u32 $0x7F, v16;
	v15 =	vadd.s32 v51, v15;
	v6 =	vld.idx.msk [tilespmem:v6+s11+$0x0], $0xffff  }
0xfd: {  	v15 =	vor.u32 v16, v15;
	v16 =	vor.u32 v17, v18;
	v17 =	vshll.u32 v19, $0x3;
	v7 =	vld.idx.msk [tilespmem:v7+s11+$0x0], $0xffff  }
0xfe: {  	v14 =	vor.u32 v31, v14;
	v18 =	vand.u32 $0x7F, v19;
	v9 =	vld.idx.msk [tilespmem:v9+s11+$0x0], $0xffff;
	v17 =	vand.u32 $0xFFFFFC00, v17  }
0xff: {  	v19 =	vadd.s32 $0x3A, v50;
	v10 =	vld.idx.msk [tilespmem:v10+s11+$0x0], $0xffff;
	v15 =	vor.u32 v31, v15;
	v17 =	vadd.s32 v51, v17  }
0x100: {  	v16 =	vor.u32 v31, v16;
	v12 =	vld.idx.msk [tilespmem:v12+s11+$0x0], $0xffff;
	v17 =	vor.u32 v18, v17;
	v18 =	vshll.u32 v19, $0x3  }
0x101: {  	v0 =	vld.idx.msk [tilespmem:v0+s11+$0x0], $0xffff;
	[tilespmem:v1+s21+$0x0] =	vst.idx.msk $0xffff, v2;
	v1 =	vor.u32 v31, v17;
	v2 =	vand.u32 $0xFFFFFC00, v18;
	v17 =	vshll.u32 v20, $0x3  }
0x102: {  	[tilespmem:v8+s21+$0x0] =	vst.idx.msk $0xffff, v3;
	v3 =	vand.u32 $0x7F, v19;
	v2 =	vadd.s32 v51, v2;
	v8 =	vand.u32 $0xFFFFFC00, v17  }
0x103: {  	[tilespmem:v11+s21+$0x0] =	vst.idx.msk $0xffff, v4;
	v2 =	vor.u32 v3, v2;
	v3 =	vand.u32 $0x7F, v20;
	v4 =	vadd.s32 v51, v8  }
0x104: {  	[tilespmem:v13+s21+$0x0] =	vst.idx.msk $0xffff, v5;
	v2 =	vor.u32 v31, v2;
	v3 =	vor.u32 v3, v4  }
0x105: {  	[tilespmem:v14+s21+$0x0] =	vst.idx.msk $0xffff, v6;
	v3 =	vor.u32 v31, v3  }
0x106: {  	[tilespmem:v15+s21+$0x0] =	vst.idx.msk $0xffff, v7  }
0x107: {  	[tilespmem:v16+s21+$0x0] =	vst.idx.msk $0xffff, v9  }
0x108: {  	[tilespmem:v1+s21+$0x0] =	vst.idx.msk $0xffff, v10  }
0x109: {  	[tilespmem:v2+s21+$0x0] =	vst.idx.msk $0xffff, v12  }
0x10a: {  	[tilespmem:v3+s21+$0x0] =	vst.idx.msk $0xffff, v0  }
0x10b: {  	v13 =	vadd.s32 $0x40, v50;
	v0 =	vld [tilespmem:s12+$0xFFFFFC80]  }
0x10c: {  	v14 =	vshll.u32 v13, $0x3  }
0x10d: {  	v13 =	vand.u32 $0x7F, v13;
	v14 =	vand.u32 $0xFFFFFC00, v14  }
0x10e: {  	v15 =	vadd.s32 $0x41, v50;
	v14 =	vadd.s32 v51, v14;
	v1 =	vadd.s32 $0x3C, v50  }
0x10f: {  	v16 =	vadd.s32 $0x43, v50;
	v10 =	vadd.s32 $0x3D, v50;
	v9 =	vshll.u32 v1, $0x3  }
0x110: {  	v11 =	vshll.u32 v10, $0x3;
	v1 =	vand.u32 $0x7F, v1;
	v0 =	vtrunc.f32 v0  }
0x111: {  	v10 =	vand.u32 $0x7F, v10;
	v9 =	vand.u32 $0xFFFFFC00, v9;
	v0 =	vcvt.f32.s32 v0  }
0x112: {  	v12 =	vadd.s32 $0x3E, v50;
	v11 =	vand.u32 $0xFFFFFC00, v11;
	v9 =	vadd.s32 v51, v9  }
0x113: {  	v11 =	vadd.s32 v51, v11;
	v1 =	vor.u32 v1, v9;
	v0 =	vshll.u32 v0, $0x4  }
0x114: {  	v9 =	vor.u32 v10, v11;
	v10 =	vshll.u32 v12, $0x3;
	v2 =	vadd.s32 v42, v0  }
0x115: {  	v11 =	vand.u32 $0x7F, v12;
	v10 =	vand.u32 $0xFFFFFC00, v10;
	v3 =	vadd.s32 v43, v0  }
0x116: {  	v12 =	vadd.s32 $0x3F, v50;
	v10 =	vadd.s32 v51, v10;
	v4 =	vadd.s32 v44, v0  }
0x117: {  	v10 =	vor.u32 v11, v10;
	v11 =	vshll.u32 v12, $0x3;
	v5 =	vadd.s32 v45, v0  }
0x118: {  	v17 =	vshll.u32 v16, $0x3;
	v11 =	vand.u32 $0xFFFFFC00, v11;
	v6 =	vadd.s32 v46, v0  }
0x119: {  	v12 =	vand.u32 $0x7F, v12;
	v11 =	vadd.s32 v51, v11;
	v7 =	vadd.s32 v47, v0;
	v2 =	vld.idx.msk [tilespmem:v2+s11+$0x0], $0xffff  }
0x11a: {  	v17 =	vand.u32 $0xFFFFFC00, v17;
	v11 =	vor.u32 v12, v11;
	v8 =	vadd.s32 v48, v0;
	v3 =	vld.idx.msk [tilespmem:v3+s11+$0x0], $0xffff  }
0x11b: {  	v12 =	vor.u32 v13, v14;
	v13 =	vshll.u32 v15, $0x3;
	v0 =	vadd.s32 v49, v0;
	v4 =	vld.idx.msk [tilespmem:v4+s11+$0x0], $0xffff  }
0x11c: {  	v1 =	vor.u32 v31, v1;
	v9 =	vor.u32 v31, v9;
	v13 =	vand.u32 $0xFFFFFC00, v13;
	v5 =	vld.idx.msk [tilespmem:v5+s11+$0x0], $0xffff  }
0x11d: {  	v14 =	vand.u32 $0x7F, v15;
	v15 =	vadd.s32 $0x42, v50;
	v13 =	vadd.s32 v51, v13;
	v6 =	vld.idx.msk [tilespmem:v6+s11+$0x0], $0xffff  }
0x11e: {  	v10 =	vor.u32 v31, v10;
	v13 =	vor.u32 v14, v13;
	v14 =	vshll.u32 v15, $0x3;
	v7 =	vld.idx.msk [tilespmem:v7+s11+$0x0], $0xffff  }
0x11f: {  	v11 =	vor.u32 v31, v11;
	v12 =	vor.u32 v31, v12;
	v14 =	vand.u32 $0xFFFFFC00, v14;
	v8 =	vld.idx.msk [tilespmem:v8+s11+$0x0], $0xffff  }
0x120: {  	v15 =	vand.u32 $0x7F, v15;
	v13 =	vor.u32 v31, v13;
	v14 =	vadd.s32 v51, v14;
	v0 =	vld.idx.msk [tilespmem:v0+s11+$0x0], $0xffff  }
0x121: {  	[tilespmem:v1+s21+$0x0] =	vst.idx.msk $0xffff, v2;
	v1 =	vor.u32 v15, v14;
	v2 =	vand.u32 $0x7F, v16;
	v14 =	vadd.s32 v51, v17  }
0x122: {  	[tilespmem:v9+s21+$0x0] =	vst.idx.msk $0xffff, v3;
	v1 =	vor.u32 v31, v1;
	v2 =	vor.u32 v2, v14  }
0x123: {  	[tilespmem:v10+s21+$0x0] =	vst.idx.msk $0xffff, v4;
	v2 =	vor.u32 v31, v2  }
0x124: {  	[tilespmem:v11+s21+$0x0] =	vst.idx.msk $0xffff, v5  }
0x125: {  	[tilespmem:v12+s21+$0x0] =	vst.idx.msk $0xffff, v6  }
0x126: {  	[tilespmem:v13+s21+$0x0] =	vst.idx.msk $0xffff, v7  }
0x127: {  	[tilespmem:v1+s21+$0x0] =	vst.idx.msk $0xffff, v8  }
0x128: {  	[tilespmem:v2+s21+$0x0] =	vst.idx.msk $0xffff, v0  }
0x129: {  	v0 =	vld [tilespmem:s12+$0xFFFFFD00]  }
0x12a: {  	v16 =	vadd.s32 $0x4B, v50  }
0x12b: {  	v15 =	vadd.s32 $0x49, v50;
	v17 =	vshll.u32 v16, $0x3;
	v10 =	vadd.s32 $0x45, v50  }
0x12c: {  	v17 =	vand.u32 $0xFFFFFC00, v17;
	v11 =	vshll.u32 v10, $0x3;
	v10 =	vand.u32 $0x7F, v10  }
0x12d: {  	v11 =	vand.u32 $0xFFFFFC00, v11;
	v12 =	vadd.s32 $0x46, v50;
	v1 =	vadd.s32 $0x44, v50  }
0x12e: {  	v11 =	vadd.s32 v51, v11;
	v9 =	vshll.u32 v1, $0x3;
	v0 =	vtrunc.f32 v0  }
0x12f: {  	v13 =	vadd.s32 $0x48, v50;
	v9 =	vand.u32 $0xFFFFFC00, v9;
	v0 =	vcvt.f32.s32 v0  }
0x130: {  	v14 =	vshll.u32 v13, $0x3;
	v1 =	vand.u32 $0x7F, v1;
	v9 =	vadd.s32 v51, v9  }
0x131: {  	v13 =	vand.u32 $0x7F, v13;
	v1 =	vor.u32 v1, v9;
	v0 =	vshll.u32 v0, $0x4  }
0x132: {  	v9 =	vor.u32 v10, v11;
	v10 =	vshll.u32 v12, $0x3;
	v2 =	vadd.s32 v42, v0  }
0x133: {  	v11 =	vand.u32 $0x7F, v12;
	v10 =	vand.u32 $0xFFFFFC00, v10;
	v3 =	vadd.s32 v43, v0  }
0x134: {  	v12 =	vadd.s32 $0x47, v50;
	v10 =	vadd.s32 v51, v10;
	v4 =	vadd.s32 v44, v0  }
0x135: {  	v10 =	vor.u32 v11, v10;
	v11 =	vshll.u32 v12, $0x3;
	v5 =	vadd.s32 v45, v0  }
0x136: {  	v14 =	vand.u32 $0xFFFFFC00, v14;
	v11 =	vand.u32 $0xFFFFFC00, v11;
	v6 =	vadd.s32 v46, v0  }
0x137: {  	v12 =	vand.u32 $0x7F, v12;
	v11 =	vadd.s32 v51, v11;
	v7 =	vadd.s32 v47, v0;
	v2 =	vld.idx.msk [tilespmem:v2+s11+$0x0], $0xffff  }
0x138: {  	v14 =	vadd.s32 v51, v14;
	v11 =	vor.u32 v12, v11;
	v8 =	vadd.s32 v48, v0;
	v3 =	vld.idx.msk [tilespmem:v3+s11+$0x0], $0xffff  }
0x139: {  	v12 =	vor.u32 v13, v14;
	v13 =	vshll.u32 v15, $0x3;
	v0 =	vadd.s32 v49, v0;
	v4 =	vld.idx.msk [tilespmem:v4+s11+$0x0], $0xffff  }
0x13a: {  	v1 =	vor.u32 v31, v1;
	v9 =	vor.u32 v31, v9;
	v13 =	vand.u32 $0xFFFFFC00, v13;
	v5 =	vld.idx.msk [tilespmem:v5+s11+$0x0], $0xffff  }
0x13b: {  	v14 =	vand.u32 $0x7F, v15;
	v15 =	vadd.s32 $0x4A, v50;
	v13 =	vadd.s32 v51, v13;
	v6 =	vld.idx.msk [tilespmem:v6+s11+$0x0], $0xffff  }
0x13c: {  	v10 =	vor.u32 v31, v10;
	v13 =	vor.u32 v14, v13;
	v14 =	vshll.u32 v15, $0x3;
	v7 =	vld.idx.msk [tilespmem:v7+s11+$0x0], $0xffff  }
0x13d: {  	v11 =	vor.u32 v31, v11;
	v12 =	vor.u32 v31, v12;
	v14 =	vand.u32 $0xFFFFFC00, v14;
	v8 =	vld.idx.msk [tilespmem:v8+s11+$0x0], $0xffff  }
0x13e: {  	v15 =	vand.u32 $0x7F, v15;
	v13 =	vor.u32 v31, v13;
	v14 =	vadd.s32 v51, v14;
	v0 =	vld.idx.msk [tilespmem:v0+s11+$0x0], $0xffff  }
0x13f: {  	[tilespmem:v1+s21+$0x0] =	vst.idx.msk $0xffff, v2;
	v1 =	vor.u32 v15, v14;
	v2 =	vand.u32 $0x7F, v16;
	v14 =	vadd.s32 v51, v17  }
0x140: {  	[tilespmem:v9+s21+$0x0] =	vst.idx.msk $0xffff, v3;
	v1 =	vor.u32 v31, v1;
	v2 =	vor.u32 v2, v14  }
0x141: {  	[tilespmem:v10+s21+$0x0] =	vst.idx.msk $0xffff, v4;
	v2 =	vor.u32 v31, v2  }
0x142: {  	[tilespmem:v11+s21+$0x0] =	vst.idx.msk $0xffff, v5  }
0x143: {  	[tilespmem:v12+s21+$0x0] =	vst.idx.msk $0xffff, v6  }
0x144: {  	[tilespmem:v13+s21+$0x0] =	vst.idx.msk $0xffff, v7  }
0x145: {  	[tilespmem:v1+s21+$0x0] =	vst.idx.msk $0xffff, v8  }
0x146: {  	[tilespmem:v2+s21+$0x0] =	vst.idx.msk $0xffff, v0  }
0x147: {  	v0 =	vld [tilespmem:s12+$0xFFFFFD80]  }
0x148: {  	v16 =	vadd.s32 $0x53, v50  }
0x149: {  	v15 =	vadd.s32 $0x51, v50;
	v17 =	vshll.u32 v16, $0x3;
	v10 =	vadd.s32 $0x4D, v50  }
0x14a: {  	v17 =	vand.u32 $0xFFFFFC00, v17;
	v11 =	vshll.u32 v10, $0x3;
	v10 =	vand.u32 $0x7F, v10  }
0x14b: {  	v11 =	vand.u32 $0xFFFFFC00, v11;
	v12 =	vadd.s32 $0x4E, v50;
	v1 =	vadd.s32 $0x4C, v50  }
0x14c: {  	v11 =	vadd.s32 v51, v11;
	v9 =	vshll.u32 v1, $0x3;
	v0 =	vtrunc.f32 v0  }
0x14d: {  	v13 =	vadd.s32 $0x50, v50;
	v9 =	vand.u32 $0xFFFFFC00, v9;
	v0 =	vcvt.f32.s32 v0  }
0x14e: {  	v14 =	vshll.u32 v13, $0x3;
	v1 =	vand.u32 $0x7F, v1;
	v9 =	vadd.s32 v51, v9  }
0x14f: {  	v13 =	vand.u32 $0x7F, v13;
	v1 =	vor.u32 v1, v9;
	v0 =	vshll.u32 v0, $0x4  }
0x150: {  	v9 =	vor.u32 v10, v11;
	v10 =	vshll.u32 v12, $0x3;
	v2 =	vadd.s32 v42, v0  }
0x151: {  	v11 =	vand.u32 $0x7F, v12;
	v10 =	vand.u32 $0xFFFFFC00, v10;
	v3 =	vadd.s32 v43, v0  }
0x152: {  	v12 =	vadd.s32 $0x4F, v50;
	v10 =	vadd.s32 v51, v10;
	v4 =	vadd.s32 v44, v0  }
0x153: {  	v10 =	vor.u32 v11, v10;
	v11 =	vshll.u32 v12, $0x3;
	v5 =	vadd.s32 v45, v0  }
0x154: {  	v14 =	vand.u32 $0xFFFFFC00, v14;
	v11 =	vand.u32 $0xFFFFFC00, v11;
	v6 =	vadd.s32 v46, v0  }
0x155: {  	v12 =	vand.u32 $0x7F, v12;
	v11 =	vadd.s32 v51, v11;
	v7 =	vadd.s32 v47, v0;
	v2 =	vld.idx.msk [tilespmem:v2+s11+$0x0], $0xffff  }
0x156: {  	v14 =	vadd.s32 v51, v14;
	v11 =	vor.u32 v12, v11;
	v8 =	vadd.s32 v48, v0;
	v3 =	vld.idx.msk [tilespmem:v3+s11+$0x0], $0xffff  }
0x157: {  	v12 =	vor.u32 v13, v14;
	v13 =	vshll.u32 v15, $0x3;
	v0 =	vadd.s32 v49, v0;
	v4 =	vld.idx.msk [tilespmem:v4+s11+$0x0], $0xffff  }
0x158: {  	v1 =	vor.u32 v31, v1;
	v9 =	vor.u32 v31, v9;
	v13 =	vand.u32 $0xFFFFFC00, v13;
	v5 =	vld.idx.msk [tilespmem:v5+s11+$0x0], $0xffff  }
0x159: {  	v14 =	vand.u32 $0x7F, v15;
	v15 =	vadd.s32 $0x52, v50;
	v13 =	vadd.s32 v51, v13;
	v6 =	vld.idx.msk [tilespmem:v6+s11+$0x0], $0xffff  }
0x15a: {  	v10 =	vor.u32 v31, v10;
	v13 =	vor.u32 v14, v13;
	v14 =	vshll.u32 v15, $0x3;
	v7 =	vld.idx.msk [tilespmem:v7+s11+$0x0], $0xffff  }
0x15b: {  	v11 =	vor.u32 v31, v11;
	v12 =	vor.u32 v31, v12;
	v14 =	vand.u32 $0xFFFFFC00, v14;
	v8 =	vld.idx.msk [tilespmem:v8+s11+$0x0], $0xffff  }
0x15c: {  	v15 =	vand.u32 $0x7F, v15;
	v13 =	vor.u32 v31, v13;
	v14 =	vadd.s32 v51, v14;
	v0 =	vld.idx.msk [tilespmem:v0+s11+$0x0], $0xffff  }
0x15d: {  	[tilespmem:v1+s21+$0x0] =	vst.idx.msk $0xffff, v2;
	v1 =	vor.u32 v15, v14;
	v2 =	vand.u32 $0x7F, v16;
	v14 =	vadd.s32 v51, v17  }
0x15e: {  	[tilespmem:v9+s21+$0x0] =	vst.idx.msk $0xffff, v3;
	v1 =	vor.u32 v31, v1;
	v2 =	vor.u32 v2, v14  }
0x15f: {  	[tilespmem:v10+s21+$0x0] =	vst.idx.msk $0xffff, v4;
	v2 =	vor.u32 v31, v2  }
0x160: {  	[tilespmem:v11+s21+$0x0] =	vst.idx.msk $0xffff, v5  }
0x161: {  	[tilespmem:v12+s21+$0x0] =	vst.idx.msk $0xffff, v6  }
0x162: {  	[tilespmem:v13+s21+$0x0] =	vst.idx.msk $0xffff, v7  }
0x163: {  	[tilespmem:v1+s21+$0x0] =	vst.idx.msk $0xffff, v8  }
0x164: {  	[tilespmem:v2+s21+$0x0] =	vst.idx.msk $0xffff, v0  }
0x165: {  	v0 =	vld [tilespmem:s12+$0xFFFFFE00]  }
0x166: {  	v16 =	vadd.s32 $0x5B, v50  }
0x167: {  	v15 =	vadd.s32 $0x59, v50;
	v17 =	vshll.u32 v16, $0x3;
	v10 =	vadd.s32 $0x55, v50  }
0x168: {  	v17 =	vand.u32 $0xFFFFFC00, v17;
	v11 =	vshll.u32 v10, $0x3;
	v10 =	vand.u32 $0x7F, v10  }
0x169: {  	v11 =	vand.u32 $0xFFFFFC00, v11;
	v12 =	vadd.s32 $0x56, v50;
	v1 =	vadd.s32 $0x54, v50  }
0x16a: {  	v11 =	vadd.s32 v51, v11;
	v9 =	vshll.u32 v1, $0x3;
	v0 =	vtrunc.f32 v0  }
0x16b: {  	v13 =	vadd.s32 $0x58, v50;
	v9 =	vand.u32 $0xFFFFFC00, v9;
	v0 =	vcvt.f32.s32 v0  }
0x16c: {  	v14 =	vshll.u32 v13, $0x3;
	v1 =	vand.u32 $0x7F, v1;
	v9 =	vadd.s32 v51, v9  }
0x16d: {  	v13 =	vand.u32 $0x7F, v13;
	v1 =	vor.u32 v1, v9;
	v0 =	vshll.u32 v0, $0x4  }
0x16e: {  	v9 =	vor.u32 v10, v11;
	v10 =	vshll.u32 v12, $0x3;
	v2 =	vadd.s32 v42, v0  }
0x16f: {  	v11 =	vand.u32 $0x7F, v12;
	v10 =	vand.u32 $0xFFFFFC00, v10;
	v3 =	vadd.s32 v43, v0  }
0x170: {  	v12 =	vadd.s32 $0x57, v50;
	v10 =	vadd.s32 v51, v10;
	v4 =	vadd.s32 v44, v0  }
0x171: {  	v10 =	vor.u32 v11, v10;
	v11 =	vshll.u32 v12, $0x3;
	v5 =	vadd.s32 v45, v0  }
0x172: {  	v14 =	vand.u32 $0xFFFFFC00, v14;
	v11 =	vand.u32 $0xFFFFFC00, v11;
	v6 =	vadd.s32 v46, v0  }
0x173: {  	v12 =	vand.u32 $0x7F, v12;
	v11 =	vadd.s32 v51, v11;
	v7 =	vadd.s32 v47, v0;
	v2 =	vld.idx.msk [tilespmem:v2+s11+$0x0], $0xffff  }
0x174: {  	v14 =	vadd.s32 v51, v14;
	v11 =	vor.u32 v12, v11;
	v8 =	vadd.s32 v48, v0;
	v3 =	vld.idx.msk [tilespmem:v3+s11+$0x0], $0xffff  }
0x175: {  	v12 =	vor.u32 v13, v14;
	v13 =	vshll.u32 v15, $0x3;
	v0 =	vadd.s32 v49, v0;
	v4 =	vld.idx.msk [tilespmem:v4+s11+$0x0], $0xffff  }
0x176: {  	v1 =	vor.u32 v31, v1;
	v9 =	vor.u32 v31, v9;
	v13 =	vand.u32 $0xFFFFFC00, v13;
	v5 =	vld.idx.msk [tilespmem:v5+s11+$0x0], $0xffff  }
0x177: {  	v14 =	vand.u32 $0x7F, v15;
	v15 =	vadd.s32 $0x5A, v50;
	v13 =	vadd.s32 v51, v13;
	v6 =	vld.idx.msk [tilespmem:v6+s11+$0x0], $0xffff  }
0x178: {  	v10 =	vor.u32 v31, v10;
	v13 =	vor.u32 v14, v13;
	v14 =	vshll.u32 v15, $0x3;
	v7 =	vld.idx.msk [tilespmem:v7+s11+$0x0], $0xffff  }
0x179: {  	v11 =	vor.u32 v31, v11;
	v12 =	vor.u32 v31, v12;
	v14 =	vand.u32 $0xFFFFFC00, v14;
	v8 =	vld.idx.msk [tilespmem:v8+s11+$0x0], $0xffff  }
0x17a: {  	v15 =	vand.u32 $0x7F, v15;
	v13 =	vor.u32 v31, v13;
	v14 =	vadd.s32 v51, v14;
	v0 =	vld.idx.msk [tilespmem:v0+s11+$0x0], $0xffff  }
0x17b: {  	[tilespmem:v1+s21+$0x0] =	vst.idx.msk $0xffff, v2;
	v1 =	vor.u32 v15, v14;
	v2 =	vand.u32 $0x7F, v16;
	v14 =	vadd.s32 v51, v17  }
0x17c: {  	[tilespmem:v9+s21+$0x0] =	vst.idx.msk $0xffff, v3;
	v1 =	vor.u32 v31, v1;
	v2 =	vor.u32 v2, v14  }
0x17d: {  	[tilespmem:v10+s21+$0x0] =	vst.idx.msk $0xffff, v4;
	v2 =	vor.u32 v31, v2  }
0x17e: {  	[tilespmem:v11+s21+$0x0] =	vst.idx.msk $0xffff, v5  }
0x17f: {  	[tilespmem:v12+s21+$0x0] =	vst.idx.msk $0xffff, v6  }
0x180: {  	[tilespmem:v13+s21+$0x0] =	vst.idx.msk $0xffff, v7  }
0x181: {  	[tilespmem:v1+s21+$0x0] =	vst.idx.msk $0xffff, v8  }
0x182: {  	[tilespmem:v2+s21+$0x0] =	vst.idx.msk $0xffff, v0  }
0x183: {  	v0 =	vld [tilespmem:s12+$0xFFFFFE80]  }
0x184: {  	v16 =	vadd.s32 $0x63, v50  }
0x185: {  	v15 =	vadd.s32 $0x61, v50;
	v17 =	vshll.u32 v16, $0x3;
	v10 =	vadd.s32 $0x5D, v50  }
0x186: {  	v17 =	vand.u32 $0xFFFFFC00, v17;
	v11 =	vshll.u32 v10, $0x3;
	v10 =	vand.u32 $0x7F, v10  }
0x187: {  	v11 =	vand.u32 $0xFFFFFC00, v11;
	v12 =	vadd.s32 $0x5E, v50;
	v1 =	vadd.s32 $0x5C, v50  }
0x188: {  	v11 =	vadd.s32 v51, v11;
	v9 =	vshll.u32 v1, $0x3;
	v0 =	vtrunc.f32 v0  }
0x189: {  	v13 =	vadd.s32 $0x60, v50;
	v9 =	vand.u32 $0xFFFFFC00, v9;
	v0 =	vcvt.f32.s32 v0  }
0x18a: {  	v14 =	vshll.u32 v13, $0x3;
	v1 =	vand.u32 $0x7F, v1;
	v9 =	vadd.s32 v51, v9  }
0x18b: {  	v13 =	vand.u32 $0x7F, v13;
	v1 =	vor.u32 v1, v9;
	v0 =	vshll.u32 v0, $0x4  }
0x18c: {  	v9 =	vor.u32 v10, v11;
	v10 =	vshll.u32 v12, $0x3;
	v2 =	vadd.s32 v42, v0  }
0x18d: {  	v11 =	vand.u32 $0x7F, v12;
	v10 =	vand.u32 $0xFFFFFC00, v10;
	v3 =	vadd.s32 v43, v0  }
0x18e: {  	v12 =	vadd.s32 $0x5F, v50;
	v10 =	vadd.s32 v51, v10;
	v4 =	vadd.s32 v44, v0  }
0x18f: {  	v10 =	vor.u32 v11, v10;
	v11 =	vshll.u32 v12, $0x3;
	v5 =	vadd.s32 v45, v0  }
0x190: {  	v14 =	vand.u32 $0xFFFFFC00, v14;
	v11 =	vand.u32 $0xFFFFFC00, v11;
	v6 =	vadd.s32 v46, v0  }
0x191: {  	v12 =	vand.u32 $0x7F, v12;
	v11 =	vadd.s32 v51, v11;
	v7 =	vadd.s32 v47, v0;
	v2 =	vld.idx.msk [tilespmem:v2+s11+$0x0], $0xffff  }
0x192: {  	v14 =	vadd.s32 v51, v14;
	v11 =	vor.u32 v12, v11;
	v8 =	vadd.s32 v48, v0;
	v3 =	vld.idx.msk [tilespmem:v3+s11+$0x0], $0xffff  }
0x193: {  	v12 =	vor.u32 v13, v14;
	v13 =	vshll.u32 v15, $0x3;
	v0 =	vadd.s32 v49, v0;
	v4 =	vld.idx.msk [tilespmem:v4+s11+$0x0], $0xffff  }
0x194: {  	v1 =	vor.u32 v31, v1;
	v9 =	vor.u32 v31, v9;
	v13 =	vand.u32 $0xFFFFFC00, v13;
	v5 =	vld.idx.msk [tilespmem:v5+s11+$0x0], $0xffff  }
0x195: {  	v14 =	vand.u32 $0x7F, v15;
	v15 =	vadd.s32 $0x62, v50;
	v13 =	vadd.s32 v51, v13;
	v6 =	vld.idx.msk [tilespmem:v6+s11+$0x0], $0xffff  }
0x196: {  	v10 =	vor.u32 v31, v10;
	v13 =	vor.u32 v14, v13;
	v14 =	vshll.u32 v15, $0x3;
	v7 =	vld.idx.msk [tilespmem:v7+s11+$0x0], $0xffff  }
0x197: {  	v11 =	vor.u32 v31, v11;
	v12 =	vor.u32 v31, v12;
	v14 =	vand.u32 $0xFFFFFC00, v14;
	v8 =	vld.idx.msk [tilespmem:v8+s11+$0x0], $0xffff  }
0x198: {  	v15 =	vand.u32 $0x7F, v15;
	v13 =	vor.u32 v31, v13;
	v14 =	vadd.s32 v51, v14;
	v0 =	vld.idx.msk [tilespmem:v0+s11+$0x0], $0xffff  }
0x199: {  	[tilespmem:v1+s21+$0x0] =	vst.idx.msk $0xffff, v2;
	v1 =	vor.u32 v15, v14;
	v2 =	vand.u32 $0x7F, v16;
	v14 =	vadd.s32 v51, v17  }
0x19a: {  	[tilespmem:v9+s21+$0x0] =	vst.idx.msk $0xffff, v3;
	v1 =	vor.u32 v31, v1;
	v2 =	vor.u32 v2, v14  }
0x19b: {  	[tilespmem:v10+s21+$0x0] =	vst.idx.msk $0xffff, v4;
	v2 =	vor.u32 v31, v2  }
0x19c: {  	[tilespmem:v11+s21+$0x0] =	vst.idx.msk $0xffff, v5  }
0x19d: {  	[tilespmem:v12+s21+$0x0] =	vst.idx.msk $0xffff, v6  }
0x19e: {  	[tilespmem:v13+s21+$0x0] =	vst.idx.msk $0xffff, v7  }
0x19f: {  	[tilespmem:v1+s21+$0x0] =	vst.idx.msk $0xffff, v8  }
0x1a0: {  	[tilespmem:v2+s21+$0x0] =	vst.idx.msk $0xffff, v0  }
0x1a1: {  	v0 =	vld [tilespmem:s12+$0xFFFFFF00]  }
0x1a2: {  	v16 =	vadd.s32 $0x6B, v50  }
0x1a3: {  	v15 =	vadd.s32 $0x69, v50;
	v17 =	vshll.u32 v16, $0x3;
	v10 =	vadd.s32 $0x65, v50  }
0x1a4: {  	v17 =	vand.u32 $0xFFFFFC00, v17;
	v11 =	vshll.u32 v10, $0x3;
	v10 =	vand.u32 $0x7F, v10  }
0x1a5: {  	v11 =	vand.u32 $0xFFFFFC00, v11;
	v12 =	vadd.s32 $0x66, v50;
	v1 =	vadd.s32 $0x64, v50  }
0x1a6: {  	v11 =	vadd.s32 v51, v11;
	v9 =	vshll.u32 v1, $0x3;
	v0 =	vtrunc.f32 v0  }
0x1a7: {  	v13 =	vadd.s32 $0x68, v50;
	v9 =	vand.u32 $0xFFFFFC00, v9;
	v0 =	vcvt.f32.s32 v0  }
0x1a8: {  	v14 =	vshll.u32 v13, $0x3;
	v1 =	vand.u32 $0x7F, v1;
	v9 =	vadd.s32 v51, v9  }
0x1a9: {  	v13 =	vand.u32 $0x7F, v13;
	v1 =	vor.u32 v1, v9;
	v0 =	vshll.u32 v0, $0x4  }
0x1aa: {  	v9 =	vor.u32 v10, v11;
	v10 =	vshll.u32 v12, $0x3;
	v2 =	vadd.s32 v42, v0  }
0x1ab: {  	v11 =	vand.u32 $0x7F, v12;
	v10 =	vand.u32 $0xFFFFFC00, v10;
	v3 =	vadd.s32 v43, v0  }
0x1ac: {  	v12 =	vadd.s32 $0x67, v50;
	v10 =	vadd.s32 v51, v10;
	v4 =	vadd.s32 v44, v0  }
0x1ad: {  	v10 =	vor.u32 v11, v10;
	v11 =	vshll.u32 v12, $0x3;
	v5 =	vadd.s32 v45, v0  }
0x1ae: {  	v14 =	vand.u32 $0xFFFFFC00, v14;
	v11 =	vand.u32 $0xFFFFFC00, v11;
	v6 =	vadd.s32 v46, v0  }
0x1af: {  	v12 =	vand.u32 $0x7F, v12;
	v11 =	vadd.s32 v51, v11;
	v7 =	vadd.s32 v47, v0;
	v2 =	vld.idx.msk [tilespmem:v2+s11+$0x0], $0xffff  }
0x1b0: {  	v14 =	vadd.s32 v51, v14;
	v11 =	vor.u32 v12, v11;
	v8 =	vadd.s32 v48, v0;
	v3 =	vld.idx.msk [tilespmem:v3+s11+$0x0], $0xffff  }
0x1b1: {  	v12 =	vor.u32 v13, v14;
	v13 =	vshll.u32 v15, $0x3;
	v0 =	vadd.s32 v49, v0;
	v4 =	vld.idx.msk [tilespmem:v4+s11+$0x0], $0xffff  }
0x1b2: {  	v1 =	vor.u32 v31, v1;
	v9 =	vor.u32 v31, v9;
	v13 =	vand.u32 $0xFFFFFC00, v13;
	v5 =	vld.idx.msk [tilespmem:v5+s11+$0x0], $0xffff  }
0x1b3: {  	v14 =	vand.u32 $0x7F, v15;
	v15 =	vadd.s32 $0x6A, v50;
	v13 =	vadd.s32 v51, v13;
	v6 =	vld.idx.msk [tilespmem:v6+s11+$0x0], $0xffff  }
0x1b4: {  	v10 =	vor.u32 v31, v10;
	v13 =	vor.u32 v14, v13;
	v14 =	vshll.u32 v15, $0x3;
	v7 =	vld.idx.msk [tilespmem:v7+s11+$0x0], $0xffff  }
0x1b5: {  	v11 =	vor.u32 v31, v11;
	v12 =	vor.u32 v31, v12;
	v14 =	vand.u32 $0xFFFFFC00, v14;
	v8 =	vld.idx.msk [tilespmem:v8+s11+$0x0], $0xffff  }
0x1b6: {  	v15 =	vand.u32 $0x7F, v15;
	v13 =	vor.u32 v31, v13;
	v14 =	vadd.s32 v51, v14;
	v0 =	vld.idx.msk [tilespmem:v0+s11+$0x0], $0xffff  }
0x1b7: {  	[tilespmem:v1+s21+$0x0] =	vst.idx.msk $0xffff, v2;
	v1 =	vor.u32 v15, v14;
	v2 =	vand.u32 $0x7F, v16;
	v14 =	vadd.s32 v51, v17  }
0x1b8: {  	[tilespmem:v9+s21+$0x0] =	vst.idx.msk $0xffff, v3;
	v1 =	vor.u32 v31, v1;
	v2 =	vor.u32 v2, v14  }
0x1b9: {  	[tilespmem:v10+s21+$0x0] =	vst.idx.msk $0xffff, v4;
	v2 =	vor.u32 v31, v2  }
0x1ba: {  	[tilespmem:v11+s21+$0x0] =	vst.idx.msk $0xffff, v5  }
0x1bb: {  	[tilespmem:v12+s21+$0x0] =	vst.idx.msk $0xffff, v6  }
0x1bc: {  	[tilespmem:v13+s21+$0x0] =	vst.idx.msk $0xffff, v7  }
0x1bd: {  	v20 =	vadd.s32 $0x7D, v50;
	[tilespmem:v1+s21+$0x0] =	vst.idx.msk $0xffff, v8  }
0x1be: {  	v18 =	vadd.s32 $0x74, v50;
	v22 =	vshll.u32 v20, $0x3;
	v16 =	vadd.s32 $0x73, v50;
	[tilespmem:v2+s21+$0x0] =	vst.idx.msk $0xffff, v0  }
0x1bf: {  	v15 =	vadd.s32 $0x71, v50;
	v17 =	vshll.u32 v16, $0x3;
	v10 =	vadd.s32 $0x6D, v50;
	v0 =	vld [tilespmem:s12+$0xFFFFFF80]  }
0x1c0: {  	v16 =	vand.u32 $0x7F, v16;
	v17 =	vand.u32 $0xFFFFFC00, v17;
	v11 =	vshll.u32 v10, $0x3  }
0x1c1: {  	v10 =	vand.u32 $0x7F, v10;
	v17 =	vadd.s32 v51, v17;
	v11 =	vand.u32 $0xFFFFFC00, v11  }
0x1c2: {  	v12 =	vadd.s32 $0x6E, v50;
	v13 =	vadd.s32 $0x70, v50;
	v1 =	vadd.s32 $0x6C, v50  }
0x1c3: {  	v11 =	vadd.s32 v51, v11;
	v14 =	vshll.u32 v13, $0x3;
	v9 =	vshll.u32 v1, $0x3  }
0x1c4: {  	v13 =	vand.u32 $0x7F, v13;
	v9 =	vand.u32 $0xFFFFFC00, v9;
	v0 =	vtrunc.f32 v0  }
0x1c5: {  	v1 =	vand.u32 $0x7F, v1;
	v9 =	vadd.s32 v51, v9;
	v0 =	vcvt.f32.s32 v0  }
0x1c6: {  	v30 =	vld [tilespmem:$0x1FED0];
	v1 =	vor.u32 v1, v9;
	v9 =	vor.u32 v10, v11;
	v10 =	vshll.u32 v12, $0x3  }
0x1c7: {  	v32 =	vld [tilespmem:$0x1FEE0];
	v11 =	vand.u32 $0x7F, v12;
	v10 =	vand.u32 $0xFFFFFC00, v10;
	v0 =	vshll.u32 v0, $0x4  }
0x1c8: {  	v33 =	vld [tilespmem:$0x1FEF0];
	v12 =	vadd.s32 $0x6F, v50;
	v10 =	vadd.s32 v51, v10;
	v2 =	vadd.s32 v42, v0  }
0x1c9: {  	v29 =	vld [tilespmem:$0x1FEC0];
	v10 =	vor.u32 v11, v10;
	v11 =	vshll.u32 v12, $0x3;
	v3 =	vadd.s32 v43, v0  }
0x1ca: {  	v34 =	vld [tilespmem:$0x1FF00];
	v14 =	vand.u32 $0xFFFFFC00, v14;
	v11 =	vand.u32 $0xFFFFFC00, v11;
	v4 =	vadd.s32 v44, v0  }
0x1cb: {  	v36 =	vld [tilespmem:$0x1FF20];
	v12 =	vand.u32 $0x7F, v12;
	v11 =	vadd.s32 v51, v11;
	v5 =	vadd.s32 v45, v0  }
0x1cc: {  	v26 =	vld [tilespmem:$0x1FE90];
	v14 =	vadd.s32 v51, v14;
	v11 =	vor.u32 v12, v11;
	v6 =	vadd.s32 v46, v0  }
0x1cd: {  	v12 =	vor.u32 v13, v14;
	v13 =	vshll.u32 v15, $0x3;
	v7 =	vadd.s32 v47, v0;
	v2 =	vld.idx.msk [tilespmem:v2+s11+$0x0], $0xffff  }
0x1ce: {  	v14 =	vand.u32 $0x7F, v15;
	v8 =	vadd.s32 v48, v0;
	v13 =	vand.u32 $0xFFFFFC00, v13;
	v3 =	vld.idx.msk [tilespmem:v3+s11+$0x0], $0xffff  }
0x1cf: {  	v15 =	vadd.s32 $0x72, v50;
	v0 =	vadd.s32 v49, v0;
	v13 =	vadd.s32 v51, v13;
	v4 =	vld.idx.msk [tilespmem:v4+s11+$0x0], $0xffff  }
0x1d0: {  	v1 =	vor.u32 v31, v1;
	v13 =	vor.u32 v14, v13;
	v14 =	vshll.u32 v15, $0x3;
	v5 =	vld.idx.msk [tilespmem:v5+s11+$0x0], $0xffff  }
0x1d1: {  	v9 =	vor.u32 v31, v9;
	v10 =	vor.u32 v31, v10;
	v14 =	vand.u32 $0xFFFFFC00, v14;
	v6 =	vld.idx.msk [tilespmem:v6+s11+$0x0], $0xffff  }
0x1d2: {  	v11 =	vor.u32 v31, v11;
	v15 =	vand.u32 $0x7F, v15;
	v14 =	vadd.s32 v51, v14;
	v7 =	vld.idx.msk [tilespmem:v7+s11+$0x0], $0xffff  }
0x1d3: {  	v14 =	vor.u32 v15, v14;
	v15 =	vor.u32 v16, v17;
	v16 =	vshll.u32 v18, $0x3;
	v8 =	vld.idx.msk [tilespmem:v8+s11+$0x0], $0xffff  }
0x1d4: {  	v12 =	vor.u32 v31, v12;
	v13 =	vor.u32 v31, v13;
	v0 =	vld.idx.msk [tilespmem:v0+s11+$0x0], $0xffff;
	v16 =	vand.u32 $0xFFFFFC00, v16  }
0x1d5: {  	v35 =	vld [tilespmem:$0x1FF10];
	v17 =	vand.u32 $0x7F, v18;
	v14 =	vor.u32 v31, v14;
	v16 =	vadd.s32 v51, v16;
	[tilespmem:v1+s21+$0x0] =	vst.idx.msk $0xffff, v2  }
0x1d6: {  	v27 =	vld [tilespmem:$0x1FEA0];
	v18 =	vadd.s32 $0x75, v50;
	v15 =	vor.u32 v31, v15;
	v1 =	vor.u32 v17, v16;
	[tilespmem:v9+s21+$0x0] =	vst.idx.msk $0xffff, v3  }
0x1d7: {  	v37 =	vld [tilespmem:$0x1FF30];
	v2 =	vshll.u32 v18, $0x3;
	v16 =	vadd.s32 $0x76, v50;
	v1 =	vor.u32 v31, v1;
	[tilespmem:v10+s21+$0x0] =	vst.idx.msk $0xffff, v4  }
0x1d8: {  	v38 =	vld [tilespmem:$0x1FF40];
	v2 =	vand.u32 $0xFFFFFC00, v2;
	v3 =	vshll.u32 v16, $0x3;
	v9 =	vadd.s32 $0x77, v50;
	[tilespmem:v11+s21+$0x0] =	vst.idx.msk $0xffff, v5  }
0x1d9: {  	v28 =	vld [tilespmem:$0x1FEB0];
	v4 =	vand.u32 $0x7F, v18;
	v2 =	vadd.s32 v51, v2;
	v3 =	vand.u32 $0xFFFFFC00, v3;
	[tilespmem:v12+s21+$0x0] =	vst.idx.msk $0xffff, v6  }
0x1da: {  	v39 =	vld [tilespmem:$0x1FF50];
	v5 =	vand.u32 $0x7F, v16;
	v3 =	vadd.s32 v51, v3;
	v2 =	vor.u32 v4, v2;
	[tilespmem:v13+s21+$0x0] =	vst.idx.msk $0xffff, v7  }
0x1db: {  	v24 =	vld [tilespmem:$0x1FE70];
	v4 =	vshll.u32 v9, $0x3;
	v11 =	vadd.s32 $0x7A, v50;
	v16 =	vadd.s32 $0x7C, v50;
	[tilespmem:v14+s21+$0x0] =	vst.idx.msk $0xffff, v8  }
0x1dc: {  	v25 =	vld [tilespmem:$0x1FE80];
	v3 =	vor.u32 v5, v3;
	v2 =	vor.u32 v31, v2;
	v4 =	vand.u32 $0xFFFFFC00, v4;
	[tilespmem:v15+s21+$0x0] =	vst.idx.msk $0xffff, v0  }
0x1dd: {  	v5 =	vand.u32 $0x7F, v9;
	v6 =	vadd.s32 $0x78, v50;
	v18 =	vshll.u32 v16, $0x3;
	v7 =	vld [tilespmem:s12+$0x0]  }
0x1de: {  	v16 =	vand.u32 $0x7F, v16;
	v3 =	vor.u32 v31, v3;
	v4 =	vadd.s32 v51, v4;
	v9 =	vld [tilespmem:s12+$0x80]  }
0x1df: {  	v18 =	vand.u32 $0xFFFFFC00, v18;
	v0 =	vor.u32 v5, v4;
	v4 =	vshll.u32 v6, $0x3;
	v10 =	vld [tilespmem:s12+$0x100]  }
0x1e0: {  	v14 =	vadd.s32 $0x7B, v50;
	v18 =	vadd.s32 v51, v18;
	v4 =	vand.u32 $0xFFFFFC00, v4;
	v12 =	vld [tilespmem:s12+$0x180]  }
0x1e1: {  	v5 =	vadd.s32 $0x79, v50;
	v6 =	vand.u32 $0x7F, v6;
	v13 =	vld [tilespmem:s12+$0x280];
	v4 =	vadd.s32 v51, v4  }
0x1e2: {  	v0 =	vor.u32 v31, v0;
	v15 =	vld [tilespmem:s12+$0x300];
	v4 =	vor.u32 v6, v4;
	v6 =	vshll.u32 v11, $0x3  }
0x1e3: {  	v8 =	vshll.u32 v5, $0x3;
	v5 =	vand.u32 $0x7F, v5;
	v17 =	vld [tilespmem:s12+$0x380];
	v6 =	vand.u32 $0xFFFFFC00, v6  }
0x1e4: {  	v19 =	vld [tilespmem:s12+$0x400];
	v8 =	vand.u32 $0xFFFFFC00, v8;
	v11 =	vand.u32 $0x7F, v11;
	v6 =	vadd.s32 v51, v6  }
0x1e5: {  	v21 =	vld [tilespmem:s12+$0x480];
	v8 =	vadd.s32 v51, v8;
	v6 =	vor.u32 v11, v6;
	v11 =	vshll.u32 v14, $0x3  }
0x1e6: {  	v23 =	vld [tilespmem:s12+$0x500];
	v5 =	vor.u32 v5, v8;
	v4 =	vor.u32 v31, v4;
	v11 =	vand.u32 $0xFFFFFC00, v11  }
0x1e7: {  	v8 =	vld [tilespmem:s12+$0x200];
	v5 =	vor.u32 v31, v5;
	v14 =	vand.u32 $0x7F, v14;
	v11 =	vadd.s32 v51, v11  }
0x1e8: {  	v11 =	vor.u32 v14, v11;
	v14 =	vor.u32 v16, v18;
	v16 =	vand.u32 $0xFFFFFC00, v22;
	v18 =	vld [tilespmem:s12+$0x580];
	[tilespmem:v1+s21+$0x0] =	vst.idx.msk $0xffff, v7  }
0x1e9: {  	v20 =	vand.u32 $0x7F, v20;
	v16 =	vadd.s32 v51, v16;
	[tilespmem:v2+s21+$0x0] =	vst.idx.msk $0xffff, v9;
	v2 =	vor.u32 v31, v11;
	v11 =	vld [tilespmem:$0x1FDA0]  }
0x1ea: {  	v22 =	vadd.s32 $0x7E, v50;
	v1 =	vor.u32 v31, v6;
	v6 =	vor.u32 v20, v16;
	v20 =	vld [tilespmem:$0x1FE30]  }
0x1eb: {  	v7 =	vshll.u32 v22, $0x3;
	v16 =	vld [tilespmem:$0x1FDF0]  }
0x1ec: {  	v7 =	vand.u32 $0xFFFFFC00, v7;
	[tilespmem:v3+s21+$0x0] =	vst.idx.msk $0xffff, v10;
	v3 =	vand.u32 $0x7F, v22;
	v22 =	vld [tilespmem:$0x1FE50]  }
0x1ed: {  	v9 =	vadd.s32 $0x7F, v50;
	v7 =	vadd.s32 v51, v7;
	[tilespmem:v0+s21+$0x0] =	vst.idx.msk $0xffff, v12;
	v12 =	vld [tilespmem:$0x1FDB0]  }
0x1ee: {  	v10 =	vshll.u32 v9, $0x3;
	v0 =	vor.u32 v3, v7;
	v3 =	vor.u32 v31, v14;
	v14 =	vld [tilespmem:$0x1FDD0];
	[tilespmem:v4+s21+$0x0] =	vst.idx.msk $0xffff, v8  }
0x1ef: {  	v7 =	vand.u32 $0xFFFFFC00, v10;
	[tilespmem:v5+s21+$0x0] =	vst.idx.msk $0xffff, v13;
	v13 =	vld [tilespmem:$0x1FDC0]  }
0x1f0: {  	v4 =	vadd.s32 v51, v7;
	v7 =	vand.u32 $0x7F, v9;
	v5 =	vld [tilespmem:$0x1FD90]  }
0x1f1: {  	v6 =	vor.u32 v31, v6;
	v4 =	vor.u32 v7, v4;
	[tilespmem:v1+s21+$0x0] =	vst.idx.msk $0xffff, v15;
	v15 =	vld [tilespmem:$0x1FDE0]  }
0x1f2: {  	v0 =	vor.u32 v31, v0;
	v1 =	vor.u32 v31, v4;
	v4 =	vld [tilespmem:$0x1FD80]  }
0x1f3: {  	p1 =	sne.s32 s6, $0x70;
	[tilespmem:v2+s21+$0x0] =	vst.idx.msk $0xffff, v17;
	v17 =	vld [tilespmem:$0x1FE00]  }
.Ltmp2:
0x1f4: {  	[tilespmem:v3+s21+$0x0] =	vst.idx.msk $0xffff, v19;
	v19 =	vld [tilespmem:$0x1FE20];
	(pc) =	sbr.rel @p1 .LBB2_3-.Ltmp2, $4  }
0x1f5: {  	v3 =	vld [tilespmem:$0x1FD70]  }
0x1f6: {  	[tilespmem:v6+s21+$0x0] =	vst.idx.msk $0xffff, v21;
	v21 =	vld [tilespmem:$0x1FE40]  }
0x1f7: {  	[tilespmem:v0+s21+$0x0] =	vst.idx.msk $0xffff, v23;
	v23 =	vld [tilespmem:$0x1FE60]  }
0x1f8: {  	s6 =	sadd.s32 $0x10, s6;
	s12 =	sadd.s32 $0x10, s12;
	[tilespmem:v1+s21+$0x0] =	vst.idx.msk $0xffff, v18;
	v18 =	vld [tilespmem:$0x1FE10]  }
0x1f9: {  	s6 =	sshll.u32 s15, $0xE  }
0x1fa: {  	s12 =	sshll.u32 s10, $0x15;
	s15 =	sadd.s32 s8, s6  }
0x1fb: {  	s6 =	sor.u32 s15, s12  }
0x1fc: {  	s6 =	sshrl.u32 s6, $0x3  }
0x1fd: {  	s6 =	sadd.s32 s3, s6  }
0x1fe: {  	[hbm4b:s6+s4] =	stream.linear.scatter [tilespmem:s21], [sflag:$0x3], $0x400, $0x38;
	[tilespmem:$0x1E780] =	vst v63  }
0x1ff: {  	s17 =	simm.s32 $0x2000;
	s22 =	sadd.s32 $0x80, s6  }
0x200: {  	[hbm4b:s22+s4] =	stream.linear.scatter [tilespmem:s17], [sflag:$0x3], $0x400, $0x38;
	[tilespmem:$0x1E780] =	vst v63  }
0x201: {  	s19 =	sadd.s32 $0x100, s6;
	s22 =	simm.s32 $0x2800  }
0x202: {  	[hbm4b:s19+s4] =	stream.linear.scatter [tilespmem:s22], [sflag:$0x3], $0x400, $0x38;
	[tilespmem:$0x1E780] =	vst v63  }
0x203: {  	s19 =	sadd.s32 $0x180, s6;
	s22 =	simm.s32 $0x3000  }
0x204: {  	[hbm4b:s19+s4] =	stream.linear.scatter [tilespmem:s22], [sflag:$0x3], $0x400, $0x38;
	[tilespmem:$0x1E780] =	vst v63  }
0x205: {  	s19 =	sadd.s32 $0x200, s6;
	s22 =	simm.s32 $0x3800  }
0x206: {  	[hbm4b:s19+s4] =	stream.linear.scatter [tilespmem:s22], [sflag:$0x3], $0x400, $0x38;
	[tilespmem:$0x1E780] =	vst v63  }
0x207: {  	s19 =	sadd.s32 $0x280, s6;
	s22 =	simm.s32 $0x4000  }
0x208: {  	[hbm4b:s19+s4] =	stream.linear.scatter [tilespmem:s22], [sflag:$0x3], $0x400, $0x38;
	[tilespmem:$0x1E780] =	vst v63  }
0x209: {  	s19 =	sadd.s32 $0x300, s6;
	s22 =	simm.s32 $0x4800  }
0x20a: {  	[hbm4b:s19+s4] =	stream.linear.scatter [tilespmem:s22], [sflag:$0x3], $0x400, $0x38;
	[tilespmem:$0x1E780] =	vst v63  }
0x20b: {  	s19 =	sadd.s32 $0x380, s6;
	s22 =	simm.s32 $0x5000  }
0x20c: {  	[hbm4b:s19+s4] =	stream.linear.scatter [tilespmem:s22], [sflag:$0x3], $0x400, $0x38;
	[tilespmem:$0x1E780] =	vst v63  }
0x20d: {  	s19 =	sadd.s32 $0x400, s6;
	s22 =	simm.s32 $0x5800  }
0x20e: {  	[hbm4b:s19+s4] =	stream.linear.scatter [tilespmem:s22], [sflag:$0x3], $0x400, $0x38;
	[tilespmem:$0x1E780] =	vst v63  }
0x20f: {  	s19 =	sadd.s32 $0x480, s6;
	s22 =	simm.s32 $0x6000  }
0x210: {  	[hbm4b:s19+s4] =	stream.linear.scatter [tilespmem:s22], [sflag:$0x3], $0x400, $0x38;
	[tilespmem:$0x1E780] =	vst v63  }
0x211: {  	s19 =	sadd.s32 $0x500, s6;
	s22 =	simm.s32 $0x6800  }
0x212: {  	[hbm4b:s19+s4] =	stream.linear.scatter [tilespmem:s22], [sflag:$0x3], $0x400, $0x38;
	[tilespmem:$0x1E780] =	vst v63  }
0x213: {  	s19 =	sadd.s32 $0x580, s6;
	s22 =	simm.s32 $0x7000  }
0x214: {  	[hbm4b:s19+s4] =	stream.linear.scatter [tilespmem:s22], [sflag:$0x3], $0x400, $0x38;
	[tilespmem:$0x1E780] =	vst v63  }
0x215: {  	p1 =	seq.s32 s16, $0x63;
	s19 =	sadd.s32 $0x600, s6;
	s22 =	simm.s32 $0x7800  }
0x216: {  	[hbm4b:s19+s4] =	stream.linear.scatter [tilespmem:s22], [sflag:$0x3], $0x400, $0x38;
	[tilespmem:$0x1E780] =	vst v63  }
0x217: {  	s12 =	sadd.s32 @!p1 $0x2, s5;
	s19 =	sadd.s32 $0x680, s6;
	s22 =	simm.s32 $0x8000  }
0x218: {  	[hbm4b:s19+s4] =	stream.linear.scatter [tilespmem:s22], [sflag:$0x3], $0x400, $0x38;
	[tilespmem:$0x1E780] =	vst v63  }
0x219: {  	s17 =	sadd.s32 $0x700, s6;
	s19 =	smulhi.u32 @!p1 $0x51EB851F, s12;
	s22 =	simm.s32 $0x8800  }
0x21a: {  	[hbm4b:s17+s4] =	stream.linear.scatter [tilespmem:s22], [sflag:$0x3], $0x400, $0x38;
	[tilespmem:$0x1E780] =	vst v63  }
0x21b: {  	s17 =	sshrl.u32 @!p1 s19, $0x4  }
0x21c: {  	s6 =	sadd.s32 $0x780, s6;
	s22 =	simm.s32 $0x9000;
	s19 =	smul.u32 @!p1 $0xFFFFFFCE, s17  }
0x21d: {  	[hbm4b:s6+s4] =	stream.linear.scatter [tilespmem:s22], [sflag:$0x3], $0x400, $0x38;
	[tilespmem:$0x1E780] =	vst v63  }
0x21e: {  	s6 =	sadd.s32 @!p1 s12, s19  }
0x21f: {  	s12 =	sadd.s32 @!p1 s9, s17;
	s6 =	smul.u32 @!p1 $0x60000, s6  }
0x220: {  	s12 =	sshll.u32 @!p1 s12, $0xA  }
0x221: {  	s6 =	sadd.s32 @!p1 s12, s6  }
0x222: {  	s17 =	simm.s32 @!p1 $0x20000;
	s6 =	sshrl.u32 @!p1 s6, $0x3  }
0x223: {  	s19 =	simm.s32 @!p1 $0x0;
	s12 =	simm.s32 @!p1 $0x400;
	s6 =	sadd.s32 @!p1 s1, s6  }
0x224: {  	[tilespmem:s19], [sflag:$0x1] =	stream.strided.gather @!p1 [hbm4b:s6+s12], $0x800, s17, s12, $0x38;
	[tilespmem:$0x1E780] =	vst v63  }
0x225: {  	s6 =	sadd.s32 @!p1 $0x8000, s6;
	s12 =	simm.s32 @!p1 $0x800  }
0x226: {  	[tilespmem:s12], [sflag:$0x1] =	stream.linear.gather @!p1 [hbm4b:s6+s19], $0x380, $0x38;
	[tilespmem:$0x1E780] =	vst v63  }
0x227: {  	_ =	swait.ge [sflag:s18], $0xB80  }
0x228: {  	[sflag:s18] =	ssyncset.done $0x0  }
0x229: {  	s6 =	simm.s32 @!p0 $0x4;
	[sflag:s18] =	ssyncadd.s32 $0xFFFFF480  }
0x22a: {  	_ =	swait.ge @!p0 [sflag:s6], $0x4000  }
0x22b: {  	s10 =	sadd.s32 $0x1, s10;
	[sflag:s6] =	ssyncset.done @!p0 $0x0  }
0x22c: {  	s12 =	simm.s32 $0x1180;
	[sflag:s6] =	ssyncadd.s32 @!p0 $0xFFFFC000;
	s6 =	simm.s32 $0x0  }
.LBB2_5:
0x22d: {  	v0 =	vld [tilespmem:s12+$0xFFFFFA80];
	_ =	sdelay $0x4  }
0x22e: {  	v0 =	vtrunc.f32 v0  }
0x22f: {  	v0 =	vcvt.f32.s32 v0;
	_ =	sdelay $0x1  }
0x230: {  	v2 =	vshra.s32 v0, $0x1F  }
0x231: {  	v6 =	vshll.u32 v0, $0x5;
	v50 =	vand.u32 v2, v0;
	v0 =	vld [tilespmem:$0x1FDA0];
	_ =	sdelay $0x4  }
0x232: {  	v11 =	vadd.s32 v0, v6;
	v0 =	vld [tilespmem:$0x1FDB0];
	_ =	sdelay $0x4  }
0x233: {  	v12 =	vadd.s32 v0, v6;
	v0 =	vld [tilespmem:$0x1FDC0];
	_ =	sdelay $0x4  }
0x234: {  	v13 =	vadd.s32 v0, v6;
	v0 =	vld [tilespmem:$0x1FDD0];
	_ =	sdelay $0x4  }
0x235: {  	v14 =	vadd.s32 v0, v6;
	v0 =	vld [tilespmem:$0x1FDE0];
	_ =	sdelay $0x4  }
0x236: {  	v15 =	vadd.s32 v0, v6;
	v0 =	vld [tilespmem:$0x1FDF0];
	_ =	sdelay $0x4  }
0x237: {  	v16 =	vadd.s32 v0, v6;
	v0 =	vld [tilespmem:$0x1FE00];
	_ =	sdelay $0x4  }
0x238: {  	v17 =	vadd.s32 v0, v6;
	v0 =	vld [tilespmem:$0x1FE10];
	_ =	sdelay $0x4  }
0x239: {  	v18 =	vadd.s32 v0, v6;
	v0 =	vld [tilespmem:$0x1FE20];
	_ =	sdelay $0x4  }
0x23a: {  	v19 =	vadd.s32 v0, v6;
	v0 =	vld [tilespmem:$0x1FE30];
	_ =	sdelay $0x4  }
0x23b: {  	v20 =	vadd.s32 v0, v6;
	v0 =	vld [tilespmem:$0x1FE40];
	_ =	sdelay $0x4  }
0x23c: {  	v1 =	vmov s6;
	v21 =	vadd.s32 v0, v6;
	v0 =	vld [tilespmem:$0x1FE50]  }
0x23d: {  	v7 =	vshll.u32 v1, $0x8  }
0x23e: {  	v7 =	vor.u32 v39, v7  }
0x23f: {  	v51 =	vand.u32 $0x7800, v7  }
0x240: {  	v8 =	vadd.s32 v3, v6;
	v9 =	vadd.s32 v4, v6;
	v10 =	vadd.s32 v5, v6  }
0x241: {  	v5 =	vadd.s32 v25, v6;
	v4 =	vadd.s32 v26, v6;
	v22 =	vadd.s32 v0, v6;
	v0 =	vld [tilespmem:$0x1FE60]  }
0x242: {  	v3 =	vadd.s32 v27, v6;
	v2 =	vadd.s32 v28, v6;
	v1 =	vadd.s32 v29, v6  }
0x243: {  	v61 =	vadd.s32 v32, v6;
	v59 =	vadd.s32 v33, v6;
	v58 =	vadd.s32 v34, v6  }
0x244: {  	v55 =	vadd.s32 v35, v6;
	v53 =	vadd.s32 v36, v6;
	v52 =	vadd.s32 v37, v6  }
0x245: {  	v54 =	vadd.s32 v38, v6;
	v25 =	vshll.u32 v50, $0x3;
	v26 =	vand.u32 $0x7F, v50  }
0x246: {  	v38 =	vadd.s32 $0xC, v50;
	v40 =	vadd.s32 $0xD, v50;
	v23 =	vadd.s32 v0, v6;
	v0 =	vld [tilespmem:$0x1FE70]  }
0x247: {  	v35 =	vadd.s32 $0xF, v50;
	v7 =	vand.u32 $0xFFFFFC00, v25;
	v25 =	vadd.s32 $0x1, v50  }
0x248: {  	v39 =	vshll.u32 v38, $0x3;
	v32 =	vand.u32 $0x7F, v38;
	v41 =	vshll.u32 v40, $0x3  }
0x249: {  	v33 =	vand.u32 $0x7F, v40;
	v40 =	vshll.u32 v35, $0x3;
	v35 =	vand.u32 $0x7F, v35  }
0x24a: {  	v7 =	vadd.s32 v51, v7;
	v27 =	vshll.u32 v25, $0x3;
	v25 =	vand.u32 $0x7F, v25  }
0x24b: {  	v36 =	vand.u32 $0xFFFFFC00, v41;
	v41 =	vand.u32 $0xFFFFFC00, v40;
	v24 =	vadd.s32 v0, v6  }
0x24c: {  	v0 =	vadd.s32 v30, v6;
	v6 =	vor.u32 v26, v7;
	v7 =	vand.u32 $0xFFFFFC00, v27  }
0x24d: {  	v26 =	vadd.s32 $0x2, v50;
	v7 =	vadd.s32 v51, v7;
	v57 =	vor.u32 v31, v6  }
0x24e: {  	v6 =	vor.u32 v25, v7;
	v7 =	vshll.u32 v26, $0x3;
	v25 =	vand.u32 $0x7F, v26  }
0x24f: {  	v56 =	vor.u32 v31, v6;
	v6 =	vand.u32 $0xFFFFFC00, v7;
	v7 =	vadd.s32 $0x3, v50  }
0x250: {  	v6 =	vadd.s32 v51, v6;
	v26 =	vshll.u32 v7, $0x3;
	v7 =	vand.u32 $0x7F, v7  }
0x251: {  	v6 =	vor.u32 v25, v6;
	v25 =	vand.u32 $0xFFFFFC00, v26;
	v26 =	vadd.s32 $0x4, v50  }
0x252: {  	v8 =	vld.idx.msk [tilespmem:v8+s11+$0x0], $0xffff;
	v25 =	vadd.s32 v51, v25;
	v27 =	vshll.u32 v26, $0x3;
	v60 =	vor.u32 v31, v6  }
0x253: {  	v9 =	vld.idx.msk [tilespmem:v9+s11+$0x0], $0xffff;
	v6 =	vor.u32 v7, v25;
	v7 =	vand.u32 $0xFFFFFC00, v27;
	v25 =	vand.u32 $0x7F, v26  }
0x254: {  	v10 =	vld.idx.msk [tilespmem:v10+s11+$0x0], $0xffff;
	v26 =	vadd.s32 $0x5, v50;
	v7 =	vadd.s32 v51, v7;
	v63 =	vor.u32 v31, v6  }
0x255: {  	v5 =	vld.idx.msk [tilespmem:v5+s11+$0x0], $0xffff;
	v6 =	vor.u32 v25, v7;
	v7 =	vshll.u32 v26, $0x3;
	v25 =	vand.u32 $0x7F, v26  }
0x256: {  	v4 =	vld.idx.msk [tilespmem:v4+s11+$0x0], $0xffff;
	v62 =	vor.u32 v31, v6;
	v6 =	vand.u32 $0xFFFFFC00, v7;
	v7 =	vadd.s32 $0x6, v50  }
0x257: {  	v3 =	vld.idx.msk [tilespmem:v3+s11+$0x0], $0xffff;
	v6 =	vadd.s32 v51, v6;
	v26 =	vshll.u32 v7, $0x3;
	v7 =	vand.u32 $0x7F, v7  }
0x258: {  	v2 =	vld.idx.msk [tilespmem:v2+s11+$0x0], $0xffff;
	v6 =	vor.u32 v25, v6;
	v25 =	vand.u32 $0xFFFFFC00, v26;
	v26 =	vadd.s32 $0x7, v50  }
0x259: {  	v1 =	vld.idx.msk [tilespmem:v1+s11+$0x0], $0xffff;
	v25 =	vadd.s32 v51, v25;
	v27 =	vshll.u32 v26, $0x3;
	v26 =	vand.u32 $0x7F, v26  }
0x25a: {  	v59 =	vld.idx.msk [tilespmem:v59+s11+$0x0], $0xffff;
	v7 =	vor.u32 v7, v25;
	v25 =	vand.u32 $0xFFFFFC00, v27;
	v27 =	vadd.s32 $0x8, v50  }
0x25b: {  	v58 =	vld.idx.msk [tilespmem:v58+s11+$0x0], $0xffff;
	v6 =	vor.u32 v31, v6;
	v25 =	vadd.s32 v51, v25;
	v28 =	vshll.u32 v27, $0x3  }
0x25c: {  	v55 =	vld.idx.msk [tilespmem:v55+s11+$0x0], $0xffff;
	v27 =	vand.u32 $0x7F, v27;
	v25 =	vor.u32 v26, v25;
	v26 =	vand.u32 $0xFFFFFC00, v28  }
0x25d: {  	v53 =	vld.idx.msk [tilespmem:v53+s11+$0x0], $0xffff;
	v7 =	vor.u32 v31, v7;
	v28 =	vadd.s32 $0x9, v50;
	v26 =	vadd.s32 v51, v26  }
0x25e: {  	v52 =	vld.idx.msk [tilespmem:v52+s11+$0x0], $0xffff;
	v29 =	vshll.u32 v28, $0x3;
	v28 =	vand.u32 $0x7F, v28;
	v25 =	vor.u32 v31, v25  }
0x25f: {  	v54 =	vld.idx.msk [tilespmem:v54+s11+$0x0], $0xffff;
	v26 =	vor.u32 v27, v26;
	v27 =	vand.u32 $0xFFFFFC00, v29;
	v29 =	vadd.s32 $0xA, v50  }
0x260: {  	v11 =	vld.idx.msk [tilespmem:v11+s11+$0x0], $0xffff;
	v27 =	vadd.s32 v51, v27;
	v30 =	vshll.u32 v29, $0x3;
	v29 =	vand.u32 $0x7F, v29  }
0x261: {  	v12 =	vld.idx.msk [tilespmem:v12+s11+$0x0], $0xffff;
	v27 =	vor.u32 v28, v27;
	v28 =	vand.u32 $0xFFFFFC00, v30;
	v30 =	vadd.s32 $0xB, v50  }
0x262: {  	v13 =	vld.idx.msk [tilespmem:v13+s11+$0x0], $0xffff;
	v28 =	vadd.s32 v51, v28;
	v37 =	vshll.u32 v30, $0x3;
	v30 =	vand.u32 $0x7F, v30  }
0x263: {  	v14 =	vld.idx.msk [tilespmem:v14+s11+$0x0], $0xffff;
	v28 =	vor.u32 v29, v28;
	v29 =	vand.u32 $0xFFFFFC00, v37;
	v37 =	vadd.s32 $0xE, v50  }
0x264: {  	v15 =	vld.idx.msk [tilespmem:v15+s11+$0x0], $0xffff;
	v29 =	vadd.s32 v51, v29;
	v38 =	vshll.u32 v37, $0x3;
	v34 =	vand.u32 $0x7F, v37  }
0x265: {  	v16 =	vld.idx.msk [tilespmem:v16+s11+$0x0], $0xffff;
	v37 =	vadd.s32 $0x11, v50;
	v29 =	vor.u32 v30, v29;
	v30 =	vand.u32 $0xFFFFFC00, v39  }
0x266: {  	v17 =	vld.idx.msk [tilespmem:v17+s11+$0x0], $0xffff;
	v39 =	vand.u32 $0xFFFFFC00, v38;
	v38 =	vadd.s32 $0x12, v50;
	v30 =	vadd.s32 v51, v30  }
0x267: {  	v18 =	vld.idx.msk [tilespmem:v18+s11+$0x0], $0xffff;
	v30 =	vor.u32 v32, v30;
	v32 =	vadd.s32 v51, v36;
	v36 =	vadd.s32 $0x10, v50  }
0x268: {  	v19 =	vld.idx.msk [tilespmem:v19+s11+$0x0], $0xffff;
	v32 =	vor.u32 v33, v32;
	v33 =	vadd.s32 v51, v39;
	v40 =	vshll.u32 v36, $0x3  }
0x269: {  	v20 =	vld.idx.msk [tilespmem:v20+s11+$0x0], $0xffff;
	v36 =	vand.u32 $0x7F, v36;
	v39 =	vshll.u32 v38, $0x3;
	v33 =	vor.u32 v34, v33  }
0x26a: {  	v21 =	vld.idx.msk [tilespmem:v21+s11+$0x0], $0xffff;
	v34 =	vadd.s32 v51, v41;
	v41 =	vand.u32 $0xFFFFFC00, v40;
	v40 =	vshll.u32 v37, $0x3  }
0x26b: {  	v22 =	vld.idx.msk [tilespmem:v22+s11+$0x0], $0xffff;
	v34 =	vor.u32 v35, v34;
	v35 =	vadd.s32 v51, v41;
	v41 =	vand.u32 $0xFFFFFC00, v40  }
0x26c: {  	v23 =	vld.idx.msk [tilespmem:v23+s11+$0x0], $0xffff;
	v37 =	vand.u32 $0x7F, v37;
	v35 =	vor.u32 v36, v35;
	v36 =	vadd.s32 v51, v41  }
0x26d: {  	v24 =	vld.idx.msk [tilespmem:v24+s11+$0x0], $0xffff;
	v36 =	vor.u32 v37, v36;
	v37 =	vand.u32 $0xFFFFFC00, v39;
	v39 =	vadd.s32 $0x13, v50  }
0x26e: {  	v0 =	vld.idx.msk [tilespmem:v0+s11+$0x0], $0xffff;
	v26 =	vor.u32 v31, v26;
	v38 =	vand.u32 $0x7F, v38;
	v41 =	vshll.u32 v39, $0x3  }
0x26f: {  	v40 =	vld.idx.msk [tilespmem:v61+s11+$0x0], $0xffff;
	v37 =	vadd.s32 v51, v37;
	v61 =	vand.u32 $0xFFFFFC00, v41;
	v41 =	vadd.s32 $0x14, v50  }
0x270: {  	[tilespmem:v57+s7+$0x0] =	vst.idx.msk $0xffff, v8;
	v37 =	vor.u32 v38, v37;
	v38 =	vadd.s32 v51, v61;
	v61 =	vshll.u32 v41, $0x3  }
0x271: {  	[tilespmem:v56+s7+$0x0] =	vst.idx.msk $0xffff, v9;
	v9 =	vor.u32 v31, v27;
	v39 =	vand.u32 $0x7F, v39;
	v61 =	vand.u32 $0xFFFFFC00, v61  }
0x272: {  	v41 =	vand.u32 $0x7F, v41;
	v38 =	vor.u32 v39, v38;
	v39 =	vadd.s32 v51, v61  }
0x273: {  	[tilespmem:v60+s7+$0x0] =	vst.idx.msk $0xffff, v10;
	v10 =	vor.u32 v31, v28;
	v61 =	vadd.s32 $0x15, v50;
	v39 =	vor.u32 v41, v39  }
0x274: {  	[tilespmem:v63+s7+$0x0] =	vst.idx.msk $0xffff, v11;
	v41 =	vshll.u32 v61, $0x3;
	v8 =	vand.u32 $0x7F, v61;
	v61 =	vadd.s32 $0x16, v50  }
0x275: {  	v28 =	vor.u32 v31, v29;
	v29 =	vadd.s32 $0x17, v50;
	[tilespmem:v62+s7+$0x0] =	vst.idx.msk $0xffff, v12;
	v27 =	vshll.u32 v61, $0x3  }
0x276: {  	v12 =	vor.u32 v31, v30;
	[tilespmem:v6+s7+$0x0] =	vst.idx.msk $0xffff, v13;
	v6 =	vor.u32 v31, v32;
	v27 =	vand.u32 $0xFFFFFC00, v27  }
0x277: {  	v13 =	vor.u32 v31, v33;
	v11 =	vand.u32 $0x7F, v61;
	v27 =	vadd.s32 v51, v27  }
0x278: {  	[tilespmem:v7+s7+$0x0] =	vst.idx.msk $0xffff, v14;
	v7 =	vand.u32 $0x7F, v29;
	v11 =	vor.u32 v11, v27;
	v27 =	vshll.u32 v29, $0x3  }
0x279: {  	[tilespmem:v25+s7+$0x0] =	vst.idx.msk $0xffff, v15;
	v15 =	vor.u32 v31, v34;
	v25 =	vor.u32 v31, v36;
	v27 =	vand.u32 $0xFFFFFC00, v27  }
0x27a: {  	[tilespmem:v26+s7+$0x0] =	vst.idx.msk $0xffff, v16;
	v16 =	vor.u32 v31, v35;
	v14 =	vadd.s32 v51, v27;
	v27 =	vadd.s32 $0x18, v50  }
0x27b: {  	v41 =	vand.u32 $0xFFFFFC00, v41;
	v7 =	vor.u32 v7, v14;
	v14 =	vshll.u32 v27, $0x3  }
0x27c: {  	[tilespmem:v9+s7+$0x0] =	vst.idx.msk $0xffff, v17;
	v17 =	vadd.s32 $0x19, v50;
	v41 =	vadd.s32 v51, v41;
	v14 =	vand.u32 $0xFFFFFC00, v14  }
0x27d: {  	[tilespmem:v10+s7+$0x0] =	vst.idx.msk $0xffff, v18;
	v10 =	vor.u32 v31, v37;
	v9 =	vand.u32 $0x7F, v27;
	v14 =	vadd.s32 v51, v14  }
0x27e: {  	v18 =	vor.u32 v31, v38;
	v9 =	vor.u32 v9, v14;
	v14 =	vshll.u32 v17, $0x3  }
0x27f: {  	v8 =	vor.u32 v8, v41;
	[tilespmem:v28+s7+$0x0] =	vst.idx.msk $0xffff, v19;
	v19 =	vor.u32 v31, v39;
	v14 =	vand.u32 $0xFFFFFC00, v14  }
0x280: {  	[tilespmem:v12+s7+$0x0] =	vst.idx.msk $0xffff, v20;
	v12 =	vand.u32 $0x7F, v17;
	v17 =	vadd.s32 $0x1A, v50;
	v14 =	vadd.s32 v51, v14  }
0x281: {  	[tilespmem:v6+s7+$0x0] =	vst.idx.msk $0xffff, v21;
	v6 =	vor.u32 v31, v8;
	v8 =	vor.u32 v12, v14;
	v12 =	vshll.u32 v17, $0x3  }
0x282: {  	v11 =	vor.u32 v31, v11;
	[tilespmem:v13+s7+$0x0] =	vst.idx.msk $0xffff, v22;
	v7 =	vor.u32 v31, v7;
	v12 =	vand.u32 $0xFFFFFC00, v12  }
0x283: {  	[tilespmem:v15+s7+$0x0] =	vst.idx.msk $0xffff, v23;
	v13 =	vand.u32 $0x7F, v17;
	v14 =	vadd.s32 $0x1B, v50;
	v12 =	vadd.s32 v51, v12  }
0x284: {  	[tilespmem:v16+s7+$0x0] =	vst.idx.msk $0xffff, v24;
	v9 =	vor.u32 v31, v9;
	v12 =	vor.u32 v13, v12;
	v13 =	vshll.u32 v14, $0x3  }
0x285: {  	[tilespmem:v25+s7+$0x0] =	vst.idx.msk $0xffff, v5;
	v5 =	vor.u32 v31, v8;
	v8 =	vor.u32 v31, v12;
	v12 =	vand.u32 $0xFFFFFC00, v13  }
0x286: {  	[tilespmem:v10+s7+$0x0] =	vst.idx.msk $0xffff, v4;
	v4 =	vand.u32 $0x7F, v14;
	v10 =	vadd.s32 v51, v12;
	v12 =	vadd.s32 $0x1C, v50  }
0x287: {  	[tilespmem:v18+s7+$0x0] =	vst.idx.msk $0xffff, v3;
	v3 =	vor.u32 v4, v10;
	v4 =	vshll.u32 v12, $0x3;
	v10 =	vadd.s32 $0x1D, v50  }
0x288: {  	[tilespmem:v19+s7+$0x0] =	vst.idx.msk $0xffff, v2;
	v2 =	vor.u32 v31, v3;
	v3 =	vand.u32 $0xFFFFFC00, v4;
	v4 =	vshll.u32 v10, $0x3  }
0x289: {  	[tilespmem:v6+s7+$0x0] =	vst.idx.msk $0xffff, v1;
	v1 =	vand.u32 $0x7F, v12;
	v3 =	vadd.s32 v51, v3;
	v4 =	vand.u32 $0xFFFFFC00, v4  }
0x28a: {  	[tilespmem:v11+s7+$0x0] =	vst.idx.msk $0xffff, v0;
	v0 =	vor.u32 v1, v3;
	v1 =	vand.u32 $0x7F, v10;
	v3 =	vadd.s32 v51, v4  }
0x28b: {  	[tilespmem:v7+s7+$0x0] =	vst.idx.msk $0xffff, v40;
	v0 =	vor.u32 v31, v0;
	v1 =	vor.u32 v1, v3  }
0x28c: {  	[tilespmem:v9+s7+$0x0] =	vst.idx.msk $0xffff, v59;
	v1 =	vor.u32 v31, v1  }
0x28d: {  	[tilespmem:v5+s7+$0x0] =	vst.idx.msk $0xffff, v58  }
0x28e: {  	[tilespmem:v8+s7+$0x0] =	vst.idx.msk $0xffff, v55  }
0x28f: {  	[tilespmem:v2+s7+$0x0] =	vst.idx.msk $0xffff, v53  }
0x290: {  	[tilespmem:v0+s7+$0x0] =	vst.idx.msk $0xffff, v52  }
0x291: {  	v20 =	vadd.s32 $0x27, v50;
	v17 =	vadd.s32 $0x24, v50;
	[tilespmem:v1+s7+$0x0] =	vst.idx.msk $0xffff, v54  }
0x292: {  	v16 =	vadd.s32 $0x22, v50;
	v19 =	vadd.s32 $0x25, v50;
	v18 =	vshll.u32 v17, $0x3;
	v0 =	vld [tilespmem:s12+$0xFFFFFB00]  }
0x293: {  	v11 =	vadd.s32 $0x1F, v50;
	v17 =	vand.u32 $0x7F, v17;
	v18 =	vand.u32 $0xFFFFFC00, v18  }
0x294: {  	v60 =	vld [tilespmem:$0x1FFB0];
	v14 =	vadd.s32 $0x21, v50;
	v18 =	vadd.s32 v51, v18;
	v1 =	vadd.s32 $0x1E, v50  }
0x295: {  	v63 =	vld [tilespmem:$0x1FFA0];
	v13 =	vadd.s32 $0x20, v50;
	v15 =	vshll.u32 v14, $0x3;
	v8 =	vshll.u32 v1, $0x3  }
0x296: {  	v40 =	vld [tilespmem:$0x1FF60];
	v14 =	vand.u32 $0x7F, v14;
	v15 =	vand.u32 $0xFFFFFC00, v15;
	v8 =	vand.u32 $0xFFFFFC00, v8  }
0x297: {  	v41 =	vld [tilespmem:$0x1FF70];
	v1 =	vand.u32 $0x7F, v1;
	v8 =	vadd.s32 v51, v8;
	v0 =	vtrunc.f32 v0  }
0x298: {  	v62 =	vld [tilespmem:$0x1FF80];
	v1 =	vor.u32 v1, v8;
	v8 =	vshll.u32 v11, $0x3;
	v0 =	vcvt.f32.s32 v0  }
0x299: {  	v61 =	vld [tilespmem:$0x1FF90];
	v15 =	vadd.s32 v51, v15;
	v11 =	vand.u32 $0x7F, v11;
	v8 =	vand.u32 $0xFFFFFC00, v8  }
0x29a: {  	v57 =	vld [tilespmem:$0x1FFD0];
	v1 =	vor.u32 v31, v1;
	v8 =	vadd.s32 v51, v8;
	v0 =	vshll.u32 v0, $0x4  }
0x29b: {  	v56 =	vld [tilespmem:$0x1FFC0];
	v8 =	vor.u32 v11, v8;
	v11 =	vshll.u32 v13, $0x3;
	v2 =	vadd.s32 v40, v0  }
0x29c: {  	v13 =	vand.u32 $0x7F, v13;
	v11 =	vand.u32 $0xFFFFFC00, v11;
	v3 =	vadd.s32 v41, v0  }
0x29d: {  	v58 =	vld [tilespmem:$0x1FFE0];
	v8 =	vor.u32 v31, v8;
	v11 =	vadd.s32 v51, v11;
	v4 =	vadd.s32 v62, v0  }
0x29e: {  	v59 =	vld [tilespmem:$0x1FFF0];
	v5 =	vadd.s32 v61, v0;
	v6 =	vadd.s32 v63, v0;
	v7 =	vadd.s32 v60, v0  }
0x29f: {  	v11 =	vor.u32 v13, v11;
	v13 =	vor.u32 v14, v15;
	v14 =	vshll.u32 v16, $0x3  }
0x2a0: {  	v9 =	vadd.s32 v56, v0;
	v10 =	vadd.s32 v57, v0;
	v14 =	vand.u32 $0xFFFFFC00, v14;
	v2 =	vld.idx.msk [tilespmem:v2+s11+$0x0], $0xffff  }
0x2a1: {  	v15 =	vand.u32 $0x7F, v16;
	v16 =	vadd.s32 $0x23, v50;
	v14 =	vadd.s32 v51, v14;
	v3 =	vld.idx.msk [tilespmem:v3+s11+$0x0], $0xffff  }
0x2a2: {  	v12 =	vadd.s32 v58, v0;
	v14 =	vor.u32 v15, v14;
	v15 =	vshll.u32 v16, $0x3;
	v4 =	vld.idx.msk [tilespmem:v4+s11+$0x0], $0xffff  }
0x2a3: {  	v0 =	vadd.s32 v59, v0;
	v11 =	vor.u32 v31, v11;
	v15 =	vand.u32 $0xFFFFFC00, v15;
	v5 =	vld.idx.msk [tilespmem:v5+s11+$0x0], $0xffff  }
0x2a4: {  	v13 =	vor.u32 v31, v13;
	v16 =	vand.u32 $0x7F, v16;
	v6 =	vld.idx.msk [tilespmem:v6+s11+$0x0], $0xffff;
	v15 =	vadd.s32 v51, v15  }
0x2a5: {  	v7 =	vld.idx.msk [tilespmem:v7+s11+$0x0], $0xffff;
	v15 =	vor.u32 v16, v15;
	v16 =	vor.u32 v17, v18;
	v17 =	vshll.u32 v19, $0x3  }
0x2a6: {  	v14 =	vor.u32 v31, v14;
	v9 =	vld.idx.msk [tilespmem:v9+s11+$0x0], $0xffff;
	v18 =	vand.u32 $0x7F, v19;
	v17 =	vand.u32 $0xFFFFFC00, v17  }
0x2a7: {  	v10 =	vld.idx.msk [tilespmem:v10+s11+$0x0], $0xffff;
	v19 =	vadd.s32 $0x26, v50;
	v15 =	vor.u32 v31, v15;
	v17 =	vadd.s32 v51, v17  }
0x2a8: {  	v12 =	vld.idx.msk [tilespmem:v12+s11+$0x0], $0xffff;
	v16 =	vor.u32 v31, v16;
	v17 =	vor.u32 v18, v17;
	v18 =	vshll.u32 v19, $0x3  }
0x2a9: {  	v0 =	vld.idx.msk [tilespmem:v0+s11+$0x0], $0xffff;
	[tilespmem:v1+s7+$0x0] =	vst.idx.msk $0xffff, v2;
	v1 =	vor.u32 v31, v17;
	v2 =	vand.u32 $0xFFFFFC00, v18;
	v17 =	vshll.u32 v20, $0x3  }
0x2aa: {  	[tilespmem:v8+s7+$0x0] =	vst.idx.msk $0xffff, v3;
	v3 =	vand.u32 $0x7F, v19;
	v2 =	vadd.s32 v51, v2;
	v8 =	vand.u32 $0xFFFFFC00, v17  }
0x2ab: {  	[tilespmem:v11+s7+$0x0] =	vst.idx.msk $0xffff, v4;
	v2 =	vor.u32 v3, v2;
	v3 =	vand.u32 $0x7F, v20;
	v4 =	vadd.s32 v51, v8  }
0x2ac: {  	[tilespmem:v13+s7+$0x0] =	vst.idx.msk $0xffff, v5;
	v2 =	vor.u32 v31, v2;
	v3 =	vor.u32 v3, v4  }
0x2ad: {  	[tilespmem:v14+s7+$0x0] =	vst.idx.msk $0xffff, v6;
	v3 =	vor.u32 v31, v3  }
0x2ae: {  	[tilespmem:v15+s7+$0x0] =	vst.idx.msk $0xffff, v7  }
0x2af: {  	[tilespmem:v16+s7+$0x0] =	vst.idx.msk $0xffff, v9  }
0x2b0: {  	[tilespmem:v1+s7+$0x0] =	vst.idx.msk $0xffff, v10  }
0x2b1: {  	[tilespmem:v2+s7+$0x0] =	vst.idx.msk $0xffff, v12  }
0x2b2: {  	v17 =	vadd.s32 $0x2E, v50;
	v19 =	vadd.s32 $0x2F, v50;
	[tilespmem:v3+s7+$0x0] =	vst.idx.msk $0xffff, v0  }
0x2b3: {  	v11 =	vadd.s32 $0x29, v50;
	v18 =	vshll.u32 v17, $0x3;
	v17 =	vand.u32 $0x7F, v17;
	v0 =	vld [tilespmem:s12+$0xFFFFFB80]  }
0x2b4: {  	v20 =	vadd.s32 $0x31, v50;
	v13 =	vadd.s32 $0x2A, v50;
	v18 =	vand.u32 $0xFFFFFC00, v18  }
0x2b5: {  	v14 =	vadd.s32 $0x2B, v50;
	v18 =	vadd.s32 v51, v18;
	v1 =	vadd.s32 $0x28, v50  }
0x2b6: {  	v15 =	vshll.u32 v14, $0x3;
	v14 =	vand.u32 $0x7F, v14;
	v8 =	vshll.u32 v1, $0x3  }
0x2b7: {  	v15 =	vand.u32 $0xFFFFFC00, v15;
	v16 =	vadd.s32 $0x2C, v50;
	v8 =	vand.u32 $0xFFFFFC00, v8  }
0x2b8: {  	v1 =	vand.u32 $0x7F, v1;
	v8 =	vadd.s32 v51, v8;
	v0 =	vtrunc.f32 v0  }
0x2b9: {  	v1 =	vor.u32 v1, v8;
	v8 =	vshll.u32 v11, $0x3;
	v0 =	vcvt.f32.s32 v0  }
0x2ba: {  	v15 =	vadd.s32 v51, v15;
	v11 =	vand.u32 $0x7F, v11;
	v8 =	vand.u32 $0xFFFFFC00, v8  }
0x2bb: {  	v1 =	vor.u32 v31, v1;
	v8 =	vadd.s32 v51, v8;
	v0 =	vshll.u32 v0, $0x4  }
0x2bc: {  	v8 =	vor.u32 v11, v8;
	v11 =	vshll.u32 v13, $0x3;
	v2 =	vadd.s32 v40, v0  }
0x2bd: {  	v13 =	vand.u32 $0x7F, v13;
	v11 =	vand.u32 $0xFFFFFC00, v11;
	v3 =	vadd.s32 v41, v0  }
0x2be: {  	v8 =	vor.u32 v31, v8;
	v11 =	vadd.s32 v51, v11;
	v4 =	vadd.s32 v62, v0  }
0x2bf: {  	v11 =	vor.u32 v13, v11;
	v13 =	vor.u32 v14, v15;
	v5 =	vadd.s32 v61, v0  }
0x2c0: {  	v14 =	vshll.u32 v16, $0x3;
	v15 =	vand.u32 $0x7F, v16;
	v6 =	vadd.s32 v63, v0  }
0x2c1: {  	v16 =	vadd.s32 $0x2D, v50;
	v14 =	vand.u32 $0xFFFFFC00, v14;
	v7 =	vadd.s32 v60, v0;
	v2 =	vld.idx.msk [tilespmem:v2+s11+$0x0], $0xffff  }
0x2c2: {  	v11 =	vor.u32 v31, v11;
	v9 =	vadd.s32 v56, v0;
	v14 =	vadd.s32 v51, v14;
	v3 =	vld.idx.msk [tilespmem:v3+s11+$0x0], $0xffff  }
0x2c3: {  	v10 =	vadd.s32 v57, v0;
	v14 =	vor.u32 v15, v14;
	v15 =	vshll.u32 v16, $0x3;
	v4 =	vld.idx.msk [tilespmem:v4+s11+$0x0], $0xffff  }
0x2c4: {  	v13 =	vor.u32 v31, v13;
	v12 =	vadd.s32 v58, v0;
	v15 =	vand.u32 $0xFFFFFC00, v15;
	v5 =	vld.idx.msk [tilespmem:v5+s11+$0x0], $0xffff  }
0x2c5: {  	v0 =	vadd.s32 v59, v0;
	v16 =	vand.u32 $0x7F, v16;
	v15 =	vadd.s32 v51, v15;
	v6 =	vld.idx.msk [tilespmem:v6+s11+$0x0], $0xffff  }
0x2c6: {  	v15 =	vor.u32 v16, v15;
	v16 =	vor.u32 v17, v18;
	v17 =	vshll.u32 v19, $0x3;
	v7 =	vld.idx.msk [tilespmem:v7+s11+$0x0], $0xffff  }
0x2c7: {  	v14 =	vor.u32 v31, v14;
	v18 =	vand.u32 $0x7F, v19;
	v9 =	vld.idx.msk [tilespmem:v9+s11+$0x0], $0xffff;
	v17 =	vand.u32 $0xFFFFFC00, v17  }
0x2c8: {  	v19 =	vadd.s32 $0x30, v50;
	v10 =	vld.idx.msk [tilespmem:v10+s11+$0x0], $0xffff;
	v15 =	vor.u32 v31, v15;
	v17 =	vadd.s32 v51, v17  }
0x2c9: {  	v16 =	vor.u32 v31, v16;
	v12 =	vld.idx.msk [tilespmem:v12+s11+$0x0], $0xffff;
	v17 =	vor.u32 v18, v17;
	v18 =	vshll.u32 v19, $0x3  }
0x2ca: {  	v0 =	vld.idx.msk [tilespmem:v0+s11+$0x0], $0xffff;
	[tilespmem:v1+s7+$0x0] =	vst.idx.msk $0xffff, v2;
	v1 =	vor.u32 v31, v17;
	v2 =	vand.u32 $0xFFFFFC00, v18;
	v17 =	vshll.u32 v20, $0x3  }
0x2cb: {  	[tilespmem:v8+s7+$0x0] =	vst.idx.msk $0xffff, v3;
	v3 =	vand.u32 $0x7F, v19;
	v2 =	vadd.s32 v51, v2;
	v8 =	vand.u32 $0xFFFFFC00, v17  }
0x2cc: {  	[tilespmem:v11+s7+$0x0] =	vst.idx.msk $0xffff, v4;
	v2 =	vor.u32 v3, v2;
	v3 =	vand.u32 $0x7F, v20;
	v4 =	vadd.s32 v51, v8  }
0x2cd: {  	[tilespmem:v13+s7+$0x0] =	vst.idx.msk $0xffff, v5;
	v2 =	vor.u32 v31, v2;
	v3 =	vor.u32 v3, v4  }
0x2ce: {  	[tilespmem:v14+s7+$0x0] =	vst.idx.msk $0xffff, v6;
	v3 =	vor.u32 v31, v3  }
0x2cf: {  	[tilespmem:v15+s7+$0x0] =	vst.idx.msk $0xffff, v7  }
0x2d0: {  	[tilespmem:v16+s7+$0x0] =	vst.idx.msk $0xffff, v9  }
0x2d1: {  	[tilespmem:v1+s7+$0x0] =	vst.idx.msk $0xffff, v10  }
0x2d2: {  	[tilespmem:v2+s7+$0x0] =	vst.idx.msk $0xffff, v12  }
0x2d3: {  	v17 =	vadd.s32 $0x38, v50;
	v19 =	vadd.s32 $0x39, v50;
	[tilespmem:v3+s7+$0x0] =	vst.idx.msk $0xffff, v0  }
0x2d4: {  	v11 =	vadd.s32 $0x33, v50;
	v18 =	vshll.u32 v17, $0x3;
	v17 =	vand.u32 $0x7F, v17;
	v0 =	vld [tilespmem:s12+$0xFFFFFC00]  }
0x2d5: {  	v20 =	vadd.s32 $0x3B, v50;
	v13 =	vadd.s32 $0x34, v50;
	v18 =	vand.u32 $0xFFFFFC00, v18  }
0x2d6: {  	v14 =	vadd.s32 $0x35, v50;
	v18 =	vadd.s32 v51, v18;
	v1 =	vadd.s32 $0x32, v50  }
0x2d7: {  	v15 =	vshll.u32 v14, $0x3;
	v14 =	vand.u32 $0x7F, v14;
	v8 =	vshll.u32 v1, $0x3  }
0x2d8: {  	v15 =	vand.u32 $0xFFFFFC00, v15;
	v16 =	vadd.s32 $0x36, v50;
	v8 =	vand.u32 $0xFFFFFC00, v8  }
0x2d9: {  	v1 =	vand.u32 $0x7F, v1;
	v8 =	vadd.s32 v51, v8;
	v0 =	vtrunc.f32 v0  }
0x2da: {  	v1 =	vor.u32 v1, v8;
	v8 =	vshll.u32 v11, $0x3;
	v0 =	vcvt.f32.s32 v0  }
0x2db: {  	v15 =	vadd.s32 v51, v15;
	v11 =	vand.u32 $0x7F, v11;
	v8 =	vand.u32 $0xFFFFFC00, v8  }
0x2dc: {  	v1 =	vor.u32 v31, v1;
	v8 =	vadd.s32 v51, v8;
	v0 =	vshll.u32 v0, $0x4  }
0x2dd: {  	v8 =	vor.u32 v11, v8;
	v11 =	vshll.u32 v13, $0x3;
	v2 =	vadd.s32 v40, v0  }
0x2de: {  	v13 =	vand.u32 $0x7F, v13;
	v11 =	vand.u32 $0xFFFFFC00, v11;
	v3 =	vadd.s32 v41, v0  }
0x2df: {  	v8 =	vor.u32 v31, v8;
	v11 =	vadd.s32 v51, v11;
	v4 =	vadd.s32 v62, v0  }
0x2e0: {  	v11 =	vor.u32 v13, v11;
	v13 =	vor.u32 v14, v15;
	v5 =	vadd.s32 v61, v0  }
0x2e1: {  	v14 =	vshll.u32 v16, $0x3;
	v15 =	vand.u32 $0x7F, v16;
	v6 =	vadd.s32 v63, v0  }
0x2e2: {  	v16 =	vadd.s32 $0x37, v50;
	v14 =	vand.u32 $0xFFFFFC00, v14;
	v7 =	vadd.s32 v60, v0;
	v2 =	vld.idx.msk [tilespmem:v2+s11+$0x0], $0xffff  }
0x2e3: {  	v11 =	vor.u32 v31, v11;
	v9 =	vadd.s32 v56, v0;
	v14 =	vadd.s32 v51, v14;
	v3 =	vld.idx.msk [tilespmem:v3+s11+$0x0], $0xffff  }
0x2e4: {  	v10 =	vadd.s32 v57, v0;
	v14 =	vor.u32 v15, v14;
	v15 =	vshll.u32 v16, $0x3;
	v4 =	vld.idx.msk [tilespmem:v4+s11+$0x0], $0xffff  }
0x2e5: {  	v13 =	vor.u32 v31, v13;
	v12 =	vadd.s32 v58, v0;
	v15 =	vand.u32 $0xFFFFFC00, v15;
	v5 =	vld.idx.msk [tilespmem:v5+s11+$0x0], $0xffff  }
0x2e6: {  	v0 =	vadd.s32 v59, v0;
	v16 =	vand.u32 $0x7F, v16;
	v15 =	vadd.s32 v51, v15;
	v6 =	vld.idx.msk [tilespmem:v6+s11+$0x0], $0xffff  }
0x2e7: {  	v15 =	vor.u32 v16, v15;
	v16 =	vor.u32 v17, v18;
	v17 =	vshll.u32 v19, $0x3;
	v7 =	vld.idx.msk [tilespmem:v7+s11+$0x0], $0xffff  }
0x2e8: {  	v14 =	vor.u32 v31, v14;
	v18 =	vand.u32 $0x7F, v19;
	v9 =	vld.idx.msk [tilespmem:v9+s11+$0x0], $0xffff;
	v17 =	vand.u32 $0xFFFFFC00, v17  }
0x2e9: {  	v19 =	vadd.s32 $0x3A, v50;
	v10 =	vld.idx.msk [tilespmem:v10+s11+$0x0], $0xffff;
	v15 =	vor.u32 v31, v15;
	v17 =	vadd.s32 v51, v17  }
0x2ea: {  	v16 =	vor.u32 v31, v16;
	v12 =	vld.idx.msk [tilespmem:v12+s11+$0x0], $0xffff;
	v17 =	vor.u32 v18, v17;
	v18 =	vshll.u32 v19, $0x3  }
0x2eb: {  	v0 =	vld.idx.msk [tilespmem:v0+s11+$0x0], $0xffff;
	[tilespmem:v1+s7+$0x0] =	vst.idx.msk $0xffff, v2;
	v1 =	vor.u32 v31, v17;
	v2 =	vand.u32 $0xFFFFFC00, v18;
	v17 =	vshll.u32 v20, $0x3  }
0x2ec: {  	[tilespmem:v8+s7+$0x0] =	vst.idx.msk $0xffff, v3;
	v3 =	vand.u32 $0x7F, v19;
	v2 =	vadd.s32 v51, v2;
	v8 =	vand.u32 $0xFFFFFC00, v17  }
0x2ed: {  	[tilespmem:v11+s7+$0x0] =	vst.idx.msk $0xffff, v4;
	v2 =	vor.u32 v3, v2;
	v3 =	vand.u32 $0x7F, v20;
	v4 =	vadd.s32 v51, v8  }
0x2ee: {  	[tilespmem:v13+s7+$0x0] =	vst.idx.msk $0xffff, v5;
	v2 =	vor.u32 v31, v2;
	v3 =	vor.u32 v3, v4  }
0x2ef: {  	[tilespmem:v14+s7+$0x0] =	vst.idx.msk $0xffff, v6;
	v3 =	vor.u32 v31, v3  }
0x2f0: {  	[tilespmem:v15+s7+$0x0] =	vst.idx.msk $0xffff, v7  }
0x2f1: {  	[tilespmem:v16+s7+$0x0] =	vst.idx.msk $0xffff, v9  }
0x2f2: {  	[tilespmem:v1+s7+$0x0] =	vst.idx.msk $0xffff, v10  }
0x2f3: {  	[tilespmem:v2+s7+$0x0] =	vst.idx.msk $0xffff, v12  }
0x2f4: {  	[tilespmem:v3+s7+$0x0] =	vst.idx.msk $0xffff, v0  }
0x2f5: {  	v13 =	vadd.s32 $0x40, v50;
	v0 =	vld [tilespmem:s12+$0xFFFFFC80]  }
0x2f6: {  	v14 =	vshll.u32 v13, $0x3  }
0x2f7: {  	v13 =	vand.u32 $0x7F, v13;
	v14 =	vand.u32 $0xFFFFFC00, v14  }
0x2f8: {  	v15 =	vadd.s32 $0x41, v50;
	v14 =	vadd.s32 v51, v14;
	v1 =	vadd.s32 $0x3C, v50  }
0x2f9: {  	v16 =	vadd.s32 $0x43, v50;
	v10 =	vadd.s32 $0x3D, v50;
	v9 =	vshll.u32 v1, $0x3  }
0x2fa: {  	v11 =	vshll.u32 v10, $0x3;
	v1 =	vand.u32 $0x7F, v1;
	v0 =	vtrunc.f32 v0  }
0x2fb: {  	v10 =	vand.u32 $0x7F, v10;
	v9 =	vand.u32 $0xFFFFFC00, v9;
	v0 =	vcvt.f32.s32 v0  }
0x2fc: {  	v12 =	vadd.s32 $0x3E, v50;
	v11 =	vand.u32 $0xFFFFFC00, v11;
	v9 =	vadd.s32 v51, v9  }
0x2fd: {  	v11 =	vadd.s32 v51, v11;
	v1 =	vor.u32 v1, v9;
	v0 =	vshll.u32 v0, $0x4  }
0x2fe: {  	v9 =	vor.u32 v10, v11;
	v10 =	vshll.u32 v12, $0x3;
	v2 =	vadd.s32 v42, v0  }
0x2ff: {  	v11 =	vand.u32 $0x7F, v12;
	v10 =	vand.u32 $0xFFFFFC00, v10;
	v3 =	vadd.s32 v43, v0  }
0x300: {  	v12 =	vadd.s32 $0x3F, v50;
	v10 =	vadd.s32 v51, v10;
	v4 =	vadd.s32 v44, v0  }
0x301: {  	v10 =	vor.u32 v11, v10;
	v11 =	vshll.u32 v12, $0x3;
	v5 =	vadd.s32 v45, v0  }
0x302: {  	v17 =	vshll.u32 v16, $0x3;
	v11 =	vand.u32 $0xFFFFFC00, v11;
	v6 =	vadd.s32 v46, v0  }
0x303: {  	v12 =	vand.u32 $0x7F, v12;
	v11 =	vadd.s32 v51, v11;
	v7 =	vadd.s32 v47, v0;
	v2 =	vld.idx.msk [tilespmem:v2+s11+$0x0], $0xffff  }
0x304: {  	v17 =	vand.u32 $0xFFFFFC00, v17;
	v11 =	vor.u32 v12, v11;
	v8 =	vadd.s32 v48, v0;
	v3 =	vld.idx.msk [tilespmem:v3+s11+$0x0], $0xffff  }
0x305: {  	v12 =	vor.u32 v13, v14;
	v13 =	vshll.u32 v15, $0x3;
	v0 =	vadd.s32 v49, v0;
	v4 =	vld.idx.msk [tilespmem:v4+s11+$0x0], $0xffff  }
0x306: {  	v1 =	vor.u32 v31, v1;
	v9 =	vor.u32 v31, v9;
	v13 =	vand.u32 $0xFFFFFC00, v13;
	v5 =	vld.idx.msk [tilespmem:v5+s11+$0x0], $0xffff  }
0x307: {  	v14 =	vand.u32 $0x7F, v15;
	v15 =	vadd.s32 $0x42, v50;
	v13 =	vadd.s32 v51, v13;
	v6 =	vld.idx.msk [tilespmem:v6+s11+$0x0], $0xffff  }
0x308: {  	v10 =	vor.u32 v31, v10;
	v13 =	vor.u32 v14, v13;
	v14 =	vshll.u32 v15, $0x3;
	v7 =	vld.idx.msk [tilespmem:v7+s11+$0x0], $0xffff  }
0x309: {  	v11 =	vor.u32 v31, v11;
	v12 =	vor.u32 v31, v12;
	v14 =	vand.u32 $0xFFFFFC00, v14;
	v8 =	vld.idx.msk [tilespmem:v8+s11+$0x0], $0xffff  }
0x30a: {  	v15 =	vand.u32 $0x7F, v15;
	v13 =	vor.u32 v31, v13;
	v14 =	vadd.s32 v51, v14;
	v0 =	vld.idx.msk [tilespmem:v0+s11+$0x0], $0xffff  }
0x30b: {  	[tilespmem:v1+s7+$0x0] =	vst.idx.msk $0xffff, v2;
	v1 =	vor.u32 v15, v14;
	v2 =	vand.u32 $0x7F, v16;
	v14 =	vadd.s32 v51, v17  }
0x30c: {  	[tilespmem:v9+s7+$0x0] =	vst.idx.msk $0xffff, v3;
	v1 =	vor.u32 v31, v1;
	v2 =	vor.u32 v2, v14  }
0x30d: {  	[tilespmem:v10+s7+$0x0] =	vst.idx.msk $0xffff, v4;
	v2 =	vor.u32 v31, v2  }
0x30e: {  	[tilespmem:v11+s7+$0x0] =	vst.idx.msk $0xffff, v5  }
0x30f: {  	[tilespmem:v12+s7+$0x0] =	vst.idx.msk $0xffff, v6  }
0x310: {  	[tilespmem:v13+s7+$0x0] =	vst.idx.msk $0xffff, v7  }
0x311: {  	[tilespmem:v1+s7+$0x0] =	vst.idx.msk $0xffff, v8  }
0x312: {  	[tilespmem:v2+s7+$0x0] =	vst.idx.msk $0xffff, v0  }
0x313: {  	v0 =	vld [tilespmem:s12+$0xFFFFFD00]  }
0x314: {  	v16 =	vadd.s32 $0x4B, v50  }
0x315: {  	v15 =	vadd.s32 $0x49, v50;
	v17 =	vshll.u32 v16, $0x3;
	v10 =	vadd.s32 $0x45, v50  }
0x316: {  	v17 =	vand.u32 $0xFFFFFC00, v17;
	v11 =	vshll.u32 v10, $0x3;
	v10 =	vand.u32 $0x7F, v10  }
0x317: {  	v11 =	vand.u32 $0xFFFFFC00, v11;
	v12 =	vadd.s32 $0x46, v50;
	v1 =	vadd.s32 $0x44, v50  }
0x318: {  	v11 =	vadd.s32 v51, v11;
	v9 =	vshll.u32 v1, $0x3;
	v0 =	vtrunc.f32 v0  }
0x319: {  	v13 =	vadd.s32 $0x48, v50;
	v9 =	vand.u32 $0xFFFFFC00, v9;
	v0 =	vcvt.f32.s32 v0  }
0x31a: {  	v14 =	vshll.u32 v13, $0x3;
	v1 =	vand.u32 $0x7F, v1;
	v9 =	vadd.s32 v51, v9  }
0x31b: {  	v13 =	vand.u32 $0x7F, v13;
	v1 =	vor.u32 v1, v9;
	v0 =	vshll.u32 v0, $0x4  }
0x31c: {  	v9 =	vor.u32 v10, v11;
	v10 =	vshll.u32 v12, $0x3;
	v2 =	vadd.s32 v42, v0  }
0x31d: {  	v11 =	vand.u32 $0x7F, v12;
	v10 =	vand.u32 $0xFFFFFC00, v10;
	v3 =	vadd.s32 v43, v0  }
0x31e: {  	v12 =	vadd.s32 $0x47, v50;
	v10 =	vadd.s32 v51, v10;
	v4 =	vadd.s32 v44, v0  }
0x31f: {  	v10 =	vor.u32 v11, v10;
	v11 =	vshll.u32 v12, $0x3;
	v5 =	vadd.s32 v45, v0  }
0x320: {  	v14 =	vand.u32 $0xFFFFFC00, v14;
	v11 =	vand.u32 $0xFFFFFC00, v11;
	v6 =	vadd.s32 v46, v0  }
0x321: {  	v12 =	vand.u32 $0x7F, v12;
	v11 =	vadd.s32 v51, v11;
	v7 =	vadd.s32 v47, v0;
	v2 =	vld.idx.msk [tilespmem:v2+s11+$0x0], $0xffff  }
0x322: {  	v14 =	vadd.s32 v51, v14;
	v11 =	vor.u32 v12, v11;
	v8 =	vadd.s32 v48, v0;
	v3 =	vld.idx.msk [tilespmem:v3+s11+$0x0], $0xffff  }
0x323: {  	v12 =	vor.u32 v13, v14;
	v13 =	vshll.u32 v15, $0x3;
	v0 =	vadd.s32 v49, v0;
	v4 =	vld.idx.msk [tilespmem:v4+s11+$0x0], $0xffff  }
0x324: {  	v1 =	vor.u32 v31, v1;
	v9 =	vor.u32 v31, v9;
	v13 =	vand.u32 $0xFFFFFC00, v13;
	v5 =	vld.idx.msk [tilespmem:v5+s11+$0x0], $0xffff  }
0x325: {  	v14 =	vand.u32 $0x7F, v15;
	v15 =	vadd.s32 $0x4A, v50;
	v13 =	vadd.s32 v51, v13;
	v6 =	vld.idx.msk [tilespmem:v6+s11+$0x0], $0xffff  }
0x326: {  	v10 =	vor.u32 v31, v10;
	v13 =	vor.u32 v14, v13;
	v14 =	vshll.u32 v15, $0x3;
	v7 =	vld.idx.msk [tilespmem:v7+s11+$0x0], $0xffff  }
0x327: {  	v11 =	vor.u32 v31, v11;
	v12 =	vor.u32 v31, v12;
	v14 =	vand.u32 $0xFFFFFC00, v14;
	v8 =	vld.idx.msk [tilespmem:v8+s11+$0x0], $0xffff  }
0x328: {  	v15 =	vand.u32 $0x7F, v15;
	v13 =	vor.u32 v31, v13;
	v14 =	vadd.s32 v51, v14;
	v0 =	vld.idx.msk [tilespmem:v0+s11+$0x0], $0xffff  }
0x329: {  	[tilespmem:v1+s7+$0x0] =	vst.idx.msk $0xffff, v2;
	v1 =	vor.u32 v15, v14;
	v2 =	vand.u32 $0x7F, v16;
	v14 =	vadd.s32 v51, v17  }
0x32a: {  	[tilespmem:v9+s7+$0x0] =	vst.idx.msk $0xffff, v3;
	v1 =	vor.u32 v31, v1;
	v2 =	vor.u32 v2, v14  }
0x32b: {  	[tilespmem:v10+s7+$0x0] =	vst.idx.msk $0xffff, v4;
	v2 =	vor.u32 v31, v2  }
0x32c: {  	[tilespmem:v11+s7+$0x0] =	vst.idx.msk $0xffff, v5  }
0x32d: {  	[tilespmem:v12+s7+$0x0] =	vst.idx.msk $0xffff, v6  }
0x32e: {  	[tilespmem:v13+s7+$0x0] =	vst.idx.msk $0xffff, v7  }
0x32f: {  	[tilespmem:v1+s7+$0x0] =	vst.idx.msk $0xffff, v8  }
0x330: {  	[tilespmem:v2+s7+$0x0] =	vst.idx.msk $0xffff, v0  }
0x331: {  	v0 =	vld [tilespmem:s12+$0xFFFFFD80]  }
0x332: {  	v16 =	vadd.s32 $0x53, v50  }
0x333: {  	v15 =	vadd.s32 $0x51, v50;
	v17 =	vshll.u32 v16, $0x3;
	v10 =	vadd.s32 $0x4D, v50  }
0x334: {  	v17 =	vand.u32 $0xFFFFFC00, v17;
	v11 =	vshll.u32 v10, $0x3;
	v10 =	vand.u32 $0x7F, v10  }
0x335: {  	v11 =	vand.u32 $0xFFFFFC00, v11;
	v12 =	vadd.s32 $0x4E, v50;
	v1 =	vadd.s32 $0x4C, v50  }
0x336: {  	v11 =	vadd.s32 v51, v11;
	v9 =	vshll.u32 v1, $0x3;
	v0 =	vtrunc.f32 v0  }
0x337: {  	v13 =	vadd.s32 $0x50, v50;
	v9 =	vand.u32 $0xFFFFFC00, v9;
	v0 =	vcvt.f32.s32 v0  }
0x338: {  	v14 =	vshll.u32 v13, $0x3;
	v1 =	vand.u32 $0x7F, v1;
	v9 =	vadd.s32 v51, v9  }
0x339: {  	v13 =	vand.u32 $0x7F, v13;
	v1 =	vor.u32 v1, v9;
	v0 =	vshll.u32 v0, $0x4  }
0x33a: {  	v9 =	vor.u32 v10, v11;
	v10 =	vshll.u32 v12, $0x3;
	v2 =	vadd.s32 v42, v0  }
0x33b: {  	v11 =	vand.u32 $0x7F, v12;
	v10 =	vand.u32 $0xFFFFFC00, v10;
	v3 =	vadd.s32 v43, v0  }
0x33c: {  	v12 =	vadd.s32 $0x4F, v50;
	v10 =	vadd.s32 v51, v10;
	v4 =	vadd.s32 v44, v0  }
0x33d: {  	v10 =	vor.u32 v11, v10;
	v11 =	vshll.u32 v12, $0x3;
	v5 =	vadd.s32 v45, v0  }
0x33e: {  	v14 =	vand.u32 $0xFFFFFC00, v14;
	v11 =	vand.u32 $0xFFFFFC00, v11;
	v6 =	vadd.s32 v46, v0  }
0x33f: {  	v12 =	vand.u32 $0x7F, v12;
	v11 =	vadd.s32 v51, v11;
	v7 =	vadd.s32 v47, v0;
	v2 =	vld.idx.msk [tilespmem:v2+s11+$0x0], $0xffff  }
0x340: {  	v14 =	vadd.s32 v51, v14;
	v11 =	vor.u32 v12, v11;
	v8 =	vadd.s32 v48, v0;
	v3 =	vld.idx.msk [tilespmem:v3+s11+$0x0], $0xffff  }
0x341: {  	v12 =	vor.u32 v13, v14;
	v13 =	vshll.u32 v15, $0x3;
	v0 =	vadd.s32 v49, v0;
	v4 =	vld.idx.msk [tilespmem:v4+s11+$0x0], $0xffff  }
0x342: {  	v1 =	vor.u32 v31, v1;
	v9 =	vor.u32 v31, v9;
	v13 =	vand.u32 $0xFFFFFC00, v13;
	v5 =	vld.idx.msk [tilespmem:v5+s11+$0x0], $0xffff  }
0x343: {  	v14 =	vand.u32 $0x7F, v15;
	v15 =	vadd.s32 $0x52, v50;
	v13 =	vadd.s32 v51, v13;
	v6 =	vld.idx.msk [tilespmem:v6+s11+$0x0], $0xffff  }
0x344: {  	v10 =	vor.u32 v31, v10;
	v13 =	vor.u32 v14, v13;
	v14 =	vshll.u32 v15, $0x3;
	v7 =	vld.idx.msk [tilespmem:v7+s11+$0x0], $0xffff  }
0x345: {  	v11 =	vor.u32 v31, v11;
	v12 =	vor.u32 v31, v12;
	v14 =	vand.u32 $0xFFFFFC00, v14;
	v8 =	vld.idx.msk [tilespmem:v8+s11+$0x0], $0xffff  }
0x346: {  	v15 =	vand.u32 $0x7F, v15;
	v13 =	vor.u32 v31, v13;
	v14 =	vadd.s32 v51, v14;
	v0 =	vld.idx.msk [tilespmem:v0+s11+$0x0], $0xffff  }
0x347: {  	[tilespmem:v1+s7+$0x0] =	vst.idx.msk $0xffff, v2;
	v1 =	vor.u32 v15, v14;
	v2 =	vand.u32 $0x7F, v16;
	v14 =	vadd.s32 v51, v17  }
0x348: {  	[tilespmem:v9+s7+$0x0] =	vst.idx.msk $0xffff, v3;
	v1 =	vor.u32 v31, v1;
	v2 =	vor.u32 v2, v14  }
0x349: {  	[tilespmem:v10+s7+$0x0] =	vst.idx.msk $0xffff, v4;
	v2 =	vor.u32 v31, v2  }
0x34a: {  	[tilespmem:v11+s7+$0x0] =	vst.idx.msk $0xffff, v5  }
0x34b: {  	[tilespmem:v12+s7+$0x0] =	vst.idx.msk $0xffff, v6  }
0x34c: {  	[tilespmem:v13+s7+$0x0] =	vst.idx.msk $0xffff, v7  }
0x34d: {  	[tilespmem:v1+s7+$0x0] =	vst.idx.msk $0xffff, v8  }
0x34e: {  	[tilespmem:v2+s7+$0x0] =	vst.idx.msk $0xffff, v0  }
0x34f: {  	v0 =	vld [tilespmem:s12+$0xFFFFFE00]  }
0x350: {  	v16 =	vadd.s32 $0x5B, v50  }
0x351: {  	v15 =	vadd.s32 $0x59, v50;
	v17 =	vshll.u32 v16, $0x3;
	v10 =	vadd.s32 $0x55, v50  }
0x352: {  	v17 =	vand.u32 $0xFFFFFC00, v17;
	v11 =	vshll.u32 v10, $0x3;
	v10 =	vand.u32 $0x7F, v10  }
0x353: {  	v11 =	vand.u32 $0xFFFFFC00, v11;
	v12 =	vadd.s32 $0x56, v50;
	v1 =	vadd.s32 $0x54, v50  }
0x354: {  	v11 =	vadd.s32 v51, v11;
	v9 =	vshll.u32 v1, $0x3;
	v0 =	vtrunc.f32 v0  }
0x355: {  	v13 =	vadd.s32 $0x58, v50;
	v9 =	vand.u32 $0xFFFFFC00, v9;
	v0 =	vcvt.f32.s32 v0  }
0x356: {  	v14 =	vshll.u32 v13, $0x3;
	v1 =	vand.u32 $0x7F, v1;
	v9 =	vadd.s32 v51, v9  }
0x357: {  	v13 =	vand.u32 $0x7F, v13;
	v1 =	vor.u32 v1, v9;
	v0 =	vshll.u32 v0, $0x4  }
0x358: {  	v9 =	vor.u32 v10, v11;
	v10 =	vshll.u32 v12, $0x3;
	v2 =	vadd.s32 v42, v0  }
0x359: {  	v11 =	vand.u32 $0x7F, v12;
	v10 =	vand.u32 $0xFFFFFC00, v10;
	v3 =	vadd.s32 v43, v0  }
0x35a: {  	v12 =	vadd.s32 $0x57, v50;
	v10 =	vadd.s32 v51, v10;
	v4 =	vadd.s32 v44, v0  }
0x35b: {  	v10 =	vor.u32 v11, v10;
	v11 =	vshll.u32 v12, $0x3;
	v5 =	vadd.s32 v45, v0  }
0x35c: {  	v14 =	vand.u32 $0xFFFFFC00, v14;
	v11 =	vand.u32 $0xFFFFFC00, v11;
	v6 =	vadd.s32 v46, v0  }
0x35d: {  	v12 =	vand.u32 $0x7F, v12;
	v11 =	vadd.s32 v51, v11;
	v7 =	vadd.s32 v47, v0;
	v2 =	vld.idx.msk [tilespmem:v2+s11+$0x0], $0xffff  }
0x35e: {  	v14 =	vadd.s32 v51, v14;
	v11 =	vor.u32 v12, v11;
	v8 =	vadd.s32 v48, v0;
	v3 =	vld.idx.msk [tilespmem:v3+s11+$0x0], $0xffff  }
0x35f: {  	v12 =	vor.u32 v13, v14;
	v13 =	vshll.u32 v15, $0x3;
	v0 =	vadd.s32 v49, v0;
	v4 =	vld.idx.msk [tilespmem:v4+s11+$0x0], $0xffff  }
0x360: {  	v1 =	vor.u32 v31, v1;
	v9 =	vor.u32 v31, v9;
	v13 =	vand.u32 $0xFFFFFC00, v13;
	v5 =	vld.idx.msk [tilespmem:v5+s11+$0x0], $0xffff  }
0x361: {  	v14 =	vand.u32 $0x7F, v15;
	v15 =	vadd.s32 $0x5A, v50;
	v13 =	vadd.s32 v51, v13;
	v6 =	vld.idx.msk [tilespmem:v6+s11+$0x0], $0xffff  }
0x362: {  	v10 =	vor.u32 v31, v10;
	v13 =	vor.u32 v14, v13;
	v14 =	vshll.u32 v15, $0x3;
	v7 =	vld.idx.msk [tilespmem:v7+s11+$0x0], $0xffff  }
0x363: {  	v11 =	vor.u32 v31, v11;
	v12 =	vor.u32 v31, v12;
	v14 =	vand.u32 $0xFFFFFC00, v14;
	v8 =	vld.idx.msk [tilespmem:v8+s11+$0x0], $0xffff  }
0x364: {  	v15 =	vand.u32 $0x7F, v15;
	v13 =	vor.u32 v31, v13;
	v14 =	vadd.s32 v51, v14;
	v0 =	vld.idx.msk [tilespmem:v0+s11+$0x0], $0xffff  }
0x365: {  	[tilespmem:v1+s7+$0x0] =	vst.idx.msk $0xffff, v2;
	v1 =	vor.u32 v15, v14;
	v2 =	vand.u32 $0x7F, v16;
	v14 =	vadd.s32 v51, v17  }
0x366: {  	[tilespmem:v9+s7+$0x0] =	vst.idx.msk $0xffff, v3;
	v1 =	vor.u32 v31, v1;
	v2 =	vor.u32 v2, v14  }
0x367: {  	[tilespmem:v10+s7+$0x0] =	vst.idx.msk $0xffff, v4;
	v2 =	vor.u32 v31, v2  }
0x368: {  	[tilespmem:v11+s7+$0x0] =	vst.idx.msk $0xffff, v5  }
0x369: {  	[tilespmem:v12+s7+$0x0] =	vst.idx.msk $0xffff, v6  }
0x36a: {  	[tilespmem:v13+s7+$0x0] =	vst.idx.msk $0xffff, v7  }
0x36b: {  	[tilespmem:v1+s7+$0x0] =	vst.idx.msk $0xffff, v8  }
0x36c: {  	[tilespmem:v2+s7+$0x0] =	vst.idx.msk $0xffff, v0  }
0x36d: {  	v0 =	vld [tilespmem:s12+$0xFFFFFE80]  }
0x36e: {  	v16 =	vadd.s32 $0x63, v50  }
0x36f: {  	v15 =	vadd.s32 $0x61, v50;
	v17 =	vshll.u32 v16, $0x3;
	v10 =	vadd.s32 $0x5D, v50  }
0x370: {  	v17 =	vand.u32 $0xFFFFFC00, v17;
	v11 =	vshll.u32 v10, $0x3;
	v10 =	vand.u32 $0x7F, v10  }
0x371: {  	v11 =	vand.u32 $0xFFFFFC00, v11;
	v12 =	vadd.s32 $0x5E, v50;
	v1 =	vadd.s32 $0x5C, v50  }
0x372: {  	v11 =	vadd.s32 v51, v11;
	v9 =	vshll.u32 v1, $0x3;
	v0 =	vtrunc.f32 v0  }
0x373: {  	v13 =	vadd.s32 $0x60, v50;
	v9 =	vand.u32 $0xFFFFFC00, v9;
	v0 =	vcvt.f32.s32 v0  }
0x374: {  	v14 =	vshll.u32 v13, $0x3;
	v1 =	vand.u32 $0x7F, v1;
	v9 =	vadd.s32 v51, v9  }
0x375: {  	v13 =	vand.u32 $0x7F, v13;
	v1 =	vor.u32 v1, v9;
	v0 =	vshll.u32 v0, $0x4  }
0x376: {  	v9 =	vor.u32 v10, v11;
	v10 =	vshll.u32 v12, $0x3;
	v2 =	vadd.s32 v42, v0  }
0x377: {  	v11 =	vand.u32 $0x7F, v12;
	v10 =	vand.u32 $0xFFFFFC00, v10;
	v3 =	vadd.s32 v43, v0  }
0x378: {  	v12 =	vadd.s32 $0x5F, v50;
	v10 =	vadd.s32 v51, v10;
	v4 =	vadd.s32 v44, v0  }
0x379: {  	v10 =	vor.u32 v11, v10;
	v11 =	vshll.u32 v12, $0x3;
	v5 =	vadd.s32 v45, v0  }
0x37a: {  	v14 =	vand.u32 $0xFFFFFC00, v14;
	v11 =	vand.u32 $0xFFFFFC00, v11;
	v6 =	vadd.s32 v46, v0  }
0x37b: {  	v12 =	vand.u32 $0x7F, v12;
	v11 =	vadd.s32 v51, v11;
	v7 =	vadd.s32 v47, v0;
	v2 =	vld.idx.msk [tilespmem:v2+s11+$0x0], $0xffff  }
0x37c: {  	v14 =	vadd.s32 v51, v14;
	v11 =	vor.u32 v12, v11;
	v8 =	vadd.s32 v48, v0;
	v3 =	vld.idx.msk [tilespmem:v3+s11+$0x0], $0xffff  }
0x37d: {  	v12 =	vor.u32 v13, v14;
	v13 =	vshll.u32 v15, $0x3;
	v0 =	vadd.s32 v49, v0;
	v4 =	vld.idx.msk [tilespmem:v4+s11+$0x0], $0xffff  }
0x37e: {  	v1 =	vor.u32 v31, v1;
	v9 =	vor.u32 v31, v9;
	v13 =	vand.u32 $0xFFFFFC00, v13;
	v5 =	vld.idx.msk [tilespmem:v5+s11+$0x0], $0xffff  }
0x37f: {  	v14 =	vand.u32 $0x7F, v15;
	v15 =	vadd.s32 $0x62, v50;
	v13 =	vadd.s32 v51, v13;
	v6 =	vld.idx.msk [tilespmem:v6+s11+$0x0], $0xffff  }
0x380: {  	v10 =	vor.u32 v31, v10;
	v13 =	vor.u32 v14, v13;
	v14 =	vshll.u32 v15, $0x3;
	v7 =	vld.idx.msk [tilespmem:v7+s11+$0x0], $0xffff  }
0x381: {  	v11 =	vor.u32 v31, v11;
	v12 =	vor.u32 v31, v12;
	v14 =	vand.u32 $0xFFFFFC00, v14;
	v8 =	vld.idx.msk [tilespmem:v8+s11+$0x0], $0xffff  }
0x382: {  	v15 =	vand.u32 $0x7F, v15;
	v13 =	vor.u32 v31, v13;
	v14 =	vadd.s32 v51, v14;
	v0 =	vld.idx.msk [tilespmem:v0+s11+$0x0], $0xffff  }
0x383: {  	[tilespmem:v1+s7+$0x0] =	vst.idx.msk $0xffff, v2;
	v1 =	vor.u32 v15, v14;
	v2 =	vand.u32 $0x7F, v16;
	v14 =	vadd.s32 v51, v17  }
0x384: {  	[tilespmem:v9+s7+$0x0] =	vst.idx.msk $0xffff, v3;
	v1 =	vor.u32 v31, v1;
	v2 =	vor.u32 v2, v14  }
0x385: {  	[tilespmem:v10+s7+$0x0] =	vst.idx.msk $0xffff, v4;
	v2 =	vor.u32 v31, v2  }
0x386: {  	[tilespmem:v11+s7+$0x0] =	vst.idx.msk $0xffff, v5  }
0x387: {  	[tilespmem:v12+s7+$0x0] =	vst.idx.msk $0xffff, v6  }
0x388: {  	[tilespmem:v13+s7+$0x0] =	vst.idx.msk $0xffff, v7  }
0x389: {  	[tilespmem:v1+s7+$0x0] =	vst.idx.msk $0xffff, v8  }
0x38a: {  	[tilespmem:v2+s7+$0x0] =	vst.idx.msk $0xffff, v0  }
0x38b: {  	v0 =	vld [tilespmem:s12+$0xFFFFFF00]  }
0x38c: {  	v16 =	vadd.s32 $0x6B, v50  }
0x38d: {  	v15 =	vadd.s32 $0x69, v50;
	v17 =	vshll.u32 v16, $0x3;
	v10 =	vadd.s32 $0x65, v50  }
0x38e: {  	v17 =	vand.u32 $0xFFFFFC00, v17;
	v11 =	vshll.u32 v10, $0x3;
	v10 =	vand.u32 $0x7F, v10  }
0x38f: {  	v11 =	vand.u32 $0xFFFFFC00, v11;
	v12 =	vadd.s32 $0x66, v50;
	v1 =	vadd.s32 $0x64, v50  }
0x390: {  	v11 =	vadd.s32 v51, v11;
	v9 =	vshll.u32 v1, $0x3;
	v0 =	vtrunc.f32 v0  }
0x391: {  	v13 =	vadd.s32 $0x68, v50;
	v9 =	vand.u32 $0xFFFFFC00, v9;
	v0 =	vcvt.f32.s32 v0  }
0x392: {  	v14 =	vshll.u32 v13, $0x3;
	v1 =	vand.u32 $0x7F, v1;
	v9 =	vadd.s32 v51, v9  }
0x393: {  	v13 =	vand.u32 $0x7F, v13;
	v1 =	vor.u32 v1, v9;
	v0 =	vshll.u32 v0, $0x4  }
0x394: {  	v9 =	vor.u32 v10, v11;
	v10 =	vshll.u32 v12, $0x3;
	v2 =	vadd.s32 v42, v0  }
0x395: {  	v11 =	vand.u32 $0x7F, v12;
	v10 =	vand.u32 $0xFFFFFC00, v10;
	v3 =	vadd.s32 v43, v0  }
0x396: {  	v12 =	vadd.s32 $0x67, v50;
	v10 =	vadd.s32 v51, v10;
	v4 =	vadd.s32 v44, v0  }
0x397: {  	v10 =	vor.u32 v11, v10;
	v11 =	vshll.u32 v12, $0x3;
	v5 =	vadd.s32 v45, v0  }
0x398: {  	v14 =	vand.u32 $0xFFFFFC00, v14;
	v11 =	vand.u32 $0xFFFFFC00, v11;
	v6 =	vadd.s32 v46, v0  }
0x399: {  	v12 =	vand.u32 $0x7F, v12;
	v11 =	vadd.s32 v51, v11;
	v7 =	vadd.s32 v47, v0;
	v2 =	vld.idx.msk [tilespmem:v2+s11+$0x0], $0xffff  }
0x39a: {  	v14 =	vadd.s32 v51, v14;
	v11 =	vor.u32 v12, v11;
	v8 =	vadd.s32 v48, v0;
	v3 =	vld.idx.msk [tilespmem:v3+s11+$0x0], $0xffff  }
0x39b: {  	v12 =	vor.u32 v13, v14;
	v13 =	vshll.u32 v15, $0x3;
	v0 =	vadd.s32 v49, v0;
	v4 =	vld.idx.msk [tilespmem:v4+s11+$0x0], $0xffff  }
0x39c: {  	v1 =	vor.u32 v31, v1;
	v9 =	vor.u32 v31, v9;
	v13 =	vand.u32 $0xFFFFFC00, v13;
	v5 =	vld.idx.msk [tilespmem:v5+s11+$0x0], $0xffff  }
0x39d: {  	v14 =	vand.u32 $0x7F, v15;
	v15 =	vadd.s32 $0x6A, v50;
	v13 =	vadd.s32 v51, v13;
	v6 =	vld.idx.msk [tilespmem:v6+s11+$0x0], $0xffff  }
0x39e: {  	v10 =	vor.u32 v31, v10;
	v13 =	vor.u32 v14, v13;
	v14 =	vshll.u32 v15, $0x3;
	v7 =	vld.idx.msk [tilespmem:v7+s11+$0x0], $0xffff  }
0x39f: {  	v11 =	vor.u32 v31, v11;
	v12 =	vor.u32 v31, v12;
	v14 =	vand.u32 $0xFFFFFC00, v14;
	v8 =	vld.idx.msk [tilespmem:v8+s11+$0x0], $0xffff  }
0x3a0: {  	v15 =	vand.u32 $0x7F, v15;
	v13 =	vor.u32 v31, v13;
	v14 =	vadd.s32 v51, v14;
	v0 =	vld.idx.msk [tilespmem:v0+s11+$0x0], $0xffff  }
0x3a1: {  	[tilespmem:v1+s7+$0x0] =	vst.idx.msk $0xffff, v2;
	v1 =	vor.u32 v15, v14;
	v2 =	vand.u32 $0x7F, v16;
	v14 =	vadd.s32 v51, v17  }
0x3a2: {  	[tilespmem:v9+s7+$0x0] =	vst.idx.msk $0xffff, v3;
	v1 =	vor.u32 v31, v1;
	v2 =	vor.u32 v2, v14  }
0x3a3: {  	[tilespmem:v10+s7+$0x0] =	vst.idx.msk $0xffff, v4;
	v2 =	vor.u32 v31, v2  }
0x3a4: {  	[tilespmem:v11+s7+$0x0] =	vst.idx.msk $0xffff, v5  }
0x3a5: {  	[tilespmem:v12+s7+$0x0] =	vst.idx.msk $0xffff, v6  }
0x3a6: {  	[tilespmem:v13+s7+$0x0] =	vst.idx.msk $0xffff, v7  }
0x3a7: {  	v20 =	vadd.s32 $0x7D, v50;
	[tilespmem:v1+s7+$0x0] =	vst.idx.msk $0xffff, v8  }
0x3a8: {  	v18 =	vadd.s32 $0x74, v50;
	v22 =	vshll.u32 v20, $0x3;
	v16 =	vadd.s32 $0x73, v50;
	[tilespmem:v2+s7+$0x0] =	vst.idx.msk $0xffff, v0  }
0x3a9: {  	v15 =	vadd.s32 $0x71, v50;
	v17 =	vshll.u32 v16, $0x3;
	v10 =	vadd.s32 $0x6D, v50;
	v0 =	vld [tilespmem:s12+$0xFFFFFF80]  }
0x3aa: {  	v16 =	vand.u32 $0x7F, v16;
	v17 =	vand.u32 $0xFFFFFC00, v17;
	v11 =	vshll.u32 v10, $0x3  }
0x3ab: {  	v10 =	vand.u32 $0x7F, v10;
	v17 =	vadd.s32 v51, v17;
	v11 =	vand.u32 $0xFFFFFC00, v11  }
0x3ac: {  	v12 =	vadd.s32 $0x6E, v50;
	v13 =	vadd.s32 $0x70, v50;
	v1 =	vadd.s32 $0x6C, v50  }
0x3ad: {  	v11 =	vadd.s32 v51, v11;
	v14 =	vshll.u32 v13, $0x3;
	v9 =	vshll.u32 v1, $0x3  }
0x3ae: {  	v13 =	vand.u32 $0x7F, v13;
	v9 =	vand.u32 $0xFFFFFC00, v9;
	v0 =	vtrunc.f32 v0  }
0x3af: {  	v1 =	vand.u32 $0x7F, v1;
	v9 =	vadd.s32 v51, v9;
	v0 =	vcvt.f32.s32 v0  }
0x3b0: {  	v30 =	vld [tilespmem:$0x1FED0];
	v1 =	vor.u32 v1, v9;
	v9 =	vor.u32 v10, v11;
	v10 =	vshll.u32 v12, $0x3  }
0x3b1: {  	v32 =	vld [tilespmem:$0x1FEE0];
	v11 =	vand.u32 $0x7F, v12;
	v10 =	vand.u32 $0xFFFFFC00, v10;
	v0 =	vshll.u32 v0, $0x4  }
0x3b2: {  	v33 =	vld [tilespmem:$0x1FEF0];
	v12 =	vadd.s32 $0x6F, v50;
	v10 =	vadd.s32 v51, v10;
	v2 =	vadd.s32 v42, v0  }
0x3b3: {  	v34 =	vld [tilespmem:$0x1FF00];
	v10 =	vor.u32 v11, v10;
	v11 =	vshll.u32 v12, $0x3;
	v3 =	vadd.s32 v43, v0  }
0x3b4: {  	v36 =	vld [tilespmem:$0x1FF20];
	v14 =	vand.u32 $0xFFFFFC00, v14;
	v11 =	vand.u32 $0xFFFFFC00, v11;
	v4 =	vadd.s32 v44, v0  }
0x3b5: {  	v26 =	vld [tilespmem:$0x1FE90];
	v12 =	vand.u32 $0x7F, v12;
	v11 =	vadd.s32 v51, v11;
	v5 =	vadd.s32 v45, v0  }
0x3b6: {  	v35 =	vld [tilespmem:$0x1FF10];
	v14 =	vadd.s32 v51, v14;
	v11 =	vor.u32 v12, v11;
	v6 =	vadd.s32 v46, v0  }
0x3b7: {  	v12 =	vor.u32 v13, v14;
	v13 =	vshll.u32 v15, $0x3;
	v7 =	vadd.s32 v47, v0;
	v2 =	vld.idx.msk [tilespmem:v2+s11+$0x0], $0xffff  }
0x3b8: {  	v14 =	vand.u32 $0x7F, v15;
	v8 =	vadd.s32 v48, v0;
	v13 =	vand.u32 $0xFFFFFC00, v13;
	v3 =	vld.idx.msk [tilespmem:v3+s11+$0x0], $0xffff  }
0x3b9: {  	v15 =	vadd.s32 $0x72, v50;
	v0 =	vadd.s32 v49, v0;
	v13 =	vadd.s32 v51, v13;
	v4 =	vld.idx.msk [tilespmem:v4+s11+$0x0], $0xffff  }
0x3ba: {  	v1 =	vor.u32 v31, v1;
	v13 =	vor.u32 v14, v13;
	v14 =	vshll.u32 v15, $0x3;
	v5 =	vld.idx.msk [tilespmem:v5+s11+$0x0], $0xffff  }
0x3bb: {  	v9 =	vor.u32 v31, v9;
	v10 =	vor.u32 v31, v10;
	v14 =	vand.u32 $0xFFFFFC00, v14;
	v6 =	vld.idx.msk [tilespmem:v6+s11+$0x0], $0xffff  }
0x3bc: {  	v11 =	vor.u32 v31, v11;
	v15 =	vand.u32 $0x7F, v15;
	v14 =	vadd.s32 v51, v14;
	v7 =	vld.idx.msk [tilespmem:v7+s11+$0x0], $0xffff  }
0x3bd: {  	v14 =	vor.u32 v15, v14;
	v15 =	vor.u32 v16, v17;
	v16 =	vshll.u32 v18, $0x3;
	v8 =	vld.idx.msk [tilespmem:v8+s11+$0x0], $0xffff  }
0x3be: {  	v12 =	vor.u32 v31, v12;
	v13 =	vor.u32 v31, v13;
	v0 =	vld.idx.msk [tilespmem:v0+s11+$0x0], $0xffff;
	v16 =	vand.u32 $0xFFFFFC00, v16  }
0x3bf: {  	v37 =	vld [tilespmem:$0x1FF30];
	v17 =	vand.u32 $0x7F, v18;
	v14 =	vor.u32 v31, v14;
	v16 =	vadd.s32 v51, v16;
	[tilespmem:v1+s7+$0x0] =	vst.idx.msk $0xffff, v2  }
0x3c0: {  	v38 =	vld [tilespmem:$0x1FF40];
	v18 =	vadd.s32 $0x75, v50;
	v15 =	vor.u32 v31, v15;
	v1 =	vor.u32 v17, v16;
	[tilespmem:v9+s7+$0x0] =	vst.idx.msk $0xffff, v3  }
0x3c1: {  	v28 =	vld [tilespmem:$0x1FEB0];
	v2 =	vshll.u32 v18, $0x3;
	v16 =	vadd.s32 $0x76, v50;
	v1 =	vor.u32 v31, v1;
	[tilespmem:v10+s7+$0x0] =	vst.idx.msk $0xffff, v4  }
0x3c2: {  	v39 =	vld [tilespmem:$0x1FF50];
	v2 =	vand.u32 $0xFFFFFC00, v2;
	v3 =	vshll.u32 v16, $0x3;
	v9 =	vadd.s32 $0x77, v50;
	[tilespmem:v11+s7+$0x0] =	vst.idx.msk $0xffff, v5  }
0x3c3: {  	v29 =	vld [tilespmem:$0x1FEC0];
	v4 =	vand.u32 $0x7F, v18;
	v2 =	vadd.s32 v51, v2;
	v3 =	vand.u32 $0xFFFFFC00, v3;
	[tilespmem:v12+s7+$0x0] =	vst.idx.msk $0xffff, v6  }
0x3c4: {  	v27 =	vld [tilespmem:$0x1FEA0];
	v5 =	vand.u32 $0x7F, v16;
	v3 =	vadd.s32 v51, v3;
	v2 =	vor.u32 v4, v2;
	[tilespmem:v13+s7+$0x0] =	vst.idx.msk $0xffff, v7  }
0x3c5: {  	v24 =	vld [tilespmem:$0x1FE70];
	v4 =	vshll.u32 v9, $0x3;
	v11 =	vadd.s32 $0x7A, v50;
	v16 =	vadd.s32 $0x7C, v50;
	[tilespmem:v14+s7+$0x0] =	vst.idx.msk $0xffff, v8  }
0x3c6: {  	v25 =	vld [tilespmem:$0x1FE80];
	v3 =	vor.u32 v5, v3;
	v2 =	vor.u32 v31, v2;
	v4 =	vand.u32 $0xFFFFFC00, v4;
	[tilespmem:v15+s7+$0x0] =	vst.idx.msk $0xffff, v0  }
0x3c7: {  	v5 =	vand.u32 $0x7F, v9;
	v6 =	vadd.s32 $0x78, v50;
	v18 =	vshll.u32 v16, $0x3;
	v7 =	vld [tilespmem:s12+$0x0]  }
0x3c8: {  	v16 =	vand.u32 $0x7F, v16;
	v3 =	vor.u32 v31, v3;
	v4 =	vadd.s32 v51, v4;
	v9 =	vld [tilespmem:s12+$0x80]  }
0x3c9: {  	v18 =	vand.u32 $0xFFFFFC00, v18;
	v0 =	vor.u32 v5, v4;
	v4 =	vshll.u32 v6, $0x3;
	v10 =	vld [tilespmem:s12+$0x100]  }
0x3ca: {  	v14 =	vadd.s32 $0x7B, v50;
	v18 =	vadd.s32 v51, v18;
	v4 =	vand.u32 $0xFFFFFC00, v4;
	v12 =	vld [tilespmem:s12+$0x180]  }
0x3cb: {  	v5 =	vadd.s32 $0x79, v50;
	v6 =	vand.u32 $0x7F, v6;
	v13 =	vld [tilespmem:s12+$0x280];
	v4 =	vadd.s32 v51, v4  }
0x3cc: {  	v0 =	vor.u32 v31, v0;
	v15 =	vld [tilespmem:s12+$0x300];
	v4 =	vor.u32 v6, v4;
	v6 =	vshll.u32 v11, $0x3  }
0x3cd: {  	v8 =	vshll.u32 v5, $0x3;
	v5 =	vand.u32 $0x7F, v5;
	v17 =	vld [tilespmem:s12+$0x380];
	v6 =	vand.u32 $0xFFFFFC00, v6  }
0x3ce: {  	v19 =	vld [tilespmem:s12+$0x400];
	v8 =	vand.u32 $0xFFFFFC00, v8;
	v11 =	vand.u32 $0x7F, v11;
	v6 =	vadd.s32 v51, v6  }
0x3cf: {  	v21 =	vld [tilespmem:s12+$0x480];
	v8 =	vadd.s32 v51, v8;
	v6 =	vor.u32 v11, v6;
	v11 =	vshll.u32 v14, $0x3  }
0x3d0: {  	v23 =	vld [tilespmem:s12+$0x500];
	v5 =	vor.u32 v5, v8;
	v4 =	vor.u32 v31, v4;
	v11 =	vand.u32 $0xFFFFFC00, v11  }
0x3d1: {  	v8 =	vld [tilespmem:s12+$0x200];
	v5 =	vor.u32 v31, v5;
	v14 =	vand.u32 $0x7F, v14;
	v11 =	vadd.s32 v51, v11  }
0x3d2: {  	v11 =	vor.u32 v14, v11;
	v14 =	vor.u32 v16, v18;
	v16 =	vand.u32 $0xFFFFFC00, v22;
	v18 =	vld [tilespmem:s12+$0x580];
	[tilespmem:v1+s7+$0x0] =	vst.idx.msk $0xffff, v7  }
0x3d3: {  	v20 =	vand.u32 $0x7F, v20;
	v16 =	vadd.s32 v51, v16;
	[tilespmem:v2+s7+$0x0] =	vst.idx.msk $0xffff, v9;
	v2 =	vor.u32 v31, v11;
	v11 =	vld [tilespmem:$0x1FDA0]  }
0x3d4: {  	v22 =	vadd.s32 $0x7E, v50;
	v1 =	vor.u32 v31, v6;
	v6 =	vor.u32 v20, v16;
	v20 =	vld [tilespmem:$0x1FE30]  }
0x3d5: {  	v7 =	vshll.u32 v22, $0x3;
	v16 =	vld [tilespmem:$0x1FDF0]  }
0x3d6: {  	v7 =	vand.u32 $0xFFFFFC00, v7;
	[tilespmem:v3+s7+$0x0] =	vst.idx.msk $0xffff, v10;
	v3 =	vand.u32 $0x7F, v22;
	v22 =	vld [tilespmem:$0x1FE50]  }
0x3d7: {  	v9 =	vadd.s32 $0x7F, v50;
	v7 =	vadd.s32 v51, v7;
	[tilespmem:v0+s7+$0x0] =	vst.idx.msk $0xffff, v12;
	v12 =	vld [tilespmem:$0x1FDB0]  }
0x3d8: {  	v10 =	vshll.u32 v9, $0x3;
	v0 =	vor.u32 v3, v7;
	v3 =	vor.u32 v31, v14;
	v14 =	vld [tilespmem:$0x1FDD0];
	[tilespmem:v4+s7+$0x0] =	vst.idx.msk $0xffff, v8  }
0x3d9: {  	v7 =	vand.u32 $0xFFFFFC00, v10;
	[tilespmem:v5+s7+$0x0] =	vst.idx.msk $0xffff, v13;
	v13 =	vld [tilespmem:$0x1FDC0]  }
0x3da: {  	v4 =	vadd.s32 v51, v7;
	v7 =	vand.u32 $0x7F, v9;
	v5 =	vld [tilespmem:$0x1FD90]  }
0x3db: {  	v6 =	vor.u32 v31, v6;
	v4 =	vor.u32 v7, v4;
	[tilespmem:v1+s7+$0x0] =	vst.idx.msk $0xffff, v15;
	v15 =	vld [tilespmem:$0x1FDE0]  }
0x3dc: {  	v0 =	vor.u32 v31, v0;
	v1 =	vor.u32 v31, v4;
	v4 =	vld [tilespmem:$0x1FD80]  }
0x3dd: {  	p0 =	sne.s32 s6, $0x70;
	[tilespmem:v2+s7+$0x0] =	vst.idx.msk $0xffff, v17;
	v17 =	vld [tilespmem:$0x1FE00]  }
.Ltmp3:
0x3de: {  	[tilespmem:v3+s7+$0x0] =	vst.idx.msk $0xffff, v19;
	v19 =	vld [tilespmem:$0x1FE20];
	(pc) =	sbr.rel @p0 .LBB2_5-.Ltmp3, $4  }
0x3df: {  	v3 =	vld [tilespmem:$0x1FD70]  }
0x3e0: {  	[tilespmem:v6+s7+$0x0] =	vst.idx.msk $0xffff, v21;
	v21 =	vld [tilespmem:$0x1FE40]  }
0x3e1: {  	[tilespmem:v0+s7+$0x0] =	vst.idx.msk $0xffff, v23;
	v23 =	vld [tilespmem:$0x1FE60]  }
0x3e2: {  	s6 =	sadd.s32 $0x10, s6;
	s12 =	sadd.s32 $0x10, s12;
	[tilespmem:v1+s7+$0x0] =	vst.idx.msk $0xffff, v18;
	v18 =	vld [tilespmem:$0x1FE10]  }
0x3e3: {  	s6 =	sshll.u32 s10, $0x15  }
0x3e4: {  	s6 =	sadd.s32 s15, s6  }
0x3e5: {  	s6 =	sshrl.u32 s6, $0x3  }
0x3e6: {  	s6 =	sadd.s32 s3, s6  }
0x3e7: {  	[hbm4b:s6+s4] =	stream.linear.scatter [tilespmem:s7], [sflag:$0x4], $0x400, $0x38;
	[tilespmem:$0x1E780] =	vst v63  }
0x3e8: {  	s12 =	simm.s32 $0xA000;
	s22 =	sadd.s32 $0x80, s6  }
0x3e9: {  	[hbm4b:s22+s4] =	stream.linear.scatter [tilespmem:s12], [sflag:$0x4], $0x400, $0x38;
	[tilespmem:$0x1E780] =	vst v63  }
0x3ea: {  	s17 =	simm.s32 $0xA800;
	s15 =	sadd.s32 $0x100, s6  }
0x3eb: {  	[hbm4b:s15+s4] =	stream.linear.scatter [tilespmem:s17], [sflag:$0x4], $0x400, $0x38;
	[tilespmem:$0x1E780] =	vst v63  }
0x3ec: {  	s19 =	sadd.s32 $0x180, s6;
	s22 =	simm.s32 $0xB000  }
0x3ed: {  	[hbm4b:s19+s4] =	stream.linear.scatter [tilespmem:s22], [sflag:$0x4], $0x400, $0x38;
	[tilespmem:$0x1E780] =	vst v63  }
0x3ee: {  	s15 =	sadd.s32 $0x200, s6;
	s17 =	simm.s32 $0xB800  }
0x3ef: {  	[hbm4b:s15+s4] =	stream.linear.scatter [tilespmem:s17], [sflag:$0x4], $0x400, $0x38;
	[tilespmem:$0x1E780] =	vst v63  }
0x3f0: {  	s19 =	sadd.s32 $0x280, s6;
	s22 =	simm.s32 $0xC000  }
0x3f1: {  	[hbm4b:s19+s4] =	stream.linear.scatter [tilespmem:s22], [sflag:$0x4], $0x400, $0x38;
	[tilespmem:$0x1E780] =	vst v63  }
0x3f2: {  	s15 =	sadd.s32 $0x300, s6  }
0x3f3: {  	[hbm4b:s15+s4] =	stream.linear.scatter [tilespmem:s23], [sflag:$0x4], $0x400, $0x38;
	[tilespmem:$0x1E780] =	vst v63  }
0x3f4: {  	s17 =	sadd.s32 $0x380, s6  }
0x3f5: {  	[hbm4b:s17+s4] =	stream.linear.scatter [tilespmem:s24], [sflag:$0x4], $0x400, $0x38;
	[tilespmem:$0x1E780] =	vst v63  }
0x3f6: {  	s19 =	sadd.s32 $0x400, s6  }
0x3f7: {  	[hbm4b:s19+s4] =	stream.linear.scatter [tilespmem:s25], [sflag:$0x4], $0x400, $0x38;
	[tilespmem:$0x1E780] =	vst v63  }
0x3f8: {  	s22 =	sadd.s32 $0x480, s6  }
0x3f9: {  	[hbm4b:s22+s4] =	stream.linear.scatter [tilespmem:s26], [sflag:$0x4], $0x400, $0x38;
	[tilespmem:$0x1E780] =	vst v63  }
0x3fa: {  	s12 =	sadd.s32 $0x500, s6  }
0x3fb: {  	[hbm4b:s12+s4] =	stream.linear.scatter [tilespmem:s28], [sflag:$0x4], $0x400, $0x38;
	[tilespmem:$0x1E780] =	vst v63  }
0x3fc: {  	s15 =	sadd.s32 $0x580, s6  }
0x3fd: {  	[hbm4b:s15+s4] =	stream.linear.scatter [tilespmem:s29], [sflag:$0x4], $0x400, $0x38;
	[tilespmem:$0x1E780] =	vst v63  }
0x3fe: {  	s17 =	sadd.s32 $0x600, s6  }
0x3ff: {  	[hbm4b:s17+s4] =	stream.linear.scatter [tilespmem:s30], [sflag:$0x4], $0x400, $0x38;
	[tilespmem:$0x1E780] =	vst v63  }
0x400: {  	s19 =	sadd.s32 $0x680, s6  }
0x401: {  	[hbm4b:s19+s4] =	stream.linear.scatter [tilespmem:s31], [sflag:$0x4], $0x400, $0x38;
	[tilespmem:$0x1E780] =	vst v63  }
.Ltmp4:
0x402: {  	_ = 	snop;
	(pc) =	sbr.rel @p1 .LBB2_8-.Ltmp4, $4  }
0x403: {  	s22 =	sadd.s32 $0x700, s6  }
0x404: {  	[hbm4b:s22+s4] =	stream.linear.scatter [tilespmem:s0], [sflag:$0x4], $0x400, $0x38;
	[tilespmem:$0x1E780] =	vst v63  }
0x405: {  	s6 =	sadd.s32 $0x780, s6  }
0x406: {  	[hbm4b:s6+s4] =	stream.linear.scatter [tilespmem:s2], [sflag:$0x4], $0x400, $0x38;
	[tilespmem:$0x1E780] =	vst v63  }
0x407: {  	s5 =	sadd.s32 $0x3, s5  }
0x408: {  	s6 =	smulhi.u32 $0x51EB851F, s5;
	_ =	sdelay $0x1  }
0x409: {  	s6 =	sshrl.u32 s6, $0x4  }
0x40a: {  	s10 =	smul.u32 $0xFFFFFFCE, s6;
	_ =	sdelay $0x1  }
0x40b: {  	s5 =	sadd.s32 s5, s10  }
0x40c: {  	s6 =	sadd.s32 s9, s6;
	s5 =	smul.u32 $0x60000, s5  }
0x40d: {  	s6 =	sshll.u32 s6, $0xA  }
0x40e: {  	s5 =	sadd.s32 s6, s5  }
.Ltmp5:
0x40f: {  	s5 =	sshrl.u32 s5, $0x3;
	(pc) =	sbr.rel .LBB2_2-.Ltmp5, $4  }
0x410: {  	s19 =	simm.s32 $0xC00;
	s5 =	sadd.s32 s1, s5  }
0x411: {  	[tilespmem:s19], [sflag:$0x2] =	stream.strided.gather [hbm4b:s5+s13], $0x800, s14, s13, $0x38;
	[tilespmem:$0x1E780] =	vst v63  }
0x412: {  	s22 =	simm.s32 $0x1400;
	s16 =	sadd.s32 $0x1, s16;
	s5 =	sadd.s32 $0x8000, s5  }
0x413: {  	[tilespmem:s22], [sflag:$0x2] =	stream.linear.gather [hbm4b:s5+s4], $0x380, $0x38;
	[tilespmem:$0x1E780] =	vst v63  }
.LBB2_9:
0x414: {  	_ =	sfence.sel $0x180000  }
0x415: {  	[bflag:$0x0] =	sbarrier.arrive $0xFFFF  }
0x416: {  	_ =	strace $0x90000047  }
0x417: {  	s0 =	stileid.u32;
	[bflag:$0x2] =	sbarrier.arrive $0xFFFF  }
0x418: {  	p0 =	sne.s32 s0, $0x0;
	s0 =	rddreg [dreg:$0x3]  }
0x419: {  	s0 =	sadd.s32 @!p0 $0x100000, s0  }
0x41a: {  	[sflag:s0] =	ssyncadd.tile.s32 @!p0 $0x1;
	_ =	shalt  }
.Lfunc_end2:
_tile_overlayer_lowered:
.L_overlay_start_2:
0x41b: {  	(tag) =	ssettag $0x2  }
0x41c: {  	s0 =	rddreg [dreg:$0x0];
	s2 =	stileid.u32  }
0x41d: {  	s1 =	rddreg [dreg:$0x1];
	p0 =	sne.s32 s2, $0x0  }
0x41e: {  	s3 =	rddreg [dreg:$0x2];
	[bflag:$0x3] =	sbarrier.arrive $0xFFFF;
	s2 =	simm.s32 @!p0 $0x1C05  }
0x41f: {  	[timem:s3], [sflag:s2] =	dma.local @!p0 [hbm:s0], s1  }
0x420: {  	s0 =	simm.s32 @!p0 $0x5  }
0x421: {  	_ =	swait.ge @!p0 [sflag:s0], s1  }
0x422: {  	s1 =	ssub.s32 @!p0 $0x0, s1;
	[sflag:s0] =	ssyncset.done @!p0 $0x0  }
0x423: {  	[sflag:s0] =	ssyncadd.s32 @!p0 s1  }
0x424: {  	[bflag:$0x3] =	sbarrier.arrive $0xFFFF  }
0x425: {  	_ =	shalt  }

</sc_bundles>
